<compile_context>
chip_gen: v7x
topology: tpu7x:2x2x1
jax: 0.10.2.dev20260603
libtpu: 0.0.44.dev20260713+nightly
codegen_flags: <defaults>
</compile_context>

<pallas_src>
import functools

import jax
import jax.numpy as jnp
from jax import lax
from jax.experimental import pallas as pl
from jax.experimental.pallas import tpu as pltpu
from jax.experimental.pallas import tpu_sc as plsc

D = 768
L = 16
NVR = D // L
NC, NS = 2, 16
NW = NC * NS
EPS = 1e-12
CHUNK = 32
NBUF = 4
ROWU = 4


def _rsqrt_v(x):
    i = plsc.bitcast(x, jnp.int32)
    i = jnp.int32(0x5F3759DF) - (i >> 1)
    y = plsc.bitcast(i, jnp.float32)
    for _ in range(2):
        y = y * (1.5 - 0.5 * x * y * y)
    return y


def _make_kernel(B):
    assert B % (NW * CHUNK) == 0
    b_per_w = B // NW
    n_chunks = b_per_w // CHUNK
    mesh = plsc.VectorSubcoreMesh(core_axis_name="c", subcore_axis_name="s")

    @functools.partial(
        pl.kernel,
        mesh=mesh,
        out_type=jax.ShapeDtypeStruct((B, D), jnp.float32),
        compiler_params=pltpu.CompilerParams(needs_layout_passes=False),
        scratch_types=(
            [pltpu.VMEM((b_per_w,), jnp.int32)]
            + [pltpu.VMEM((NBUF * CHUNK, D), jnp.float32)]
            + [pltpu.VMEM((D,), jnp.float32)] * 2
            + [pltpu.SemaphoreType.DMA] * (2 * NBUF)
        ),
    )
    def emb_ln(ids_hbm, table_hbm, lnw_hbm, lnb_hbm, out_hbm, *scratch):
        idx_all, rows_all, lnw_v, lnb_v = scratch[:4]
        gsems = scratch[4:4 + NBUF]
        wsems = scratch[4 + NBUF:]
        wid = lax.axis_index("s") * NC + lax.axis_index("c")
        base = wid * b_per_w

        pltpu.sync_copy(lnw_hbm, lnw_v)
        pltpu.sync_copy(lnb_hbm, lnb_v)
        pltpu.sync_copy(ids_hbm.at[pl.ds(pl.multiple_of(base, CHUNK),
                                         b_per_w)], idx_all)

        def buf_rows(b):
            return rows_all.at[pl.ds(b * CHUNK, CHUNK)]

        def buf_idx(ch):
            return idx_all.at[pl.ds(ch * CHUNK, CHUNK)]

        def start_gather(b, gsem, ch):
            pltpu.async_copy(table_hbm.at[buf_idx(ch)], buf_rows(b), gsem)

        def wait_gather(b, gsem, ch):
            pltpu.make_async_copy(
                table_hbm.at[buf_idx(ch)], buf_rows(b), gsem).wait()

        def start_write(b, wsem, ch):
            off = pl.multiple_of(base + ch * CHUNK, CHUNK)
            pltpu.async_copy(buf_rows(b), out_hbm.at[pl.ds(off, CHUNK)], wsem)

        def wait_write(b, wsem, ch):
            off = pl.multiple_of(base + ch * CHUNK, CHUNK)
            pltpu.make_async_copy(
                buf_rows(b), out_hbm.at[pl.ds(off, CHUNK)], wsem).wait()

        for b in range(NBUF - 1):
            start_gather(b, gsems[b], b)

        CB = 8
        _zero = tuple(jnp.zeros((L,), jnp.float32) for _ in range(ROWU))

        def _stats(acc, acc2):
            mean = []
            rstd = []
            for r in range(ROWU):
                s = jnp.broadcast_to(jnp.sum(acc[r]), (L,))
                s2 = jnp.broadcast_to(jnp.sum(acc2[r]), (L,))
                m = s * (1.0 / D)
                var = s2 * (1.0 / D) - m * m
                mean.append(m)
                rstd.append(_rsqrt_v(var + EPS))
            return tuple(mean) + tuple(rstd)

        def _p1_cols(row0, col, acc, acc2):
            for r in range(ROWU):
                x = rows_all[row0 + r, pl.ds(col, L)]
                acc[r] = acc[r] + x
                acc2[r] = acc2[r] + x * x

        def _p2_cols(row0, stats, col):
            mean, rstd = stats[:ROWU], stats[ROWU:]
            w = lnw_v[pl.ds(col, L)]
            bb = lnb_v[pl.ds(col, L)]
            for r in range(ROWU):
                x = rows_all[row0 + r, pl.ds(col, L)]
                y = (x - mean[r]) * rstd[r]
                rows_all[row0 + r, pl.ds(col, L)] = y * w + bb

        def p1_group(row0):
            def p1(cb, carry):
                acc, acc2 = list(carry[0]), list(carry[1])
                for k in range(CB):
                    _p1_cols(row0, cb * (CB * L) + k * L, acc, acc2)
                return tuple(acc), tuple(acc2)
            acc, acc2 = lax.fori_loop(
                0, NVR // CB, p1, (_zero, _zero), unroll=False)
            return _stats(acc, acc2)

        def p2_group(row0, stats):
            def p2(cb, c2):
                for k in range(CB):
                    _p2_cols(row0, stats, cb * (CB * L) + k * L)
                return c2
            lax.fori_loop(0, NVR // CB, p2, 0, unroll=False)

        def fused_group(prev_row0, stats, row0):
            def fb(cb, carry):
                acc, acc2 = list(carry[0]), list(carry[1])
                for k in range(CB):
                    col = cb * (CB * L) + k * L
                    _p1_cols(row0, col, acc, acc2)
                    _p2_cols(prev_row0, stats, col)
                return tuple(acc), tuple(acc2)
            acc, acc2 = lax.fori_loop(
                0, NVR // CB, fb, (_zero, _zero), unroll=False)
            return _stats(acc, acc2)

        def step(ch, carry):
            bb = lax.rem(ch, NBUF)
            row0 = bb * CHUNK

            for k in range(NBUF):
                @pl.when(bb == k)
                def _():
                    wait_gather(k, gsems[k], ch)

            stats0 = p1_group(row0)

            def ln_quads(q, stats):
                return fused_group(
                    row0 + (q - 1) * ROWU, stats, row0 + q * ROWU)
            statsN = lax.fori_loop(
                1, CHUNK // ROWU, ln_quads, stats0, unroll=False)
            p2_group(row0 + (CHUNK // ROWU - 1) * ROWU, statsN)

            pb = lax.rem(ch + NBUF - 1, NBUF)
            for k in range(NBUF):
                @pl.when(bb == k)
                def _():
                    start_write(k, wsems[k], ch)

                @pl.when(pb == k)
                def _():
                    @pl.when(ch > 0)
                    def _():
                        wait_write(k, wsems[k], ch - 1)

                    @pl.when(ch + NBUF - 1 < n_chunks)
                    def _():
                        start_gather(k, gsems[k], ch + NBUF - 1)
            return carry

        lax.fori_loop(0, n_chunks, step, 0, unroll=False)
        wait_write((n_chunks - 1) % NBUF,
                   wsems[(n_chunks - 1) % NBUF], n_chunks - 1)

    return emb_ln


def kernel(input_ids, word_embeddings, ln_weight, ln_bias):
    shape = input_ids.shape
    B = shape[0] * shape[1]
    ids = input_ids.reshape(B).astype(jnp.int32)
    out = _make_kernel(B)(ids, word_embeddings, ln_weight, ln_bias)
    return out.reshape(shape + (D,))

# --- scband reference (transcript-rebuilt; emitter-appended) ---
"""Pipeline reference for scband-embeddings-60266981097677 (READ-ONLY COPY).

The authoritative reference and input builder live on the scoring server;
editing this copy changes nothing except your own understanding.
"""

import jax, jax.numpy as jnp
import numpy as np

VOCAB = 100000
HIDDEN = 768
EPS = 1e-12

def setup_inputs(seed: int = 0) -> dict:
    key = jax.random.key(seed)
    k1, k2, k3 = jax.random.split(key, 3)
    input_ids = jax.random.randint(k1, (4, 8192), 0, VOCAB, dtype=jnp.int64)
    word_embeddings = jax.random.normal(k2, (VOCAB, HIDDEN), dtype=jnp.float32) * 0.02
    # padding_idx=0 row zeroed, matching nn.Embedding(padding_idx=0)
    word_embeddings = word_embeddings.at[0].set(0.0)
    ln_weight = jnp.ones((HIDDEN,), dtype=jnp.float32)
    ln_bias = jnp.zeros((HIDDEN,), dtype=jnp.float32)
    return {"input_ids": input_ids, "word_embeddings": word_embeddings, "ln_weight": ln_weight, "ln_bias": ln_bias}

def reference(input_ids, word_embeddings, ln_weight, ln_bias):
    # embedding lookup (gather)
    inputs_embeds = jnp.take(word_embeddings, input_ids, axis=0)
    # LayerNorm over last dim, eps=1e-12
    mean = jnp.mean(inputs_embeds, axis=-1, keepdims=True)
    var = jnp.mean(jnp.square(inputs_embeds - mean), axis=-1, keepdims=True)
    normed = (inputs_embeds - mean) / jnp.sqrt(var + EPS)
    embeddings = normed * ln_weight + ln_bias
    # dropout is identity in eval mode / p effectively 0 for reference
    return embeddings

if __name__ == "__main__":
    import jax
    _d = setup_inputs()
    print(jax.jit(kernel)(*tuple(_d.values())))

</pallas_src>

<mosaic_0001>
#map = affine_map<(d0, d1) -> (0)>
#map1 = affine_map<(d0, d1) -> (0, 0)>
module attributes {stable_mosaic.version = 14 : i64} {
  func.func @emb_ln(%arg0: i32, %arg1: i32, %arg2: memref<32768xi32, #tpu.memory_space<hbm>>, %arg3: memref<100000x768xf32, #tpu.memory_space<hbm>>, %arg4: memref<768xf32, #tpu.memory_space<hbm>>, %arg5: memref<768xf32, #tpu.memory_space<hbm>>, %arg6: memref<32768x768xf32, #tpu.memory_space<hbm>>, %arg7: memref<1024xi32, #tpu.memory_space<vmem>>, %arg8: memref<128x768xf32, #tpu.memory_space<vmem>>, %arg9: memref<768xf32, #tpu.memory_space<vmem>>, %arg10: memref<768xf32, #tpu.memory_space<vmem>>, %arg11: memref<!tpu.dma_semaphore, #tpu.memory_space<semaphore_mem>>, %arg12: memref<!tpu.dma_semaphore, #tpu.memory_space<semaphore_mem>>, %arg13: memref<!tpu.dma_semaphore, #tpu.memory_space<semaphore_mem>>, %arg14: memref<!tpu.dma_semaphore, #tpu.memory_space<semaphore_mem>>, %arg15: memref<!tpu.dma_semaphore, #tpu.memory_space<semaphore_mem>>, %arg16: memref<!tpu.dma_semaphore, #tpu.memory_space<semaphore_mem>>, %arg17: memref<!tpu.dma_semaphore, #tpu.memory_space<semaphore_mem>>, %arg18: memref<!tpu.dma_semaphore, #tpu.memory_space<semaphore_mem>>) attributes {dimension_semantics = [#tpu.dimension_semantics<core_parallel>, #tpu.dimension_semantics<subcore_parallel>], iteration_bounds = array<i64: 2, 16>, scalar_prefetch = 0 : i64, scratch_operands = 12 : i64, tpu.core_type = #tpu.core_type<sc_vector_subcore>, window_params = [{transform_indices = #map}, {transform_indices = #map1}, {transform_indices = #map}, {transform_indices = #map}, {transform_indices = #map1}]} {
    %mul3A = arith.constant 2 : i32
    %mul3A_0 = arith.muli %arg1, %mul3A : i32
    %add3A = arith.addi %mul3A_0, %arg0 : i32
    %mul3A_1 = arith.constant 1024 : i32
    %mul3A_2 = arith.muli %add3A, %mul3A_1 : i32
    "tpu.region"() ({
      %run_scoped3A = tpu.sem_alloc : memref<!tpu.dma_semaphore, #tpu.memory_space<semaphore_mem>>
      tpu.enqueue_dma source(%arg4 : memref<768xf32, #tpu.memory_space<hbm>>) target(%arg9 : memref<768xf32, #tpu.memory_space<vmem>>) target_semaphore(%run_scoped3A : memref<!tpu.dma_semaphore, #tpu.memory_space<semaphore_mem>>)
      tpu.wait_dma2 semaphore(%run_scoped3A : memref<!tpu.dma_semaphore, #tpu.memory_space<semaphore_mem>>) src(%arg4 : memref<768xf32, #tpu.memory_space<hbm>>) dst(%arg9 : memref<768xf32, #tpu.memory_space<vmem>>)
      tpu.yield
    }) : () -> ()
    "tpu.region"() ({
      %run_scoped3A = tpu.sem_alloc : memref<!tpu.dma_semaphore, #tpu.memory_space<semaphore_mem>>
      tpu.enqueue_dma source(%arg5 : memref<768xf32, #tpu.memory_space<hbm>>) target(%arg10 : memref<768xf32, #tpu.memory_space<vmem>>) target_semaphore(%run_scoped3A : memref<!tpu.dma_semaphore, #tpu.memory_space<semaphore_mem>>)
      tpu.wait_dma2 semaphore(%run_scoped3A : memref<!tpu.dma_semaphore, #tpu.memory_space<semaphore_mem>>) src(%arg5 : memref<768xf32, #tpu.memory_space<hbm>>) dst(%arg10 : memref<768xf32, #tpu.memory_space<vmem>>)
      tpu.yield
    }) : () -> ()
    %multiple_of3A = tpu.assume_multiple %mul3A_2, 32 : i32
    "tpu.region"() ({
      %run_scoped3A = tpu.sem_alloc : memref<!tpu.dma_semaphore, #tpu.memory_space<semaphore_mem>>
      %dma_start3A_50 = tpu.memref_slice %arg2[%multiple_of3A] : memref<32768xi32, #tpu.memory_space<hbm>> -> memref<1024xi32, #tpu.memory_space<hbm>>
      %dma_start3A_51 = tpu.memref_slice %arg2[%multiple_of3A] : memref<32768xi32, #tpu.memory_space<hbm>> -> memref<1024xi32, #tpu.memory_space<hbm>>
      tpu.enqueue_dma source(%dma_start3A_51 : memref<1024xi32, #tpu.memory_space<hbm>>) target(%arg7 : memref<1024xi32, #tpu.memory_space<vmem>>) target_semaphore(%run_scoped3A : memref<!tpu.dma_semaphore, #tpu.memory_space<semaphore_mem>>)
      %dma_wait3A_52 = tpu.memref_slice %arg2[%multiple_of3A] : memref<32768xi32, #tpu.memory_space<hbm>> -> memref<1024xi32, #tpu.memory_space<hbm>>
      %dma_wait3A_53 = tpu.memref_slice %arg2[%multiple_of3A] : memref<32768xi32, #tpu.memory_space<hbm>> -> memref<1024xi32, #tpu.memory_space<hbm>>
      tpu.wait_dma2 semaphore(%run_scoped3A : memref<!tpu.dma_semaphore, #tpu.memory_space<semaphore_mem>>) src(%dma_wait3A_53 : memref<1024xi32, #tpu.memory_space<hbm>>) dst(%arg7 : memref<1024xi32, #tpu.memory_space<vmem>>)
      tpu.yield
    }) : () -> ()
    %dma_start3A = arith.constant 0 : i32
    %dma_start3A_3 = arith.constant 0 : i32
    %dma_start3A_4 = tpu.memref_slice %arg8[%dma_start3A, %dma_start3A_3] : memref<128x768xf32, #tpu.memory_space<vmem>> -> memref<32x768xf32, #tpu.memory_space<vmem>>
    %dma_start3A_5 = arith.constant 0 : i32
    %dma_start3A_6 = tpu.memref_slice %arg7[%dma_start3A_5] : memref<1024xi32, #tpu.memory_space<vmem>> -> memref<32xi32, #tpu.memory_space<vmem>>
    %dma_start3A_7 = arith.constant 0 : i32
    %dma_start3A_8 = arith.constant 0 : i32
    %dma_start3A_9 = tpu.memref_slice %arg3[%dma_start3A_7, %dma_start3A_8] : memref<100000x768xf32, #tpu.memory_space<hbm>> -> memref<100000x768xf32, #tpu.memory_space<hbm>>
    tpu.enqueue_indirect_dma source(%dma_start3A_9 : memref<100000x768xf32, #tpu.memory_space<hbm>>) target(%dma_start3A_4 : memref<32x768xf32, #tpu.memory_space<vmem>>) offsets(%dma_start3A_6 : memref<32xi32, #tpu.memory_space<vmem>>) semaphore(%arg11 : memref<!tpu.dma_semaphore, #tpu.memory_space<semaphore_mem>>)
    %dma_start3A_10 = arith.constant 32 : i32
    %dma_start3A_11 = arith.constant 0 : i32
    %dma_start3A_12 = tpu.memref_slice %arg8[%dma_start3A_10, %dma_start3A_11] : memref<128x768xf32, #tpu.memory_space<vmem>> -> memref<32x768xf32, #tpu.memory_space<vmem>>
    %dma_start3A_13 = arith.constant 32 : i32
    %dma_start3A_14 = tpu.memref_slice %arg7[%dma_start3A_13] : memref<1024xi32, #tpu.memory_space<vmem>> -> memref<32xi32, #tpu.memory_space<vmem>>
    %dma_start3A_15 = arith.constant 0 : i32
    %dma_start3A_16 = arith.constant 0 : i32
    %dma_start3A_17 = tpu.memref_slice %arg3[%dma_start3A_15, %dma_start3A_16] : memref<100000x768xf32, #tpu.memory_space<hbm>> -> memref<100000x768xf32, #tpu.memory_space<hbm>>
    tpu.enqueue_indirect_dma source(%dma_start3A_17 : memref<100000x768xf32, #tpu.memory_space<hbm>>) target(%dma_start3A_12 : memref<32x768xf32, #tpu.memory_space<vmem>>) offsets(%dma_start3A_14 : memref<32xi32, #tpu.memory_space<vmem>>) semaphore(%arg12 : memref<!tpu.dma_semaphore, #tpu.memory_space<semaphore_mem>>)
    %dma_start3A_18 = arith.constant 64 : i32
    %dma_start3A_19 = arith.constant 0 : i32
    %dma_start3A_20 = tpu.memref_slice %arg8[%dma_start3A_18, %dma_start3A_19] : memref<128x768xf32, #tpu.memory_space<vmem>> -> memref<32x768xf32, #tpu.memory_space<vmem>>
    %dma_start3A_21 = arith.constant 64 : i32
    %dma_start3A_22 = tpu.memref_slice %arg7[%dma_start3A_21] : memref<1024xi32, #tpu.memory_space<vmem>> -> memref<32xi32, #tpu.memory_space<vmem>>
    %dma_start3A_23 = arith.constant 0 : i32
    %dma_start3A_24 = arith.constant 0 : i32
    %dma_start3A_25 = tpu.memref_slice %arg3[%dma_start3A_23, %dma_start3A_24] : memref<100000x768xf32, #tpu.memory_space<hbm>> -> memref<100000x768xf32, #tpu.memory_space<hbm>>
    tpu.enqueue_indirect_dma source(%dma_start3A_25 : memref<100000x768xf32, #tpu.memory_space<hbm>>) target(%dma_start3A_20 : memref<32x768xf32, #tpu.memory_space<vmem>>) offsets(%dma_start3A_22 : memref<32xi32, #tpu.memory_space<vmem>>) semaphore(%arg13 : memref<!tpu.dma_semaphore, #tpu.memory_space<semaphore_mem>>)
    %broadcast_in_dim3A = arith.constant 0.000000e+00 : f32
    %broadcast_in_dim3A_26 = vector.broadcast %broadcast_in_dim3A : f32 to vector<16xf32>
    %broadcast_in_dim3A_27 = arith.constant 0.000000e+00 : f32
    %broadcast_in_dim3A_28 = vector.broadcast %broadcast_in_dim3A_27 : f32 to vector<16xf32>
    %broadcast_in_dim3A_29 = arith.constant 0.000000e+00 : f32
    %broadcast_in_dim3A_30 = vector.broadcast %broadcast_in_dim3A_29 : f32 to vector<16xf32>
    %broadcast_in_dim3A_31 = arith.constant 0.000000e+00 : f32
    %broadcast_in_dim3A_32 = vector.broadcast %broadcast_in_dim3A_31 : f32 to vector<16xf32>
    %scan3A = arith.constant 0 : i32
    %scan3A_33 = arith.constant 0 : i32
    %scan3A_34 = arith.constant 32 : i32
    %scan3A_35 = arith.addi %scan3A_33, %scan3A_34 : i32
    %scan3A_36 = arith.constant 1 : i32
    scf.for %scan3A_50 = %scan3A_33 to %scan3A_35 step %scan3A_36  : i32 {
      %rem3A = arith.constant 4 : i32
      %rem3A_51 = arith.remsi %scan3A_50, %rem3A : i32
      %mul3A_52 = arith.constant 32 : i32
      %mul3A_53 = arith.muli %rem3A_51, %mul3A_52 : i32
      %eq3A = arith.constant 0 : i32
      %eq3A_54 = arith.cmpi eq, %rem3A_51, %eq3A : i32
      %convert_element_type3A = arith.extui %eq3A_54 : i1 to i32
      %cond3A = arith.constant 0 : i32
      %cond3A_55 = arith.cmpi ne, %convert_element_type3A, %cond3A : i32
      scf.if %cond3A_55 {
        %mul3A_321 = arith.constant 32 : i32
        %mul3A_322 = arith.muli %scan3A_50, %mul3A_321 : i32
        %dma_wait3A_323 = arith.constant 0 : i32
        %dma_wait3A_324 = arith.constant 0 : i32
        %dma_wait3A_325 = tpu.memref_slice %arg8[%dma_wait3A_323, %dma_wait3A_324] : memref<128x768xf32, #tpu.memory_space<vmem>> -> memref<32x768xf32, #tpu.memory_space<vmem>>
        %dma_wait3A_326 = tpu.memref_slice %arg7[%mul3A_322] : memref<1024xi32, #tpu.memory_space<vmem>> -> memref<32xi32, #tpu.memory_space<vmem>>
        %dma_wait3A_327 = arith.constant 0 : i32
        %dma_wait3A_328 = arith.constant 0 : i32
        %dma_wait3A_329 = tpu.memref_slice %arg3[%dma_wait3A_327, %dma_wait3A_328] : memref<100000x768xf32, #tpu.memory_space<hbm>> -> memref<100000x768xf32, #tpu.memory_space<hbm>>
        tpu.wait_indirect_dma semaphore(%arg11 : memref<!tpu.dma_semaphore, #tpu.memory_space<semaphore_mem>>) src(%dma_wait3A_329 : memref<100000x768xf32, #tpu.memory_space<hbm>>) dst(%dma_wait3A_325 : memref<32x768xf32, #tpu.memory_space<vmem>>)
      } else {
      }
      %eq3A_56 = arith.constant 1 : i32
      %eq3A_57 = arith.cmpi eq, %rem3A_51, %eq3A_56 : i32
      %convert_element_type3A_58 = arith.extui %eq3A_57 : i1 to i32
      %cond3A_59 = arith.constant 0 : i32
      %cond3A_60 = arith.cmpi ne, %convert_element_type3A_58, %cond3A_59 : i32
      scf.if %cond3A_60 {
        %mul3A_321 = arith.constant 32 : i32
        %mul3A_322 = arith.muli %scan3A_50, %mul3A_321 : i32
        %dma_wait3A_323 = arith.constant 32 : i32
        %dma_wait3A_324 = arith.constant 0 : i32
        %dma_wait3A_325 = tpu.memref_slice %arg8[%dma_wait3A_323, %dma_wait3A_324] : memref<128x768xf32, #tpu.memory_space<vmem>> -> memref<32x768xf32, #tpu.memory_space<vmem>>
        %dma_wait3A_326 = tpu.memref_slice %arg7[%mul3A_322] : memref<1024xi32, #tpu.memory_space<vmem>> -> memref<32xi32, #tpu.memory_space<vmem>>
        %dma_wait3A_327 = arith.constant 0 : i32
        %dma_wait3A_328 = arith.constant 0 : i32
        %dma_wait3A_329 = tpu.memref_slice %arg3[%dma_wait3A_327, %dma_wait3A_328] : memref<100000x768xf32, #tpu.memory_space<hbm>> -> memref<100000x768xf32, #tpu.memory_space<hbm>>
        tpu.wait_indirect_dma semaphore(%arg12 : memref<!tpu.dma_semaphore, #tpu.memory_space<semaphore_mem>>) src(%dma_wait3A_329 : memref<100000x768xf32, #tpu.memory_space<hbm>>) dst(%dma_wait3A_325 : memref<32x768xf32, #tpu.memory_space<vmem>>)
      } else {
      }
      %eq3A_61 = arith.constant 2 : i32
      %eq3A_62 = arith.cmpi eq, %rem3A_51, %eq3A_61 : i32
      %convert_element_type3A_63 = arith.extui %eq3A_62 : i1 to i32
      %cond3A_64 = arith.constant 0 : i32
      %cond3A_65 = arith.cmpi ne, %convert_element_type3A_63, %cond3A_64 : i32
      scf.if %cond3A_65 {
        %mul3A_321 = arith.constant 32 : i32
        %mul3A_322 = arith.muli %scan3A_50, %mul3A_321 : i32
        %dma_wait3A_323 = arith.constant 64 : i32
        %dma_wait3A_324 = arith.constant 0 : i32
        %dma_wait3A_325 = tpu.memref_slice %arg8[%dma_wait3A_323, %dma_wait3A_324] : memref<128x768xf32, #tpu.memory_space<vmem>> -> memref<32x768xf32, #tpu.memory_space<vmem>>
        %dma_wait3A_326 = tpu.memref_slice %arg7[%mul3A_322] : memref<1024xi32, #tpu.memory_space<vmem>> -> memref<32xi32, #tpu.memory_space<vmem>>
        %dma_wait3A_327 = arith.constant 0 : i32
        %dma_wait3A_328 = arith.constant 0 : i32
        %dma_wait3A_329 = tpu.memref_slice %arg3[%dma_wait3A_327, %dma_wait3A_328] : memref<100000x768xf32, #tpu.memory_space<hbm>> -> memref<100000x768xf32, #tpu.memory_space<hbm>>
        tpu.wait_indirect_dma semaphore(%arg13 : memref<!tpu.dma_semaphore, #tpu.memory_space<semaphore_mem>>) src(%dma_wait3A_329 : memref<100000x768xf32, #tpu.memory_space<hbm>>) dst(%dma_wait3A_325 : memref<32x768xf32, #tpu.memory_space<vmem>>)
      } else {
      }
      %eq3A_66 = arith.constant 3 : i32
      %eq3A_67 = arith.cmpi eq, %rem3A_51, %eq3A_66 : i32
      %convert_element_type3A_68 = arith.extui %eq3A_67 : i1 to i32
      %cond3A_69 = arith.constant 0 : i32
      %cond3A_70 = arith.cmpi ne, %convert_element_type3A_68, %cond3A_69 : i32
      scf.if %cond3A_70 {
        %mul3A_321 = arith.constant 32 : i32
        %mul3A_322 = arith.muli %scan3A_50, %mul3A_321 : i32
        %dma_wait3A_323 = arith.constant 96 : i32
        %dma_wait3A_324 = arith.constant 0 : i32
        %dma_wait3A_325 = tpu.memref_slice %arg8[%dma_wait3A_323, %dma_wait3A_324] : memref<128x768xf32, #tpu.memory_space<vmem>> -> memref<32x768xf32, #tpu.memory_space<vmem>>
        %dma_wait3A_326 = tpu.memref_slice %arg7[%mul3A_322] : memref<1024xi32, #tpu.memory_space<vmem>> -> memref<32xi32, #tpu.memory_space<vmem>>
        %dma_wait3A_327 = arith.constant 0 : i32
        %dma_wait3A_328 = arith.constant 0 : i32
        %dma_wait3A_329 = tpu.memref_slice %arg3[%dma_wait3A_327, %dma_wait3A_328] : memref<100000x768xf32, #tpu.memory_space<hbm>> -> memref<100000x768xf32, #tpu.memory_space<hbm>>
        tpu.wait_indirect_dma semaphore(%arg14 : memref<!tpu.dma_semaphore, #tpu.memory_space<semaphore_mem>>) src(%dma_wait3A_329 : memref<100000x768xf32, #tpu.memory_space<hbm>>) dst(%dma_wait3A_325 : memref<32x768xf32, #tpu.memory_space<vmem>>)
      } else {
      }
      %scan3A_71 = arith.constant 0 : i32
      %scan3A_72 = arith.constant 6 : i32
      %scan3A_73 = arith.addi %scan3A_71, %scan3A_72 : i32
      %scan3A_74 = arith.constant 1 : i32
      %scan3A_75:8 = scf.for %scan3A_321 = %scan3A_71 to %scan3A_73 step %scan3A_74 iter_args(%scan3A_322 = %broadcast_in_dim3A_26, %scan3A_323 = %broadcast_in_dim3A_28, %scan3A_324 = %broadcast_in_dim3A_30, %scan3A_325 = %broadcast_in_dim3A_32, %scan3A_326 = %broadcast_in_dim3A_26, %scan3A_327 = %broadcast_in_dim3A_28, %scan3A_328 = %broadcast_in_dim3A_30, %scan3A_329 = %broadcast_in_dim3A_32) -> (vector<16xf32>, vector<16xf32>, vector<16xf32>, vector<16xf32>, vector<16xf32>, vector<16xf32>, vector<16xf32>, vector<16xf32>)  : i32 {
        %mul3A_330 = arith.constant 128 : i32
        %mul3A_331 = arith.muli %scan3A_321, %mul3A_330 : i32
        %add3A_332 = arith.constant 0 : i32
        %add3A_333 = arith.addi %mul3A_331, %add3A_332 : i32
        %add3A_334 = arith.constant 0 : i32
        %add3A_335 = arith.addi %mul3A_53, %add3A_334 : i32
        %get3A = arith.index_cast %add3A_335 : i32 to index
        %get3A_336 = arith.index_cast %add3A_333 : i32 to index
        %get3A_337 = tpu.vector_load %arg8[%get3A, %get3A_336] {strides = array<i32>} : memref<128x768xf32, #tpu.memory_space<vmem>>, vector<16xf32>,
        %add3A_338 = arith.addf %scan3A_322, %get3A_337 : vector<16xf32>
        %mul3A_339 = arith.mulf %get3A_337, %get3A_337 : vector<16xf32>
        %add3A_340 = arith.addf %scan3A_326, %mul3A_339 : vector<16xf32>
        %add3A_341 = arith.constant 1 : i32
        %add3A_342 = arith.addi %mul3A_53, %add3A_341 : i32
        %get3A_343 = arith.index_cast %add3A_342 : i32 to index
        %get3A_344 = arith.index_cast %add3A_333 : i32 to index
        %get3A_345 = tpu.vector_load %arg8[%get3A_343, %get3A_344] {strides = array<i32>} : memref<128x768xf32, #tpu.memory_space<vmem>>, vector<16xf32>,
        %add3A_346 = arith.addf %scan3A_323, %get3A_345 : vector<16xf32>
        %mul3A_347 = arith.mulf %get3A_345, %get3A_345 : vector<16xf32>
        %add3A_348 = arith.addf %scan3A_327, %mul3A_347 : vector<16xf32>
        %add3A_349 = arith.constant 2 : i32
        %add3A_350 = arith.addi %mul3A_53, %add3A_349 : i32
        %get3A_351 = arith.index_cast %add3A_350 : i32 to index
        %get3A_352 = arith.index_cast %add3A_333 : i32 to index
        %get3A_353 = tpu.vector_load %arg8[%get3A_351, %get3A_352] {strides = array<i32>} : memref<128x768xf32, #tpu.memory_space<vmem>>, vector<16xf32>,
        %add3A_354 = arith.addf %scan3A_324, %get3A_353 : vector<16xf32>
        %mul3A_355 = arith.mulf %get3A_353, %get3A_353 : vector<16xf32>
        %add3A_356 = arith.addf %scan3A_328, %mul3A_355 : vector<16xf32>
        %add3A_357 = arith.constant 3 : i32
        %add3A_358 = arith.addi %mul3A_53, %add3A_357 : i32
        %get3A_359 = arith.index_cast %add3A_358 : i32 to index
        %get3A_360 = arith.index_cast %add3A_333 : i32 to index
        %get3A_361 = tpu.vector_load %arg8[%get3A_359, %get3A_360] {strides = array<i32>} : memref<128x768xf32, #tpu.memory_space<vmem>>, vector<16xf32>,
        %add3A_362 = arith.addf %scan3A_325, %get3A_361 : vector<16xf32>
        %mul3A_363 = arith.mulf %get3A_361, %get3A_361 : vector<16xf32>
        %add3A_364 = arith.addf %scan3A_329, %mul3A_363 : vector<16xf32>
        %mul3A_365 = arith.constant 128 : i32
        %mul3A_366 = arith.muli %scan3A_321, %mul3A_365 : i32
        %add3A_367 = arith.constant 16 : i32
        %add3A_368 = arith.addi %mul3A_366, %add3A_367 : i32
        %add3A_369 = arith.constant 0 : i32
        %add3A_370 = arith.addi %mul3A_53, %add3A_369 : i32
        %get3A_371 = arith.index_cast %add3A_370 : i32 to index
        %get3A_372 = arith.index_cast %add3A_368 : i32 to index
        %get3A_373 = tpu.vector_load %arg8[%get3A_371, %get3A_372] {strides = array<i32>} : memref<128x768xf32, #tpu.memory_space<vmem>>, vector<16xf32>,
        %add3A_374 = arith.addf %add3A_338, %get3A_373 : vector<16xf32>
        %mul3A_375 = arith.mulf %get3A_373, %get3A_373 : vector<16xf32>
        %add3A_376 = arith.addf %add3A_340, %mul3A_375 : vector<16xf32>
        %add3A_377 = arith.constant 1 : i32
        %add3A_378 = arith.addi %mul3A_53, %add3A_377 : i32
        %get3A_379 = arith.index_cast %add3A_378 : i32 to index
        %get3A_380 = arith.index_cast %add3A_368 : i32 to index
        %get3A_381 = tpu.vector_load %arg8[%get3A_379, %get3A_380] {strides = array<i32>} : memref<128x768xf32, #tpu.memory_space<vmem>>, vector<16xf32>,
        %add3A_382 = arith.addf %add3A_346, %get3A_381 : vector<16xf32>
        %mul3A_383 = arith.mulf %get3A_381, %get3A_381 : vector<16xf32>
        %add3A_384 = arith.addf %add3A_348, %mul3A_383 : vector<16xf32>
        %add3A_385 = arith.constant 2 : i32
        %add3A_386 = arith.addi %mul3A_53, %add3A_385 : i32
        %get3A_387 = arith.index_cast %add3A_386 : i32 to index
        %get3A_388 = arith.index_cast %add3A_368 : i32 to index
        %get3A_389 = tpu.vector_load %arg8[%get3A_387, %get3A_388] {strides = array<i32>} : memref<128x768xf32, #tpu.memory_space<vmem>>, vector<16xf32>,
        %add3A_390 = arith.addf %add3A_354, %get3A_389 : vector<16xf32>
        %mul3A_391 = arith.mulf %get3A_389, %get3A_389 : vector<16xf32>
        %add3A_392 = arith.addf %add3A_356, %mul3A_391 : vector<16xf32>
        %add3A_393 = arith.constant 3 : i32
        %add3A_394 = arith.addi %mul3A_53, %add3A_393 : i32
        %get3A_395 = arith.index_cast %add3A_394 : i32 to index
        %get3A_396 = arith.index_cast %add3A_368 : i32 to index
        %get3A_397 = tpu.vector_load %arg8[%get3A_395, %get3A_396] {strides = array<i32>} : memref<128x768xf32, #tpu.memory_space<vmem>>, vector<16xf32>,
        %add3A_398 = arith.addf %add3A_362, %get3A_397 : vector<16xf32>
        %mul3A_399 = arith.mulf %get3A_397, %get3A_397 : vector<16xf32>
        %add3A_400 = arith.addf %add3A_364, %mul3A_399 : vector<16xf32>
        %mul3A_401 = arith.constant 128 : i32
        %mul3A_402 = arith.muli %scan3A_321, %mul3A_401 : i32
        %add3A_403 = arith.constant 32 : i32
        %add3A_404 = arith.addi %mul3A_402, %add3A_403 : i32
        %add3A_405 = arith.constant 0 : i32
        %add3A_406 = arith.addi %mul3A_53, %add3A_405 : i32
        %get3A_407 = arith.index_cast %add3A_406 : i32 to index
        %get3A_408 = arith.index_cast %add3A_404 : i32 to index
        %get3A_409 = tpu.vector_load %arg8[%get3A_407, %get3A_408] {strides = array<i32>} : memref<128x768xf32, #tpu.memory_space<vmem>>, vector<16xf32>,
        %add3A_410 = arith.addf %add3A_374, %get3A_409 : vector<16xf32>
        %mul3A_411 = arith.mulf %get3A_409, %get3A_409 : vector<16xf32>
        %add3A_412 = arith.addf %add3A_376, %mul3A_411 : vector<16xf32>
        %add3A_413 = arith.constant 1 : i32
        %add3A_414 = arith.addi %mul3A_53, %add3A_413 : i32
        %get3A_415 = arith.index_cast %add3A_414 : i32 to index
        %get3A_416 = arith.index_cast %add3A_404 : i32 to index
        %get3A_417 = tpu.vector_load %arg8[%get3A_415, %get3A_416] {strides = array<i32>} : memref<128x768xf32, #tpu.memory_space<vmem>>, vector<16xf32>,
        %add3A_418 = arith.addf %add3A_382, %get3A_417 : vector<16xf32>
        %mul3A_419 = arith.mulf %get3A_417, %get3A_417 : vector<16xf32>
        %add3A_420 = arith.addf %add3A_384, %mul3A_419 : vector<16xf32>
        %add3A_421 = arith.constant 2 : i32
        %add3A_422 = arith.addi %mul3A_53, %add3A_421 : i32
        %get3A_423 = arith.index_cast %add3A_422 : i32 to index
        %get3A_424 = arith.index_cast %add3A_404 : i32 to index
        %get3A_425 = tpu.vector_load %arg8[%get3A_423, %get3A_424] {strides = array<i32>} : memref<128x768xf32, #tpu.memory_space<vmem>>, vector<16xf32>,
        %add3A_426 = arith.addf %add3A_390, %get3A_425 : vector<16xf32>
        %mul3A_427 = arith.mulf %get3A_425, %get3A_425 : vector<16xf32>
        %add3A_428 = arith.addf %add3A_392, %mul3A_427 : vector<16xf32>
        %add3A_429 = arith.constant 3 : i32
        %add3A_430 = arith.addi %mul3A_53, %add3A_429 : i32
        %get3A_431 = arith.index_cast %add3A_430 : i32 to index
        %get3A_432 = arith.index_cast %add3A_404 : i32 to index
        %get3A_433 = tpu.vector_load %arg8[%get3A_431, %get3A_432] {strides = array<i32>} : memref<128x768xf32, #tpu.memory_space<vmem>>, vector<16xf32>,
        %add3A_434 = arith.addf %add3A_398, %get3A_433 : vector<16xf32>
        %mul3A_435 = arith.mulf %get3A_433, %get3A_433 : vector<16xf32>
        %add3A_436 = arith.addf %add3A_400, %mul3A_435 : vector<16xf32>
        %mul3A_437 = arith.constant 128 : i32
        %mul3A_438 = arith.muli %scan3A_321, %mul3A_437 : i32
        %add3A_439 = arith.constant 48 : i32
        %add3A_440 = arith.addi %mul3A_438, %add3A_439 : i32
        %add3A_441 = arith.constant 0 : i32
        %add3A_442 = arith.addi %mul3A_53, %add3A_441 : i32
        %get3A_443 = arith.index_cast %add3A_442 : i32 to index
        %get3A_444 = arith.index_cast %add3A_440 : i32 to index
        %get3A_445 = tpu.vector_load %arg8[%get3A_443, %get3A_444] {strides = array<i32>} : memref<128x768xf32, #tpu.memory_space<vmem>>, vector<16xf32>,
        %add3A_446 = arith.addf %add3A_410, %get3A_445 : vector<16xf32>
        %mul3A_447 = arith.mulf %get3A_445, %get3A_445 : vector<16xf32>
        %add3A_448 = arith.addf %add3A_412, %mul3A_447 : vector<16xf32>
        %add3A_449 = arith.constant 1 : i32
        %add3A_450 = arith.addi %mul3A_53, %add3A_449 : i32
        %get3A_451 = arith.index_cast %add3A_450 : i32 to index
        %get3A_452 = arith.index_cast %add3A_440 : i32 to index
        %get3A_453 = tpu.vector_load %arg8[%get3A_451, %get3A_452] {strides = array<i32>} : memref<128x768xf32, #tpu.memory_space<vmem>>, vector<16xf32>,
        %add3A_454 = arith.addf %add3A_418, %get3A_453 : vector<16xf32>
        %mul3A_455 = arith.mulf %get3A_453, %get3A_453 : vector<16xf32>
        %add3A_456 = arith.addf %add3A_420, %mul3A_455 : vector<16xf32>
        %add3A_457 = arith.constant 2 : i32
        %add3A_458 = arith.addi %mul3A_53, %add3A_457 : i32
        %get3A_459 = arith.index_cast %add3A_458 : i32 to index
        %get3A_460 = arith.index_cast %add3A_440 : i32 to index
        %get3A_461 = tpu.vector_load %arg8[%get3A_459, %get3A_460] {strides = array<i32>} : memref<128x768xf32, #tpu.memory_space<vmem>>, vector<16xf32>,
        %add3A_462 = arith.addf %add3A_426, %get3A_461 : vector<16xf32>
        %mul3A_463 = arith.mulf %get3A_461, %get3A_461 : vector<16xf32>
        %add3A_464 = arith.addf %add3A_428, %mul3A_463 : vector<16xf32>
        %add3A_465 = arith.constant 3 : i32
        %add3A_466 = arith.addi %mul3A_53, %add3A_465 : i32
        %get3A_467 = arith.index_cast %add3A_466 : i32 to index
        %get3A_468 = arith.index_cast %add3A_440 : i32 to index
        %get3A_469 = tpu.vector_load %arg8[%get3A_467, %get3A_468] {strides = array<i32>} : memref<128x768xf32, #tpu.memory_space<vmem>>, vector<16xf32>,
        %add3A_470 = arith.addf %add3A_434, %get3A_469 : vector<16xf32>
        %mul3A_471 = arith.mulf %get3A_469, %get3A_469 : vector<16xf32>
        %add3A_472 = arith.addf %add3A_436, %mul3A_471 : vector<16xf32>
        %mul3A_473 = arith.constant 128 : i32
        %mul3A_474 = arith.muli %scan3A_321, %mul3A_473 : i32
        %add3A_475 = arith.constant 64 : i32
        %add3A_476 = arith.addi %mul3A_474, %add3A_475 : i32
        %add3A_477 = arith.constant 0 : i32
        %add3A_478 = arith.addi %mul3A_53, %add3A_477 : i32
        %get3A_479 = arith.index_cast %add3A_478 : i32 to index
        %get3A_480 = arith.index_cast %add3A_476 : i32 to index
        %get3A_481 = tpu.vector_load %arg8[%get3A_479, %get3A_480] {strides = array<i32>} : memref<128x768xf32, #tpu.memory_space<vmem>>, vector<16xf32>,
        %add3A_482 = arith.addf %add3A_446, %get3A_481 : vector<16xf32>
        %mul3A_483 = arith.mulf %get3A_481, %get3A_481 : vector<16xf32>
        %add3A_484 = arith.addf %add3A_448, %mul3A_483 : vector<16xf32>
        %add3A_485 = arith.constant 1 : i32
        %add3A_486 = arith.addi %mul3A_53, %add3A_485 : i32
        %get3A_487 = arith.index_cast %add3A_486 : i32 to index
        %get3A_488 = arith.index_cast %add3A_476 : i32 to index
        %get3A_489 = tpu.vector_load %arg8[%get3A_487, %get3A_488] {strides = array<i32>} : memref<128x768xf32, #tpu.memory_space<vmem>>, vector<16xf32>,
        %add3A_490 = arith.addf %add3A_454, %get3A_489 : vector<16xf32>
        %mul3A_491 = arith.mulf %get3A_489, %get3A_489 : vector<16xf32>
        %add3A_492 = arith.addf %add3A_456, %mul3A_491 : vector<16xf32>
        %add3A_493 = arith.constant 2 : i32
        %add3A_494 = arith.addi %mul3A_53, %add3A_493 : i32
        %get3A_495 = arith.index_cast %add3A_494 : i32 to index
        %get3A_496 = arith.index_cast %add3A_476 : i32 to index
        %get3A_497 = tpu.vector_load %arg8[%get3A_495, %get3A_496] {strides = array<i32>} : memref<128x768xf32, #tpu.memory_space<vmem>>, vector<16xf32>,
        %add3A_498 = arith.addf %add3A_462, %get3A_497 : vector<16xf32>
        %mul3A_499 = arith.mulf %get3A_497, %get3A_497 : vector<16xf32>
        %add3A_500 = arith.addf %add3A_464, %mul3A_499 : vector<16xf32>
        %add3A_501 = arith.constant 3 : i32
        %add3A_502 = arith.addi %mul3A_53, %add3A_501 : i32
        %get3A_503 = arith.index_cast %add3A_502 : i32 to index
        %get3A_504 = arith.index_cast %add3A_476 : i32 to index
        %get3A_505 = tpu.vector_load %arg8[%get3A_503, %get3A_504] {strides = array<i32>} : memref<128x768xf32, #tpu.memory_space<vmem>>, vector<16xf32>,
        %add3A_506 = arith.addf %add3A_470, %get3A_505 : vector<16xf32>
        %mul3A_507 = arith.mulf %get3A_505, %get3A_505 : vector<16xf32>
        %add3A_508 = arith.addf %add3A_472, %mul3A_507 : vector<16xf32>
        %mul3A_509 = arith.constant 128 : i32
        %mul3A_510 = arith.muli %scan3A_321, %mul3A_509 : i32
        %add3A_511 = arith.constant 80 : i32
        %add3A_512 = arith.addi %mul3A_510, %add3A_511 : i32
        %add3A_513 = arith.constant 0 : i32
        %add3A_514 = arith.addi %mul3A_53, %add3A_513 : i32
        %get3A_515 = arith.index_cast %add3A_514 : i32 to index
        %get3A_516 = arith.index_cast %add3A_512 : i32 to index
        %get3A_517 = tpu.vector_load %arg8[%get3A_515, %get3A_516] {strides = array<i32>} : memref<128x768xf32, #tpu.memory_space<vmem>>, vector<16xf32>,
        %add3A_518 = arith.addf %add3A_482, %get3A_517 : vector<16xf32>
        %mul3A_519 = arith.mulf %get3A_517, %get3A_517 : vector<16xf32>
        %add3A_520 = arith.addf %add3A_484, %mul3A_519 : vector<16xf32>
        %add3A_521 = arith.constant 1 : i32
        %add3A_522 = arith.addi %mul3A_53, %add3A_521 : i32
        %get3A_523 = arith.index_cast %add3A_522 : i32 to index
        %get3A_524 = arith.index_cast %add3A_512 : i32 to index
        %get3A_525 = tpu.vector_load %arg8[%get3A_523, %get3A_524] {strides = array<i32>} : memref<128x768xf32, #tpu.memory_space<vmem>>, vector<16xf32>,
        %add3A_526 = arith.addf %add3A_490, %get3A_525 : vector<16xf32>
        %mul3A_527 = arith.mulf %get3A_525, %get3A_525 : vector<16xf32>
        %add3A_528 = arith.addf %add3A_492, %mul3A_527 : vector<16xf32>
        %add3A_529 = arith.constant 2 : i32
        %add3A_530 = arith.addi %mul3A_53, %add3A_529 : i32
        %get3A_531 = arith.index_cast %add3A_530 : i32 to index
        %get3A_532 = arith.index_cast %add3A_512 : i32 to index
        %get3A_533 = tpu.vector_load %arg8[%get3A_531, %get3A_532] {strides = array<i32>} : memref<128x768xf32, #tpu.memory_space<vmem>>, vector<16xf32>,
        %add3A_534 = arith.addf %add3A_498, %get3A_533 : vector<16xf32>
        %mul3A_535 = arith.mulf %get3A_533, %get3A_533 : vector<16xf32>
        %add3A_536 = arith.addf %add3A_500, %mul3A_535 : vector<16xf32>
        %add3A_537 = arith.constant 3 : i32
        %add3A_538 = arith.addi %mul3A_53, %add3A_537 : i32
        %get3A_539 = arith.index_cast %add3A_538 : i32 to index
        %get3A_540 = arith.index_cast %add3A_512 : i32 to index
        %get3A_541 = tpu.vector_load %arg8[%get3A_539, %get3A_540] {strides = array<i32>} : memref<128x768xf32, #tpu.memory_space<vmem>>, vector<16xf32>,
        %add3A_542 = arith.addf %add3A_506, %get3A_541 : vector<16xf32>
        %mul3A_543 = arith.mulf %get3A_541, %get3A_541 : vector<16xf32>
        %add3A_544 = arith.addf %add3A_508, %mul3A_543 : vector<16xf32>
        %mul3A_545 = arith.constant 128 : i32
        %mul3A_546 = arith.muli %scan3A_321, %mul3A_545 : i32
        %add3A_547 = arith.constant 96 : i32
        %add3A_548 = arith.addi %mul3A_546, %add3A_547 : i32
        %add3A_549 = arith.constant 0 : i32
        %add3A_550 = arith.addi %mul3A_53, %add3A_549 : i32
        %get3A_551 = arith.index_cast %add3A_550 : i32 to index
        %get3A_552 = arith.index_cast %add3A_548 : i32 to index
        %get3A_553 = tpu.vector_load %arg8[%get3A_551, %get3A_552] {strides = array<i32>} : memref<128x768xf32, #tpu.memory_space<vmem>>, vector<16xf32>,
        %add3A_554 = arith.addf %add3A_518, %get3A_553 : vector<16xf32>
        %mul3A_555 = arith.mulf %get3A_553, %get3A_553 : vector<16xf32>
        %add3A_556 = arith.addf %add3A_520, %mul3A_555 : vector<16xf32>
        %add3A_557 = arith.constant 1 : i32
        %add3A_558 = arith.addi %mul3A_53, %add3A_557 : i32
        %get3A_559 = arith.index_cast %add3A_558 : i32 to index
        %get3A_560 = arith.index_cast %add3A_548 : i32 to index
        %get3A_561 = tpu.vector_load %arg8[%get3A_559, %get3A_560] {strides = array<i32>} : memref<128x768xf32, #tpu.memory_space<vmem>>, vector<16xf32>,
        %add3A_562 = arith.addf %add3A_526, %get3A_561 : vector<16xf32>
        %mul3A_563 = arith.mulf %get3A_561, %get3A_561 : vector<16xf32>
        %add3A_564 = arith.addf %add3A_528, %mul3A_563 : vector<16xf32>
        %add3A_565 = arith.constant 2 : i32
        %add3A_566 = arith.addi %mul3A_53, %add3A_565 : i32
        %get3A_567 = arith.index_cast %add3A_566 : i32 to index
        %get3A_568 = arith.index_cast %add3A_548 : i32 to index
        %get3A_569 = tpu.vector_load %arg8[%get3A_567, %get3A_568] {strides = array<i32>} : memref<128x768xf32, #tpu.memory_space<vmem>>, vector<16xf32>,
        %add3A_570 = arith.addf %add3A_534, %get3A_569 : vector<16xf32>
        %mul3A_571 = arith.mulf %get3A_569, %get3A_569 : vector<16xf32>
        %add3A_572 = arith.addf %add3A_536, %mul3A_571 : vector<16xf32>
        %add3A_573 = arith.constant 3 : i32
        %add3A_574 = arith.addi %mul3A_53, %add3A_573 : i32
        %get3A_575 = arith.index_cast %add3A_574 : i32 to index
        %get3A_576 = arith.index_cast %add3A_548 : i32 to index
        %get3A_577 = tpu.vector_load %arg8[%get3A_575, %get3A_576] {strides = array<i32>} : memref<128x768xf32, #tpu.memory_space<vmem>>, vector<16xf32>,
        %add3A_578 = arith.addf %add3A_542, %get3A_577 : vector<16xf32>
        %mul3A_579 = arith.mulf %get3A_577, %get3A_577 : vector<16xf32>
        %add3A_580 = arith.addf %add3A_544, %mul3A_579 : vector<16xf32>
        %mul3A_581 = arith.constant 128 : i32
        %mul3A_582 = arith.muli %scan3A_321, %mul3A_581 : i32
        %add3A_583 = arith.constant 112 : i32
        %add3A_584 = arith.addi %mul3A_582, %add3A_583 : i32
        %add3A_585 = arith.constant 0 : i32
        %add3A_586 = arith.addi %mul3A_53, %add3A_585 : i32
        %get3A_587 = arith.index_cast %add3A_586 : i32 to index
        %get3A_588 = arith.index_cast %add3A_584 : i32 to index
        %get3A_589 = tpu.vector_load %arg8[%get3A_587, %get3A_588] {strides = array<i32>} : memref<128x768xf32, #tpu.memory_space<vmem>>, vector<16xf32>,
        %add3A_590 = arith.addf %add3A_554, %get3A_589 : vector<16xf32>
        %mul3A_591 = arith.mulf %get3A_589, %get3A_589 : vector<16xf32>
        %add3A_592 = arith.addf %add3A_556, %mul3A_591 : vector<16xf32>
        %add3A_593 = arith.constant 1 : i32
        %add3A_594 = arith.addi %mul3A_53, %add3A_593 : i32
        %get3A_595 = arith.index_cast %add3A_594 : i32 to index
        %get3A_596 = arith.index_cast %add3A_584 : i32 to index
        %get3A_597 = tpu.vector_load %arg8[%get3A_595, %get3A_596] {strides = array<i32>} : memref<128x768xf32, #tpu.memory_space<vmem>>, vector<16xf32>,
        %add3A_598 = arith.addf %add3A_562, %get3A_597 : vector<16xf32>
        %mul3A_599 = arith.mulf %get3A_597, %get3A_597 : vector<16xf32>
        %add3A_600 = arith.addf %add3A_564, %mul3A_599 : vector<16xf32>
        %add3A_601 = arith.constant 2 : i32
        %add3A_602 = arith.addi %mul3A_53, %add3A_601 : i32
        %get3A_603 = arith.index_cast %add3A_602 : i32 to index
        %get3A_604 = arith.index_cast %add3A_584 : i32 to index
        %get3A_605 = tpu.vector_load %arg8[%get3A_603, %get3A_604] {strides = array<i32>} : memref<128x768xf32, #tpu.memory_space<vmem>>, vector<16xf32>,
        %add3A_606 = arith.addf %add3A_570, %get3A_605 : vector<16xf32>
        %mul3A_607 = arith.mulf %get3A_605, %get3A_605 : vector<16xf32>
        %add3A_608 = arith.addf %add3A_572, %mul3A_607 : vector<16xf32>
        %add3A_609 = arith.constant 3 : i32
        %add3A_610 = arith.addi %mul3A_53, %add3A_609 : i32
        %get3A_611 = arith.index_cast %add3A_610 : i32 to index
        %get3A_612 = arith.index_cast %add3A_584 : i32 to index
        %get3A_613 = tpu.vector_load %arg8[%get3A_611, %get3A_612] {strides = array<i32>} : memref<128x768xf32, #tpu.memory_space<vmem>>, vector<16xf32>,
        %add3A_614 = arith.addf %add3A_578, %get3A_613 : vector<16xf32>
        %mul3A_615 = arith.mulf %get3A_613, %get3A_613 : vector<16xf32>
        %add3A_616 = arith.addf %add3A_580, %mul3A_615 : vector<16xf32>
        scf.yield %add3A_590, %add3A_598, %add3A_606, %add3A_614, %add3A_592, %add3A_600, %add3A_608, %add3A_616 : vector<16xf32>, vector<16xf32>, vector<16xf32>, vector<16xf32>, vector<16xf32>, vector<16xf32>, vector<16xf32>, vector<16xf32>
      }
      %scan3A_76 = arith.constant 6 : i32
      %reduce_sum3A = arith.constant true
      %reduce_sum3A_77 = vector.broadcast %reduce_sum3A : i1 to vector<16xi1>
      %reduce_sum3A_78 = tpu.scan <sum>, %scan3A_75#0 masked %reduce_sum3A_77 : vector<16xf32>, vector<16xi1> -> vector<16xf32>
      %reduce_sum3A_79 = vector.extract %reduce_sum3A_78[15] : f32 from vector<16xf32>
      %broadcast_in_dim3A_80 = vector.broadcast %reduce_sum3A_79 : f32 to vector<16xf32>
      %reduce_sum3A_81 = arith.constant true
      %reduce_sum3A_82 = vector.broadcast %reduce_sum3A_81 : i1 to vector<16xi1>
      %reduce_sum3A_83 = tpu.scan <sum>, %scan3A_75#4 masked %reduce_sum3A_82 : vector<16xf32>, vector<16xi1> -> vector<16xf32>
      %reduce_sum3A_84 = vector.extract %reduce_sum3A_83[15] : f32 from vector<16xf32>
      %broadcast_in_dim3A_85 = vector.broadcast %reduce_sum3A_84 : f32 to vector<16xf32>
      %mul3A_86 = arith.constant 0.00130208337 : f32
      %mul3A_87 = vector.broadcast %mul3A_86 : f32 to vector<16xf32>
      %mul3A_88 = arith.mulf %broadcast_in_dim3A_80, %mul3A_87 : vector<16xf32>
      %mul3A_89 = arith.constant 0.00130208337 : f32
      %mul3A_90 = vector.broadcast %mul3A_89 : f32 to vector<16xf32>
      %mul3A_91 = arith.mulf %broadcast_in_dim3A_85, %mul3A_90 : vector<16xf32>
      %mul3A_92 = arith.mulf %mul3A_88, %mul3A_88 : vector<16xf32>
      %sub3A = arith.subf %mul3A_91, %mul3A_92 : vector<16xf32>
      %add3A_93 = arith.constant 9.99999996E-13 : f32
      %add3A_94 = vector.broadcast %add3A_93 : f32 to vector<16xf32>
      %add3A_95 = arith.addf %sub3A, %add3A_94 : vector<16xf32>
      %bitcast3A = vector.bitcast %add3A_95 : vector<16xf32> to vector<16xi32>
      %shift_right_arithmetic3A = arith.constant 1 : i32
      %shift_right_arithmetic3A_96 = vector.broadcast %shift_right_arithmetic3A : i32 to vector<16xi32>
      %shift_right_arithmetic3A_97 = arith.shrsi %bitcast3A, %shift_right_arithmetic3A_96 : vector<16xi32>
      %sub3A_98 = arith.constant 1597463007 : i32
      %sub3A_99 = vector.broadcast %sub3A_98 : i32 to vector<16xi32>
      %sub3A_100 = arith.subi %sub3A_99, %shift_right_arithmetic3A_97 : vector<16xi32>
      %bitcast3A_101 = vector.bitcast %sub3A_100 : vector<16xi32> to vector<16xf32>
      %mul3A_102 = arith.constant 5.000000e-01 : f32
      %mul3A_103 = vector.broadcast %mul3A_102 : f32 to vector<16xf32>
      %mul3A_104 = arith.mulf %mul3A_103, %add3A_95 : vector<16xf32>
      %mul3A_105 = arith.mulf %mul3A_104, %bitcast3A_101 : vector<16xf32>
      %mul3A_106 = arith.mulf %mul3A_105, %bitcast3A_101 : vector<16xf32>
      %sub3A_107 = arith.constant 1.500000e+00 : f32
      %sub3A_108 = vector.broadcast %sub3A_107 : f32 to vector<16xf32>
      %sub3A_109 = arith.subf %sub3A_108, %mul3A_106 : vector<16xf32>
      %mul3A_110 = arith.mulf %bitcast3A_101, %sub3A_109 : vector<16xf32>
      %mul3A_111 = arith.constant 5.000000e-01 : f32
      %mul3A_112 = vector.broadcast %mul3A_111 : f32 to vector<16xf32>
      %mul3A_113 = arith.mulf %mul3A_112, %add3A_95 : vector<16xf32>
      %mul3A_114 = arith.mulf %mul3A_113, %mul3A_110 : vector<16xf32>
      %mul3A_115 = arith.mulf %mul3A_114, %mul3A_110 : vector<16xf32>
      %sub3A_116 = arith.constant 1.500000e+00 : f32
      %sub3A_117 = vector.broadcast %sub3A_116 : f32 to vector<16xf32>
      %sub3A_118 = arith.subf %sub3A_117, %mul3A_115 : vector<16xf32>
      %mul3A_119 = arith.mulf %mul3A_110, %sub3A_118 : vector<16xf32>
      %reduce_sum3A_120 = arith.constant true
      %reduce_sum3A_121 = vector.broadcast %reduce_sum3A_120 : i1 to vector<16xi1>
      %reduce_sum3A_122 = tpu.scan <sum>, %scan3A_75#1 masked %reduce_sum3A_121 : vector<16xf32>, vector<16xi1> -> vector<16xf32>
      %reduce_sum3A_123 = vector.extract %reduce_sum3A_122[15] : f32 from vector<16xf32>
      %broadcast_in_dim3A_124 = vector.broadcast %reduce_sum3A_123 : f32 to vector<16xf32>
      %reduce_sum3A_125 = arith.constant true
      %reduce_sum3A_126 = vector.broadcast %reduce_sum3A_125 : i1 to vector<16xi1>
      %reduce_sum3A_127 = tpu.scan <sum>, %scan3A_75#5 masked %reduce_sum3A_126 : vector<16xf32>, vector<16xi1> -> vector<16xf32>
      %reduce_sum3A_128 = vector.extract %reduce_sum3A_127[15] : f32 from vector<16xf32>
      %broadcast_in_dim3A_129 = vector.broadcast %reduce_sum3A_128 : f32 to vector<16xf32>
      %mul3A_130 = arith.constant 0.00130208337 : f32
      %mul3A_131 = vector.broadcast %mul3A_130 : f32 to vector<16xf32>
      %mul3A_132 = arith.mulf %broadcast_in_dim3A_124, %mul3A_131 : vector<16xf32>
      %mul3A_133 = arith.constant 0.00130208337 : f32
      %mul3A_134 = vector.broadcast %mul3A_133 : f32 to vector<16xf32>
      %mul3A_135 = arith.mulf %broadcast_in_dim3A_129, %mul3A_134 : vector<16xf32>
      %mul3A_136 = arith.mulf %mul3A_132, %mul3A_132 : vector<16xf32>
      %sub3A_137 = arith.subf %mul3A_135, %mul3A_136 : vector<16xf32>
      %add3A_138 = arith.constant 9.99999996E-13 : f32
      %add3A_139 = vector.broadcast %add3A_138 : f32 to vector<16xf32>
      %add3A_140 = arith.addf %sub3A_137, %add3A_139 : vector<16xf32>
      %bitcast3A_141 = vector.bitcast %add3A_140 : vector<16xf32> to vector<16xi32>
      %shift_right_arithmetic3A_142 = arith.constant 1 : i32
      %shift_right_arithmetic3A_143 = vector.broadcast %shift_right_arithmetic3A_142 : i32 to vector<16xi32>
      %shift_right_arithmetic3A_144 = arith.shrsi %bitcast3A_141, %shift_right_arithmetic3A_143 : vector<16xi32>
      %sub3A_145 = arith.constant 1597463007 : i32
      %sub3A_146 = vector.broadcast %sub3A_145 : i32 to vector<16xi32>
      %sub3A_147 = arith.subi %sub3A_146, %shift_right_arithmetic3A_144 : vector<16xi32>
      %bitcast3A_148 = vector.bitcast %sub3A_147 : vector<16xi32> to vector<16xf32>
      %mul3A_149 = arith.constant 5.000000e-01 : f32
      %mul3A_150 = vector.broadcast %mul3A_149 : f32 to vector<16xf32>
      %mul3A_151 = arith.mulf %mul3A_150, %add3A_140 : vector<16xf32>
      %mul3A_152 = arith.mulf %mul3A_151, %bitcast3A_148 : vector<16xf32>
      %mul3A_153 = arith.mulf %mul3A_152, %bitcast3A_148 : vector<16xf32>
      %sub3A_154 = arith.constant 1.500000e+00 : f32
      %sub3A_155 = vector.broadcast %sub3A_154 : f32 to vector<16xf32>
      %sub3A_156 = arith.subf %sub3A_155, %mul3A_153 : vector<16xf32>
      %mul3A_157 = arith.mulf %bitcast3A_148, %sub3A_156 : vector<16xf32>
      %mul3A_158 = arith.constant 5.000000e-01 : f32
      %mul3A_159 = vector.broadcast %mul3A_158 : f32 to vector<16xf32>
      %mul3A_160 = arith.mulf %mul3A_159, %add3A_140 : vector<16xf32>
      %mul3A_161 = arith.mulf %mul3A_160, %mul3A_157 : vector<16xf32>
      %mul3A_162 = arith.mulf %mul3A_161, %mul3A_157 : vector<16xf32>
      %sub3A_163 = arith.constant 1.500000e+00 : f32
      %sub3A_164 = vector.broadcast %sub3A_163 : f32 to vector<16xf32>
      %sub3A_165 = arith.subf %sub3A_164, %mul3A_162 : vector<16xf32>
      %mul3A_166 = arith.mulf %mul3A_157, %sub3A_165 : vector<16xf32>
      %reduce_sum3A_167 = arith.constant true
      %reduce_sum3A_168 = vector.broadcast %reduce_sum3A_167 : i1 to vector<16xi1>
      %reduce_sum3A_169 = tpu.scan <sum>, %scan3A_75#2 masked %reduce_sum3A_168 : vector<16xf32>, vector<16xi1> -> vector<16xf32>
      %reduce_sum3A_170 = vector.extract %reduce_sum3A_169[15] : f32 from vector<16xf32>
      %broadcast_in_dim3A_171 = vector.broadcast %reduce_sum3A_170 : f32 to vector<16xf32>
      %reduce_sum3A_172 = arith.constant true
      %reduce_sum3A_173 = vector.broadcast %reduce_sum3A_172 : i1 to vector<16xi1>
      %reduce_sum3A_174 = tpu.scan <sum>, %scan3A_75#6 masked %reduce_sum3A_173 : vector<16xf32>, vector<16xi1> -> vector<16xf32>
      %reduce_sum3A_175 = vector.extract %reduce_sum3A_174[15] : f32 from vector<16xf32>
      %broadcast_in_dim3A_176 = vector.broadcast %reduce_sum3A_175 : f32 to vector<16xf32>
      %mul3A_177 = arith.constant 0.00130208337 : f32
      %mul3A_178 = vector.broadcast %mul3A_177 : f32 to vector<16xf32>
      %mul3A_179 = arith.mulf %broadcast_in_dim3A_171, %mul3A_178 : vector<16xf32>
      %mul3A_180 = arith.constant 0.00130208337 : f32
      %mul3A_181 = vector.broadcast %mul3A_180 : f32 to vector<16xf32>
      %mul3A_182 = arith.mulf %broadcast_in_dim3A_176, %mul3A_181 : vector<16xf32>
      %mul3A_183 = arith.mulf %mul3A_179, %mul3A_179 : vector<16xf32>
      %sub3A_184 = arith.subf %mul3A_182, %mul3A_183 : vector<16xf32>
      %add3A_185 = arith.constant 9.99999996E-13 : f32
      %add3A_186 = vector.broadcast %add3A_185 : f32 to vector<16xf32>
      %add3A_187 = arith.addf %sub3A_184, %add3A_186 : vector<16xf32>
      %bitcast3A_188 = vector.bitcast %add3A_187 : vector<16xf32> to vector<16xi32>
      %shift_right_arithmetic3A_189 = arith.constant 1 : i32
      %shift_right_arithmetic3A_190 = vector.broadcast %shift_right_arithmetic3A_189 : i32 to vector<16xi32>
      %shift_right_arithmetic3A_191 = arith.shrsi %bitcast3A_188, %shift_right_arithmetic3A_190 : vector<16xi32>
      %sub3A_192 = arith.constant 1597463007 : i32
      %sub3A_193 = vector.broadcast %sub3A_192 : i32 to vector<16xi32>
      %sub3A_194 = arith.subi %sub3A_193, %shift_right_arithmetic3A_191 : vector<16xi32>
      %bitcast3A_195 = vector.bitcast %sub3A_194 : vector<16xi32> to vector<16xf32>
      %mul3A_196 = arith.constant 5.000000e-01 : f32
      %mul3A_197 = vector.broadcast %mul3A_196 : f32 to vector<16xf32>
      %mul3A_198 = arith.mulf %mul3A_197, %add3A_187 : vector<16xf32>
      %mul3A_199 = arith.mulf %mul3A_198, %bitcast3A_195 : vector<16xf32>
      %mul3A_200 = arith.mulf %mul3A_199, %bitcast3A_195 : vector<16xf32>
      %sub3A_201 = arith.constant 1.500000e+00 : f32
      %sub3A_202 = vector.broadcast %sub3A_201 : f32 to vector<16xf32>
      %sub3A_203 = arith.subf %sub3A_202, %mul3A_200 : vector<16xf32>
      %mul3A_204 = arith.mulf %bitcast3A_195, %sub3A_203 : vector<16xf32>
      %mul3A_205 = arith.constant 5.000000e-01 : f32
      %mul3A_206 = vector.broadcast %mul3A_205 : f32 to vector<16xf32>
      %mul3A_207 = arith.mulf %mul3A_206, %add3A_187 : vector<16xf32>
      %mul3A_208 = arith.mulf %mul3A_207, %mul3A_204 : vector<16xf32>
      %mul3A_209 = arith.mulf %mul3A_208, %mul3A_204 : vector<16xf32>
      %sub3A_210 = arith.constant 1.500000e+00 : f32
      %sub3A_211 = vector.broadcast %sub3A_210 : f32 to vector<16xf32>
      %sub3A_212 = arith.subf %sub3A_211, %mul3A_209 : vector<16xf32>
      %mul3A_213 = arith.mulf %mul3A_204, %sub3A_212 : vector<16xf32>
      %reduce_sum3A_214 = arith.constant true
      %reduce_sum3A_215 = vector.broadcast %reduce_sum3A_214 : i1 to vector<16xi1>
      %reduce_sum3A_216 = tpu.scan <sum>, %scan3A_75#3 masked %reduce_sum3A_215 : vector<16xf32>, vector<16xi1> -> vector<16xf32>
      %reduce_sum3A_217 = vector.extract %reduce_sum3A_216[15] : f32 from vector<16xf32>
      %broadcast_in_dim3A_218 = vector.broadcast %reduce_sum3A_217 : f32 to vector<16xf32>
      %reduce_sum3A_219 = arith.constant true
      %reduce_sum3A_220 = vector.broadcast %reduce_sum3A_219 : i1 to vector<16xi1>
      %reduce_sum3A_221 = tpu.scan <sum>, %scan3A_75#7 masked %reduce_sum3A_220 : vector<16xf32>, vector<16xi1> -> vector<16xf32>
      %reduce_sum3A_222 = vector.extract %reduce_sum3A_221[15] : f32 from vector<16xf32>
      %broadcast_in_dim3A_223 = vector.broadcast %reduce_sum3A_222 : f32 to vector<16xf32>
      %mul3A_224 = arith.constant 0.00130208337 : f32
      %mul3A_225 = vector.broadcast %mul3A_224 : f32 to vector<16xf32>
      %mul3A_226 = arith.mulf %broadcast_in_dim3A_218, %mul3A_225 : vector<16xf32>
      %mul3A_227 = arith.constant 0.00130208337 : f32
      %mul3A_228 = vector.broadcast %mul3A_227 : f32 to vector<16xf32>
      %mul3A_229 = arith.mulf %broadcast_in_dim3A_223, %mul3A_228 : vector<16xf32>
      %mul3A_230 = arith.mulf %mul3A_226, %mul3A_226 : vector<16xf32>
      %sub3A_231 = arith.subf %mul3A_229, %mul3A_230 : vector<16xf32>
      %add3A_232 = arith.constant 9.99999996E-13 : f32
      %add3A_233 = vector.broadcast %add3A_232 : f32 to vector<16xf32>
      %add3A_234 = arith.addf %sub3A_231, %add3A_233 : vector<16xf32>
      %bitcast3A_235 = vector.bitcast %add3A_234 : vector<16xf32> to vector<16xi32>
      %shift_right_arithmetic3A_236 = arith.constant 1 : i32
      %shift_right_arithmetic3A_237 = vector.broadcast %shift_right_arithmetic3A_236 : i32 to vector<16xi32>
      %shift_right_arithmetic3A_238 = arith.shrsi %bitcast3A_235, %shift_right_arithmetic3A_237 : vector<16xi32>
      %sub3A_239 = arith.constant 1597463007 : i32
      %sub3A_240 = vector.broadcast %sub3A_239 : i32 to vector<16xi32>
      %sub3A_241 = arith.subi %sub3A_240, %shift_right_arithmetic3A_238 : vector<16xi32>
      %bitcast3A_242 = vector.bitcast %sub3A_241 : vector<16xi32> to vector<16xf32>
      %mul3A_243 = arith.constant 5.000000e-01 : f32
      %mul3A_244 = vector.broadcast %mul3A_243 : f32 to vector<16xf32>
      %mul3A_245 = arith.mulf %mul3A_244, %add3A_234 : vector<16xf32>
      %mul3A_246 = arith.mulf %mul3A_245, %bitcast3A_242 : vector<16xf32>
      %mul3A_247 = arith.mulf %mul3A_246, %bitcast3A_242 : vector<16xf32>
      %sub3A_248 = arith.constant 1.500000e+00 : f32
      %sub3A_249 = vector.broadcast %sub3A_248 : f32 to vector<16xf32>
      %sub3A_250 = arith.subf %sub3A_249, %mul3A_247 : vector<16xf32>
      %mul3A_251 = arith.mulf %bitcast3A_242, %sub3A_250 : vector<16xf32>
      %mul3A_252 = arith.constant 5.000000e-01 : f32
      %mul3A_253 = vector.broadcast %mul3A_252 : f32 to vector<16xf32>
      %mul3A_254 = arith.mulf %mul3A_253, %add3A_234 : vector<16xf32>
      %mul3A_255 = arith.mulf %mul3A_254, %mul3A_251 : vector<16xf32>
      %mul3A_256 = arith.mulf %mul3A_255, %mul3A_251 : vector<16xf32>
      %sub3A_257 = arith.constant 1.500000e+00 : f32
      %sub3A_258 = vector.broadcast %sub3A_257 : f32 to vector<16xf32>
      %sub3A_259 = arith.subf %sub3A_258, %mul3A_256 : vector<16xf32>
      %mul3A_260 = arith.mulf %mul3A_251, %sub3A_259 : vector<16xf32>
      %scan3A_261 = arith.constant 1 : i32
      %scan3A_262 = arith.constant 7 : i32
      %scan3A_263 = arith.addi %scan3A_261, %scan3A_262 : i32
      %scan3A_264 = arith.constant 1 : i32
      %scan3A_265:8 = scf.for %scan3A_321 = %scan3A_261 to %scan3A_263 step %scan3A_264 iter_args(%scan3A_322 = %mul3A_88, %scan3A_323 = %mul3A_132, %scan3A_324 = %mul3A_179, %scan3A_325 = %mul3A_226, %scan3A_326 = %mul3A_119, %scan3A_327 = %mul3A_166, %scan3A_328 = %mul3A_213, %scan3A_329 = %mul3A_260) -> (vector<16xf32>, vector<16xf32>, vector<16xf32>, vector<16xf32>, vector<16xf32>, vector<16xf32>, vector<16xf32>, vector<16xf32>)  : i32 {
        %sub3A_330 = arith.constant 1 : i32
        %sub3A_331 = arith.subi %scan3A_321, %sub3A_330 : i32
        %mul3A_332 = arith.constant 4 : i32
        %mul3A_333 = arith.muli %sub3A_331, %mul3A_332 : i32
        %add3A_334 = arith.addi %mul3A_53, %mul3A_333 : i32
        %mul3A_335 = arith.constant 4 : i32
        %mul3A_336 = arith.muli %scan3A_321, %mul3A_335 : i32
        %add3A_337 = arith.addi %mul3A_53, %mul3A_336 : i32
        %scan3A_338 = arith.constant 0 : i32
        %scan3A_339 = arith.constant 6 : i32
        %scan3A_340 = arith.addi %scan3A_338, %scan3A_339 : i32
        %scan3A_341 = arith.constant 1 : i32
        %scan3A_342:8 = scf.for %scan3A_532 = %scan3A_338 to %scan3A_340 step %scan3A_341 iter_args(%scan3A_533 = %broadcast_in_dim3A_26, %scan3A_534 = %broadcast_in_dim3A_28, %scan3A_535 = %broadcast_in_dim3A_30, %scan3A_536 = %broadcast_in_dim3A_32, %scan3A_537 = %broadcast_in_dim3A_26, %scan3A_538 = %broadcast_in_dim3A_28, %scan3A_539 = %broadcast_in_dim3A_30, %scan3A_540 = %broadcast_in_dim3A_32) -> (vector<16xf32>, vector<16xf32>, vector<16xf32>, vector<16xf32>, vector<16xf32>, vector<16xf32>, vector<16xf32>, vector<16xf32>)  : i32 {
          %mul3A_541 = arith.constant 128 : i32
          %mul3A_542 = arith.muli %scan3A_532, %mul3A_541 : i32
          %add3A_543 = arith.constant 0 : i32
          %add3A_544 = arith.addi %mul3A_542, %add3A_543 : i32
          %add3A_545 = arith.constant 0 : i32
          %add3A_546 = arith.addi %add3A_337, %add3A_545 : i32
          %get3A = arith.index_cast %add3A_546 : i32 to index
          %get3A_547 = arith.index_cast %add3A_544 : i32 to index
          %get3A_548 = tpu.vector_load %arg8[%get3A, %get3A_547] {strides = array<i32>} : memref<128x768xf32, #tpu.memory_space<vmem>>, vector<16xf32>,
          %add3A_549 = arith.addf %scan3A_533, %get3A_548 : vector<16xf32>
          %mul3A_550 = arith.mulf %get3A_548, %get3A_548 : vector<16xf32>
          %add3A_551 = arith.addf %scan3A_537, %mul3A_550 : vector<16xf32>
          %add3A_552 = arith.constant 1 : i32
          %add3A_553 = arith.addi %add3A_337, %add3A_552 : i32
          %get3A_554 = arith.index_cast %add3A_553 : i32 to index
          %get3A_555 = arith.index_cast %add3A_544 : i32 to index
          %get3A_556 = tpu.vector_load %arg8[%get3A_554, %get3A_555] {strides = array<i32>} : memref<128x768xf32, #tpu.memory_space<vmem>>, vector<16xf32>,
          %add3A_557 = arith.addf %scan3A_534, %get3A_556 : vector<16xf32>
          %mul3A_558 = arith.mulf %get3A_556, %get3A_556 : vector<16xf32>
          %add3A_559 = arith.addf %scan3A_538, %mul3A_558 : vector<16xf32>
          %add3A_560 = arith.constant 2 : i32
          %add3A_561 = arith.addi %add3A_337, %add3A_560 : i32
          %get3A_562 = arith.index_cast %add3A_561 : i32 to index
          %get3A_563 = arith.index_cast %add3A_544 : i32 to index
          %get3A_564 = tpu.vector_load %arg8[%get3A_562, %get3A_563] {strides = array<i32>} : memref<128x768xf32, #tpu.memory_space<vmem>>, vector<16xf32>,
          %add3A_565 = arith.addf %scan3A_535, %get3A_564 : vector<16xf32>
          %mul3A_566 = arith.mulf %get3A_564, %get3A_564 : vector<16xf32>
          %add3A_567 = arith.addf %scan3A_539, %mul3A_566 : vector<16xf32>
          %add3A_568 = arith.constant 3 : i32
          %add3A_569 = arith.addi %add3A_337, %add3A_568 : i32
          %get3A_570 = arith.index_cast %add3A_569 : i32 to index
          %get3A_571 = arith.index_cast %add3A_544 : i32 to index
          %get3A_572 = tpu.vector_load %arg8[%get3A_570, %get3A_571] {strides = array<i32>} : memref<128x768xf32, #tpu.memory_space<vmem>>, vector<16xf32>,
          %add3A_573 = arith.addf %scan3A_536, %get3A_572 : vector<16xf32>
          %mul3A_574 = arith.mulf %get3A_572, %get3A_572 : vector<16xf32>
          %add3A_575 = arith.addf %scan3A_540, %mul3A_574 : vector<16xf32>
          %get3A_576 = arith.index_cast %add3A_544 : i32 to index
          %get3A_577 = tpu.vector_load %arg9[%get3A_576] {strides = array<i32>} : memref<768xf32, #tpu.memory_space<vmem>>, vector<16xf32>,
          %get3A_578 = arith.index_cast %add3A_544 : i32 to index
          %get3A_579 = tpu.vector_load %arg10[%get3A_578] {strides = array<i32>} : memref<768xf32, #tpu.memory_space<vmem>>, vector<16xf32>,
          %add3A_580 = arith.constant 0 : i32
          %add3A_581 = arith.addi %add3A_334, %add3A_580 : i32
          %get3A_582 = arith.index_cast %add3A_581 : i32 to index
          %get3A_583 = arith.index_cast %add3A_544 : i32 to index
          %get3A_584 = tpu.vector_load %arg8[%get3A_582, %get3A_583] {strides = array<i32>} : memref<128x768xf32, #tpu.memory_space<vmem>>, vector<16xf32>,
          %sub3A_585 = arith.subf %get3A_584, %scan3A_322 : vector<16xf32>
          %mul3A_586 = arith.mulf %sub3A_585, %scan3A_326 : vector<16xf32>
          %mul3A_587 = arith.mulf %mul3A_586, %get3A_577 : vector<16xf32>
          %add3A_588 = arith.addf %mul3A_587, %get3A_579 : vector<16xf32>
          %add3A_589 = arith.constant 0 : i32
          %add3A_590 = arith.addi %add3A_334, %add3A_589 : i32
          %swap3A = arith.index_cast %add3A_590 : i32 to index
          %swap3A_591 = arith.index_cast %add3A_544 : i32 to index
          %swap3A_592 = tpu.vector_load %arg8[%swap3A, %swap3A_591] {strides = array<i32>} : memref<128x768xf32, #tpu.memory_space<vmem>>, vector<16xf32>,
          tpu.vector_store %arg8[%swap3A, %swap3A_591], %add3A_588 {strides = array<i32>} : memref<128x768xf32, #tpu.memory_space<vmem>>, vector<16xf32>,
          %add3A_593 = arith.constant 1 : i32
          %add3A_594 = arith.addi %add3A_334, %add3A_593 : i32
          %get3A_595 = arith.index_cast %add3A_594 : i32 to index
          %get3A_596 = arith.index_cast %add3A_544 : i32 to index
          %get3A_597 = tpu.vector_load %arg8[%get3A_595, %get3A_596] {strides = array<i32>} : memref<128x768xf32, #tpu.memory_space<vmem>>, vector<16xf32>,
          %sub3A_598 = arith.subf %get3A_597, %scan3A_323 : vector<16xf32>
          %mul3A_599 = arith.mulf %sub3A_598, %scan3A_327 : vector<16xf32>
          %mul3A_600 = arith.mulf %mul3A_599, %get3A_577 : vector<16xf32>
          %add3A_601 = arith.addf %mul3A_600, %get3A_579 : vector<16xf32>
          %add3A_602 = arith.constant 1 : i32
          %add3A_603 = arith.addi %add3A_334, %add3A_602 : i32
          %swap3A_604 = arith.index_cast %add3A_603 : i32 to index
          %swap3A_605 = arith.index_cast %add3A_544 : i32 to index
          %swap3A_606 = tpu.vector_load %arg8[%swap3A_604, %swap3A_605] {strides = array<i32>} : memref<128x768xf32, #tpu.memory_space<vmem>>, vector<16xf32>,
          tpu.vector_store %arg8[%swap3A_604, %swap3A_605], %add3A_601 {strides = array<i32>} : memref<128x768xf32, #tpu.memory_space<vmem>>, vector<16xf32>,
          %add3A_607 = arith.constant 2 : i32
          %add3A_608 = arith.addi %add3A_334, %add3A_607 : i32
          %get3A_609 = arith.index_cast %add3A_608 : i32 to index
          %get3A_610 = arith.index_cast %add3A_544 : i32 to index
          %get3A_611 = tpu.vector_load %arg8[%get3A_609, %get3A_610] {strides = array<i32>} : memref<128x768xf32, #tpu.memory_space<vmem>>, vector<16xf32>,
          %sub3A_612 = arith.subf %get3A_611, %scan3A_324 : vector<16xf32>
          %mul3A_613 = arith.mulf %sub3A_612, %scan3A_328 : vector<16xf32>
          %mul3A_614 = arith.mulf %mul3A_613, %get3A_577 : vector<16xf32>
          %add3A_615 = arith.addf %mul3A_614, %get3A_579 : vector<16xf32>
          %add3A_616 = arith.constant 2 : i32
          %add3A_617 = arith.addi %add3A_334, %add3A_616 : i32
          %swap3A_618 = arith.index_cast %add3A_617 : i32 to index
          %swap3A_619 = arith.index_cast %add3A_544 : i32 to index
          %swap3A_620 = tpu.vector_load %arg8[%swap3A_618, %swap3A_619] {strides = array<i32>} : memref<128x768xf32, #tpu.memory_space<vmem>>, vector<16xf32>,
          tpu.vector_store %arg8[%swap3A_618, %swap3A_619], %add3A_615 {strides = array<i32>} : memref<128x768xf32, #tpu.memory_space<vmem>>, vector<16xf32>,
          %add3A_621 = arith.constant 3 : i32
          %add3A_622 = arith.addi %add3A_334, %add3A_621 : i32
          %get3A_623 = arith.index_cast %add3A_622 : i32 to index
          %get3A_624 = arith.index_cast %add3A_544 : i32 to index
          %get3A_625 = tpu.vector_load %arg8[%get3A_623, %get3A_624] {strides = array<i32>} : memref<128x768xf32, #tpu.memory_space<vmem>>, vector<16xf32>,
          %sub3A_626 = arith.subf %get3A_625, %scan3A_325 : vector<16xf32>
          %mul3A_627 = arith.mulf %sub3A_626, %scan3A_329 : vector<16xf32>
          %mul3A_628 = arith.mulf %mul3A_627, %get3A_577 : vector<16xf32>
          %add3A_629 = arith.addf %mul3A_628, %get3A_579 : vector<16xf32>
          %add3A_630 = arith.constant 3 : i32
          %add3A_631 = arith.addi %add3A_334, %add3A_630 : i32
          %swap3A_632 = arith.index_cast %add3A_631 : i32 to index
          %swap3A_633 = arith.index_cast %add3A_544 : i32 to index
          %swap3A_634 = tpu.vector_load %arg8[%swap3A_632, %swap3A_633] {strides = array<i32>} : memref<128x768xf32, #tpu.memory_space<vmem>>, vector<16xf32>,
          tpu.vector_store %arg8[%swap3A_632, %swap3A_633], %add3A_629 {strides = array<i32>} : memref<128x768xf32, #tpu.memory_space<vmem>>, vector<16xf32>,
          %mul3A_635 = arith.constant 128 : i32
          %mul3A_636 = arith.muli %scan3A_532, %mul3A_635 : i32
          %add3A_637 = arith.constant 16 : i32
          %add3A_638 = arith.addi %mul3A_636, %add3A_637 : i32
          %add3A_639 = arith.constant 0 : i32
          %add3A_640 = arith.addi %add3A_337, %add3A_639 : i32
          %get3A_641 = arith.index_cast %add3A_640 : i32 to index
          %get3A_642 = arith.index_cast %add3A_638 : i32 to index
          %get3A_643 = tpu.vector_load %arg8[%get3A_641, %get3A_642] {strides = array<i32>} : memref<128x768xf32, #tpu.memory_space<vmem>>, vector<16xf32>,
          %add3A_644 = arith.addf %add3A_549, %get3A_643 : vector<16xf32>
          %mul3A_645 = arith.mulf %get3A_643, %get3A_643 : vector<16xf32>
          %add3A_646 = arith.addf %add3A_551, %mul3A_645 : vector<16xf32>
          %add3A_647 = arith.constant 1 : i32
          %add3A_648 = arith.addi %add3A_337, %add3A_647 : i32
          %get3A_649 = arith.index_cast %add3A_648 : i32 to index
          %get3A_650 = arith.index_cast %add3A_638 : i32 to index
          %get3A_651 = tpu.vector_load %arg8[%get3A_649, %get3A_650] {strides = array<i32>} : memref<128x768xf32, #tpu.memory_space<vmem>>, vector<16xf32>,
          %add3A_652 = arith.addf %add3A_557, %get3A_651 : vector<16xf32>
          %mul3A_653 = arith.mulf %get3A_651, %get3A_651 : vector<16xf32>
          %add3A_654 = arith.addf %add3A_559, %mul3A_653 : vector<16xf32>
          %add3A_655 = arith.constant 2 : i32
          %add3A_656 = arith.addi %add3A_337, %add3A_655 : i32
          %get3A_657 = arith.index_cast %add3A_656 : i32 to index
          %get3A_658 = arith.index_cast %add3A_638 : i32 to index
          %get3A_659 = tpu.vector_load %arg8[%get3A_657, %get3A_658] {strides = array<i32>} : memref<128x768xf32, #tpu.memory_space<vmem>>, vector<16xf32>,
          %add3A_660 = arith.addf %add3A_565, %get3A_659 : vector<16xf32>
          %mul3A_661 = arith.mulf %get3A_659, %get3A_659 : vector<16xf32>
          %add3A_662 = arith.addf %add3A_567, %mul3A_661 : vector<16xf32>
          %add3A_663 = arith.constant 3 : i32
          %add3A_664 = arith.addi %add3A_337, %add3A_663 : i32
          %get3A_665 = arith.index_cast %add3A_664 : i32 to index
          %get3A_666 = arith.index_cast %add3A_638 : i32 to index
          %get3A_667 = tpu.vector_load %arg8[%get3A_665, %get3A_666] {strides = array<i32>} : memref<128x768xf32, #tpu.memory_space<vmem>>, vector<16xf32>,
          %add3A_668 = arith.addf %add3A_573, %get3A_667 : vector<16xf32>
          %mul3A_669 = arith.mulf %get3A_667, %get3A_667 : vector<16xf32>
          %add3A_670 = arith.addf %add3A_575, %mul3A_669 : vector<16xf32>
          %get3A_671 = arith.index_cast %add3A_638 : i32 to index
          %get3A_672 = tpu.vector_load %arg9[%get3A_671] {strides = array<i32>} : memref<768xf32, #tpu.memory_space<vmem>>, vector<16xf32>,
          %get3A_673 = arith.index_cast %add3A_638 : i32 to index
          %get3A_674 = tpu.vector_load %arg10[%get3A_673] {strides = array<i32>} : memref<768xf32, #tpu.memory_space<vmem>>, vector<16xf32>,
          %add3A_675 = arith.constant 0 : i32
          %add3A_676 = arith.addi %add3A_334, %add3A_675 : i32
          %get3A_677 = arith.index_cast %add3A_676 : i32 to index
          %get3A_678 = arith.index_cast %add3A_638 : i32 to index
          %get3A_679 = tpu.vector_load %arg8[%get3A_677, %get3A_678] {strides = array<i32>} : memref<128x768xf32, #tpu.memory_space<vmem>>, vector<16xf32>,
          %sub3A_680 = arith.subf %get3A_679, %scan3A_322 : vector<16xf32>
          %mul3A_681 = arith.mulf %sub3A_680, %scan3A_326 : vector<16xf32>
          %mul3A_682 = arith.mulf %mul3A_681, %get3A_672 : vector<16xf32>
          %add3A_683 = arith.addf %mul3A_682, %get3A_674 : vector<16xf32>
          %add3A_684 = arith.constant 0 : i32
          %add3A_685 = arith.addi %add3A_334, %add3A_684 : i32
          %swap3A_686 = arith.index_cast %add3A_685 : i32 to index
          %swap3A_687 = arith.index_cast %add3A_638 : i32 to index
          %swap3A_688 = tpu.vector_load %arg8[%swap3A_686, %swap3A_687] {strides = array<i32>} : memref<128x768xf32, #tpu.memory_space<vmem>>, vector<16xf32>,
          tpu.vector_store %arg8[%swap3A_686, %swap3A_687], %add3A_683 {strides = array<i32>} : memref<128x768xf32, #tpu.memory_space<vmem>>, vector<16xf32>,
          %add3A_689 = arith.constant 1 : i32
          %add3A_690 = arith.addi %add3A_334, %add3A_689 : i32
          %get3A_691 = arith.index_cast %add3A_690 : i32 to index
          %get3A_692 = arith.index_cast %add3A_638 : i32 to index
          %get3A_693 = tpu.vector_load %arg8[%get3A_691, %get3A_692] {strides = array<i32>} : memref<128x768xf32, #tpu.memory_space<vmem>>, vector<16xf32>,
          %sub3A_694 = arith.subf %get3A_693, %scan3A_323 : vector<16xf32>
          %mul3A_695 = arith.mulf %sub3A_694, %scan3A_327 : vector<16xf32>
          %mul3A_696 = arith.mulf %mul3A_695, %get3A_672 : vector<16xf32>
          %add3A_697 = arith.addf %mul3A_696, %get3A_674 : vector<16xf32>
          %add3A_698 = arith.constant 1 : i32
          %add3A_699 = arith.addi %add3A_334, %add3A_698 : i32
          %swap3A_700 = arith.index_cast %add3A_699 : i32 to index
          %swap3A_701 = arith.index_cast %add3A_638 : i32 to index
          %swap3A_702 = tpu.vector_load %arg8[%swap3A_700, %swap3A_701] {strides = array<i32>} : memref<128x768xf32, #tpu.memory_space<vmem>>, vector<16xf32>,
          tpu.vector_store %arg8[%swap3A_700, %swap3A_701], %add3A_697 {strides = array<i32>} : memref<128x768xf32, #tpu.memory_space<vmem>>, vector<16xf32>,
          %add3A_703 = arith.constant 2 : i32
          %add3A_704 = arith.addi %add3A_334, %add3A_703 : i32
          %get3A_705 = arith.index_cast %add3A_704 : i32 to index
          %get3A_706 = arith.index_cast %add3A_638 : i32 to index
          %get3A_707 = tpu.vector_load %arg8[%get3A_705, %get3A_706] {strides = array<i32>} : memref<128x768xf32, #tpu.memory_space<vmem>>, vector<16xf32>,
          %sub3A_708 = arith.subf %get3A_707, %scan3A_324 : vector<16xf32>
          %mul3A_709 = arith.mulf %sub3A_708, %scan3A_328 : vector<16xf32>
          %mul3A_710 = arith.mulf %mul3A_709, %get3A_672 : vector<16xf32>
          %add3A_711 = arith.addf %mul3A_710, %get3A_674 : vector<16xf32>
          %add3A_712 = arith.constant 2 : i32
          %add3A_713 = arith.addi %add3A_334, %add3A_712 : i32
          %swap3A_714 = arith.index_cast %add3A_713 : i32 to index
          %swap3A_715 = arith.index_cast %add3A_638 : i32 to index
          %swap3A_716 = tpu.vector_load %arg8[%swap3A_714, %swap3A_715] {strides = array<i32>} : memref<128x768xf32, #tpu.memory_space<vmem>>, vector<16xf32>,
          tpu.vector_store %arg8[%swap3A_714, %swap3A_715], %add3A_711 {strides = array<i32>} : memref<128x768xf32, #tpu.memory_space<vmem>>, vector<16xf32>,
          %add3A_717 = arith.constant 3 : i32
          %add3A_718 = arith.addi %add3A_334, %add3A_717 : i32
          %get3A_719 = arith.index_cast %add3A_718 : i32 to index
          %get3A_720 = arith.index_cast %add3A_638 : i32 to index
          %get3A_721 = tpu.vector_load %arg8[%get3A_719, %get3A_720] {strides = array<i32>} : memref<128x768xf32, #tpu.memory_space<vmem>>, vector<16xf32>,
          %sub3A_722 = arith.subf %get3A_721, %scan3A_325 : vector<16xf32>
          %mul3A_723 = arith.mulf %sub3A_722, %scan3A_329 : vector<16xf32>
          %mul3A_724 = arith.mulf %mul3A_723, %get3A_672 : vector<16xf32>
          %add3A_725 = arith.addf %mul3A_724, %get3A_674 : vector<16xf32>
          %add3A_726 = arith.constant 3 : i32
          %add3A_727 = arith.addi %add3A_334, %add3A_726 : i32
          %swap3A_728 = arith.index_cast %add3A_727 : i32 to index
          %swap3A_729 = arith.index_cast %add3A_638 : i32 to index
          %swap3A_730 = tpu.vector_load %arg8[%swap3A_728, %swap3A_729] {strides = array<i32>} : memref<128x768xf32, #tpu.memory_space<vmem>>, vector<16xf32>,
          tpu.vector_store %arg8[%swap3A_728, %swap3A_729], %add3A_725 {strides = array<i32>} : memref<128x768xf32, #tpu.memory_space<vmem>>, vector<16xf32>,
          %mul3A_731 = arith.constant 128 : i32
          %mul3A_732 = arith.muli %scan3A_532, %mul3A_731 : i32
          %add3A_733 = arith.constant 32 : i32
          %add3A_734 = arith.addi %mul3A_732, %add3A_733 : i32
          %add3A_735 = arith.constant 0 : i32
          %add3A_736 = arith.addi %add3A_337, %add3A_735 : i32
          %get3A_737 = arith.index_cast %add3A_736 : i32 to index
          %get3A_738 = arith.index_cast %add3A_734 : i32 to index
          %get3A_739 = tpu.vector_load %arg8[%get3A_737, %get3A_738] {strides = array<i32>} : memref<128x768xf32, #tpu.memory_space<vmem>>, vector<16xf32>,
          %add3A_740 = arith.addf %add3A_644, %get3A_739 : vector<16xf32>
          %mul3A_741 = arith.mulf %get3A_739, %get3A_739 : vector<16xf32>
          %add3A_742 = arith.addf %add3A_646, %mul3A_741 : vector<16xf32>
          %add3A_743 = arith.constant 1 : i32
          %add3A_744 = arith.addi %add3A_337, %add3A_743 : i32
          %get3A_745 = arith.index_cast %add3A_744 : i32 to index
          %get3A_746 = arith.index_cast %add3A_734 : i32 to index
          %get3A_747 = tpu.vector_load %arg8[%get3A_745, %get3A_746] {strides = array<i32>} : memref<128x768xf32, #tpu.memory_space<vmem>>, vector<16xf32>,
          %add3A_748 = arith.addf %add3A_652, %get3A_747 : vector<16xf32>
          %mul3A_749 = arith.mulf %get3A_747, %get3A_747 : vector<16xf32>
          %add3A_750 = arith.addf %add3A_654, %mul3A_749 : vector<16xf32>
          %add3A_751 = arith.constant 2 : i32
          %add3A_752 = arith.addi %add3A_337, %add3A_751 : i32
          %get3A_753 = arith.index_cast %add3A_752 : i32 to index
          %get3A_754 = arith.index_cast %add3A_734 : i32 to index
          %get3A_755 = tpu.vector_load %arg8[%get3A_753, %get3A_754] {strides = array<i32>} : memref<128x768xf32, #tpu.memory_space<vmem>>, vector<16xf32>,
          %add3A_756 = arith.addf %add3A_660, %get3A_755 : vector<16xf32>
          %mul3A_757 = arith.mulf %get3A_755, %get3A_755 : vector<16xf32>
          %add3A_758 = arith.addf %add3A_662, %mul3A_757 : vector<16xf32>
          %add3A_759 = arith.constant 3 : i32
          %add3A_760 = arith.addi %add3A_337, %add3A_759 : i32
          %get3A_761 = arith.index_cast %add3A_760 : i32 to index
          %get3A_762 = arith.index_cast %add3A_734 : i32 to index
          %get3A_763 = tpu.vector_load %arg8[%get3A_761, %get3A_762] {strides = array<i32>} : memref<128x768xf32, #tpu.memory_space<vmem>>, vector<16xf32>,
          %add3A_764 = arith.addf %add3A_668, %get3A_763 : vector<16xf32>
          %mul3A_765 = arith.mulf %get3A_763, %get3A_763 : vector<16xf32>
          %add3A_766 = arith.addf %add3A_670, %mul3A_765 : vector<16xf32>
          %get3A_767 = arith.index_cast %add3A_734 : i32 to index
          %get3A_768 = tpu.vector_load %arg9[%get3A_767] {strides = array<i32>} : memref<768xf32, #tpu.memory_space<vmem>>, vector<16xf32>,
          %get3A_769 = arith.index_cast %add3A_734 : i32 to index
          %get3A_770 = tpu.vector_load %arg10[%get3A_769] {strides = array<i32>} : memref<768xf32, #tpu.memory_space<vmem>>, vector<16xf32>,
          %add3A_771 = arith.constant 0 : i32
          %add3A_772 = arith.addi %add3A_334, %add3A_771 : i32
          %get3A_773 = arith.index_cast %add3A_772 : i32 to index
          %get3A_774 = arith.index_cast %add3A_734 : i32 to index
          %get3A_775 = tpu.vector_load %arg8[%get3A_773, %get3A_774] {strides = array<i32>} : memref<128x768xf32, #tpu.memory_space<vmem>>, vector<16xf32>,
          %sub3A_776 = arith.subf %get3A_775, %scan3A_322 : vector<16xf32>
          %mul3A_777 = arith.mulf %sub3A_776, %scan3A_326 : vector<16xf32>
          %mul3A_778 = arith.mulf %mul3A_777, %get3A_768 : vector<16xf32>
          %add3A_779 = arith.addf %mul3A_778, %get3A_770 : vector<16xf32>
          %add3A_780 = arith.constant 0 : i32
          %add3A_781 = arith.addi %add3A_334, %add3A_780 : i32
          %swap3A_782 = arith.index_cast %add3A_781 : i32 to index
          %swap3A_783 = arith.index_cast %add3A_734 : i32 to index
          %swap3A_784 = tpu.vector_load %arg8[%swap3A_782, %swap3A_783] {strides = array<i32>} : memref<128x768xf32, #tpu.memory_space<vmem>>, vector<16xf32>,
          tpu.vector_store %arg8[%swap3A_782, %swap3A_783], %add3A_779 {strides = array<i32>} : memref<128x768xf32, #tpu.memory_space<vmem>>, vector<16xf32>,
          %add3A_785 = arith.constant 1 : i32
          %add3A_786 = arith.addi %add3A_334, %add3A_785 : i32
          %get3A_787 = arith.index_cast %add3A_786 : i32 to index
          %get3A_788 = arith.index_cast %add3A_734 : i32 to index
          %get3A_789 = tpu.vector_load %arg8[%get3A_787, %get3A_788] {strides = array<i32>} : memref<128x768xf32, #tpu.memory_space<vmem>>, vector<16xf32>,
          %sub3A_790 = arith.subf %get3A_789, %scan3A_323 : vector<16xf32>
          %mul3A_791 = arith.mulf %sub3A_790, %scan3A_327 : vector<16xf32>
          %mul3A_792 = arith.mulf %mul3A_791, %get3A_768 : vector<16xf32>
          %add3A_793 = arith.addf %mul3A_792, %get3A_770 : vector<16xf32>
          %add3A_794 = arith.constant 1 : i32
          %add3A_795 = arith.addi %add3A_334, %add3A_794 : i32
          %swap3A_796 = arith.index_cast %add3A_795 : i32 to index
          %swap3A_797 = arith.index_cast %add3A_734 : i32 to index
          %swap3A_798 = tpu.vector_load %arg8[%swap3A_796, %swap3A_797] {strides = array<i32>} : memref<128x768xf32, #tpu.memory_space<vmem>>, vector<16xf32>,
          tpu.vector_store %arg8[%swap3A_796, %swap3A_797], %add3A_793 {strides = array<i32>} : memref<128x768xf32, #tpu.memory_space<vmem>>, vector<16xf32>,
          %add3A_799 = arith.constant 2 : i32
          %add3A_800 = arith.addi %add3A_334, %add3A_799 : i32
          %get3A_801 = arith.index_cast %add3A_800 : i32 to index
          %get3A_802 = arith.index_cast %add3A_734 : i32 to index
          %get3A_803 = tpu.vector_load %arg8[%get3A_801, %get3A_802] {strides = array<i32>} : memref<128x768xf32, #tpu.memory_space<vmem>>, vector<16xf32>,
          %sub3A_804 = arith.subf %get3A_803, %scan3A_324 : vector<16xf32>
          %mul3A_805 = arith.mulf %sub3A_804, %scan3A_328 : vector<16xf32>
          %mul3A_806 = arith.mulf %mul3A_805, %get3A_768 : vector<16xf32>
          %add3A_807 = arith.addf %mul3A_806, %get3A_770 : vector<16xf32>
          %add3A_808 = arith.constant 2 : i32
          %add3A_809 = arith.addi %add3A_334, %add3A_808 : i32
          %swap3A_810 = arith.index_cast %add3A_809 : i32 to index
          %swap3A_811 = arith.index_cast %add3A_734 : i32 to index
          %swap3A_812 = tpu.vector_load %arg8[%swap3A_810, %swap3A_811] {strides = array<i32>} : memref<128x768xf32, #tpu.memory_space<vmem>>, vector<16xf32>,
          tpu.vector_store %arg8[%swap3A_810, %swap3A_811], %add3A_807 {strides = array<i32>} : memref<128x768xf32, #tpu.memory_space<vmem>>, vector<16xf32>,
          %add3A_813 = arith.constant 3 : i32
          %add3A_814 = arith.addi %add3A_334, %add3A_813 : i32
          %get3A_815 = arith.index_cast %add3A_814 : i32 to index
          %get3A_816 = arith.index_cast %add3A_734 : i32 to index
          %get3A_817 = tpu.vector_load %arg8[%get3A_815, %get3A_816] {strides = array<i32>} : memref<128x768xf32, #tpu.memory_space<vmem>>, vector<16xf32>,
          %sub3A_818 = arith.subf %get3A_817, %scan3A_325 : vector<16xf32>
          %mul3A_819 = arith.mulf %sub3A_818, %scan3A_329 : vector<16xf32>
          %mul3A_820 = arith.mulf %mul3A_819, %get3A_768 : vector<16xf32>
          %add3A_821 = arith.addf %mul3A_820, %get3A_770 : vector<16xf32>
          %add3A_822 = arith.constant 3 : i32
          %add3A_823 = arith.addi %add3A_334, %add3A_822 : i32
          %swap3A_824 = arith.index_cast %add3A_823 : i32 to index
          %swap3A_825 = arith.index_cast %add3A_734 : i32 to index
          %swap3A_826 = tpu.vector_load %arg8[%swap3A_824, %swap3A_825] {strides = array<i32>} : memref<128x768xf32, #tpu.memory_space<vmem>>, vector<16xf32>,
          tpu.vector_store %arg8[%swap3A_824, %swap3A_825], %add3A_821 {strides = array<i32>} : memref<128x768xf32, #tpu.memory_space<vmem>>, vector<16xf32>,
          %mul3A_827 = arith.constant 128 : i32
          %mul3A_828 = arith.muli %scan3A_532, %mul3A_827 : i32
          %add3A_829 = arith.constant 48 : i32
          %add3A_830 = arith.addi %mul3A_828, %add3A_829 : i32
          %add3A_831 = arith.constant 0 : i32
          %add3A_832 = arith.addi %add3A_337, %add3A_831 : i32
          %get3A_833 = arith.index_cast %add3A_832 : i32 to index
          %get3A_834 = arith.index_cast %add3A_830 : i32 to index
          %get3A_835 = tpu.vector_load %arg8[%get3A_833, %get3A_834] {strides = array<i32>} : memref<128x768xf32, #tpu.memory_space<vmem>>, vector<16xf32>,
          %add3A_836 = arith.addf %add3A_740, %get3A_835 : vector<16xf32>
          %mul3A_837 = arith.mulf %get3A_835, %get3A_835 : vector<16xf32>
          %add3A_838 = arith.addf %add3A_742, %mul3A_837 : vector<16xf32>
          %add3A_839 = arith.constant 1 : i32
          %add3A_840 = arith.addi %add3A_337, %add3A_839 : i32
          %get3A_841 = arith.index_cast %add3A_840 : i32 to index
          %get3A_842 = arith.index_cast %add3A_830 : i32 to index
          %get3A_843 = tpu.vector_load %arg8[%get3A_841, %get3A_842] {strides = array<i32>} : memref<128x768xf32, #tpu.memory_space<vmem>>, vector<16xf32>,
          %add3A_844 = arith.addf %add3A_748, %get3A_843 : vector<16xf32>
          %mul3A_845 = arith.mulf %get3A_843, %get3A_843 : vector<16xf32>
          %add3A_846 = arith.addf %add3A_750, %mul3A_845 : vector<16xf32>
          %add3A_847 = arith.constant 2 : i32
          %add3A_848 = arith.addi %add3A_337, %add3A_847 : i32
          %get3A_849 = arith.index_cast %add3A_848 : i32 to index
          %get3A_850 = arith.index_cast %add3A_830 : i32 to index
          %get3A_851 = tpu.vector_load %arg8[%get3A_849, %get3A_850] {strides = array<i32>} : memref<128x768xf32, #tpu.memory_space<vmem>>, vector<16xf32>,
          %add3A_852 = arith.addf %add3A_756, %get3A_851 : vector<16xf32>
          %mul3A_853 = arith.mulf %get3A_851, %get3A_851 : vector<16xf32>
          %add3A_854 = arith.addf %add3A_758, %mul3A_853 : vector<16xf32>
          %add3A_855 = arith.constant 3 : i32
          %add3A_856 = arith.addi %add3A_337, %add3A_855 : i32
          %get3A_857 = arith.index_cast %add3A_856 : i32 to index
          %get3A_858 = arith.index_cast %add3A_830 : i32 to index
          %get3A_859 = tpu.vector_load %arg8[%get3A_857, %get3A_858] {strides = array<i32>} : memref<128x768xf32, #tpu.memory_space<vmem>>, vector<16xf32>,
          %add3A_860 = arith.addf %add3A_764, %get3A_859 : vector<16xf32>
          %mul3A_861 = arith.mulf %get3A_859, %get3A_859 : vector<16xf32>
          %add3A_862 = arith.addf %add3A_766, %mul3A_861 : vector<16xf32>
          %get3A_863 = arith.index_cast %add3A_830 : i32 to index
          %get3A_864 = tpu.vector_load %arg9[%get3A_863] {strides = array<i32>} : memref<768xf32, #tpu.memory_space<vmem>>, vector<16xf32>,
          %get3A_865 = arith.index_cast %add3A_830 : i32 to index
          %get3A_866 = tpu.vector_load %arg10[%get3A_865] {strides = array<i32>} : memref<768xf32, #tpu.memory_space<vmem>>, vector<16xf32>,
          %add3A_867 = arith.constant 0 : i32
          %add3A_868 = arith.addi %add3A_334, %add3A_867 : i32
          %get3A_869 = arith.index_cast %add3A_868 : i32 to index
          %get3A_870 = arith.index_cast %add3A_830 : i32 to index
          %get3A_871 = tpu.vector_load %arg8[%get3A_869, %get3A_870] {strides = array<i32>} : memref<128x768xf32, #tpu.memory_space<vmem>>, vector<16xf32>,
          %sub3A_872 = arith.subf %get3A_871, %scan3A_322 : vector<16xf32>
          %mul3A_873 = arith.mulf %sub3A_872, %scan3A_326 : vector<16xf32>
          %mul3A_874 = arith.mulf %mul3A_873, %get3A_864 : vector<16xf32>
          %add3A_875 = arith.addf %mul3A_874, %get3A_866 : vector<16xf32>
          %add3A_876 = arith.constant 0 : i32
          %add3A_877 = arith.addi %add3A_334, %add3A_876 : i32
          %swap3A_878 = arith.index_cast %add3A_877 : i32 to index
          %swap3A_879 = arith.index_cast %add3A_830 : i32 to index
          %swap3A_880 = tpu.vector_load %arg8[%swap3A_878, %swap3A_879] {strides = array<i32>} : memref<128x768xf32, #tpu.memory_space<vmem>>, vector<16xf32>,
          tpu.vector_store %arg8[%swap3A_878, %swap3A_879], %add3A_875 {strides = array<i32>} : memref<128x768xf32, #tpu.memory_space<vmem>>, vector<16xf32>,
          %add3A_881 = arith.constant 1 : i32
          %add3A_882 = arith.addi %add3A_334, %add3A_881 : i32
          %get3A_883 = arith.index_cast %add3A_882 : i32 to index
          %get3A_884 = arith.index_cast %add3A_830 : i32 to index
          %get3A_885 = tpu.vector_load %arg8[%get3A_883, %get3A_884] {strides = array<i32>} : memref<128x768xf32, #tpu.memory_space<vmem>>, vector<16xf32>,
          %sub3A_886 = arith.subf %get3A_885, %scan3A_323 : vector<16xf32>
          %mul3A_887 = arith.mulf %sub3A_886, %scan3A_327 : vector<16xf32>
          %mul3A_888 = arith.mulf %mul3A_887, %get3A_864 : vector<16xf32>
          %add3A_889 = arith.addf %mul3A_888, %get3A_866 : vector<16xf32>
          %add3A_890 = arith.constant 1 : i32
          %add3A_891 = arith.addi %add3A_334, %add3A_890 : i32
          %swap3A_892 = arith.index_cast %add3A_891 : i32 to index
          %swap3A_893 = arith.index_cast %add3A_830 : i32 to index
          %swap3A_894 = tpu.vector_load %arg8[%swap3A_892, %swap3A_893] {strides = array<i32>} : memref<128x768xf32, #tpu.memory_space<vmem>>, vector<16xf32>,
          tpu.vector_store %arg8[%swap3A_892, %swap3A_893], %add3A_889 {strides = array<i32>} : memref<128x768xf32, #tpu.memory_space<vmem>>, vector<16xf32>,
          %add3A_895 = arith.constant 2 : i32
          %add3A_896 = arith.addi %add3A_334, %add3A_895 : i32
          %get3A_897 = arith.index_cast %add3A_896 : i32 to index
          %get3A_898 = arith.index_cast %add3A_830 : i32 to index
          %get3A_899 = tpu.vector_load %arg8[%get3A_897, %get3A_898] {strides = array<i32>} : memref<128x768xf32, #tpu.memory_space<vmem>>, vector<16xf32>,
          %sub3A_900 = arith.subf %get3A_899, %scan3A_324 : vector<16xf32>
          %mul3A_901 = arith.mulf %sub3A_900, %scan3A_328 : vector<16xf32>
          %mul3A_902 = arith.mulf %mul3A_901, %get3A_864 : vector<16xf32>
          %add3A_903 = arith.addf %mul3A_902, %get3A_866 : vector<16xf32>
          %add3A_904 = arith.constant 2 : i32
          %add3A_905 = arith.addi %add3A_334, %add3A_904 : i32
          %swap3A_906 = arith.index_cast %add3A_905 : i32 to index
          %swap3A_907 = arith.index_cast %add3A_830 : i32 to index
          %swap3A_908 = tpu.vector_load %arg8[%swap3A_906, %swap3A_907] {strides = array<i32>} : memref<128x768xf32, #tpu.memory_space<vmem>>, vector<16xf32>,
          tpu.vector_store %arg8[%swap3A_906, %swap3A_907], %add3A_903 {strides = array<i32>} : memref<128x768xf32, #tpu.memory_space<vmem>>, vector<16xf32>,
          %add3A_909 = arith.constant 3 : i32
          %add3A_910 = arith.addi %add3A_334, %add3A_909 : i32
          %get3A_911 = arith.index_cast %add3A_910 : i32 to index
          %get3A_912 = arith.index_cast %add3A_830 : i32 to index
          %get3A_913 = tpu.vector_load %arg8[%get3A_911, %get3A_912] {strides = array<i32>} : memref<128x768xf32, #tpu.memory_space<vmem>>, vector<16xf32>,
          %sub3A_914 = arith.subf %get3A_913, %scan3A_325 : vector<16xf32>
          %mul3A_915 = arith.mulf %sub3A_914, %scan3A_329 : vector<16xf32>
          %mul3A_916 = arith.mulf %mul3A_915, %get3A_864 : vector<16xf32>
          %add3A_917 = arith.addf %mul3A_916, %get3A_866 : vector<16xf32>
          %add3A_918 = arith.constant 3 : i32
          %add3A_919 = arith.addi %add3A_334, %add3A_918 : i32
          %swap3A_920 = arith.index_cast %add3A_919 : i32 to index
          %swap3A_921 = arith.index_cast %add3A_830 : i32 to index
          %swap3A_922 = tpu.vector_load %arg8[%swap3A_920, %swap3A_921] {strides = array<i32>} : memref<128x768xf32, #tpu.memory_space<vmem>>, vector<16xf32>,
          tpu.vector_store %arg8[%swap3A_920, %swap3A_921], %add3A_917 {strides = array<i32>} : memref<128x768xf32, #tpu.memory_space<vmem>>, vector<16xf32>,
          %mul3A_923 = arith.constant 128 : i32
          %mul3A_924 = arith.muli %scan3A_532, %mul3A_923 : i32
          %add3A_925 = arith.constant 64 : i32
          %add3A_926 = arith.addi %mul3A_924, %add3A_925 : i32
          %add3A_927 = arith.constant 0 : i32
          %add3A_928 = arith.addi %add3A_337, %add3A_927 : i32
          %get3A_929 = arith.index_cast %add3A_928 : i32 to index
          %get3A_930 = arith.index_cast %add3A_926 : i32 to index
          %get3A_931 = tpu.vector_load %arg8[%get3A_929, %get3A_930] {strides = array<i32>} : memref<128x768xf32, #tpu.memory_space<vmem>>, vector<16xf32>,
          %add3A_932 = arith.addf %add3A_836, %get3A_931 : vector<16xf32>
          %mul3A_933 = arith.mulf %get3A_931, %get3A_931 : vector<16xf32>
          %add3A_934 = arith.addf %add3A_838, %mul3A_933 : vector<16xf32>
          %add3A_935 = arith.constant 1 : i32
          %add3A_936 = arith.addi %add3A_337, %add3A_935 : i32
          %get3A_937 = arith.index_cast %add3A_936 : i32 to index
          %get3A_938 = arith.index_cast %add3A_926 : i32 to index
          %get3A_939 = tpu.vector_load %arg8[%get3A_937, %get3A_938] {strides = array<i32>} : memref<128x768xf32, #tpu.memory_space<vmem>>, vector<16xf32>,
          %add3A_940 = arith.addf %add3A_844, %get3A_939 : vector<16xf32>
          %mul3A_941 = arith.mulf %get3A_939, %get3A_939 : vector<16xf32>
          %add3A_942 = arith.addf %add3A_846, %mul3A_941 : vector<16xf32>
          %add3A_943 = arith.constant 2 : i32
          %add3A_944 = arith.addi %add3A_337, %add3A_943 : i32
          %get3A_945 = arith.index_cast %add3A_944 : i32 to index
          %get3A_946 = arith.index_cast %add3A_926 : i32 to index
          %get3A_947 = tpu.vector_load %arg8[%get3A_945, %get3A_946] {strides = array<i32>} : memref<128x768xf32, #tpu.memory_space<vmem>>, vector<16xf32>,
          %add3A_948 = arith.addf %add3A_852, %get3A_947 : vector<16xf32>
          %mul3A_949 = arith.mulf %get3A_947, %get3A_947 : vector<16xf32>
          %add3A_950 = arith.addf %add3A_854, %mul3A_949 : vector<16xf32>
          %add3A_951 = arith.constant 3 : i32
          %add3A_952 = arith.addi %add3A_337, %add3A_951 : i32
          %get3A_953 = arith.index_cast %add3A_952 : i32 to index
          %get3A_954 = arith.index_cast %add3A_926 : i32 to index
          %get3A_955 = tpu.vector_load %arg8[%get3A_953, %get3A_954] {strides = array<i32>} : memref<128x768xf32, #tpu.memory_space<vmem>>, vector<16xf32>,
          %add3A_956 = arith.addf %add3A_860, %get3A_955 : vector<16xf32>
          %mul3A_957 = arith.mulf %get3A_955, %get3A_955 : vector<16xf32>
          %add3A_958 = arith.addf %add3A_862, %mul3A_957 : vector<16xf32>
          %get3A_959 = arith.index_cast %add3A_926 : i32 to index
          %get3A_960 = tpu.vector_load %arg9[%get3A_959] {strides = array<i32>} : memref<768xf32, #tpu.memory_space<vmem>>, vector<16xf32>,
          %get3A_961 = arith.index_cast %add3A_926 : i32 to index
          %get3A_962 = tpu.vector_load %arg10[%get3A_961] {strides = array<i32>} : memref<768xf32, #tpu.memory_space<vmem>>, vector<16xf32>,
          %add3A_963 = arith.constant 0 : i32
          %add3A_964 = arith.addi %add3A_334, %add3A_963 : i32
          %get3A_965 = arith.index_cast %add3A_964 : i32 to index
          %get3A_966 = arith.index_cast %add3A_926 : i32 to index
          %get3A_967 = tpu.vector_load %arg8[%get3A_965, %get3A_966] {strides = array<i32>} : memref<128x768xf32, #tpu.memory_space<vmem>>, vector<16xf32>,
          %sub3A_968 = arith.subf %get3A_967, %scan3A_322 : vector<16xf32>
          %mul3A_969 = arith.mulf %sub3A_968, %scan3A_326 : vector<16xf32>
          %mul3A_970 = arith.mulf %mul3A_969, %get3A_960 : vector<16xf32>
          %add3A_971 = arith.addf %mul3A_970, %get3A_962 : vector<16xf32>
          %add3A_972 = arith.constant 0 : i32
          %add3A_973 = arith.addi %add3A_334, %add3A_972 : i32
          %swap3A_974 = arith.index_cast %add3A_973 : i32 to index
          %swap3A_975 = arith.index_cast %add3A_926 : i32 to index
          %swap3A_976 = tpu.vector_load %arg8[%swap3A_974, %swap3A_975] {strides = array<i32>} : memref<128x768xf32, #tpu.memory_space<vmem>>, vector<16xf32>,
          tpu.vector_store %arg8[%swap3A_974, %swap3A_975], %add3A_971 {strides = array<i32>} : memref<128x768xf32, #tpu.memory_space<vmem>>, vector<16xf32>,
          %add3A_977 = arith.constant 1 : i32
          %add3A_978 = arith.addi %add3A_334, %add3A_977 : i32
          %get3A_979 = arith.index_cast %add3A_978 : i32 to index
          %get3A_980 = arith.index_cast %add3A_926 : i32 to index
          %get3A_981 = tpu.vector_load %arg8[%get3A_979, %get3A_980] {strides = array<i32>} : memref<128x768xf32, #tpu.memory_space<vmem>>, vector<16xf32>,
          %sub3A_982 = arith.subf %get3A_981, %scan3A_323 : vector<16xf32>
          %mul3A_983 = arith.mulf %sub3A_982, %scan3A_327 : vector<16xf32>
          %mul3A_984 = arith.mulf %mul3A_983, %get3A_960 : vector<16xf32>
          %add3A_985 = arith.addf %mul3A_984, %get3A_962 : vector<16xf32>
          %add3A_986 = arith.constant 1 : i32
          %add3A_987 = arith.addi %add3A_334, %add3A_986 : i32
          %swap3A_988 = arith.index_cast %add3A_987 : i32 to index
          %swap3A_989 = arith.index_cast %add3A_926 : i32 to index
          %swap3A_990 = tpu.vector_load %arg8[%swap3A_988, %swap3A_989] {strides = array<i32>} : memref<128x768xf32, #tpu.memory_space<vmem>>, vector<16xf32>,
          tpu.vector_store %arg8[%swap3A_988, %swap3A_989], %add3A_985 {strides = array<i32>} : memref<128x768xf32, #tpu.memory_space<vmem>>, vector<16xf32>,
          %add3A_991 = arith.constant 2 : i32
          %add3A_992 = arith.addi %add3A_334, %add3A_991 : i32
          %get3A_993 = arith.index_cast %add3A_992 : i32 to index
          %get3A_994 = arith.index_cast %add3A_926 : i32 to index
          %get3A_995 = tpu.vector_load %arg8[%get3A_993, %get3A_994] {strides = array<i32>} : memref<128x768xf32, #tpu.memory_space<vmem>>, vector<16xf32>,
          %sub3A_996 = arith.subf %get3A_995, %scan3A_324 : vector<16xf32>
          %mul3A_997 = arith.mulf %sub3A_996, %scan3A_328 : vector<16xf32>
          %mul3A_998 = arith.mulf %mul3A_997, %get3A_960 : vector<16xf32>
          %add3A_999 = arith.addf %mul3A_998, %get3A_962 : vector<16xf32>
          %add3A_1000 = arith.constant 2 : i32
          %add3A_1001 = arith.addi %add3A_334, %add3A_1000 : i32
          %swap3A_1002 = arith.index_cast %add3A_1001 : i32 to index
          %swap3A_1003 = arith.index_cast %add3A_926 : i32 to index
          %swap3A_1004 = tpu.vector_load %arg8[%swap3A_1002, %swap3A_1003] {strides = array<i32>} : memref<128x768xf32, #tpu.memory_space<vmem>>, vector<16xf32>,
          tpu.vector_store %arg8[%swap3A_1002, %swap3A_1003], %add3A_999 {strides = array<i32>} : memref<128x768xf32, #tpu.memory_space<vmem>>, vector<16xf32>,
          %add3A_1005 = arith.constant 3 : i32
          %add3A_1006 = arith.addi %add3A_334, %add3A_1005 : i32
          %get3A_1007 = arith.index_cast %add3A_1006 : i32 to index
          %get3A_1008 = arith.index_cast %add3A_926 : i32 to index
          %get3A_1009 = tpu.vector_load %arg8[%get3A_1007, %get3A_1008] {strides = array<i32>} : memref<128x768xf32, #tpu.memory_space<vmem>>, vector<16xf32>,
          %sub3A_1010 = arith.subf %get3A_1009, %scan3A_325 : vector<16xf32>
          %mul3A_1011 = arith.mulf %sub3A_1010, %scan3A_329 : vector<16xf32>
          %mul3A_1012 = arith.mulf %mul3A_1011, %get3A_960 : vector<16xf32>
          %add3A_1013 = arith.addf %mul3A_1012, %get3A_962 : vector<16xf32>
          %add3A_1014 = arith.constant 3 : i32
          %add3A_1015 = arith.addi %add3A_334, %add3A_1014 : i32
          %swap3A_1016 = arith.index_cast %add3A_1015 : i32 to index
          %swap3A_1017 = arith.index_cast %add3A_926 : i32 to index
          %swap3A_1018 = tpu.vector_load %arg8[%swap3A_1016, %swap3A_1017] {strides = array<i32>} : memref<128x768xf32, #tpu.memory_space<vmem>>, vector<16xf32>,
          tpu.vector_store %arg8[%swap3A_1016, %swap3A_1017], %add3A_1013 {strides = array<i32>} : memref<128x768xf32, #tpu.memory_space<vmem>>, vector<16xf32>,
          %mul3A_1019 = arith.constant 128 : i32
          %mul3A_1020 = arith.muli %scan3A_532, %mul3A_1019 : i32
          %add3A_1021 = arith.constant 80 : i32
          %add3A_1022 = arith.addi %mul3A_1020, %add3A_1021 : i32
          %add3A_1023 = arith.constant 0 : i32
          %add3A_1024 = arith.addi %add3A_337, %add3A_1023 : i32
          %get3A_1025 = arith.index_cast %add3A_1024 : i32 to index
          %get3A_1026 = arith.index_cast %add3A_1022 : i32 to index
          %get3A_1027 = tpu.vector_load %arg8[%get3A_1025, %get3A_1026] {strides = array<i32>} : memref<128x768xf32, #tpu.memory_space<vmem>>, vector<16xf32>,
          %add3A_1028 = arith.addf %add3A_932, %get3A_1027 : vector<16xf32>
          %mul3A_1029 = arith.mulf %get3A_1027, %get3A_1027 : vector<16xf32>
          %add3A_1030 = arith.addf %add3A_934, %mul3A_1029 : vector<16xf32>
          %add3A_1031 = arith.constant 1 : i32
          %add3A_1032 = arith.addi %add3A_337, %add3A_1031 : i32
          %get3A_1033 = arith.index_cast %add3A_1032 : i32 to index
          %get3A_1034 = arith.index_cast %add3A_1022 : i32 to index
          %get3A_1035 = tpu.vector_load %arg8[%get3A_1033, %get3A_1034] {strides = array<i32>} : memref<128x768xf32, #tpu.memory_space<vmem>>, vector<16xf32>,
          %add3A_1036 = arith.addf %add3A_940, %get3A_1035 : vector<16xf32>
          %mul3A_1037 = arith.mulf %get3A_1035, %get3A_1035 : vector<16xf32>
          %add3A_1038 = arith.addf %add3A_942, %mul3A_1037 : vector<16xf32>
          %add3A_1039 = arith.constant 2 : i32
          %add3A_1040 = arith.addi %add3A_337, %add3A_1039 : i32
          %get3A_1041 = arith.index_cast %add3A_1040 : i32 to index
          %get3A_1042 = arith.index_cast %add3A_1022 : i32 to index
          %get3A_1043 = tpu.vector_load %arg8[%get3A_1041, %get3A_1042] {strides = array<i32>} : memref<128x768xf32, #tpu.memory_space<vmem>>, vector<16xf32>,
          %add3A_1044 = arith.addf %add3A_948, %get3A_1043 : vector<16xf32>
          %mul3A_1045 = arith.mulf %get3A_1043, %get3A_1043 : vector<16xf32>
          %add3A_1046 = arith.addf %add3A_950, %mul3A_1045 : vector<16xf32>
          %add3A_1047 = arith.constant 3 : i32
          %add3A_1048 = arith.addi %add3A_337, %add3A_1047 : i32
          %get3A_1049 = arith.index_cast %add3A_1048 : i32 to index
          %get3A_1050 = arith.index_cast %add3A_1022 : i32 to index
          %get3A_1051 = tpu.vector_load %arg8[%get3A_1049, %get3A_1050] {strides = array<i32>} : memref<128x768xf32, #tpu.memory_space<vmem>>, vector<16xf32>,
          %add3A_1052 = arith.addf %add3A_956, %get3A_1051 : vector<16xf32>
          %mul3A_1053 = arith.mulf %get3A_1051, %get3A_1051 : vector<16xf32>
          %add3A_1054 = arith.addf %add3A_958, %mul3A_1053 : vector<16xf32>
          %get3A_1055 = arith.index_cast %add3A_1022 : i32 to index
          %get3A_1056 = tpu.vector_load %arg9[%get3A_1055] {strides = array<i32>} : memref<768xf32, #tpu.memory_space<vmem>>, vector<16xf32>,
          %get3A_1057 = arith.index_cast %add3A_1022 : i32 to index
          %get3A_1058 = tpu.vector_load %arg10[%get3A_1057] {strides = array<i32>} : memref<768xf32, #tpu.memory_space<vmem>>, vector<16xf32>,
          %add3A_1059 = arith.constant 0 : i32
          %add3A_1060 = arith.addi %add3A_334, %add3A_1059 : i32
          %get3A_1061 = arith.index_cast %add3A_1060 : i32 to index
          %get3A_1062 = arith.index_cast %add3A_1022 : i32 to index
          %get3A_1063 = tpu.vector_load %arg8[%get3A_1061, %get3A_1062] {strides = array<i32>} : memref<128x768xf32, #tpu.memory_space<vmem>>, vector<16xf32>,
          %sub3A_1064 = arith.subf %get3A_1063, %scan3A_322 : vector<16xf32>
          %mul3A_1065 = arith.mulf %sub3A_1064, %scan3A_326 : vector<16xf32>
          %mul3A_1066 = arith.mulf %mul3A_1065, %get3A_1056 : vector<16xf32>
          %add3A_1067 = arith.addf %mul3A_1066, %get3A_1058 : vector<16xf32>
          %add3A_1068 = arith.constant 0 : i32
          %add3A_1069 = arith.addi %add3A_334, %add3A_1068 : i32
          %swap3A_1070 = arith.index_cast %add3A_1069 : i32 to index
          %swap3A_1071 = arith.index_cast %add3A_1022 : i32 to index
          %swap3A_1072 = tpu.vector_load %arg8[%swap3A_1070, %swap3A_1071] {strides = array<i32>} : memref<128x768xf32, #tpu.memory_space<vmem>>, vector<16xf32>,
          tpu.vector_store %arg8[%swap3A_1070, %swap3A_1071], %add3A_1067 {strides = array<i32>} : memref<128x768xf32, #tpu.memory_space<vmem>>, vector<16xf32>,
          %add3A_1073 = arith.constant 1 : i32
          %add3A_1074 = arith.addi %add3A_334, %add3A_1073 : i32
          %get3A_1075 = arith.index_cast %add3A_1074 : i32 to index
          %get3A_1076 = arith.index_cast %add3A_1022 : i32 to index
          %get3A_1077 = tpu.vector_load %arg8[%get3A_1075, %get3A_1076] {strides = array<i32>} : memref<128x768xf32, #tpu.memory_space<vmem>>, vector<16xf32>,
          %sub3A_1078 = arith.subf %get3A_1077, %scan3A_323 : vector<16xf32>
          %mul3A_1079 = arith.mulf %sub3A_1078, %scan3A_327 : vector<16xf32>
          %mul3A_1080 = arith.mulf %mul3A_1079, %get3A_1056 : vector<16xf32>
          %add3A_1081 = arith.addf %mul3A_1080, %get3A_1058 : vector<16xf32>
          %add3A_1082 = arith.constant 1 : i32
          %add3A_1083 = arith.addi %add3A_334, %add3A_1082 : i32
          %swap3A_1084 = arith.index_cast %add3A_1083 : i32 to index
          %swap3A_1085 = arith.index_cast %add3A_1022 : i32 to index
          %swap3A_1086 = tpu.vector_load %arg8[%swap3A_1084, %swap3A_1085] {strides = array<i32>} : memref<128x768xf32, #tpu.memory_space<vmem>>, vector<16xf32>,
          tpu.vector_store %arg8[%swap3A_1084, %swap3A_1085], %add3A_1081 {strides = array<i32>} : memref<128x768xf32, #tpu.memory_space<vmem>>, vector<16xf32>,
          %add3A_1087 = arith.constant 2 : i32
          %add3A_1088 = arith.addi %add3A_334, %add3A_1087 : i32
          %get3A_1089 = arith.index_cast %add3A_1088 : i32 to index
          %get3A_1090 = arith.index_cast %add3A_1022 : i32 to index
          %get3A_1091 = tpu.vector_load %arg8[%get3A_1089, %get3A_1090] {strides = array<i32>} : memref<128x768xf32, #tpu.memory_space<vmem>>, vector<16xf32>,
          %sub3A_1092 = arith.subf %get3A_1091, %scan3A_324 : vector<16xf32>
          %mul3A_1093 = arith.mulf %sub3A_1092, %scan3A_328 : vector<16xf32>
          %mul3A_1094 = arith.mulf %mul3A_1093, %get3A_1056 : vector<16xf32>
          %add3A_1095 = arith.addf %mul3A_1094, %get3A_1058 : vector<16xf32>
          %add3A_1096 = arith.constant 2 : i32
          %add3A_1097 = arith.addi %add3A_334, %add3A_1096 : i32
          %swap3A_1098 = arith.index_cast %add3A_1097 : i32 to index
          %swap3A_1099 = arith.index_cast %add3A_1022 : i32 to index
          %swap3A_1100 = tpu.vector_load %arg8[%swap3A_1098, %swap3A_1099] {strides = array<i32>} : memref<128x768xf32, #tpu.memory_space<vmem>>, vector<16xf32>,
          tpu.vector_store %arg8[%swap3A_1098, %swap3A_1099], %add3A_1095 {strides = array<i32>} : memref<128x768xf32, #tpu.memory_space<vmem>>, vector<16xf32>,
          %add3A_1101 = arith.constant 3 : i32
          %add3A_1102 = arith.addi %add3A_334, %add3A_1101 : i32
          %get3A_1103 = arith.index_cast %add3A_1102 : i32 to index
          %get3A_1104 = arith.index_cast %add3A_1022 : i32 to index
          %get3A_1105 = tpu.vector_load %arg8[%get3A_1103, %get3A_1104] {strides = array<i32>} : memref<128x768xf32, #tpu.memory_space<vmem>>, vector<16xf32>,
          %sub3A_1106 = arith.subf %get3A_1105, %scan3A_325 : vector<16xf32>
          %mul3A_1107 = arith.mulf %sub3A_1106, %scan3A_329 : vector<16xf32>
          %mul3A_1108 = arith.mulf %mul3A_1107, %get3A_1056 : vector<16xf32>
          %add3A_1109 = arith.addf %mul3A_1108, %get3A_1058 : vector<16xf32>
          %add3A_1110 = arith.constant 3 : i32
          %add3A_1111 = arith.addi %add3A_334, %add3A_1110 : i32
          %swap3A_1112 = arith.index_cast %add3A_1111 : i32 to index
          %swap3A_1113 = arith.index_cast %add3A_1022 : i32 to index
          %swap3A_1114 = tpu.vector_load %arg8[%swap3A_1112, %swap3A_1113] {strides = array<i32>} : memref<128x768xf32, #tpu.memory_space<vmem>>, vector<16xf32>,
          tpu.vector_store %arg8[%swap3A_1112, %swap3A_1113], %add3A_1109 {strides = array<i32>} : memref<128x768xf32, #tpu.memory_space<vmem>>, vector<16xf32>,
          %mul3A_1115 = arith.constant 128 : i32
          %mul3A_1116 = arith.muli %scan3A_532, %mul3A_1115 : i32
          %add3A_1117 = arith.constant 96 : i32
          %add3A_1118 = arith.addi %mul3A_1116, %add3A_1117 : i32
          %add3A_1119 = arith.constant 0 : i32
          %add3A_1120 = arith.addi %add3A_337, %add3A_1119 : i32
          %get3A_1121 = arith.index_cast %add3A_1120 : i32 to index
          %get3A_1122 = arith.index_cast %add3A_1118 : i32 to index
          %get3A_1123 = tpu.vector_load %arg8[%get3A_1121, %get3A_1122] {strides = array<i32>} : memref<128x768xf32, #tpu.memory_space<vmem>>, vector<16xf32>,
          %add3A_1124 = arith.addf %add3A_1028, %get3A_1123 : vector<16xf32>
          %mul3A_1125 = arith.mulf %get3A_1123, %get3A_1123 : vector<16xf32>
          %add3A_1126 = arith.addf %add3A_1030, %mul3A_1125 : vector<16xf32>
          %add3A_1127 = arith.constant 1 : i32
          %add3A_1128 = arith.addi %add3A_337, %add3A_1127 : i32
          %get3A_1129 = arith.index_cast %add3A_1128 : i32 to index
          %get3A_1130 = arith.index_cast %add3A_1118 : i32 to index
          %get3A_1131 = tpu.vector_load %arg8[%get3A_1129, %get3A_1130] {strides = array<i32>} : memref<128x768xf32, #tpu.memory_space<vmem>>, vector<16xf32>,
          %add3A_1132 = arith.addf %add3A_1036, %get3A_1131 : vector<16xf32>
          %mul3A_1133 = arith.mulf %get3A_1131, %get3A_1131 : vector<16xf32>
          %add3A_1134 = arith.addf %add3A_1038, %mul3A_1133 : vector<16xf32>
          %add3A_1135 = arith.constant 2 : i32
          %add3A_1136 = arith.addi %add3A_337, %add3A_1135 : i32
          %get3A_1137 = arith.index_cast %add3A_1136 : i32 to index
          %get3A_1138 = arith.index_cast %add3A_1118 : i32 to index
          %get3A_1139 = tpu.vector_load %arg8[%get3A_1137, %get3A_1138] {strides = array<i32>} : memref<128x768xf32, #tpu.memory_space<vmem>>, vector<16xf32>,
          %add3A_1140 = arith.addf %add3A_1044, %get3A_1139 : vector<16xf32>
          %mul3A_1141 = arith.mulf %get3A_1139, %get3A_1139 : vector<16xf32>
          %add3A_1142 = arith.addf %add3A_1046, %mul3A_1141 : vector<16xf32>
          %add3A_1143 = arith.constant 3 : i32
          %add3A_1144 = arith.addi %add3A_337, %add3A_1143 : i32
          %get3A_1145 = arith.index_cast %add3A_1144 : i32 to index
          %get3A_1146 = arith.index_cast %add3A_1118 : i32 to index
          %get3A_1147 = tpu.vector_load %arg8[%get3A_1145, %get3A_1146] {strides = array<i32>} : memref<128x768xf32, #tpu.memory_space<vmem>>, vector<16xf32>,
          %add3A_1148 = arith.addf %add3A_1052, %get3A_1147 : vector<16xf32>
          %mul3A_1149 = arith.mulf %get3A_1147, %get3A_1147 : vector<16xf32>
          %add3A_1150 = arith.addf %add3A_1054, %mul3A_1149 : vector<16xf32>
          %get3A_1151 = arith.index_cast %add3A_1118 : i32 to index
          %get3A_1152 = tpu.vector_load %arg9[%get3A_1151] {strides = array<i32>} : memref<768xf32, #tpu.memory_space<vmem>>, vector<16xf32>,
          %get3A_1153 = arith.index_cast %add3A_1118 : i32 to index
          %get3A_1154 = tpu.vector_load %arg10[%get3A_1153] {strides = array<i32>} : memref<768xf32, #tpu.memory_space<vmem>>, vector<16xf32>,
          %add3A_1155 = arith.constant 0 : i32
          %add3A_1156 = arith.addi %add3A_334, %add3A_1155 : i32
          %get3A_1157 = arith.index_cast %add3A_1156 : i32 to index
          %get3A_1158 = arith.index_cast %add3A_1118 : i32 to index
          %get3A_1159 = tpu.vector_load %arg8[%get3A_1157, %get3A_1158] {strides = array<i32>} : memref<128x768xf32, #tpu.memory_space<vmem>>, vector<16xf32>,
          %sub3A_1160 = arith.subf %get3A_1159, %scan3A_322 : vector<16xf32>
          %mul3A_1161 = arith.mulf %sub3A_1160, %scan3A_326 : vector<16xf32>
          %mul3A_1162 = arith.mulf %mul3A_1161, %get3A_1152 : vector<16xf32>
          %add3A_1163 = arith.addf %mul3A_1162, %get3A_1154 : vector<16xf32>
          %add3A_1164 = arith.constant 0 : i32
          %add3A_1165 = arith.addi %add3A_334, %add3A_1164 : i32
          %swap3A_1166 = arith.index_cast %add3A_1165 : i32 to index
          %swap3A_1167 = arith.index_cast %add3A_1118 : i32 to index
          %swap3A_1168 = tpu.vector_load %arg8[%swap3A_1166, %swap3A_1167] {strides = array<i32>} : memref<128x768xf32, #tpu.memory_space<vmem>>, vector<16xf32>,
          tpu.vector_store %arg8[%swap3A_1166, %swap3A_1167], %add3A_1163 {strides = array<i32>} : memref<128x768xf32, #tpu.memory_space<vmem>>, vector<16xf32>,
          %add3A_1169 = arith.constant 1 : i32
          %add3A_1170 = arith.addi %add3A_334, %add3A_1169 : i32
          %get3A_1171 = arith.index_cast %add3A_1170 : i32 to index
          %get3A_1172 = arith.index_cast %add3A_1118 : i32 to index
          %get3A_1173 = tpu.vector_load %arg8[%get3A_1171, %get3A_1172] {strides = array<i32>} : memref<128x768xf32, #tpu.memory_space<vmem>>, vector<16xf32>,
          %sub3A_1174 = arith.subf %get3A_1173, %scan3A_323 : vector<16xf32>
          %mul3A_1175 = arith.mulf %sub3A_1174, %scan3A_327 : vector<16xf32>
          %mul3A_1176 = arith.mulf %mul3A_1175, %get3A_1152 : vector<16xf32>
          %add3A_1177 = arith.addf %mul3A_1176, %get3A_1154 : vector<16xf32>
          %add3A_1178 = arith.constant 1 : i32
          %add3A_1179 = arith.addi %add3A_334, %add3A_1178 : i32
          %swap3A_1180 = arith.index_cast %add3A_1179 : i32 to index
          %swap3A_1181 = arith.index_cast %add3A_1118 : i32 to index
          %swap3A_1182 = tpu.vector_load %arg8[%swap3A_1180, %swap3A_1181] {strides = array<i32>} : memref<128x768xf32, #tpu.memory_space<vmem>>, vector<16xf32>,
          tpu.vector_store %arg8[%swap3A_1180, %swap3A_1181], %add3A_1177 {strides = array<i32>} : memref<128x768xf32, #tpu.memory_space<vmem>>, vector<16xf32>,
          %add3A_1183 = arith.constant 2 : i32
          %add3A_1184 = arith.addi %add3A_334, %add3A_1183 : i32
          %get3A_1185 = arith.index_cast %add3A_1184 : i32 to index
          %get3A_1186 = arith.index_cast %add3A_1118 : i32 to index
          %get3A_1187 = tpu.vector_load %arg8[%get3A_1185, %get3A_1186] {strides = array<i32>} : memref<128x768xf32, #tpu.memory_space<vmem>>, vector<16xf32>,
          %sub3A_1188 = arith.subf %get3A_1187, %scan3A_324 : vector<16xf32>
          %mul3A_1189 = arith.mulf %sub3A_1188, %scan3A_328 : vector<16xf32>
          %mul3A_1190 = arith.mulf %mul3A_1189, %get3A_1152 : vector<16xf32>
          %add3A_1191 = arith.addf %mul3A_1190, %get3A_1154 : vector<16xf32>
          %add3A_1192 = arith.constant 2 : i32
          %add3A_1193 = arith.addi %add3A_334, %add3A_1192 : i32
          %swap3A_1194 = arith.index_cast %add3A_1193 : i32 to index
          %swap3A_1195 = arith.index_cast %add3A_1118 : i32 to index
          %swap3A_1196 = tpu.vector_load %arg8[%swap3A_1194, %swap3A_1195] {strides = array<i32>} : memref<128x768xf32, #tpu.memory_space<vmem>>, vector<16xf32>,
          tpu.vector_store %arg8[%swap3A_1194, %swap3A_1195], %add3A_1191 {strides = array<i32>} : memref<128x768xf32, #tpu.memory_space<vmem>>, vector<16xf32>,
          %add3A_1197 = arith.constant 3 : i32
          %add3A_1198 = arith.addi %add3A_334, %add3A_1197 : i32
          %get3A_1199 = arith.index_cast %add3A_1198 : i32 to index
          %get3A_1200 = arith.index_cast %add3A_1118 : i32 to index
          %get3A_1201 = tpu.vector_load %arg8[%get3A_1199, %get3A_1200] {strides = array<i32>} : memref<128x768xf32, #tpu.memory_space<vmem>>, vector<16xf32>,
          %sub3A_1202 = arith.subf %get3A_1201, %scan3A_325 : vector<16xf32>
          %mul3A_1203 = arith.mulf %sub3A_1202, %scan3A_329 : vector<16xf32>
          %mul3A_1204 = arith.mulf %mul3A_1203, %get3A_1152 : vector<16xf32>
          %add3A_1205 = arith.addf %mul3A_1204, %get3A_1154 : vector<16xf32>
          %add3A_1206 = arith.constant 3 : i32
          %add3A_1207 = arith.addi %add3A_334, %add3A_1206 : i32
          %swap3A_1208 = arith.index_cast %add3A_1207 : i32 to index
          %swap3A_1209 = arith.index_cast %add3A_1118 : i32 to index
          %swap3A_1210 = tpu.vector_load %arg8[%swap3A_1208, %swap3A_1209] {strides = array<i32>} : memref<128x768xf32, #tpu.memory_space<vmem>>, vector<16xf32>,
          tpu.vector_store %arg8[%swap3A_1208, %swap3A_1209], %add3A_1205 {strides = array<i32>} : memref<128x768xf32, #tpu.memory_space<vmem>>, vector<16xf32>,
          %mul3A_1211 = arith.constant 128 : i32
          %mul3A_1212 = arith.muli %scan3A_532, %mul3A_1211 : i32
          %add3A_1213 = arith.constant 112 : i32
          %add3A_1214 = arith.addi %mul3A_1212, %add3A_1213 : i32
          %add3A_1215 = arith.constant 0 : i32
          %add3A_1216 = arith.addi %add3A_337, %add3A_1215 : i32
          %get3A_1217 = arith.index_cast %add3A_1216 : i32 to index
          %get3A_1218 = arith.index_cast %add3A_1214 : i32 to index
          %get3A_1219 = tpu.vector_load %arg8[%get3A_1217, %get3A_1218] {strides = array<i32>} : memref<128x768xf32, #tpu.memory_space<vmem>>, vector<16xf32>,
          %add3A_1220 = arith.addf %add3A_1124, %get3A_1219 : vector<16xf32>
          %mul3A_1221 = arith.mulf %get3A_1219, %get3A_1219 : vector<16xf32>
          %add3A_1222 = arith.addf %add3A_1126, %mul3A_1221 : vector<16xf32>
          %add3A_1223 = arith.constant 1 : i32
          %add3A_1224 = arith.addi %add3A_337, %add3A_1223 : i32
          %get3A_1225 = arith.index_cast %add3A_1224 : i32 to index
          %get3A_1226 = arith.index_cast %add3A_1214 : i32 to index
          %get3A_1227 = tpu.vector_load %arg8[%get3A_1225, %get3A_1226] {strides = array<i32>} : memref<128x768xf32, #tpu.memory_space<vmem>>, vector<16xf32>,
          %add3A_1228 = arith.addf %add3A_1132, %get3A_1227 : vector<16xf32>
          %mul3A_1229 = arith.mulf %get3A_1227, %get3A_1227 : vector<16xf32>
          %add3A_1230 = arith.addf %add3A_1134, %mul3A_1229 : vector<16xf32>
          %add3A_1231 = arith.constant 2 : i32
          %add3A_1232 = arith.addi %add3A_337, %add3A_1231 : i32
          %get3A_1233 = arith.index_cast %add3A_1232 : i32 to index
          %get3A_1234 = arith.index_cast %add3A_1214 : i32 to index
          %get3A_1235 = tpu.vector_load %arg8[%get3A_1233, %get3A_1234] {strides = array<i32>} : memref<128x768xf32, #tpu.memory_space<vmem>>, vector<16xf32>,
          %add3A_1236 = arith.addf %add3A_1140, %get3A_1235 : vector<16xf32>
          %mul3A_1237 = arith.mulf %get3A_1235, %get3A_1235 : vector<16xf32>
          %add3A_1238 = arith.addf %add3A_1142, %mul3A_1237 : vector<16xf32>
          %add3A_1239 = arith.constant 3 : i32
          %add3A_1240 = arith.addi %add3A_337, %add3A_1239 : i32
          %get3A_1241 = arith.index_cast %add3A_1240 : i32 to index
          %get3A_1242 = arith.index_cast %add3A_1214 : i32 to index
          %get3A_1243 = tpu.vector_load %arg8[%get3A_1241, %get3A_1242] {strides = array<i32>} : memref<128x768xf32, #tpu.memory_space<vmem>>, vector<16xf32>,
          %add3A_1244 = arith.addf %add3A_1148, %get3A_1243 : vector<16xf32>
          %mul3A_1245 = arith.mulf %get3A_1243, %get3A_1243 : vector<16xf32>
          %add3A_1246 = arith.addf %add3A_1150, %mul3A_1245 : vector<16xf32>
          %get3A_1247 = arith.index_cast %add3A_1214 : i32 to index
          %get3A_1248 = tpu.vector_load %arg9[%get3A_1247] {strides = array<i32>} : memref<768xf32, #tpu.memory_space<vmem>>, vector<16xf32>,
          %get3A_1249 = arith.index_cast %add3A_1214 : i32 to index
          %get3A_1250 = tpu.vector_load %arg10[%get3A_1249] {strides = array<i32>} : memref<768xf32, #tpu.memory_space<vmem>>, vector<16xf32>,
          %add3A_1251 = arith.constant 0 : i32
          %add3A_1252 = arith.addi %add3A_334, %add3A_1251 : i32
          %get3A_1253 = arith.index_cast %add3A_1252 : i32 to index
          %get3A_1254 = arith.index_cast %add3A_1214 : i32 to index
          %get3A_1255 = tpu.vector_load %arg8[%get3A_1253, %get3A_1254] {strides = array<i32>} : memref<128x768xf32, #tpu.memory_space<vmem>>, vector<16xf32>,
          %sub3A_1256 = arith.subf %get3A_1255, %scan3A_322 : vector<16xf32>
          %mul3A_1257 = arith.mulf %sub3A_1256, %scan3A_326 : vector<16xf32>
          %mul3A_1258 = arith.mulf %mul3A_1257, %get3A_1248 : vector<16xf32>
          %add3A_1259 = arith.addf %mul3A_1258, %get3A_1250 : vector<16xf32>
          %add3A_1260 = arith.constant 0 : i32
          %add3A_1261 = arith.addi %add3A_334, %add3A_1260 : i32
          %swap3A_1262 = arith.index_cast %add3A_1261 : i32 to index
          %swap3A_1263 = arith.index_cast %add3A_1214 : i32 to index
          %swap3A_1264 = tpu.vector_load %arg8[%swap3A_1262, %swap3A_1263] {strides = array<i32>} : memref<128x768xf32, #tpu.memory_space<vmem>>, vector<16xf32>,
          tpu.vector_store %arg8[%swap3A_1262, %swap3A_1263], %add3A_1259 {strides = array<i32>} : memref<128x768xf32, #tpu.memory_space<vmem>>, vector<16xf32>,
          %add3A_1265 = arith.constant 1 : i32
          %add3A_1266 = arith.addi %add3A_334, %add3A_1265 : i32
          %get3A_1267 = arith.index_cast %add3A_1266 : i32 to index
          %get3A_1268 = arith.index_cast %add3A_1214 : i32 to index
          %get3A_1269 = tpu.vector_load %arg8[%get3A_1267, %get3A_1268] {strides = array<i32>} : memref<128x768xf32, #tpu.memory_space<vmem>>, vector<16xf32>,
          %sub3A_1270 = arith.subf %get3A_1269, %scan3A_323 : vector<16xf32>
          %mul3A_1271 = arith.mulf %sub3A_1270, %scan3A_327 : vector<16xf32>
          %mul3A_1272 = arith.mulf %mul3A_1271, %get3A_1248 : vector<16xf32>
          %add3A_1273 = arith.addf %mul3A_1272, %get3A_1250 : vector<16xf32>
          %add3A_1274 = arith.constant 1 : i32
          %add3A_1275 = arith.addi %add3A_334, %add3A_1274 : i32
          %swap3A_1276 = arith.index_cast %add3A_1275 : i32 to index
          %swap3A_1277 = arith.index_cast %add3A_1214 : i32 to index
          %swap3A_1278 = tpu.vector_load %arg8[%swap3A_1276, %swap3A_1277] {strides = array<i32>} : memref<128x768xf32, #tpu.memory_space<vmem>>, vector<16xf32>,
          tpu.vector_store %arg8[%swap3A_1276, %swap3A_1277], %add3A_1273 {strides = array<i32>} : memref<128x768xf32, #tpu.memory_space<vmem>>, vector<16xf32>,
          %add3A_1279 = arith.constant 2 : i32
          %add3A_1280 = arith.addi %add3A_334, %add3A_1279 : i32
          %get3A_1281 = arith.index_cast %add3A_1280 : i32 to index
          %get3A_1282 = arith.index_cast %add3A_1214 : i32 to index
          %get3A_1283 = tpu.vector_load %arg8[%get3A_1281, %get3A_1282] {strides = array<i32>} : memref<128x768xf32, #tpu.memory_space<vmem>>, vector<16xf32>,
          %sub3A_1284 = arith.subf %get3A_1283, %scan3A_324 : vector<16xf32>
          %mul3A_1285 = arith.mulf %sub3A_1284, %scan3A_328 : vector<16xf32>
          %mul3A_1286 = arith.mulf %mul3A_1285, %get3A_1248 : vector<16xf32>
          %add3A_1287 = arith.addf %mul3A_1286, %get3A_1250 : vector<16xf32>
          %add3A_1288 = arith.constant 2 : i32
          %add3A_1289 = arith.addi %add3A_334, %add3A_1288 : i32
          %swap3A_1290 = arith.index_cast %add3A_1289 : i32 to index
          %swap3A_1291 = arith.index_cast %add3A_1214 : i32 to index
          %swap3A_1292 = tpu.vector_load %arg8[%swap3A_1290, %swap3A_1291] {strides = array<i32>} : memref<128x768xf32, #tpu.memory_space<vmem>>, vector<16xf32>,
          tpu.vector_store %arg8[%swap3A_1290, %swap3A_1291], %add3A_1287 {strides = array<i32>} : memref<128x768xf32, #tpu.memory_space<vmem>>, vector<16xf32>,
          %add3A_1293 = arith.constant 3 : i32
          %add3A_1294 = arith.addi %add3A_334, %add3A_1293 : i32
          %get3A_1295 = arith.index_cast %add3A_1294 : i32 to index
          %get3A_1296 = arith.index_cast %add3A_1214 : i32 to index
          %get3A_1297 = tpu.vector_load %arg8[%get3A_1295, %get3A_1296] {strides = array<i32>} : memref<128x768xf32, #tpu.memory_space<vmem>>, vector<16xf32>,
          %sub3A_1298 = arith.subf %get3A_1297, %scan3A_325 : vector<16xf32>
          %mul3A_1299 = arith.mulf %sub3A_1298, %scan3A_329 : vector<16xf32>
          %mul3A_1300 = arith.mulf %mul3A_1299, %get3A_1248 : vector<16xf32>
          %add3A_1301 = arith.addf %mul3A_1300, %get3A_1250 : vector<16xf32>
          %add3A_1302 = arith.constant 3 : i32
          %add3A_1303 = arith.addi %add3A_334, %add3A_1302 : i32
          %swap3A_1304 = arith.index_cast %add3A_1303 : i32 to index
          %swap3A_1305 = arith.index_cast %add3A_1214 : i32 to index
          %swap3A_1306 = tpu.vector_load %arg8[%swap3A_1304, %swap3A_1305] {strides = array<i32>} : memref<128x768xf32, #tpu.memory_space<vmem>>, vector<16xf32>,
          tpu.vector_store %arg8[%swap3A_1304, %swap3A_1305], %add3A_1301 {strides = array<i32>} : memref<128x768xf32, #tpu.memory_space<vmem>>, vector<16xf32>,
          scf.yield %add3A_1220, %add3A_1228, %add3A_1236, %add3A_1244, %add3A_1222, %add3A_1230, %add3A_1238, %add3A_1246 : vector<16xf32>, vector<16xf32>, vector<16xf32>, vector<16xf32>, vector<16xf32>, vector<16xf32>, vector<16xf32>, vector<16xf32>
        }
        %scan3A_343 = arith.constant 6 : i32
        %reduce_sum3A_344 = arith.constant true
        %reduce_sum3A_345 = vector.broadcast %reduce_sum3A_344 : i1 to vector<16xi1>
        %reduce_sum3A_346 = tpu.scan <sum>, %scan3A_342#0 masked %reduce_sum3A_345 : vector<16xf32>, vector<16xi1> -> vector<16xf32>
        %reduce_sum3A_347 = vector.extract %reduce_sum3A_346[15] : f32 from vector<16xf32>
        %broadcast_in_dim3A_348 = vector.broadcast %reduce_sum3A_347 : f32 to vector<16xf32>
        %reduce_sum3A_349 = arith.constant true
        %reduce_sum3A_350 = vector.broadcast %reduce_sum3A_349 : i1 to vector<16xi1>
        %reduce_sum3A_351 = tpu.scan <sum>, %scan3A_342#4 masked %reduce_sum3A_350 : vector<16xf32>, vector<16xi1> -> vector<16xf32>
        %reduce_sum3A_352 = vector.extract %reduce_sum3A_351[15] : f32 from vector<16xf32>
        %broadcast_in_dim3A_353 = vector.broadcast %reduce_sum3A_352 : f32 to vector<16xf32>
        %mul3A_354 = arith.constant 0.00130208337 : f32
        %mul3A_355 = vector.broadcast %mul3A_354 : f32 to vector<16xf32>
        %mul3A_356 = arith.mulf %broadcast_in_dim3A_348, %mul3A_355 : vector<16xf32>
        %mul3A_357 = arith.constant 0.00130208337 : f32
        %mul3A_358 = vector.broadcast %mul3A_357 : f32 to vector<16xf32>
        %mul3A_359 = arith.mulf %broadcast_in_dim3A_353, %mul3A_358 : vector<16xf32>
        %mul3A_360 = arith.mulf %mul3A_356, %mul3A_356 : vector<16xf32>
        %sub3A_361 = arith.subf %mul3A_359, %mul3A_360 : vector<16xf32>
        %add3A_362 = arith.constant 9.99999996E-13 : f32
        %add3A_363 = vector.broadcast %add3A_362 : f32 to vector<16xf32>
        %add3A_364 = arith.addf %sub3A_361, %add3A_363 : vector<16xf32>
        %bitcast3A_365 = vector.bitcast %add3A_364 : vector<16xf32> to vector<16xi32>
        %shift_right_arithmetic3A_366 = arith.constant 1 : i32
        %shift_right_arithmetic3A_367 = vector.broadcast %shift_right_arithmetic3A_366 : i32 to vector<16xi32>
        %shift_right_arithmetic3A_368 = arith.shrsi %bitcast3A_365, %shift_right_arithmetic3A_367 : vector<16xi32>
        %sub3A_369 = arith.constant 1597463007 : i32
        %sub3A_370 = vector.broadcast %sub3A_369 : i32 to vector<16xi32>
        %sub3A_371 = arith.subi %sub3A_370, %shift_right_arithmetic3A_368 : vector<16xi32>
        %bitcast3A_372 = vector.bitcast %sub3A_371 : vector<16xi32> to vector<16xf32>
        %mul3A_373 = arith.constant 5.000000e-01 : f32
        %mul3A_374 = vector.broadcast %mul3A_373 : f32 to vector<16xf32>
        %mul3A_375 = arith.mulf %mul3A_374, %add3A_364 : vector<16xf32>
        %mul3A_376 = arith.mulf %mul3A_375, %bitcast3A_372 : vector<16xf32>
        %mul3A_377 = arith.mulf %mul3A_376, %bitcast3A_372 : vector<16xf32>
        %sub3A_378 = arith.constant 1.500000e+00 : f32
        %sub3A_379 = vector.broadcast %sub3A_378 : f32 to vector<16xf32>
        %sub3A_380 = arith.subf %sub3A_379, %mul3A_377 : vector<16xf32>
        %mul3A_381 = arith.mulf %bitcast3A_372, %sub3A_380 : vector<16xf32>
        %mul3A_382 = arith.constant 5.000000e-01 : f32
        %mul3A_383 = vector.broadcast %mul3A_382 : f32 to vector<16xf32>
        %mul3A_384 = arith.mulf %mul3A_383, %add3A_364 : vector<16xf32>
        %mul3A_385 = arith.mulf %mul3A_384, %mul3A_381 : vector<16xf32>
        %mul3A_386 = arith.mulf %mul3A_385, %mul3A_381 : vector<16xf32>
        %sub3A_387 = arith.constant 1.500000e+00 : f32
        %sub3A_388 = vector.broadcast %sub3A_387 : f32 to vector<16xf32>
        %sub3A_389 = arith.subf %sub3A_388, %mul3A_386 : vector<16xf32>
        %mul3A_390 = arith.mulf %mul3A_381, %sub3A_389 : vector<16xf32>
        %reduce_sum3A_391 = arith.constant true
        %reduce_sum3A_392 = vector.broadcast %reduce_sum3A_391 : i1 to vector<16xi1>
        %reduce_sum3A_393 = tpu.scan <sum>, %scan3A_342#1 masked %reduce_sum3A_392 : vector<16xf32>, vector<16xi1> -> vector<16xf32>
        %reduce_sum3A_394 = vector.extract %reduce_sum3A_393[15] : f32 from vector<16xf32>
        %broadcast_in_dim3A_395 = vector.broadcast %reduce_sum3A_394 : f32 to vector<16xf32>
        %reduce_sum3A_396 = arith.constant true
        %reduce_sum3A_397 = vector.broadcast %reduce_sum3A_396 : i1 to vector<16xi1>
        %reduce_sum3A_398 = tpu.scan <sum>, %scan3A_342#5 masked %reduce_sum3A_397 : vector<16xf32>, vector<16xi1> -> vector<16xf32>
        %reduce_sum3A_399 = vector.extract %reduce_sum3A_398[15] : f32 from vector<16xf32>
        %broadcast_in_dim3A_400 = vector.broadcast %reduce_sum3A_399 : f32 to vector<16xf32>
        %mul3A_401 = arith.constant 0.00130208337 : f32
        %mul3A_402 = vector.broadcast %mul3A_401 : f32 to vector<16xf32>
        %mul3A_403 = arith.mulf %broadcast_in_dim3A_395, %mul3A_402 : vector<16xf32>
        %mul3A_404 = arith.constant 0.00130208337 : f32
        %mul3A_405 = vector.broadcast %mul3A_404 : f32 to vector<16xf32>
        %mul3A_406 = arith.mulf %broadcast_in_dim3A_400, %mul3A_405 : vector<16xf32>
        %mul3A_407 = arith.mulf %mul3A_403, %mul3A_403 : vector<16xf32>
        %sub3A_408 = arith.subf %mul3A_406, %mul3A_407 : vector<16xf32>
        %add3A_409 = arith.constant 9.99999996E-13 : f32
        %add3A_410 = vector.broadcast %add3A_409 : f32 to vector<16xf32>
        %add3A_411 = arith.addf %sub3A_408, %add3A_410 : vector<16xf32>
        %bitcast3A_412 = vector.bitcast %add3A_411 : vector<16xf32> to vector<16xi32>
        %shift_right_arithmetic3A_413 = arith.constant 1 : i32
        %shift_right_arithmetic3A_414 = vector.broadcast %shift_right_arithmetic3A_413 : i32 to vector<16xi32>
        %shift_right_arithmetic3A_415 = arith.shrsi %bitcast3A_412, %shift_right_arithmetic3A_414 : vector<16xi32>
        %sub3A_416 = arith.constant 1597463007 : i32
        %sub3A_417 = vector.broadcast %sub3A_416 : i32 to vector<16xi32>
        %sub3A_418 = arith.subi %sub3A_417, %shift_right_arithmetic3A_415 : vector<16xi32>
        %bitcast3A_419 = vector.bitcast %sub3A_418 : vector<16xi32> to vector<16xf32>
        %mul3A_420 = arith.constant 5.000000e-01 : f32
        %mul3A_421 = vector.broadcast %mul3A_420 : f32 to vector<16xf32>
        %mul3A_422 = arith.mulf %mul3A_421, %add3A_411 : vector<16xf32>
        %mul3A_423 = arith.mulf %mul3A_422, %bitcast3A_419 : vector<16xf32>
        %mul3A_424 = arith.mulf %mul3A_423, %bitcast3A_419 : vector<16xf32>
        %sub3A_425 = arith.constant 1.500000e+00 : f32
        %sub3A_426 = vector.broadcast %sub3A_425 : f32 to vector<16xf32>
        %sub3A_427 = arith.subf %sub3A_426, %mul3A_424 : vector<16xf32>
        %mul3A_428 = arith.mulf %bitcast3A_419, %sub3A_427 : vector<16xf32>
        %mul3A_429 = arith.constant 5.000000e-01 : f32
        %mul3A_430 = vector.broadcast %mul3A_429 : f32 to vector<16xf32>
        %mul3A_431 = arith.mulf %mul3A_430, %add3A_411 : vector<16xf32>
        %mul3A_432 = arith.mulf %mul3A_431, %mul3A_428 : vector<16xf32>
        %mul3A_433 = arith.mulf %mul3A_432, %mul3A_428 : vector<16xf32>
        %sub3A_434 = arith.constant 1.500000e+00 : f32
        %sub3A_435 = vector.broadcast %sub3A_434 : f32 to vector<16xf32>
        %sub3A_436 = arith.subf %sub3A_435, %mul3A_433 : vector<16xf32>
        %mul3A_437 = arith.mulf %mul3A_428, %sub3A_436 : vector<16xf32>
        %reduce_sum3A_438 = arith.constant true
        %reduce_sum3A_439 = vector.broadcast %reduce_sum3A_438 : i1 to vector<16xi1>
        %reduce_sum3A_440 = tpu.scan <sum>, %scan3A_342#2 masked %reduce_sum3A_439 : vector<16xf32>, vector<16xi1> -> vector<16xf32>
        %reduce_sum3A_441 = vector.extract %reduce_sum3A_440[15] : f32 from vector<16xf32>
        %broadcast_in_dim3A_442 = vector.broadcast %reduce_sum3A_441 : f32 to vector<16xf32>
        %reduce_sum3A_443 = arith.constant true
        %reduce_sum3A_444 = vector.broadcast %reduce_sum3A_443 : i1 to vector<16xi1>
        %reduce_sum3A_445 = tpu.scan <sum>, %scan3A_342#6 masked %reduce_sum3A_444 : vector<16xf32>, vector<16xi1> -> vector<16xf32>
        %reduce_sum3A_446 = vector.extract %reduce_sum3A_445[15] : f32 from vector<16xf32>
        %broadcast_in_dim3A_447 = vector.broadcast %reduce_sum3A_446 : f32 to vector<16xf32>
        %mul3A_448 = arith.constant 0.00130208337 : f32
        %mul3A_449 = vector.broadcast %mul3A_448 : f32 to vector<16xf32>
        %mul3A_450 = arith.mulf %broadcast_in_dim3A_442, %mul3A_449 : vector<16xf32>
        %mul3A_451 = arith.constant 0.00130208337 : f32
        %mul3A_452 = vector.broadcast %mul3A_451 : f32 to vector<16xf32>
        %mul3A_453 = arith.mulf %broadcast_in_dim3A_447, %mul3A_452 : vector<16xf32>
        %mul3A_454 = arith.mulf %mul3A_450, %mul3A_450 : vector<16xf32>
        %sub3A_455 = arith.subf %mul3A_453, %mul3A_454 : vector<16xf32>
        %add3A_456 = arith.constant 9.99999996E-13 : f32
        %add3A_457 = vector.broadcast %add3A_456 : f32 to vector<16xf32>
        %add3A_458 = arith.addf %sub3A_455, %add3A_457 : vector<16xf32>
        %bitcast3A_459 = vector.bitcast %add3A_458 : vector<16xf32> to vector<16xi32>
        %shift_right_arithmetic3A_460 = arith.constant 1 : i32
        %shift_right_arithmetic3A_461 = vector.broadcast %shift_right_arithmetic3A_460 : i32 to vector<16xi32>
        %shift_right_arithmetic3A_462 = arith.shrsi %bitcast3A_459, %shift_right_arithmetic3A_461 : vector<16xi32>
        %sub3A_463 = arith.constant 1597463007 : i32
        %sub3A_464 = vector.broadcast %sub3A_463 : i32 to vector<16xi32>
        %sub3A_465 = arith.subi %sub3A_464, %shift_right_arithmetic3A_462 : vector<16xi32>
        %bitcast3A_466 = vector.bitcast %sub3A_465 : vector<16xi32> to vector<16xf32>
        %mul3A_467 = arith.constant 5.000000e-01 : f32
        %mul3A_468 = vector.broadcast %mul3A_467 : f32 to vector<16xf32>
        %mul3A_469 = arith.mulf %mul3A_468, %add3A_458 : vector<16xf32>
        %mul3A_470 = arith.mulf %mul3A_469, %bitcast3A_466 : vector<16xf32>
        %mul3A_471 = arith.mulf %mul3A_470, %bitcast3A_466 : vector<16xf32>
        %sub3A_472 = arith.constant 1.500000e+00 : f32
        %sub3A_473 = vector.broadcast %sub3A_472 : f32 to vector<16xf32>
        %sub3A_474 = arith.subf %sub3A_473, %mul3A_471 : vector<16xf32>
        %mul3A_475 = arith.mulf %bitcast3A_466, %sub3A_474 : vector<16xf32>
        %mul3A_476 = arith.constant 5.000000e-01 : f32
        %mul3A_477 = vector.broadcast %mul3A_476 : f32 to vector<16xf32>
        %mul3A_478 = arith.mulf %mul3A_477, %add3A_458 : vector<16xf32>
        %mul3A_479 = arith.mulf %mul3A_478, %mul3A_475 : vector<16xf32>
        %mul3A_480 = arith.mulf %mul3A_479, %mul3A_475 : vector<16xf32>
        %sub3A_481 = arith.constant 1.500000e+00 : f32
        %sub3A_482 = vector.broadcast %sub3A_481 : f32 to vector<16xf32>
        %sub3A_483 = arith.subf %sub3A_482, %mul3A_480 : vector<16xf32>
        %mul3A_484 = arith.mulf %mul3A_475, %sub3A_483 : vector<16xf32>
        %reduce_sum3A_485 = arith.constant true
        %reduce_sum3A_486 = vector.broadcast %reduce_sum3A_485 : i1 to vector<16xi1>
        %reduce_sum3A_487 = tpu.scan <sum>, %scan3A_342#3 masked %reduce_sum3A_486 : vector<16xf32>, vector<16xi1> -> vector<16xf32>
        %reduce_sum3A_488 = vector.extract %reduce_sum3A_487[15] : f32 from vector<16xf32>
        %broadcast_in_dim3A_489 = vector.broadcast %reduce_sum3A_488 : f32 to vector<16xf32>
        %reduce_sum3A_490 = arith.constant true
        %reduce_sum3A_491 = vector.broadcast %reduce_sum3A_490 : i1 to vector<16xi1>
        %reduce_sum3A_492 = tpu.scan <sum>, %scan3A_342#7 masked %reduce_sum3A_491 : vector<16xf32>, vector<16xi1> -> vector<16xf32>
        %reduce_sum3A_493 = vector.extract %reduce_sum3A_492[15] : f32 from vector<16xf32>
        %broadcast_in_dim3A_494 = vector.broadcast %reduce_sum3A_493 : f32 to vector<16xf32>
        %mul3A_495 = arith.constant 0.00130208337 : f32
        %mul3A_496 = vector.broadcast %mul3A_495 : f32 to vector<16xf32>
        %mul3A_497 = arith.mulf %broadcast_in_dim3A_489, %mul3A_496 : vector<16xf32>
        %mul3A_498 = arith.constant 0.00130208337 : f32
        %mul3A_499 = vector.broadcast %mul3A_498 : f32 to vector<16xf32>
        %mul3A_500 = arith.mulf %broadcast_in_dim3A_494, %mul3A_499 : vector<16xf32>
        %mul3A_501 = arith.mulf %mul3A_497, %mul3A_497 : vector<16xf32>
        %sub3A_502 = arith.subf %mul3A_500, %mul3A_501 : vector<16xf32>
        %add3A_503 = arith.constant 9.99999996E-13 : f32
        %add3A_504 = vector.broadcast %add3A_503 : f32 to vector<16xf32>
        %add3A_505 = arith.addf %sub3A_502, %add3A_504 : vector<16xf32>
        %bitcast3A_506 = vector.bitcast %add3A_505 : vector<16xf32> to vector<16xi32>
        %shift_right_arithmetic3A_507 = arith.constant 1 : i32
        %shift_right_arithmetic3A_508 = vector.broadcast %shift_right_arithmetic3A_507 : i32 to vector<16xi32>
        %shift_right_arithmetic3A_509 = arith.shrsi %bitcast3A_506, %shift_right_arithmetic3A_508 : vector<16xi32>
        %sub3A_510 = arith.constant 1597463007 : i32
        %sub3A_511 = vector.broadcast %sub3A_510 : i32 to vector<16xi32>
        %sub3A_512 = arith.subi %sub3A_511, %shift_right_arithmetic3A_509 : vector<16xi32>
        %bitcast3A_513 = vector.bitcast %sub3A_512 : vector<16xi32> to vector<16xf32>
        %mul3A_514 = arith.constant 5.000000e-01 : f32
        %mul3A_515 = vector.broadcast %mul3A_514 : f32 to vector<16xf32>
        %mul3A_516 = arith.mulf %mul3A_515, %add3A_505 : vector<16xf32>
        %mul3A_517 = arith.mulf %mul3A_516, %bitcast3A_513 : vector<16xf32>
        %mul3A_518 = arith.mulf %mul3A_517, %bitcast3A_513 : vector<16xf32>
        %sub3A_519 = arith.constant 1.500000e+00 : f32
        %sub3A_520 = vector.broadcast %sub3A_519 : f32 to vector<16xf32>
        %sub3A_521 = arith.subf %sub3A_520, %mul3A_518 : vector<16xf32>
        %mul3A_522 = arith.mulf %bitcast3A_513, %sub3A_521 : vector<16xf32>
        %mul3A_523 = arith.constant 5.000000e-01 : f32
        %mul3A_524 = vector.broadcast %mul3A_523 : f32 to vector<16xf32>
        %mul3A_525 = arith.mulf %mul3A_524, %add3A_505 : vector<16xf32>
        %mul3A_526 = arith.mulf %mul3A_525, %mul3A_522 : vector<16xf32>
        %mul3A_527 = arith.mulf %mul3A_526, %mul3A_522 : vector<16xf32>
        %sub3A_528 = arith.constant 1.500000e+00 : f32
        %sub3A_529 = vector.broadcast %sub3A_528 : f32 to vector<16xf32>
        %sub3A_530 = arith.subf %sub3A_529, %mul3A_527 : vector<16xf32>
        %mul3A_531 = arith.mulf %mul3A_522, %sub3A_530 : vector<16xf32>
        scf.yield %mul3A_356, %mul3A_403, %mul3A_450, %mul3A_497, %mul3A_390, %mul3A_437, %mul3A_484, %mul3A_531 : vector<16xf32>, vector<16xf32>, vector<16xf32>, vector<16xf32>, vector<16xf32>, vector<16xf32>, vector<16xf32>, vector<16xf32>
      }
      %scan3A_266 = arith.constant 7 : i32
      %add3A_267 = arith.constant 28 : i32
      %add3A_268 = arith.addi %mul3A_53, %add3A_267 : i32
      %scan3A_269 = arith.constant 0 : i32
      %scan3A_270 = arith.constant 0 : i32
      %scan3A_271 = arith.constant 6 : i32
      %scan3A_272 = arith.addi %scan3A_270, %scan3A_271 : i32
      %scan3A_273 = arith.constant 1 : i32
      scf.for %scan3A_321 = %scan3A_270 to %scan3A_272 step %scan3A_273  : i32 {
        %mul3A_322 = arith.constant 128 : i32
        %mul3A_323 = arith.muli %scan3A_321, %mul3A_322 : i32
        %add3A_324 = arith.constant 0 : i32
        %add3A_325 = arith.addi %mul3A_323, %add3A_324 : i32
        %get3A = arith.index_cast %add3A_325 : i32 to index
        %get3A_326 = tpu.vector_load %arg9[%get3A] {strides = array<i32>} : memref<768xf32, #tpu.memory_space<vmem>>, vector<16xf32>,
        %get3A_327 = arith.index_cast %add3A_325 : i32 to index
        %get3A_328 = tpu.vector_load %arg10[%get3A_327] {strides = array<i32>} : memref<768xf32, #tpu.memory_space<vmem>>, vector<16xf32>,
        %add3A_329 = arith.constant 0 : i32
        %add3A_330 = arith.addi %add3A_268, %add3A_329 : i32
        %get3A_331 = arith.index_cast %add3A_330 : i32 to index
        %get3A_332 = arith.index_cast %add3A_325 : i32 to index
        %get3A_333 = tpu.vector_load %arg8[%get3A_331, %get3A_332] {strides = array<i32>} : memref<128x768xf32, #tpu.memory_space<vmem>>, vector<16xf32>,
        %sub3A_334 = arith.subf %get3A_333, %scan3A_265#0 : vector<16xf32>
        %mul3A_335 = arith.mulf %sub3A_334, %scan3A_265#4 : vector<16xf32>
        %mul3A_336 = arith.mulf %mul3A_335, %get3A_326 : vector<16xf32>
        %add3A_337 = arith.addf %mul3A_336, %get3A_328 : vector<16xf32>
        %add3A_338 = arith.constant 0 : i32
        %add3A_339 = arith.addi %add3A_268, %add3A_338 : i32
        %swap3A = arith.index_cast %add3A_339 : i32 to index
        %swap3A_340 = arith.index_cast %add3A_325 : i32 to index
        %swap3A_341 = tpu.vector_load %arg8[%swap3A, %swap3A_340] {strides = array<i32>} : memref<128x768xf32, #tpu.memory_space<vmem>>, vector<16xf32>,
        tpu.vector_store %arg8[%swap3A, %swap3A_340], %add3A_337 {strides = array<i32>} : memref<128x768xf32, #tpu.memory_space<vmem>>, vector<16xf32>,
        %add3A_342 = arith.constant 1 : i32
        %add3A_343 = arith.addi %add3A_268, %add3A_342 : i32
        %get3A_344 = arith.index_cast %add3A_343 : i32 to index
        %get3A_345 = arith.index_cast %add3A_325 : i32 to index
        %get3A_346 = tpu.vector_load %arg8[%get3A_344, %get3A_345] {strides = array<i32>} : memref<128x768xf32, #tpu.memory_space<vmem>>, vector<16xf32>,
        %sub3A_347 = arith.subf %get3A_346, %scan3A_265#1 : vector<16xf32>
        %mul3A_348 = arith.mulf %sub3A_347, %scan3A_265#5 : vector<16xf32>
        %mul3A_349 = arith.mulf %mul3A_348, %get3A_326 : vector<16xf32>
        %add3A_350 = arith.addf %mul3A_349, %get3A_328 : vector<16xf32>
        %add3A_351 = arith.constant 1 : i32
        %add3A_352 = arith.addi %add3A_268, %add3A_351 : i32
        %swap3A_353 = arith.index_cast %add3A_352 : i32 to index
        %swap3A_354 = arith.index_cast %add3A_325 : i32 to index
        %swap3A_355 = tpu.vector_load %arg8[%swap3A_353, %swap3A_354] {strides = array<i32>} : memref<128x768xf32, #tpu.memory_space<vmem>>, vector<16xf32>,
        tpu.vector_store %arg8[%swap3A_353, %swap3A_354], %add3A_350 {strides = array<i32>} : memref<128x768xf32, #tpu.memory_space<vmem>>, vector<16xf32>,
        %add3A_356 = arith.constant 2 : i32
        %add3A_357 = arith.addi %add3A_268, %add3A_356 : i32
        %get3A_358 = arith.index_cast %add3A_357 : i32 to index
        %get3A_359 = arith.index_cast %add3A_325 : i32 to index
        %get3A_360 = tpu.vector_load %arg8[%get3A_358, %get3A_359] {strides = array<i32>} : memref<128x768xf32, #tpu.memory_space<vmem>>, vector<16xf32>,
        %sub3A_361 = arith.subf %get3A_360, %scan3A_265#2 : vector<16xf32>
        %mul3A_362 = arith.mulf %sub3A_361, %scan3A_265#6 : vector<16xf32>
        %mul3A_363 = arith.mulf %mul3A_362, %get3A_326 : vector<16xf32>
        %add3A_364 = arith.addf %mul3A_363, %get3A_328 : vector<16xf32>
        %add3A_365 = arith.constant 2 : i32
        %add3A_366 = arith.addi %add3A_268, %add3A_365 : i32
        %swap3A_367 = arith.index_cast %add3A_366 : i32 to index
        %swap3A_368 = arith.index_cast %add3A_325 : i32 to index
        %swap3A_369 = tpu.vector_load %arg8[%swap3A_367, %swap3A_368] {strides = array<i32>} : memref<128x768xf32, #tpu.memory_space<vmem>>, vector<16xf32>,
        tpu.vector_store %arg8[%swap3A_367, %swap3A_368], %add3A_364 {strides = array<i32>} : memref<128x768xf32, #tpu.memory_space<vmem>>, vector<16xf32>,
        %add3A_370 = arith.constant 3 : i32
        %add3A_371 = arith.addi %add3A_268, %add3A_370 : i32
        %get3A_372 = arith.index_cast %add3A_371 : i32 to index
        %get3A_373 = arith.index_cast %add3A_325 : i32 to index
        %get3A_374 = tpu.vector_load %arg8[%get3A_372, %get3A_373] {strides = array<i32>} : memref<128x768xf32, #tpu.memory_space<vmem>>, vector<16xf32>,
        %sub3A_375 = arith.subf %get3A_374, %scan3A_265#3 : vector<16xf32>
        %mul3A_376 = arith.mulf %sub3A_375, %scan3A_265#7 : vector<16xf32>
        %mul3A_377 = arith.mulf %mul3A_376, %get3A_326 : vector<16xf32>
        %add3A_378 = arith.addf %mul3A_377, %get3A_328 : vector<16xf32>
        %add3A_379 = arith.constant 3 : i32
        %add3A_380 = arith.addi %add3A_268, %add3A_379 : i32
        %swap3A_381 = arith.index_cast %add3A_380 : i32 to index
        %swap3A_382 = arith.index_cast %add3A_325 : i32 to index
        %swap3A_383 = tpu.vector_load %arg8[%swap3A_381, %swap3A_382] {strides = array<i32>} : memref<128x768xf32, #tpu.memory_space<vmem>>, vector<16xf32>,
        tpu.vector_store %arg8[%swap3A_381, %swap3A_382], %add3A_378 {strides = array<i32>} : memref<128x768xf32, #tpu.memory_space<vmem>>, vector<16xf32>,
        %mul3A_384 = arith.constant 128 : i32
        %mul3A_385 = arith.muli %scan3A_321, %mul3A_384 : i32
        %add3A_386 = arith.constant 16 : i32
        %add3A_387 = arith.addi %mul3A_385, %add3A_386 : i32
        %get3A_388 = arith.index_cast %add3A_387 : i32 to index
        %get3A_389 = tpu.vector_load %arg9[%get3A_388] {strides = array<i32>} : memref<768xf32, #tpu.memory_space<vmem>>, vector<16xf32>,
        %get3A_390 = arith.index_cast %add3A_387 : i32 to index
        %get3A_391 = tpu.vector_load %arg10[%get3A_390] {strides = array<i32>} : memref<768xf32, #tpu.memory_space<vmem>>, vector<16xf32>,
        %add3A_392 = arith.constant 0 : i32
        %add3A_393 = arith.addi %add3A_268, %add3A_392 : i32
        %get3A_394 = arith.index_cast %add3A_393 : i32 to index
        %get3A_395 = arith.index_cast %add3A_387 : i32 to index
        %get3A_396 = tpu.vector_load %arg8[%get3A_394, %get3A_395] {strides = array<i32>} : memref<128x768xf32, #tpu.memory_space<vmem>>, vector<16xf32>,
        %sub3A_397 = arith.subf %get3A_396, %scan3A_265#0 : vector<16xf32>
        %mul3A_398 = arith.mulf %sub3A_397, %scan3A_265#4 : vector<16xf32>
        %mul3A_399 = arith.mulf %mul3A_398, %get3A_389 : vector<16xf32>
        %add3A_400 = arith.addf %mul3A_399, %get3A_391 : vector<16xf32>
        %add3A_401 = arith.constant 0 : i32
        %add3A_402 = arith.addi %add3A_268, %add3A_401 : i32
        %swap3A_403 = arith.index_cast %add3A_402 : i32 to index
        %swap3A_404 = arith.index_cast %add3A_387 : i32 to index
        %swap3A_405 = tpu.vector_load %arg8[%swap3A_403, %swap3A_404] {strides = array<i32>} : memref<128x768xf32, #tpu.memory_space<vmem>>, vector<16xf32>,
        tpu.vector_store %arg8[%swap3A_403, %swap3A_404], %add3A_400 {strides = array<i32>} : memref<128x768xf32, #tpu.memory_space<vmem>>, vector<16xf32>,
        %add3A_406 = arith.constant 1 : i32
        %add3A_407 = arith.addi %add3A_268, %add3A_406 : i32
        %get3A_408 = arith.index_cast %add3A_407 : i32 to index
        %get3A_409 = arith.index_cast %add3A_387 : i32 to index
        %get3A_410 = tpu.vector_load %arg8[%get3A_408, %get3A_409] {strides = array<i32>} : memref<128x768xf32, #tpu.memory_space<vmem>>, vector<16xf32>,
        %sub3A_411 = arith.subf %get3A_410, %scan3A_265#1 : vector<16xf32>
        %mul3A_412 = arith.mulf %sub3A_411, %scan3A_265#5 : vector<16xf32>
        %mul3A_413 = arith.mulf %mul3A_412, %get3A_389 : vector<16xf32>
        %add3A_414 = arith.addf %mul3A_413, %get3A_391 : vector<16xf32>
        %add3A_415 = arith.constant 1 : i32
        %add3A_416 = arith.addi %add3A_268, %add3A_415 : i32
        %swap3A_417 = arith.index_cast %add3A_416 : i32 to index
        %swap3A_418 = arith.index_cast %add3A_387 : i32 to index
        %swap3A_419 = tpu.vector_load %arg8[%swap3A_417, %swap3A_418] {strides = array<i32>} : memref<128x768xf32, #tpu.memory_space<vmem>>, vector<16xf32>,
        tpu.vector_store %arg8[%swap3A_417, %swap3A_418], %add3A_414 {strides = array<i32>} : memref<128x768xf32, #tpu.memory_space<vmem>>, vector<16xf32>,
        %add3A_420 = arith.constant 2 : i32
        %add3A_421 = arith.addi %add3A_268, %add3A_420 : i32
        %get3A_422 = arith.index_cast %add3A_421 : i32 to index
        %get3A_423 = arith.index_cast %add3A_387 : i32 to index
        %get3A_424 = tpu.vector_load %arg8[%get3A_422, %get3A_423] {strides = array<i32>} : memref<128x768xf32, #tpu.memory_space<vmem>>, vector<16xf32>,
        %sub3A_425 = arith.subf %get3A_424, %scan3A_265#2 : vector<16xf32>
        %mul3A_426 = arith.mulf %sub3A_425, %scan3A_265#6 : vector<16xf32>
        %mul3A_427 = arith.mulf %mul3A_426, %get3A_389 : vector<16xf32>
        %add3A_428 = arith.addf %mul3A_427, %get3A_391 : vector<16xf32>
        %add3A_429 = arith.constant 2 : i32
        %add3A_430 = arith.addi %add3A_268, %add3A_429 : i32
        %swap3A_431 = arith.index_cast %add3A_430 : i32 to index
        %swap3A_432 = arith.index_cast %add3A_387 : i32 to index
        %swap3A_433 = tpu.vector_load %arg8[%swap3A_431, %swap3A_432] {strides = array<i32>} : memref<128x768xf32, #tpu.memory_space<vmem>>, vector<16xf32>,
        tpu.vector_store %arg8[%swap3A_431, %swap3A_432], %add3A_428 {strides = array<i32>} : memref<128x768xf32, #tpu.memory_space<vmem>>, vector<16xf32>,
        %add3A_434 = arith.constant 3 : i32
        %add3A_435 = arith.addi %add3A_268, %add3A_434 : i32
        %get3A_436 = arith.index_cast %add3A_435 : i32 to index
        %get3A_437 = arith.index_cast %add3A_387 : i32 to index
        %get3A_438 = tpu.vector_load %arg8[%get3A_436, %get3A_437] {strides = array<i32>} : memref<128x768xf32, #tpu.memory_space<vmem>>, vector<16xf32>,
        %sub3A_439 = arith.subf %get3A_438, %scan3A_265#3 : vector<16xf32>
        %mul3A_440 = arith.mulf %sub3A_439, %scan3A_265#7 : vector<16xf32>
        %mul3A_441 = arith.mulf %mul3A_440, %get3A_389 : vector<16xf32>
        %add3A_442 = arith.addf %mul3A_441, %get3A_391 : vector<16xf32>
        %add3A_443 = arith.constant 3 : i32
        %add3A_444 = arith.addi %add3A_268, %add3A_443 : i32
        %swap3A_445 = arith.index_cast %add3A_444 : i32 to index
        %swap3A_446 = arith.index_cast %add3A_387 : i32 to index
        %swap3A_447 = tpu.vector_load %arg8[%swap3A_445, %swap3A_446] {strides = array<i32>} : memref<128x768xf32, #tpu.memory_space<vmem>>, vector<16xf32>,
        tpu.vector_store %arg8[%swap3A_445, %swap3A_446], %add3A_442 {strides = array<i32>} : memref<128x768xf32, #tpu.memory_space<vmem>>, vector<16xf32>,
        %mul3A_448 = arith.constant 128 : i32
        %mul3A_449 = arith.muli %scan3A_321, %mul3A_448 : i32
        %add3A_450 = arith.constant 32 : i32
        %add3A_451 = arith.addi %mul3A_449, %add3A_450 : i32
        %get3A_452 = arith.index_cast %add3A_451 : i32 to index
        %get3A_453 = tpu.vector_load %arg9[%get3A_452] {strides = array<i32>} : memref<768xf32, #tpu.memory_space<vmem>>, vector<16xf32>,
        %get3A_454 = arith.index_cast %add3A_451 : i32 to index
        %get3A_455 = tpu.vector_load %arg10[%get3A_454] {strides = array<i32>} : memref<768xf32, #tpu.memory_space<vmem>>, vector<16xf32>,
        %add3A_456 = arith.constant 0 : i32
        %add3A_457 = arith.addi %add3A_268, %add3A_456 : i32
        %get3A_458 = arith.index_cast %add3A_457 : i32 to index
        %get3A_459 = arith.index_cast %add3A_451 : i32 to index
        %get3A_460 = tpu.vector_load %arg8[%get3A_458, %get3A_459] {strides = array<i32>} : memref<128x768xf32, #tpu.memory_space<vmem>>, vector<16xf32>,
        %sub3A_461 = arith.subf %get3A_460, %scan3A_265#0 : vector<16xf32>
        %mul3A_462 = arith.mulf %sub3A_461, %scan3A_265#4 : vector<16xf32>
        %mul3A_463 = arith.mulf %mul3A_462, %get3A_453 : vector<16xf32>
        %add3A_464 = arith.addf %mul3A_463, %get3A_455 : vector<16xf32>
        %add3A_465 = arith.constant 0 : i32
        %add3A_466 = arith.addi %add3A_268, %add3A_465 : i32
        %swap3A_467 = arith.index_cast %add3A_466 : i32 to index
        %swap3A_468 = arith.index_cast %add3A_451 : i32 to index
        %swap3A_469 = tpu.vector_load %arg8[%swap3A_467, %swap3A_468] {strides = array<i32>} : memref<128x768xf32, #tpu.memory_space<vmem>>, vector<16xf32>,
        tpu.vector_store %arg8[%swap3A_467, %swap3A_468], %add3A_464 {strides = array<i32>} : memref<128x768xf32, #tpu.memory_space<vmem>>, vector<16xf32>,
        %add3A_470 = arith.constant 1 : i32
        %add3A_471 = arith.addi %add3A_268, %add3A_470 : i32
        %get3A_472 = arith.index_cast %add3A_471 : i32 to index
        %get3A_473 = arith.index_cast %add3A_451 : i32 to index
        %get3A_474 = tpu.vector_load %arg8[%get3A_472, %get3A_473] {strides = array<i32>} : memref<128x768xf32, #tpu.memory_space<vmem>>, vector<16xf32>,
        %sub3A_475 = arith.subf %get3A_474, %scan3A_265#1 : vector<16xf32>
        %mul3A_476 = arith.mulf %sub3A_475, %scan3A_265#5 : vector<16xf32>
        %mul3A_477 = arith.mulf %mul3A_476, %get3A_453 : vector<16xf32>
        %add3A_478 = arith.addf %mul3A_477, %get3A_455 : vector<16xf32>
        %add3A_479 = arith.constant 1 : i32
        %add3A_480 = arith.addi %add3A_268, %add3A_479 : i32
        %swap3A_481 = arith.index_cast %add3A_480 : i32 to index
        %swap3A_482 = arith.index_cast %add3A_451 : i32 to index
        %swap3A_483 = tpu.vector_load %arg8[%swap3A_481, %swap3A_482] {strides = array<i32>} : memref<128x768xf32, #tpu.memory_space<vmem>>, vector<16xf32>,
        tpu.vector_store %arg8[%swap3A_481, %swap3A_482], %add3A_478 {strides = array<i32>} : memref<128x768xf32, #tpu.memory_space<vmem>>, vector<16xf32>,
        %add3A_484 = arith.constant 2 : i32
        %add3A_485 = arith.addi %add3A_268, %add3A_484 : i32
        %get3A_486 = arith.index_cast %add3A_485 : i32 to index
        %get3A_487 = arith.index_cast %add3A_451 : i32 to index
        %get3A_488 = tpu.vector_load %arg8[%get3A_486, %get3A_487] {strides = array<i32>} : memref<128x768xf32, #tpu.memory_space<vmem>>, vector<16xf32>,
        %sub3A_489 = arith.subf %get3A_488, %scan3A_265#2 : vector<16xf32>
        %mul3A_490 = arith.mulf %sub3A_489, %scan3A_265#6 : vector<16xf32>
        %mul3A_491 = arith.mulf %mul3A_490, %get3A_453 : vector<16xf32>
        %add3A_492 = arith.addf %mul3A_491, %get3A_455 : vector<16xf32>
        %add3A_493 = arith.constant 2 : i32
        %add3A_494 = arith.addi %add3A_268, %add3A_493 : i32
        %swap3A_495 = arith.index_cast %add3A_494 : i32 to index
        %swap3A_496 = arith.index_cast %add3A_451 : i32 to index
        %swap3A_497 = tpu.vector_load %arg8[%swap3A_495, %swap3A_496] {strides = array<i32>} : memref<128x768xf32, #tpu.memory_space<vmem>>, vector<16xf32>,
        tpu.vector_store %arg8[%swap3A_495, %swap3A_496], %add3A_492 {strides = array<i32>} : memref<128x768xf32, #tpu.memory_space<vmem>>, vector<16xf32>,
        %add3A_498 = arith.constant 3 : i32
        %add3A_499 = arith.addi %add3A_268, %add3A_498 : i32
        %get3A_500 = arith.index_cast %add3A_499 : i32 to index
        %get3A_501 = arith.index_cast %add3A_451 : i32 to index
        %get3A_502 = tpu.vector_load %arg8[%get3A_500, %get3A_501] {strides = array<i32>} : memref<128x768xf32, #tpu.memory_space<vmem>>, vector<16xf32>,
        %sub3A_503 = arith.subf %get3A_502, %scan3A_265#3 : vector<16xf32>
        %mul3A_504 = arith.mulf %sub3A_503, %scan3A_265#7 : vector<16xf32>
        %mul3A_505 = arith.mulf %mul3A_504, %get3A_453 : vector<16xf32>
        %add3A_506 = arith.addf %mul3A_505, %get3A_455 : vector<16xf32>
        %add3A_507 = arith.constant 3 : i32
        %add3A_508 = arith.addi %add3A_268, %add3A_507 : i32
        %swap3A_509 = arith.index_cast %add3A_508 : i32 to index
        %swap3A_510 = arith.index_cast %add3A_451 : i32 to index
        %swap3A_511 = tpu.vector_load %arg8[%swap3A_509, %swap3A_510] {strides = array<i32>} : memref<128x768xf32, #tpu.memory_space<vmem>>, vector<16xf32>,
        tpu.vector_store %arg8[%swap3A_509, %swap3A_510], %add3A_506 {strides = array<i32>} : memref<128x768xf32, #tpu.memory_space<vmem>>, vector<16xf32>,
        %mul3A_512 = arith.constant 128 : i32
        %mul3A_513 = arith.muli %scan3A_321, %mul3A_512 : i32
        %add3A_514 = arith.constant 48 : i32
        %add3A_515 = arith.addi %mul3A_513, %add3A_514 : i32
        %get3A_516 = arith.index_cast %add3A_515 : i32 to index
        %get3A_517 = tpu.vector_load %arg9[%get3A_516] {strides = array<i32>} : memref<768xf32, #tpu.memory_space<vmem>>, vector<16xf32>,
        %get3A_518 = arith.index_cast %add3A_515 : i32 to index
        %get3A_519 = tpu.vector_load %arg10[%get3A_518] {strides = array<i32>} : memref<768xf32, #tpu.memory_space<vmem>>, vector<16xf32>,
        %add3A_520 = arith.constant 0 : i32
        %add3A_521 = arith.addi %add3A_268, %add3A_520 : i32
        %get3A_522 = arith.index_cast %add3A_521 : i32 to index
        %get3A_523 = arith.index_cast %add3A_515 : i32 to index
        %get3A_524 = tpu.vector_load %arg8[%get3A_522, %get3A_523] {strides = array<i32>} : memref<128x768xf32, #tpu.memory_space<vmem>>, vector<16xf32>,
        %sub3A_525 = arith.subf %get3A_524, %scan3A_265#0 : vector<16xf32>
        %mul3A_526 = arith.mulf %sub3A_525, %scan3A_265#4 : vector<16xf32>
        %mul3A_527 = arith.mulf %mul3A_526, %get3A_517 : vector<16xf32>
        %add3A_528 = arith.addf %mul3A_527, %get3A_519 : vector<16xf32>
        %add3A_529 = arith.constant 0 : i32
        %add3A_530 = arith.addi %add3A_268, %add3A_529 : i32
        %swap3A_531 = arith.index_cast %add3A_530 : i32 to index
        %swap3A_532 = arith.index_cast %add3A_515 : i32 to index
        %swap3A_533 = tpu.vector_load %arg8[%swap3A_531, %swap3A_532] {strides = array<i32>} : memref<128x768xf32, #tpu.memory_space<vmem>>, vector<16xf32>,
        tpu.vector_store %arg8[%swap3A_531, %swap3A_532], %add3A_528 {strides = array<i32>} : memref<128x768xf32, #tpu.memory_space<vmem>>, vector<16xf32>,
        %add3A_534 = arith.constant 1 : i32
        %add3A_535 = arith.addi %add3A_268, %add3A_534 : i32
        %get3A_536 = arith.index_cast %add3A_535 : i32 to index
        %get3A_537 = arith.index_cast %add3A_515 : i32 to index
        %get3A_538 = tpu.vector_load %arg8[%get3A_536, %get3A_537] {strides = array<i32>} : memref<128x768xf32, #tpu.memory_space<vmem>>, vector<16xf32>,
        %sub3A_539 = arith.subf %get3A_538, %scan3A_265#1 : vector<16xf32>
        %mul3A_540 = arith.mulf %sub3A_539, %scan3A_265#5 : vector<16xf32>
        %mul3A_541 = arith.mulf %mul3A_540, %get3A_517 : vector<16xf32>
        %add3A_542 = arith.addf %mul3A_541, %get3A_519 : vector<16xf32>
        %add3A_543 = arith.constant 1 : i32
        %add3A_544 = arith.addi %add3A_268, %add3A_543 : i32
        %swap3A_545 = arith.index_cast %add3A_544 : i32 to index
        %swap3A_546 = arith.index_cast %add3A_515 : i32 to index
        %swap3A_547 = tpu.vector_load %arg8[%swap3A_545, %swap3A_546] {strides = array<i32>} : memref<128x768xf32, #tpu.memory_space<vmem>>, vector<16xf32>,
        tpu.vector_store %arg8[%swap3A_545, %swap3A_546], %add3A_542 {strides = array<i32>} : memref<128x768xf32, #tpu.memory_space<vmem>>, vector<16xf32>,
        %add3A_548 = arith.constant 2 : i32
        %add3A_549 = arith.addi %add3A_268, %add3A_548 : i32
        %get3A_550 = arith.index_cast %add3A_549 : i32 to index
        %get3A_551 = arith.index_cast %add3A_515 : i32 to index
        %get3A_552 = tpu.vector_load %arg8[%get3A_550, %get3A_551] {strides = array<i32>} : memref<128x768xf32, #tpu.memory_space<vmem>>, vector<16xf32>,
        %sub3A_553 = arith.subf %get3A_552, %scan3A_265#2 : vector<16xf32>
        %mul3A_554 = arith.mulf %sub3A_553, %scan3A_265#6 : vector<16xf32>
        %mul3A_555 = arith.mulf %mul3A_554, %get3A_517 : vector<16xf32>
        %add3A_556 = arith.addf %mul3A_555, %get3A_519 : vector<16xf32>
        %add3A_557 = arith.constant 2 : i32
        %add3A_558 = arith.addi %add3A_268, %add3A_557 : i32
        %swap3A_559 = arith.index_cast %add3A_558 : i32 to index
        %swap3A_560 = arith.index_cast %add3A_515 : i32 to index
        %swap3A_561 = tpu.vector_load %arg8[%swap3A_559, %swap3A_560] {strides = array<i32>} : memref<128x768xf32, #tpu.memory_space<vmem>>, vector<16xf32>,
        tpu.vector_store %arg8[%swap3A_559, %swap3A_560], %add3A_556 {strides = array<i32>} : memref<128x768xf32, #tpu.memory_space<vmem>>, vector<16xf32>,
        %add3A_562 = arith.constant 3 : i32
        %add3A_563 = arith.addi %add3A_268, %add3A_562 : i32
        %get3A_564 = arith.index_cast %add3A_563 : i32 to index
        %get3A_565 = arith.index_cast %add3A_515 : i32 to index
        %get3A_566 = tpu.vector_load %arg8[%get3A_564, %get3A_565] {strides = array<i32>} : memref<128x768xf32, #tpu.memory_space<vmem>>, vector<16xf32>,
        %sub3A_567 = arith.subf %get3A_566, %scan3A_265#3 : vector<16xf32>
        %mul3A_568 = arith.mulf %sub3A_567, %scan3A_265#7 : vector<16xf32>
        %mul3A_569 = arith.mulf %mul3A_568, %get3A_517 : vector<16xf32>
        %add3A_570 = arith.addf %mul3A_569, %get3A_519 : vector<16xf32>
        %add3A_571 = arith.constant 3 : i32
        %add3A_572 = arith.addi %add3A_268, %add3A_571 : i32
        %swap3A_573 = arith.index_cast %add3A_572 : i32 to index
        %swap3A_574 = arith.index_cast %add3A_515 : i32 to index
        %swap3A_575 = tpu.vector_load %arg8[%swap3A_573, %swap3A_574] {strides = array<i32>} : memref<128x768xf32, #tpu.memory_space<vmem>>, vector<16xf32>,
        tpu.vector_store %arg8[%swap3A_573, %swap3A_574], %add3A_570 {strides = array<i32>} : memref<128x768xf32, #tpu.memory_space<vmem>>, vector<16xf32>,
        %mul3A_576 = arith.constant 128 : i32
        %mul3A_577 = arith.muli %scan3A_321, %mul3A_576 : i32
        %add3A_578 = arith.constant 64 : i32
        %add3A_579 = arith.addi %mul3A_577, %add3A_578 : i32
        %get3A_580 = arith.index_cast %add3A_579 : i32 to index
        %get3A_581 = tpu.vector_load %arg9[%get3A_580] {strides = array<i32>} : memref<768xf32, #tpu.memory_space<vmem>>, vector<16xf32>,
        %get3A_582 = arith.index_cast %add3A_579 : i32 to index
        %get3A_583 = tpu.vector_load %arg10[%get3A_582] {strides = array<i32>} : memref<768xf32, #tpu.memory_space<vmem>>, vector<16xf32>,
        %add3A_584 = arith.constant 0 : i32
        %add3A_585 = arith.addi %add3A_268, %add3A_584 : i32
        %get3A_586 = arith.index_cast %add3A_585 : i32 to index
        %get3A_587 = arith.index_cast %add3A_579 : i32 to index
        %get3A_588 = tpu.vector_load %arg8[%get3A_586, %get3A_587] {strides = array<i32>} : memref<128x768xf32, #tpu.memory_space<vmem>>, vector<16xf32>,
        %sub3A_589 = arith.subf %get3A_588, %scan3A_265#0 : vector<16xf32>
        %mul3A_590 = arith.mulf %sub3A_589, %scan3A_265#4 : vector<16xf32>
        %mul3A_591 = arith.mulf %mul3A_590, %get3A_581 : vector<16xf32>
        %add3A_592 = arith.addf %mul3A_591, %get3A_583 : vector<16xf32>
        %add3A_593 = arith.constant 0 : i32
        %add3A_594 = arith.addi %add3A_268, %add3A_593 : i32
        %swap3A_595 = arith.index_cast %add3A_594 : i32 to index
        %swap3A_596 = arith.index_cast %add3A_579 : i32 to index
        %swap3A_597 = tpu.vector_load %arg8[%swap3A_595, %swap3A_596] {strides = array<i32>} : memref<128x768xf32, #tpu.memory_space<vmem>>, vector<16xf32>,
        tpu.vector_store %arg8[%swap3A_595, %swap3A_596], %add3A_592 {strides = array<i32>} : memref<128x768xf32, #tpu.memory_space<vmem>>, vector<16xf32>,
        %add3A_598 = arith.constant 1 : i32
        %add3A_599 = arith.addi %add3A_268, %add3A_598 : i32
        %get3A_600 = arith.index_cast %add3A_599 : i32 to index
        %get3A_601 = arith.index_cast %add3A_579 : i32 to index
        %get3A_602 = tpu.vector_load %arg8[%get3A_600, %get3A_601] {strides = array<i32>} : memref<128x768xf32, #tpu.memory_space<vmem>>, vector<16xf32>,
        %sub3A_603 = arith.subf %get3A_602, %scan3A_265#1 : vector<16xf32>
        %mul3A_604 = arith.mulf %sub3A_603, %scan3A_265#5 : vector<16xf32>
        %mul3A_605 = arith.mulf %mul3A_604, %get3A_581 : vector<16xf32>
        %add3A_606 = arith.addf %mul3A_605, %get3A_583 : vector<16xf32>
        %add3A_607 = arith.constant 1 : i32
        %add3A_608 = arith.addi %add3A_268, %add3A_607 : i32
        %swap3A_609 = arith.index_cast %add3A_608 : i32 to index
        %swap3A_610 = arith.index_cast %add3A_579 : i32 to index
        %swap3A_611 = tpu.vector_load %arg8[%swap3A_609, %swap3A_610] {strides = array<i32>} : memref<128x768xf32, #tpu.memory_space<vmem>>, vector<16xf32>,
        tpu.vector_store %arg8[%swap3A_609, %swap3A_610], %add3A_606 {strides = array<i32>} : memref<128x768xf32, #tpu.memory_space<vmem>>, vector<16xf32>,
        %add3A_612 = arith.constant 2 : i32
        %add3A_613 = arith.addi %add3A_268, %add3A_612 : i32
        %get3A_614 = arith.index_cast %add3A_613 : i32 to index
        %get3A_615 = arith.index_cast %add3A_579 : i32 to index
        %get3A_616 = tpu.vector_load %arg8[%get3A_614, %get3A_615] {strides = array<i32>} : memref<128x768xf32, #tpu.memory_space<vmem>>, vector<16xf32>,
        %sub3A_617 = arith.subf %get3A_616, %scan3A_265#2 : vector<16xf32>
        %mul3A_618 = arith.mulf %sub3A_617, %scan3A_265#6 : vector<16xf32>
        %mul3A_619 = arith.mulf %mul3A_618, %get3A_581 : vector<16xf32>
        %add3A_620 = arith.addf %mul3A_619, %get3A_583 : vector<16xf32>
        %add3A_621 = arith.constant 2 : i32
        %add3A_622 = arith.addi %add3A_268, %add3A_621 : i32
        %swap3A_623 = arith.index_cast %add3A_622 : i32 to index
        %swap3A_624 = arith.index_cast %add3A_579 : i32 to index
        %swap3A_625 = tpu.vector_load %arg8[%swap3A_623, %swap3A_624] {strides = array<i32>} : memref<128x768xf32, #tpu.memory_space<vmem>>, vector<16xf32>,
        tpu.vector_store %arg8[%swap3A_623, %swap3A_624], %add3A_620 {strides = array<i32>} : memref<128x768xf32, #tpu.memory_space<vmem>>, vector<16xf32>,
        %add3A_626 = arith.constant 3 : i32
        %add3A_627 = arith.addi %add3A_268, %add3A_626 : i32
        %get3A_628 = arith.index_cast %add3A_627 : i32 to index
        %get3A_629 = arith.index_cast %add3A_579 : i32 to index
        %get3A_630 = tpu.vector_load %arg8[%get3A_628, %get3A_629] {strides = array<i32>} : memref<128x768xf32, #tpu.memory_space<vmem>>, vector<16xf32>,
        %sub3A_631 = arith.subf %get3A_630, %scan3A_265#3 : vector<16xf32>
        %mul3A_632 = arith.mulf %sub3A_631, %scan3A_265#7 : vector<16xf32>
        %mul3A_633 = arith.mulf %mul3A_632, %get3A_581 : vector<16xf32>
        %add3A_634 = arith.addf %mul3A_633, %get3A_583 : vector<16xf32>
        %add3A_635 = arith.constant 3 : i32
        %add3A_636 = arith.addi %add3A_268, %add3A_635 : i32
        %swap3A_637 = arith.index_cast %add3A_636 : i32 to index
        %swap3A_638 = arith.index_cast %add3A_579 : i32 to index
        %swap3A_639 = tpu.vector_load %arg8[%swap3A_637, %swap3A_638] {strides = array<i32>} : memref<128x768xf32, #tpu.memory_space<vmem>>, vector<16xf32>,
        tpu.vector_store %arg8[%swap3A_637, %swap3A_638], %add3A_634 {strides = array<i32>} : memref<128x768xf32, #tpu.memory_space<vmem>>, vector<16xf32>,
        %mul3A_640 = arith.constant 128 : i32
        %mul3A_641 = arith.muli %scan3A_321, %mul3A_640 : i32
        %add3A_642 = arith.constant 80 : i32
        %add3A_643 = arith.addi %mul3A_641, %add3A_642 : i32
        %get3A_644 = arith.index_cast %add3A_643 : i32 to index
        %get3A_645 = tpu.vector_load %arg9[%get3A_644] {strides = array<i32>} : memref<768xf32, #tpu.memory_space<vmem>>, vector<16xf32>,
        %get3A_646 = arith.index_cast %add3A_643 : i32 to index
        %get3A_647 = tpu.vector_load %arg10[%get3A_646] {strides = array<i32>} : memref<768xf32, #tpu.memory_space<vmem>>, vector<16xf32>,
        %add3A_648 = arith.constant 0 : i32
        %add3A_649 = arith.addi %add3A_268, %add3A_648 : i32
        %get3A_650 = arith.index_cast %add3A_649 : i32 to index
        %get3A_651 = arith.index_cast %add3A_643 : i32 to index
        %get3A_652 = tpu.vector_load %arg8[%get3A_650, %get3A_651] {strides = array<i32>} : memref<128x768xf32, #tpu.memory_space<vmem>>, vector<16xf32>,
        %sub3A_653 = arith.subf %get3A_652, %scan3A_265#0 : vector<16xf32>
        %mul3A_654 = arith.mulf %sub3A_653, %scan3A_265#4 : vector<16xf32>
        %mul3A_655 = arith.mulf %mul3A_654, %get3A_645 : vector<16xf32>
        %add3A_656 = arith.addf %mul3A_655, %get3A_647 : vector<16xf32>
        %add3A_657 = arith.constant 0 : i32
        %add3A_658 = arith.addi %add3A_268, %add3A_657 : i32
        %swap3A_659 = arith.index_cast %add3A_658 : i32 to index
        %swap3A_660 = arith.index_cast %add3A_643 : i32 to index
        %swap3A_661 = tpu.vector_load %arg8[%swap3A_659, %swap3A_660] {strides = array<i32>} : memref<128x768xf32, #tpu.memory_space<vmem>>, vector<16xf32>,
        tpu.vector_store %arg8[%swap3A_659, %swap3A_660], %add3A_656 {strides = array<i32>} : memref<128x768xf32, #tpu.memory_space<vmem>>, vector<16xf32>,
        %add3A_662 = arith.constant 1 : i32
        %add3A_663 = arith.addi %add3A_268, %add3A_662 : i32
        %get3A_664 = arith.index_cast %add3A_663 : i32 to index
        %get3A_665 = arith.index_cast %add3A_643 : i32 to index
        %get3A_666 = tpu.vector_load %arg8[%get3A_664, %get3A_665] {strides = array<i32>} : memref<128x768xf32, #tpu.memory_space<vmem>>, vector<16xf32>,
        %sub3A_667 = arith.subf %get3A_666, %scan3A_265#1 : vector<16xf32>
        %mul3A_668 = arith.mulf %sub3A_667, %scan3A_265#5 : vector<16xf32>
        %mul3A_669 = arith.mulf %mul3A_668, %get3A_645 : vector<16xf32>
        %add3A_670 = arith.addf %mul3A_669, %get3A_647 : vector<16xf32>
        %add3A_671 = arith.constant 1 : i32
        %add3A_672 = arith.addi %add3A_268, %add3A_671 : i32
        %swap3A_673 = arith.index_cast %add3A_672 : i32 to index
        %swap3A_674 = arith.index_cast %add3A_643 : i32 to index
        %swap3A_675 = tpu.vector_load %arg8[%swap3A_673, %swap3A_674] {strides = array<i32>} : memref<128x768xf32, #tpu.memory_space<vmem>>, vector<16xf32>,
        tpu.vector_store %arg8[%swap3A_673, %swap3A_674], %add3A_670 {strides = array<i32>} : memref<128x768xf32, #tpu.memory_space<vmem>>, vector<16xf32>,
        %add3A_676 = arith.constant 2 : i32
        %add3A_677 = arith.addi %add3A_268, %add3A_676 : i32
        %get3A_678 = arith.index_cast %add3A_677 : i32 to index
        %get3A_679 = arith.index_cast %add3A_643 : i32 to index
        %get3A_680 = tpu.vector_load %arg8[%get3A_678, %get3A_679] {strides = array<i32>} : memref<128x768xf32, #tpu.memory_space<vmem>>, vector<16xf32>,
        %sub3A_681 = arith.subf %get3A_680, %scan3A_265#2 : vector<16xf32>
        %mul3A_682 = arith.mulf %sub3A_681, %scan3A_265#6 : vector<16xf32>
        %mul3A_683 = arith.mulf %mul3A_682, %get3A_645 : vector<16xf32>
        %add3A_684 = arith.addf %mul3A_683, %get3A_647 : vector<16xf32>
        %add3A_685 = arith.constant 2 : i32
        %add3A_686 = arith.addi %add3A_268, %add3A_685 : i32
        %swap3A_687 = arith.index_cast %add3A_686 : i32 to index
        %swap3A_688 = arith.index_cast %add3A_643 : i32 to index
        %swap3A_689 = tpu.vector_load %arg8[%swap3A_687, %swap3A_688] {strides = array<i32>} : memref<128x768xf32, #tpu.memory_space<vmem>>, vector<16xf32>,
        tpu.vector_store %arg8[%swap3A_687, %swap3A_688], %add3A_684 {strides = array<i32>} : memref<128x768xf32, #tpu.memory_space<vmem>>, vector<16xf32>,
        %add3A_690 = arith.constant 3 : i32
        %add3A_691 = arith.addi %add3A_268, %add3A_690 : i32
        %get3A_692 = arith.index_cast %add3A_691 : i32 to index
        %get3A_693 = arith.index_cast %add3A_643 : i32 to index
        %get3A_694 = tpu.vector_load %arg8[%get3A_692, %get3A_693] {strides = array<i32>} : memref<128x768xf32, #tpu.memory_space<vmem>>, vector<16xf32>,
        %sub3A_695 = arith.subf %get3A_694, %scan3A_265#3 : vector<16xf32>
        %mul3A_696 = arith.mulf %sub3A_695, %scan3A_265#7 : vector<16xf32>
        %mul3A_697 = arith.mulf %mul3A_696, %get3A_645 : vector<16xf32>
        %add3A_698 = arith.addf %mul3A_697, %get3A_647 : vector<16xf32>
        %add3A_699 = arith.constant 3 : i32
        %add3A_700 = arith.addi %add3A_268, %add3A_699 : i32
        %swap3A_701 = arith.index_cast %add3A_700 : i32 to index
        %swap3A_702 = arith.index_cast %add3A_643 : i32 to index
        %swap3A_703 = tpu.vector_load %arg8[%swap3A_701, %swap3A_702] {strides = array<i32>} : memref<128x768xf32, #tpu.memory_space<vmem>>, vector<16xf32>,
        tpu.vector_store %arg8[%swap3A_701, %swap3A_702], %add3A_698 {strides = array<i32>} : memref<128x768xf32, #tpu.memory_space<vmem>>, vector<16xf32>,
        %mul3A_704 = arith.constant 128 : i32
        %mul3A_705 = arith.muli %scan3A_321, %mul3A_704 : i32
        %add3A_706 = arith.constant 96 : i32
        %add3A_707 = arith.addi %mul3A_705, %add3A_706 : i32
        %get3A_708 = arith.index_cast %add3A_707 : i32 to index
        %get3A_709 = tpu.vector_load %arg9[%get3A_708] {strides = array<i32>} : memref<768xf32, #tpu.memory_space<vmem>>, vector<16xf32>,
        %get3A_710 = arith.index_cast %add3A_707 : i32 to index
        %get3A_711 = tpu.vector_load %arg10[%get3A_710] {strides = array<i32>} : memref<768xf32, #tpu.memory_space<vmem>>, vector<16xf32>,
        %add3A_712 = arith.constant 0 : i32
        %add3A_713 = arith.addi %add3A_268, %add3A_712 : i32
        %get3A_714 = arith.index_cast %add3A_713 : i32 to index
        %get3A_715 = arith.index_cast %add3A_707 : i32 to index
        %get3A_716 = tpu.vector_load %arg8[%get3A_714, %get3A_715] {strides = array<i32>} : memref<128x768xf32, #tpu.memory_space<vmem>>, vector<16xf32>,
        %sub3A_717 = arith.subf %get3A_716, %scan3A_265#0 : vector<16xf32>
        %mul3A_718 = arith.mulf %sub3A_717, %scan3A_265#4 : vector<16xf32>
        %mul3A_719 = arith.mulf %mul3A_718, %get3A_709 : vector<16xf32>
        %add3A_720 = arith.addf %mul3A_719, %get3A_711 : vector<16xf32>
        %add3A_721 = arith.constant 0 : i32
        %add3A_722 = arith.addi %add3A_268, %add3A_721 : i32
        %swap3A_723 = arith.index_cast %add3A_722 : i32 to index
        %swap3A_724 = arith.index_cast %add3A_707 : i32 to index
        %swap3A_725 = tpu.vector_load %arg8[%swap3A_723, %swap3A_724] {strides = array<i32>} : memref<128x768xf32, #tpu.memory_space<vmem>>, vector<16xf32>,
        tpu.vector_store %arg8[%swap3A_723, %swap3A_724], %add3A_720 {strides = array<i32>} : memref<128x768xf32, #tpu.memory_space<vmem>>, vector<16xf32>,
        %add3A_726 = arith.constant 1 : i32
        %add3A_727 = arith.addi %add3A_268, %add3A_726 : i32
        %get3A_728 = arith.index_cast %add3A_727 : i32 to index
        %get3A_729 = arith.index_cast %add3A_707 : i32 to index
        %get3A_730 = tpu.vector_load %arg8[%get3A_728, %get3A_729] {strides = array<i32>} : memref<128x768xf32, #tpu.memory_space<vmem>>, vector<16xf32>,
        %sub3A_731 = arith.subf %get3A_730, %scan3A_265#1 : vector<16xf32>
        %mul3A_732 = arith.mulf %sub3A_731, %scan3A_265#5 : vector<16xf32>
        %mul3A_733 = arith.mulf %mul3A_732, %get3A_709 : vector<16xf32>
        %add3A_734 = arith.addf %mul3A_733, %get3A_711 : vector<16xf32>
        %add3A_735 = arith.constant 1 : i32
        %add3A_736 = arith.addi %add3A_268, %add3A_735 : i32
        %swap3A_737 = arith.index_cast %add3A_736 : i32 to index
        %swap3A_738 = arith.index_cast %add3A_707 : i32 to index
        %swap3A_739 = tpu.vector_load %arg8[%swap3A_737, %swap3A_738] {strides = array<i32>} : memref<128x768xf32, #tpu.memory_space<vmem>>, vector<16xf32>,
        tpu.vector_store %arg8[%swap3A_737, %swap3A_738], %add3A_734 {strides = array<i32>} : memref<128x768xf32, #tpu.memory_space<vmem>>, vector<16xf32>,
        %add3A_740 = arith.constant 2 : i32
        %add3A_741 = arith.addi %add3A_268, %add3A_740 : i32
        %get3A_742 = arith.index_cast %add3A_741 : i32 to index
        %get3A_743 = arith.index_cast %add3A_707 : i32 to index
        %get3A_744 = tpu.vector_load %arg8[%get3A_742, %get3A_743] {strides = array<i32>} : memref<128x768xf32, #tpu.memory_space<vmem>>, vector<16xf32>,
        %sub3A_745 = arith.subf %get3A_744, %scan3A_265#2 : vector<16xf32>
        %mul3A_746 = arith.mulf %sub3A_745, %scan3A_265#6 : vector<16xf32>
        %mul3A_747 = arith.mulf %mul3A_746, %get3A_709 : vector<16xf32>
        %add3A_748 = arith.addf %mul3A_747, %get3A_711 : vector<16xf32>
        %add3A_749 = arith.constant 2 : i32
        %add3A_750 = arith.addi %add3A_268, %add3A_749 : i32
        %swap3A_751 = arith.index_cast %add3A_750 : i32 to index
        %swap3A_752 = arith.index_cast %add3A_707 : i32 to index
        %swap3A_753 = tpu.vector_load %arg8[%swap3A_751, %swap3A_752] {strides = array<i32>} : memref<128x768xf32, #tpu.memory_space<vmem>>, vector<16xf32>,
        tpu.vector_store %arg8[%swap3A_751, %swap3A_752], %add3A_748 {strides = array<i32>} : memref<128x768xf32, #tpu.memory_space<vmem>>, vector<16xf32>,
        %add3A_754 = arith.constant 3 : i32
        %add3A_755 = arith.addi %add3A_268, %add3A_754 : i32
        %get3A_756 = arith.index_cast %add3A_755 : i32 to index
        %get3A_757 = arith.index_cast %add3A_707 : i32 to index
        %get3A_758 = tpu.vector_load %arg8[%get3A_756, %get3A_757] {strides = array<i32>} : memref<128x768xf32, #tpu.memory_space<vmem>>, vector<16xf32>,
        %sub3A_759 = arith.subf %get3A_758, %scan3A_265#3 : vector<16xf32>
        %mul3A_760 = arith.mulf %sub3A_759, %scan3A_265#7 : vector<16xf32>
        %mul3A_761 = arith.mulf %mul3A_760, %get3A_709 : vector<16xf32>
        %add3A_762 = arith.addf %mul3A_761, %get3A_711 : vector<16xf32>
        %add3A_763 = arith.constant 3 : i32
        %add3A_764 = arith.addi %add3A_268, %add3A_763 : i32
        %swap3A_765 = arith.index_cast %add3A_764 : i32 to index
        %swap3A_766 = arith.index_cast %add3A_707 : i32 to index
        %swap3A_767 = tpu.vector_load %arg8[%swap3A_765, %swap3A_766] {strides = array<i32>} : memref<128x768xf32, #tpu.memory_space<vmem>>, vector<16xf32>,
        tpu.vector_store %arg8[%swap3A_765, %swap3A_766], %add3A_762 {strides = array<i32>} : memref<128x768xf32, #tpu.memory_space<vmem>>, vector<16xf32>,
        %mul3A_768 = arith.constant 128 : i32
        %mul3A_769 = arith.muli %scan3A_321, %mul3A_768 : i32
        %add3A_770 = arith.constant 112 : i32
        %add3A_771 = arith.addi %mul3A_769, %add3A_770 : i32
        %get3A_772 = arith.index_cast %add3A_771 : i32 to index
        %get3A_773 = tpu.vector_load %arg9[%get3A_772] {strides = array<i32>} : memref<768xf32, #tpu.memory_space<vmem>>, vector<16xf32>,
        %get3A_774 = arith.index_cast %add3A_771 : i32 to index
        %get3A_775 = tpu.vector_load %arg10[%get3A_774] {strides = array<i32>} : memref<768xf32, #tpu.memory_space<vmem>>, vector<16xf32>,
        %add3A_776 = arith.constant 0 : i32
        %add3A_777 = arith.addi %add3A_268, %add3A_776 : i32
        %get3A_778 = arith.index_cast %add3A_777 : i32 to index
        %get3A_779 = arith.index_cast %add3A_771 : i32 to index
        %get3A_780 = tpu.vector_load %arg8[%get3A_778, %get3A_779] {strides = array<i32>} : memref<128x768xf32, #tpu.memory_space<vmem>>, vector<16xf32>,
        %sub3A_781 = arith.subf %get3A_780, %scan3A_265#0 : vector<16xf32>
        %mul3A_782 = arith.mulf %sub3A_781, %scan3A_265#4 : vector<16xf32>
        %mul3A_783 = arith.mulf %mul3A_782, %get3A_773 : vector<16xf32>
        %add3A_784 = arith.addf %mul3A_783, %get3A_775 : vector<16xf32>
        %add3A_785 = arith.constant 0 : i32
        %add3A_786 = arith.addi %add3A_268, %add3A_785 : i32
        %swap3A_787 = arith.index_cast %add3A_786 : i32 to index
        %swap3A_788 = arith.index_cast %add3A_771 : i32 to index
        %swap3A_789 = tpu.vector_load %arg8[%swap3A_787, %swap3A_788] {strides = array<i32>} : memref<128x768xf32, #tpu.memory_space<vmem>>, vector<16xf32>,
        tpu.vector_store %arg8[%swap3A_787, %swap3A_788], %add3A_784 {strides = array<i32>} : memref<128x768xf32, #tpu.memory_space<vmem>>, vector<16xf32>,
        %add3A_790 = arith.constant 1 : i32
        %add3A_791 = arith.addi %add3A_268, %add3A_790 : i32
        %get3A_792 = arith.index_cast %add3A_791 : i32 to index
        %get3A_793 = arith.index_cast %add3A_771 : i32 to index
        %get3A_794 = tpu.vector_load %arg8[%get3A_792, %get3A_793] {strides = array<i32>} : memref<128x768xf32, #tpu.memory_space<vmem>>, vector<16xf32>,
        %sub3A_795 = arith.subf %get3A_794, %scan3A_265#1 : vector<16xf32>
        %mul3A_796 = arith.mulf %sub3A_795, %scan3A_265#5 : vector<16xf32>
        %mul3A_797 = arith.mulf %mul3A_796, %get3A_773 : vector<16xf32>
        %add3A_798 = arith.addf %mul3A_797, %get3A_775 : vector<16xf32>
        %add3A_799 = arith.constant 1 : i32
        %add3A_800 = arith.addi %add3A_268, %add3A_799 : i32
        %swap3A_801 = arith.index_cast %add3A_800 : i32 to index
        %swap3A_802 = arith.index_cast %add3A_771 : i32 to index
        %swap3A_803 = tpu.vector_load %arg8[%swap3A_801, %swap3A_802] {strides = array<i32>} : memref<128x768xf32, #tpu.memory_space<vmem>>, vector<16xf32>,
        tpu.vector_store %arg8[%swap3A_801, %swap3A_802], %add3A_798 {strides = array<i32>} : memref<128x768xf32, #tpu.memory_space<vmem>>, vector<16xf32>,
        %add3A_804 = arith.constant 2 : i32
        %add3A_805 = arith.addi %add3A_268, %add3A_804 : i32
        %get3A_806 = arith.index_cast %add3A_805 : i32 to index
        %get3A_807 = arith.index_cast %add3A_771 : i32 to index
        %get3A_808 = tpu.vector_load %arg8[%get3A_806, %get3A_807] {strides = array<i32>} : memref<128x768xf32, #tpu.memory_space<vmem>>, vector<16xf32>,
        %sub3A_809 = arith.subf %get3A_808, %scan3A_265#2 : vector<16xf32>
        %mul3A_810 = arith.mulf %sub3A_809, %scan3A_265#6 : vector<16xf32>
        %mul3A_811 = arith.mulf %mul3A_810, %get3A_773 : vector<16xf32>
        %add3A_812 = arith.addf %mul3A_811, %get3A_775 : vector<16xf32>
        %add3A_813 = arith.constant 2 : i32
        %add3A_814 = arith.addi %add3A_268, %add3A_813 : i32
        %swap3A_815 = arith.index_cast %add3A_814 : i32 to index
        %swap3A_816 = arith.index_cast %add3A_771 : i32 to index
        %swap3A_817 = tpu.vector_load %arg8[%swap3A_815, %swap3A_816] {strides = array<i32>} : memref<128x768xf32, #tpu.memory_space<vmem>>, vector<16xf32>,
        tpu.vector_store %arg8[%swap3A_815, %swap3A_816], %add3A_812 {strides = array<i32>} : memref<128x768xf32, #tpu.memory_space<vmem>>, vector<16xf32>,
        %add3A_818 = arith.constant 3 : i32
        %add3A_819 = arith.addi %add3A_268, %add3A_818 : i32
        %get3A_820 = arith.index_cast %add3A_819 : i32 to index
        %get3A_821 = arith.index_cast %add3A_771 : i32 to index
        %get3A_822 = tpu.vector_load %arg8[%get3A_820, %get3A_821] {strides = array<i32>} : memref<128x768xf32, #tpu.memory_space<vmem>>, vector<16xf32>,
        %sub3A_823 = arith.subf %get3A_822, %scan3A_265#3 : vector<16xf32>
        %mul3A_824 = arith.mulf %sub3A_823, %scan3A_265#7 : vector<16xf32>
        %mul3A_825 = arith.mulf %mul3A_824, %get3A_773 : vector<16xf32>
        %add3A_826 = arith.addf %mul3A_825, %get3A_775 : vector<16xf32>
        %add3A_827 = arith.constant 3 : i32
        %add3A_828 = arith.addi %add3A_268, %add3A_827 : i32
        %swap3A_829 = arith.index_cast %add3A_828 : i32 to index
        %swap3A_830 = arith.index_cast %add3A_771 : i32 to index
        %swap3A_831 = tpu.vector_load %arg8[%swap3A_829, %swap3A_830] {strides = array<i32>} : memref<128x768xf32, #tpu.memory_space<vmem>>, vector<16xf32>,
        tpu.vector_store %arg8[%swap3A_829, %swap3A_830], %add3A_826 {strides = array<i32>} : memref<128x768xf32, #tpu.memory_space<vmem>>, vector<16xf32>,
      }
      %scan3A_274 = arith.constant 6 : i32
      %add3A_275 = arith.constant 4 : i32
      %add3A_276 = arith.addi %scan3A_50, %add3A_275 : i32
      %sub3A_277 = arith.constant 1 : i32
      %sub3A_278 = arith.subi %add3A_276, %sub3A_277 : i32
      %rem3A_279 = arith.constant 4 : i32
      %rem3A_280 = arith.remsi %sub3A_278, %rem3A_279 : i32
      %eq3A_281 = arith.constant 0 : i32
      %eq3A_282 = arith.cmpi eq, %rem3A_51, %eq3A_281 : i32
      %convert_element_type3A_283 = arith.extui %eq3A_282 : i1 to i32
      %cond3A_284 = arith.constant 0 : i32
      %cond3A_285 = arith.cmpi ne, %convert_element_type3A_283, %cond3A_284 : i32
      scf.if %cond3A_285 {
        %mul3A_321 = arith.constant 32 : i32
        %mul3A_322 = arith.muli %scan3A_50, %mul3A_321 : i32
        %add3A_323 = arith.addi %mul3A_2, %mul3A_322 : i32
        %multiple_of3A_324 = tpu.assume_multiple %add3A_323, 32 : i32
        %dma_start3A_325 = arith.constant 0 : i32
        %dma_start3A_326 = arith.constant 0 : i32
        %dma_start3A_327 = tpu.memref_slice %arg8[%dma_start3A_325, %dma_start3A_326] : memref<128x768xf32, #tpu.memory_space<vmem>> -> memref<32x768xf32, #tpu.memory_space<vmem>>
        %dma_start3A_328 = arith.constant 0 : i32
        %dma_start3A_329 = tpu.memref_slice %arg6[%multiple_of3A_324, %dma_start3A_328] : memref<32768x768xf32, #tpu.memory_space<hbm>> -> memref<32x768xf32, #tpu.memory_space<hbm>>
        %dma_start3A_330 = arith.constant 0 : i32
        %dma_start3A_331 = tpu.memref_slice %arg6[%multiple_of3A_324, %dma_start3A_330] : memref<32768x768xf32, #tpu.memory_space<hbm>> -> memref<32x768xf32, #tpu.memory_space<hbm>>
        %dma_start3A_332 = arith.constant 0 : i32
        %dma_start3A_333 = arith.constant 0 : i32
        %dma_start3A_334 = tpu.memref_slice %arg8[%dma_start3A_332, %dma_start3A_333] : memref<128x768xf32, #tpu.memory_space<vmem>> -> memref<32x768xf32, #tpu.memory_space<vmem>>
        tpu.enqueue_dma source(%dma_start3A_334 : memref<32x768xf32, #tpu.memory_space<vmem>>) target(%dma_start3A_331 : memref<32x768xf32, #tpu.memory_space<hbm>>) target_semaphore(%arg15 : memref<!tpu.dma_semaphore, #tpu.memory_space<semaphore_mem>>)
      } else {
      }
      %eq3A_286 = arith.constant 0 : i32
      %eq3A_287 = arith.cmpi eq, %rem3A_280, %eq3A_286 : i32
      %convert_element_type3A_288 = arith.extui %eq3A_287 : i1 to i32
      %cond3A_289 = arith.constant 0 : i32
      %cond3A_290 = arith.cmpi ne, %convert_element_type3A_288, %cond3A_289 : i32
      scf.if %cond3A_290 {
        %gt3A = arith.constant 0 : i32
        %gt3A_321 = arith.cmpi sgt, %scan3A_50, %gt3A : i32
        %convert_element_type3A_322 = arith.extui %gt3A_321 : i1 to i32
        %cond3A_323 = arith.constant 0 : i32
        %cond3A_324 = arith.cmpi ne, %convert_element_type3A_322, %cond3A_323 : i32
        scf.if %cond3A_324 {
          %sub3A_333 = arith.constant 1 : i32
          %sub3A_334 = arith.subi %scan3A_50, %sub3A_333 : i32
          %mul3A_335 = arith.constant 32 : i32
          %mul3A_336 = arith.muli %sub3A_334, %mul3A_335 : i32
          %add3A_337 = arith.addi %mul3A_2, %mul3A_336 : i32
          %multiple_of3A_338 = tpu.assume_multiple %add3A_337, 32 : i32
          %dma_wait3A_339 = arith.constant 0 : i32
          %dma_wait3A_340 = arith.constant 0 : i32
          %dma_wait3A_341 = tpu.memref_slice %arg8[%dma_wait3A_339, %dma_wait3A_340] : memref<128x768xf32, #tpu.memory_space<vmem>> -> memref<32x768xf32, #tpu.memory_space<vmem>>
          %dma_wait3A_342 = arith.constant 0 : i32
          %dma_wait3A_343 = tpu.memref_slice %arg6[%multiple_of3A_338, %dma_wait3A_342] : memref<32768x768xf32, #tpu.memory_space<hbm>> -> memref<32x768xf32, #tpu.memory_space<hbm>>
          %dma_wait3A_344 = arith.constant 0 : i32
          %dma_wait3A_345 = tpu.memref_slice %arg6[%multiple_of3A_338, %dma_wait3A_344] : memref<32768x768xf32, #tpu.memory_space<hbm>> -> memref<32x768xf32, #tpu.memory_space<hbm>>
          %dma_wait3A_346 = arith.constant 0 : i32
          %dma_wait3A_347 = arith.constant 0 : i32
          %dma_wait3A_348 = tpu.memref_slice %arg8[%dma_wait3A_346, %dma_wait3A_347] : memref<128x768xf32, #tpu.memory_space<vmem>> -> memref<32x768xf32, #tpu.memory_space<vmem>>
          tpu.wait_dma2 semaphore(%arg15 : memref<!tpu.dma_semaphore, #tpu.memory_space<semaphore_mem>>) src(%dma_wait3A_348 : memref<32x768xf32, #tpu.memory_space<vmem>>) dst(%dma_wait3A_345 : memref<32x768xf32, #tpu.memory_space<hbm>>)
        } else {
        }
        %add3A_325 = arith.constant 4 : i32
        %add3A_326 = arith.addi %scan3A_50, %add3A_325 : i32
        %sub3A_327 = arith.constant 1 : i32
        %sub3A_328 = arith.subi %add3A_326, %sub3A_327 : i32
        %lt3A = arith.constant 32 : i32
        %lt3A_329 = arith.cmpi slt, %sub3A_328, %lt3A : i32
        %convert_element_type3A_330 = arith.extui %lt3A_329 : i1 to i32
        %cond3A_331 = arith.constant 0 : i32
        %cond3A_332 = arith.cmpi ne, %convert_element_type3A_330, %cond3A_331 : i32
        scf.if %cond3A_332 {
          %add3A_333 = arith.constant 4 : i32
          %add3A_334 = arith.addi %scan3A_50, %add3A_333 : i32
          %sub3A_335 = arith.constant 1 : i32
          %sub3A_336 = arith.subi %add3A_334, %sub3A_335 : i32
          %mul3A_337 = arith.constant 32 : i32
          %mul3A_338 = arith.muli %sub3A_336, %mul3A_337 : i32
          %dma_start3A_339 = arith.constant 0 : i32
          %dma_start3A_340 = arith.constant 0 : i32
          %dma_start3A_341 = tpu.memref_slice %arg8[%dma_start3A_339, %dma_start3A_340] : memref<128x768xf32, #tpu.memory_space<vmem>> -> memref<32x768xf32, #tpu.memory_space<vmem>>
          %dma_start3A_342 = tpu.memref_slice %arg7[%mul3A_338] : memref<1024xi32, #tpu.memory_space<vmem>> -> memref<32xi32, #tpu.memory_space<vmem>>
          %dma_start3A_343 = arith.constant 0 : i32
          %dma_start3A_344 = arith.constant 0 : i32
          %dma_start3A_345 = tpu.memref_slice %arg3[%dma_start3A_343, %dma_start3A_344] : memref<100000x768xf32, #tpu.memory_space<hbm>> -> memref<100000x768xf32, #tpu.memory_space<hbm>>
          tpu.enqueue_indirect_dma source(%dma_start3A_345 : memref<100000x768xf32, #tpu.memory_space<hbm>>) target(%dma_start3A_341 : memref<32x768xf32, #tpu.memory_space<vmem>>) offsets(%dma_start3A_342 : memref<32xi32, #tpu.memory_space<vmem>>) semaphore(%arg11 : memref<!tpu.dma_semaphore, #tpu.memory_space<semaphore_mem>>)
        } else {
        }
      } else {
      }
      %eq3A_291 = arith.constant 1 : i32
      %eq3A_292 = arith.cmpi eq, %rem3A_51, %eq3A_291 : i32
      %convert_element_type3A_293 = arith.extui %eq3A_292 : i1 to i32
      %cond3A_294 = arith.constant 0 : i32
      %cond3A_295 = arith.cmpi ne, %convert_element_type3A_293, %cond3A_294 : i32
      scf.if %cond3A_295 {
        %mul3A_321 = arith.constant 32 : i32
        %mul3A_322 = arith.muli %scan3A_50, %mul3A_321 : i32
        %add3A_323 = arith.addi %mul3A_2, %mul3A_322 : i32
        %multiple_of3A_324 = tpu.assume_multiple %add3A_323, 32 : i32
        %dma_start3A_325 = arith.constant 32 : i32
        %dma_start3A_326 = arith.constant 0 : i32
        %dma_start3A_327 = tpu.memref_slice %arg8[%dma_start3A_325, %dma_start3A_326] : memref<128x768xf32, #tpu.memory_space<vmem>> -> memref<32x768xf32, #tpu.memory_space<vmem>>
        %dma_start3A_328 = arith.constant 0 : i32
        %dma_start3A_329 = tpu.memref_slice %arg6[%multiple_of3A_324, %dma_start3A_328] : memref<32768x768xf32, #tpu.memory_space<hbm>> -> memref<32x768xf32, #tpu.memory_space<hbm>>
        %dma_start3A_330 = arith.constant 0 : i32
        %dma_start3A_331 = tpu.memref_slice %arg6[%multiple_of3A_324, %dma_start3A_330] : memref<32768x768xf32, #tpu.memory_space<hbm>> -> memref<32x768xf32, #tpu.memory_space<hbm>>
        %dma_start3A_332 = arith.constant 32 : i32
        %dma_start3A_333 = arith.constant 0 : i32
        %dma_start3A_334 = tpu.memref_slice %arg8[%dma_start3A_332, %dma_start3A_333] : memref<128x768xf32, #tpu.memory_space<vmem>> -> memref<32x768xf32, #tpu.memory_space<vmem>>
        tpu.enqueue_dma source(%dma_start3A_334 : memref<32x768xf32, #tpu.memory_space<vmem>>) target(%dma_start3A_331 : memref<32x768xf32, #tpu.memory_space<hbm>>) target_semaphore(%arg16 : memref<!tpu.dma_semaphore, #tpu.memory_space<semaphore_mem>>)
      } else {
      }
      %eq3A_296 = arith.constant 1 : i32
      %eq3A_297 = arith.cmpi eq, %rem3A_280, %eq3A_296 : i32
      %convert_element_type3A_298 = arith.extui %eq3A_297 : i1 to i32
      %cond3A_299 = arith.constant 0 : i32
      %cond3A_300 = arith.cmpi ne, %convert_element_type3A_298, %cond3A_299 : i32
      scf.if %cond3A_300 {
        %gt3A = arith.constant 0 : i32
        %gt3A_321 = arith.cmpi sgt, %scan3A_50, %gt3A : i32
        %convert_element_type3A_322 = arith.extui %gt3A_321 : i1 to i32
        %cond3A_323 = arith.constant 0 : i32
        %cond3A_324 = arith.cmpi ne, %convert_element_type3A_322, %cond3A_323 : i32
        scf.if %cond3A_324 {
          %sub3A_333 = arith.constant 1 : i32
          %sub3A_334 = arith.subi %scan3A_50, %sub3A_333 : i32
          %mul3A_335 = arith.constant 32 : i32
          %mul3A_336 = arith.muli %sub3A_334, %mul3A_335 : i32
          %add3A_337 = arith.addi %mul3A_2, %mul3A_336 : i32
          %multiple_of3A_338 = tpu.assume_multiple %add3A_337, 32 : i32
          %dma_wait3A_339 = arith.constant 32 : i32
          %dma_wait3A_340 = arith.constant 0 : i32
          %dma_wait3A_341 = tpu.memref_slice %arg8[%dma_wait3A_339, %dma_wait3A_340] : memref<128x768xf32, #tpu.memory_space<vmem>> -> memref<32x768xf32, #tpu.memory_space<vmem>>
          %dma_wait3A_342 = arith.constant 0 : i32
          %dma_wait3A_343 = tpu.memref_slice %arg6[%multiple_of3A_338, %dma_wait3A_342] : memref<32768x768xf32, #tpu.memory_space<hbm>> -> memref<32x768xf32, #tpu.memory_space<hbm>>
          %dma_wait3A_344 = arith.constant 0 : i32
          %dma_wait3A_345 = tpu.memref_slice %arg6[%multiple_of3A_338, %dma_wait3A_344] : memref<32768x768xf32, #tpu.memory_space<hbm>> -> memref<32x768xf32, #tpu.memory_space<hbm>>
          %dma_wait3A_346 = arith.constant 32 : i32
          %dma_wait3A_347 = arith.constant 0 : i32
          %dma_wait3A_348 = tpu.memref_slice %arg8[%dma_wait3A_346, %dma_wait3A_347] : memref<128x768xf32, #tpu.memory_space<vmem>> -> memref<32x768xf32, #tpu.memory_space<vmem>>
          tpu.wait_dma2 semaphore(%arg16 : memref<!tpu.dma_semaphore, #tpu.memory_space<semaphore_mem>>) src(%dma_wait3A_348 : memref<32x768xf32, #tpu.memory_space<vmem>>) dst(%dma_wait3A_345 : memref<32x768xf32, #tpu.memory_space<hbm>>)
        } else {
        }
        %add3A_325 = arith.constant 4 : i32
        %add3A_326 = arith.addi %scan3A_50, %add3A_325 : i32
        %sub3A_327 = arith.constant 1 : i32
        %sub3A_328 = arith.subi %add3A_326, %sub3A_327 : i32
        %lt3A = arith.constant 32 : i32
        %lt3A_329 = arith.cmpi slt, %sub3A_328, %lt3A : i32
        %convert_element_type3A_330 = arith.extui %lt3A_329 : i1 to i32
        %cond3A_331 = arith.constant 0 : i32
        %cond3A_332 = arith.cmpi ne, %convert_element_type3A_330, %cond3A_331 : i32
        scf.if %cond3A_332 {
          %add3A_333 = arith.constant 4 : i32
          %add3A_334 = arith.addi %scan3A_50, %add3A_333 : i32
          %sub3A_335 = arith.constant 1 : i32
          %sub3A_336 = arith.subi %add3A_334, %sub3A_335 : i32
          %mul3A_337 = arith.constant 32 : i32
          %mul3A_338 = arith.muli %sub3A_336, %mul3A_337 : i32
          %dma_start3A_339 = arith.constant 32 : i32
          %dma_start3A_340 = arith.constant 0 : i32
          %dma_start3A_341 = tpu.memref_slice %arg8[%dma_start3A_339, %dma_start3A_340] : memref<128x768xf32, #tpu.memory_space<vmem>> -> memref<32x768xf32, #tpu.memory_space<vmem>>
          %dma_start3A_342 = tpu.memref_slice %arg7[%mul3A_338] : memref<1024xi32, #tpu.memory_space<vmem>> -> memref<32xi32, #tpu.memory_space<vmem>>
          %dma_start3A_343 = arith.constant 0 : i32
          %dma_start3A_344 = arith.constant 0 : i32
          %dma_start3A_345 = tpu.memref_slice %arg3[%dma_start3A_343, %dma_start3A_344] : memref<100000x768xf32, #tpu.memory_space<hbm>> -> memref<100000x768xf32, #tpu.memory_space<hbm>>
          tpu.enqueue_indirect_dma source(%dma_start3A_345 : memref<100000x768xf32, #tpu.memory_space<hbm>>) target(%dma_start3A_341 : memref<32x768xf32, #tpu.memory_space<vmem>>) offsets(%dma_start3A_342 : memref<32xi32, #tpu.memory_space<vmem>>) semaphore(%arg12 : memref<!tpu.dma_semaphore, #tpu.memory_space<semaphore_mem>>)
        } else {
        }
      } else {
      }
      %eq3A_301 = arith.constant 2 : i32
      %eq3A_302 = arith.cmpi eq, %rem3A_51, %eq3A_301 : i32
      %convert_element_type3A_303 = arith.extui %eq3A_302 : i1 to i32
      %cond3A_304 = arith.constant 0 : i32
      %cond3A_305 = arith.cmpi ne, %convert_element_type3A_303, %cond3A_304 : i32
      scf.if %cond3A_305 {
        %mul3A_321 = arith.constant 32 : i32
        %mul3A_322 = arith.muli %scan3A_50, %mul3A_321 : i32
        %add3A_323 = arith.addi %mul3A_2, %mul3A_322 : i32
        %multiple_of3A_324 = tpu.assume_multiple %add3A_323, 32 : i32
        %dma_start3A_325 = arith.constant 64 : i32
        %dma_start3A_326 = arith.constant 0 : i32
        %dma_start3A_327 = tpu.memref_slice %arg8[%dma_start3A_325, %dma_start3A_326] : memref<128x768xf32, #tpu.memory_space<vmem>> -> memref<32x768xf32, #tpu.memory_space<vmem>>
        %dma_start3A_328 = arith.constant 0 : i32
        %dma_start3A_329 = tpu.memref_slice %arg6[%multiple_of3A_324, %dma_start3A_328] : memref<32768x768xf32, #tpu.memory_space<hbm>> -> memref<32x768xf32, #tpu.memory_space<hbm>>
        %dma_start3A_330 = arith.constant 0 : i32
        %dma_start3A_331 = tpu.memref_slice %arg6[%multiple_of3A_324, %dma_start3A_330] : memref<32768x768xf32, #tpu.memory_space<hbm>> -> memref<32x768xf32, #tpu.memory_space<hbm>>
        %dma_start3A_332 = arith.constant 64 : i32
        %dma_start3A_333 = arith.constant 0 : i32
        %dma_start3A_334 = tpu.memref_slice %arg8[%dma_start3A_332, %dma_start3A_333] : memref<128x768xf32, #tpu.memory_space<vmem>> -> memref<32x768xf32, #tpu.memory_space<vmem>>
        tpu.enqueue_dma source(%dma_start3A_334 : memref<32x768xf32, #tpu.memory_space<vmem>>) target(%dma_start3A_331 : memref<32x768xf32, #tpu.memory_space<hbm>>) target_semaphore(%arg17 : memref<!tpu.dma_semaphore, #tpu.memory_space<semaphore_mem>>)
      } else {
      }
      %eq3A_306 = arith.constant 2 : i32
      %eq3A_307 = arith.cmpi eq, %rem3A_280, %eq3A_306 : i32
      %convert_element_type3A_308 = arith.extui %eq3A_307 : i1 to i32
      %cond3A_309 = arith.constant 0 : i32
      %cond3A_310 = arith.cmpi ne, %convert_element_type3A_308, %cond3A_309 : i32
      scf.if %cond3A_310 {
        %gt3A = arith.constant 0 : i32
        %gt3A_321 = arith.cmpi sgt, %scan3A_50, %gt3A : i32
        %convert_element_type3A_322 = arith.extui %gt3A_321 : i1 to i32
        %cond3A_323 = arith.constant 0 : i32
        %cond3A_324 = arith.cmpi ne, %convert_element_type3A_322, %cond3A_323 : i32
        scf.if %cond3A_324 {
          %sub3A_333 = arith.constant 1 : i32
          %sub3A_334 = arith.subi %scan3A_50, %sub3A_333 : i32
          %mul3A_335 = arith.constant 32 : i32
          %mul3A_336 = arith.muli %sub3A_334, %mul3A_335 : i32
          %add3A_337 = arith.addi %mul3A_2, %mul3A_336 : i32
          %multiple_of3A_338 = tpu.assume_multiple %add3A_337, 32 : i32
          %dma_wait3A_339 = arith.constant 64 : i32
          %dma_wait3A_340 = arith.constant 0 : i32
          %dma_wait3A_341 = tpu.memref_slice %arg8[%dma_wait3A_339, %dma_wait3A_340] : memref<128x768xf32, #tpu.memory_space<vmem>> -> memref<32x768xf32, #tpu.memory_space<vmem>>
          %dma_wait3A_342 = arith.constant 0 : i32
          %dma_wait3A_343 = tpu.memref_slice %arg6[%multiple_of3A_338, %dma_wait3A_342] : memref<32768x768xf32, #tpu.memory_space<hbm>> -> memref<32x768xf32, #tpu.memory_space<hbm>>
          %dma_wait3A_344 = arith.constant 0 : i32
          %dma_wait3A_345 = tpu.memref_slice %arg6[%multiple_of3A_338, %dma_wait3A_344] : memref<32768x768xf32, #tpu.memory_space<hbm>> -> memref<32x768xf32, #tpu.memory_space<hbm>>
          %dma_wait3A_346 = arith.constant 64 : i32
          %dma_wait3A_347 = arith.constant 0 : i32
          %dma_wait3A_348 = tpu.memref_slice %arg8[%dma_wait3A_346, %dma_wait3A_347] : memref<128x768xf32, #tpu.memory_space<vmem>> -> memref<32x768xf32, #tpu.memory_space<vmem>>
          tpu.wait_dma2 semaphore(%arg17 : memref<!tpu.dma_semaphore, #tpu.memory_space<semaphore_mem>>) src(%dma_wait3A_348 : memref<32x768xf32, #tpu.memory_space<vmem>>) dst(%dma_wait3A_345 : memref<32x768xf32, #tpu.memory_space<hbm>>)
        } else {
        }
        %add3A_325 = arith.constant 4 : i32
        %add3A_326 = arith.addi %scan3A_50, %add3A_325 : i32
        %sub3A_327 = arith.constant 1 : i32
        %sub3A_328 = arith.subi %add3A_326, %sub3A_327 : i32
        %lt3A = arith.constant 32 : i32
        %lt3A_329 = arith.cmpi slt, %sub3A_328, %lt3A : i32
        %convert_element_type3A_330 = arith.extui %lt3A_329 : i1 to i32
        %cond3A_331 = arith.constant 0 : i32
        %cond3A_332 = arith.cmpi ne, %convert_element_type3A_330, %cond3A_331 : i32
        scf.if %cond3A_332 {
          %add3A_333 = arith.constant 4 : i32
          %add3A_334 = arith.addi %scan3A_50, %add3A_333 : i32
          %sub3A_335 = arith.constant 1 : i32
          %sub3A_336 = arith.subi %add3A_334, %sub3A_335 : i32
          %mul3A_337 = arith.constant 32 : i32
          %mul3A_338 = arith.muli %sub3A_336, %mul3A_337 : i32
          %dma_start3A_339 = arith.constant 64 : i32
          %dma_start3A_340 = arith.constant 0 : i32
          %dma_start3A_341 = tpu.memref_slice %arg8[%dma_start3A_339, %dma_start3A_340] : memref<128x768xf32, #tpu.memory_space<vmem>> -> memref<32x768xf32, #tpu.memory_space<vmem>>
          %dma_start3A_342 = tpu.memref_slice %arg7[%mul3A_338] : memref<1024xi32, #tpu.memory_space<vmem>> -> memref<32xi32, #tpu.memory_space<vmem>>
          %dma_start3A_343 = arith.constant 0 : i32
          %dma_start3A_344 = arith.constant 0 : i32
          %dma_start3A_345 = tpu.memref_slice %arg3[%dma_start3A_343, %dma_start3A_344] : memref<100000x768xf32, #tpu.memory_space<hbm>> -> memref<100000x768xf32, #tpu.memory_space<hbm>>
          tpu.enqueue_indirect_dma source(%dma_start3A_345 : memref<100000x768xf32, #tpu.memory_space<hbm>>) target(%dma_start3A_341 : memref<32x768xf32, #tpu.memory_space<vmem>>) offsets(%dma_start3A_342 : memref<32xi32, #tpu.memory_space<vmem>>) semaphore(%arg13 : memref<!tpu.dma_semaphore, #tpu.memory_space<semaphore_mem>>)
        } else {
        }
      } else {
      }
      %eq3A_311 = arith.constant 3 : i32
      %eq3A_312 = arith.cmpi eq, %rem3A_51, %eq3A_311 : i32
      %convert_element_type3A_313 = arith.extui %eq3A_312 : i1 to i32
      %cond3A_314 = arith.constant 0 : i32
      %cond3A_315 = arith.cmpi ne, %convert_element_type3A_313, %cond3A_314 : i32
      scf.if %cond3A_315 {
        %mul3A_321 = arith.constant 32 : i32
        %mul3A_322 = arith.muli %scan3A_50, %mul3A_321 : i32
        %add3A_323 = arith.addi %mul3A_2, %mul3A_322 : i32
        %multiple_of3A_324 = tpu.assume_multiple %add3A_323, 32 : i32
        %dma_start3A_325 = arith.constant 96 : i32
        %dma_start3A_326 = arith.constant 0 : i32
        %dma_start3A_327 = tpu.memref_slice %arg8[%dma_start3A_325, %dma_start3A_326] : memref<128x768xf32, #tpu.memory_space<vmem>> -> memref<32x768xf32, #tpu.memory_space<vmem>>
        %dma_start3A_328 = arith.constant 0 : i32
        %dma_start3A_329 = tpu.memref_slice %arg6[%multiple_of3A_324, %dma_start3A_328] : memref<32768x768xf32, #tpu.memory_space<hbm>> -> memref<32x768xf32, #tpu.memory_space<hbm>>
        %dma_start3A_330 = arith.constant 0 : i32
        %dma_start3A_331 = tpu.memref_slice %arg6[%multiple_of3A_324, %dma_start3A_330] : memref<32768x768xf32, #tpu.memory_space<hbm>> -> memref<32x768xf32, #tpu.memory_space<hbm>>
        %dma_start3A_332 = arith.constant 96 : i32
        %dma_start3A_333 = arith.constant 0 : i32
        %dma_start3A_334 = tpu.memref_slice %arg8[%dma_start3A_332, %dma_start3A_333] : memref<128x768xf32, #tpu.memory_space<vmem>> -> memref<32x768xf32, #tpu.memory_space<vmem>>
        tpu.enqueue_dma source(%dma_start3A_334 : memref<32x768xf32, #tpu.memory_space<vmem>>) target(%dma_start3A_331 : memref<32x768xf32, #tpu.memory_space<hbm>>) target_semaphore(%arg18 : memref<!tpu.dma_semaphore, #tpu.memory_space<semaphore_mem>>)
      } else {
      }
      %eq3A_316 = arith.constant 3 : i32
      %eq3A_317 = arith.cmpi eq, %rem3A_280, %eq3A_316 : i32
      %convert_element_type3A_318 = arith.extui %eq3A_317 : i1 to i32
      %cond3A_319 = arith.constant 0 : i32
      %cond3A_320 = arith.cmpi ne, %convert_element_type3A_318, %cond3A_319 : i32
      scf.if %cond3A_320 {
        %gt3A = arith.constant 0 : i32
        %gt3A_321 = arith.cmpi sgt, %scan3A_50, %gt3A : i32
        %convert_element_type3A_322 = arith.extui %gt3A_321 : i1 to i32
        %cond3A_323 = arith.constant 0 : i32
        %cond3A_324 = arith.cmpi ne, %convert_element_type3A_322, %cond3A_323 : i32
        scf.if %cond3A_324 {
          %sub3A_333 = arith.constant 1 : i32
          %sub3A_334 = arith.subi %scan3A_50, %sub3A_333 : i32
          %mul3A_335 = arith.constant 32 : i32
          %mul3A_336 = arith.muli %sub3A_334, %mul3A_335 : i32
          %add3A_337 = arith.addi %mul3A_2, %mul3A_336 : i32
          %multiple_of3A_338 = tpu.assume_multiple %add3A_337, 32 : i32
          %dma_wait3A_339 = arith.constant 96 : i32
          %dma_wait3A_340 = arith.constant 0 : i32
          %dma_wait3A_341 = tpu.memref_slice %arg8[%dma_wait3A_339, %dma_wait3A_340] : memref<128x768xf32, #tpu.memory_space<vmem>> -> memref<32x768xf32, #tpu.memory_space<vmem>>
          %dma_wait3A_342 = arith.constant 0 : i32
          %dma_wait3A_343 = tpu.memref_slice %arg6[%multiple_of3A_338, %dma_wait3A_342] : memref<32768x768xf32, #tpu.memory_space<hbm>> -> memref<32x768xf32, #tpu.memory_space<hbm>>
          %dma_wait3A_344 = arith.constant 0 : i32
          %dma_wait3A_345 = tpu.memref_slice %arg6[%multiple_of3A_338, %dma_wait3A_344] : memref<32768x768xf32, #tpu.memory_space<hbm>> -> memref<32x768xf32, #tpu.memory_space<hbm>>
          %dma_wait3A_346 = arith.constant 96 : i32
          %dma_wait3A_347 = arith.constant 0 : i32
          %dma_wait3A_348 = tpu.memref_slice %arg8[%dma_wait3A_346, %dma_wait3A_347] : memref<128x768xf32, #tpu.memory_space<vmem>> -> memref<32x768xf32, #tpu.memory_space<vmem>>
          tpu.wait_dma2 semaphore(%arg18 : memref<!tpu.dma_semaphore, #tpu.memory_space<semaphore_mem>>) src(%dma_wait3A_348 : memref<32x768xf32, #tpu.memory_space<vmem>>) dst(%dma_wait3A_345 : memref<32x768xf32, #tpu.memory_space<hbm>>)
        } else {
        }
        %add3A_325 = arith.constant 4 : i32
        %add3A_326 = arith.addi %scan3A_50, %add3A_325 : i32
        %sub3A_327 = arith.constant 1 : i32
        %sub3A_328 = arith.subi %add3A_326, %sub3A_327 : i32
        %lt3A = arith.constant 32 : i32
        %lt3A_329 = arith.cmpi slt, %sub3A_328, %lt3A : i32
        %convert_element_type3A_330 = arith.extui %lt3A_329 : i1 to i32
        %cond3A_331 = arith.constant 0 : i32
        %cond3A_332 = arith.cmpi ne, %convert_element_type3A_330, %cond3A_331 : i32
        scf.if %cond3A_332 {
          %add3A_333 = arith.constant 4 : i32
          %add3A_334 = arith.addi %scan3A_50, %add3A_333 : i32
          %sub3A_335 = arith.constant 1 : i32
          %sub3A_336 = arith.subi %add3A_334, %sub3A_335 : i32
          %mul3A_337 = arith.constant 32 : i32
          %mul3A_338 = arith.muli %sub3A_336, %mul3A_337 : i32
          %dma_start3A_339 = arith.constant 96 : i32
          %dma_start3A_340 = arith.constant 0 : i32
          %dma_start3A_341 = tpu.memref_slice %arg8[%dma_start3A_339, %dma_start3A_340] : memref<128x768xf32, #tpu.memory_space<vmem>> -> memref<32x768xf32, #tpu.memory_space<vmem>>
          %dma_start3A_342 = tpu.memref_slice %arg7[%mul3A_338] : memref<1024xi32, #tpu.memory_space<vmem>> -> memref<32xi32, #tpu.memory_space<vmem>>
          %dma_start3A_343 = arith.constant 0 : i32
          %dma_start3A_344 = arith.constant 0 : i32
          %dma_start3A_345 = tpu.memref_slice %arg3[%dma_start3A_343, %dma_start3A_344] : memref<100000x768xf32, #tpu.memory_space<hbm>> -> memref<100000x768xf32, #tpu.memory_space<hbm>>
          tpu.enqueue_indirect_dma source(%dma_start3A_345 : memref<100000x768xf32, #tpu.memory_space<hbm>>) target(%dma_start3A_341 : memref<32x768xf32, #tpu.memory_space<vmem>>) offsets(%dma_start3A_342 : memref<32xi32, #tpu.memory_space<vmem>>) semaphore(%arg14 : memref<!tpu.dma_semaphore, #tpu.memory_space<semaphore_mem>>)
        } else {
        }
      } else {
      }
    }
    %scan3A_37 = arith.constant 32 : i32
    %add3A_38 = arith.constant 992 : i32
    %add3A_39 = arith.addi %mul3A_2, %add3A_38 : i32
    %multiple_of3A_40 = tpu.assume_multiple %add3A_39, 32 : i32
    %dma_wait3A = arith.constant 96 : i32
    %dma_wait3A_41 = arith.constant 0 : i32
    %dma_wait3A_42 = tpu.memref_slice %arg8[%dma_wait3A, %dma_wait3A_41] : memref<128x768xf32, #tpu.memory_space<vmem>> -> memref<32x768xf32, #tpu.memory_space<vmem>>
    %dma_wait3A_43 = arith.constant 0 : i32
    %dma_wait3A_44 = tpu.memref_slice %arg6[%multiple_of3A_40, %dma_wait3A_43] : memref<32768x768xf32, #tpu.memory_space<hbm>> -> memref<32x768xf32, #tpu.memory_space<hbm>>
    %dma_wait3A_45 = arith.constant 0 : i32
    %dma_wait3A_46 = tpu.memref_slice %arg6[%multiple_of3A_40, %dma_wait3A_45] : memref<32768x768xf32, #tpu.memory_space<hbm>> -> memref<32x768xf32, #tpu.memory_space<hbm>>
    %dma_wait3A_47 = arith.constant 96 : i32
    %dma_wait3A_48 = arith.constant 0 : i32
    %dma_wait3A_49 = tpu.memref_slice %arg8[%dma_wait3A_47, %dma_wait3A_48] : memref<128x768xf32, #tpu.memory_space<vmem>> -> memref<32x768xf32, #tpu.memory_space<vmem>>
    tpu.wait_dma2 semaphore(%arg18 : memref<!tpu.dma_semaphore, #tpu.memory_space<semaphore_mem>>) src(%dma_wait3A_49 : memref<32x768xf32, #tpu.memory_space<vmem>>) dst(%dma_wait3A_46 : memref<32x768xf32, #tpu.memory_space<hbm>>)
    return
  }
}

</mosaic_0001>

<sc_bundles>
// kernel: kernel.3.cloned.1.call-start
scs
__scs_entry_jumppad:
0x0: {  	(pc) =	sbr.rel $0x88, $3  }
0x1: {  	(tag) =	ssettag $0x0;
	lr =	simm.s32 $0x1  }
0x2: {  	[smem:$0x3F9D] =	sst lr;
	_ =	strace $0xD0000000  }
0x3: {  	_ = 	snop  }
0x4: {  	_ = 	snop  }
0x5: {  	_ = 	snop  }
0x6: {  	_ = 	snop  }
0x7: {  	_ = 	snop  }
__scs_overlays_trampoline_lowered:
0x8: {  	[smem:$0x3FAC] =	sst s0  }
0x9: {  	[smem:$0x3FAD] =	sst s1  }
0xa: {  	[smem:$0x3FAE] =	sst s2  }
0xb: {  	[smem:$0x3FAF] =	sst s3  }
0xc: {  	[smem:$0x3FB0] =	sst s4  }
0xd: {  	[smem:$0x3FB1] =	sst s5  }
0xe: {  	[smem:$0x3FB2] =	sst s6  }
0xf: {  	[smem:$0x3FB3] =	sst s7  }
0x10: {  	[smem:$0x3FB4] =	sst s8  }
0x11: {  	[smem:$0x3FB5] =	sst s9;
	s0 =	simm.s32 @!p0 $0x0  }
0x12: {  	s1 =	sld [smem:$0x3F9B];
	s0 =	simm.s32 @p0 $0x1  }
0x13: {  	[smem:$0x3FB6] =	sst s0;
	s0 =	simm.s32 @!p1 $0x0  }
0x14: {  	s2 =	sld [smem:$0x3F9A];
	s0 =	simm.s32 @p1 $0x1  }
0x15: {  	[smem:$0x3FB7] =	sst s0;
	s0 =	simm.s32 @!p2 $0x0  }
0x16: {  	s3 =	sld [smem:$0x3FDB];
	s0 =	simm.s32 @p2 $0x1  }
0x17: {  	s4 =	simm.s32 $0x1BF5;
	[smem:$0x3FB9] =	sst s0  }
0x18: {  	s0 =	sld [smem:$0x3F9C];
	_ =	swait.ge [sflag:s4], $0x0  }
0x19: {  	s7 =	sld [smem:$0x3F9D]  }
0x1a: {  	s8 =	sadd.s32 $0xFFFFE003, lr  }
0x1b: {  	s9 =	sadd.s32 $0xFFFFFEF7, lr;
	s5 =	simm.s32 $0xFFFFFFFF;
	p2 =	slt.u32 s8, $0xFFFFF086  }
0x1c: {  	p1 =	slt.u32 s9, $0xF7A;
	s5 =	simm.s32 @!p2 $0x0  }
0x1d: {  	s5 =	simm.s32 @p1 $0x1;
	p0 =	seq.s32 s7, s2  }
0x1e: {  	s7 =	smul.u32 @!p0 $0xF7A, s2;
	p2 =	seq.s32 @!p0 s5, $0x0  }
0x1f: {  	s9 =	smul.u32 $0xF7A, s1;
	s8 =	simm.s32 @!p0 $0x1BF5;
	p2 =	por !p2, p0  }
0x20: {  	[sflag:s8] =	ssyncset.s32 @!p0 $0xFFFFF086;
	s6 =	sadd.s32 @!p0 s3, s7;
	s7 =	simm.s32 @!p0 $0x108  }
0x21: {  	s3 =	sadd.s32 s3, s9;
	s6 =	sadd.s32 @!p0 $0x88, s6;
	s7 =	simm.s32 @p2 $0x1082  }
0x22: {  	[simem:s7], [sflag:s8] =	dma.local @!p0 [hbm:s6], $0xF7A  }
0x23: {  	s9 =	sor.u32 $0xD0000000, s2;
	s6 =	simm.s32 $0x108;
	_ =	swait.ge @!p0 [sflag:s8], $0x0  }
0x24: {  	s3 =	sadd.s32 $0x88, s3;
	s6 =	simm.s32 @!p1 $0x1082;
	[sflag:s4] =	ssyncset.s32 $0xFFFFF086  }
0x25: {  	[simem:s6], [sflag:s4] =	dma.local [hbm:s3], $0xF7A  }
0x26: {  	[smem:$0x3F9D] =	sst s1;
	(tag) =	ssettag s2;
	_ =	strace s9  }
0x27: {  	s1 =	sld [smem:$0x3FAD]  }
0x28: {  	s2 =	sld [smem:$0x3FAE]  }
0x29: {  	s4 =	sld [smem:$0x3FB0]  }
0x2a: {  	p0 =	seq.s32 s5, $0x0;
	s5 =	sld [smem:$0x3FB1]  }
0x2b: {  	s6 =	sld [smem:$0x3FB2]  }
0x2c: {  	s7 =	sld [smem:$0x3FB3]  }
0x2d: {  	s3 =	simm.s32 $0x108;
	s8 =	sld [smem:$0x3FB4]  }
0x2e: {  	s3 =	simm.s32 @!p0 $0x1082;
	s9 =	sld [smem:$0x3FB5]  }
0x2f: {  	lr =	sadd.s32 s0, s3;
	s0 =	sld [smem:$0x3FAC]  }
0x30: {  	s3 =	sld [smem:$0x3FAF]  }
0x31: {  	[smem:$0x3FB8] =	sst s10  }
0x32: {  	s10 =	sld [smem:$0x3FB6];
	_ =	sdelay $0x3  }
0x33: {  	p0 =	seq.s32 s10, $0x1;
	s10 =	sld [smem:$0x3FB8];
	_ =	sdelay $0x3  }
0x34: {  	[smem:$0x3FB8] =	sst s10  }
0x35: {  	s10 =	sld [smem:$0x3FB7];
	_ =	sdelay $0x3  }
0x36: {  	p1 =	seq.s32 s10, $0x1;
	s10 =	sld [smem:$0x3FB8];
	_ =	sdelay $0x3  }
0x37: {  	[smem:$0x3FB8] =	sst s10  }
0x38: {  	s10 =	sld [smem:$0x3FB9]  }
0x39: {  	_ = 	snop;
	(pc) =	sbr.ind lr, $3  }
0x3a: {  	_ = 	snop  }
0x3b: {  	_ = 	snop  }
0x3c: {  	p2 =	seq.s32 s10, $0x1;
	s10 =	sld [smem:$0x3FB8]  }
0x3d: {  	_ =	shalt  }
0x3e: {  	_ =	shalt  }
0x3f: {  	_ =	shalt  }
0x40: {  	_ =	shalt  }
0x41: {  	_ =	shalt  }
0x42: {  	_ =	shalt  }
0x43: {  	_ =	shalt  }
0x44: {  	_ =	shalt  }
0x45: {  	_ =	shalt  }
0x46: {  	_ =	shalt  }
0x47: {  	_ =	shalt  }
0x48: {  	_ =	shalt  }
0x49: {  	_ =	shalt  }
0x4a: {  	_ =	shalt  }
0x4b: {  	_ =	shalt  }
0x4c: {  	_ =	shalt  }
0x4d: {  	_ =	shalt  }
0x4e: {  	_ =	shalt  }
0x4f: {  	_ =	shalt  }
0x50: {  	_ =	shalt  }
0x51: {  	_ =	shalt  }
0x52: {  	_ =	shalt  }
0x53: {  	_ =	shalt  }
0x54: {  	_ =	shalt  }
0x55: {  	_ =	shalt  }
0x56: {  	_ =	shalt  }
0x57: {  	_ =	shalt  }
0x58: {  	_ =	shalt  }
0x59: {  	_ =	shalt  }
0x5a: {  	_ =	shalt  }
0x5b: {  	_ =	shalt  }
0x5c: {  	_ =	shalt  }
0x5d: {  	_ =	shalt  }
0x5e: {  	_ =	shalt  }
0x5f: {  	_ =	shalt  }
0x60: {  	_ =	shalt  }
0x61: {  	_ =	shalt  }
0x62: {  	_ =	shalt  }
0x63: {  	_ =	shalt  }
0x64: {  	_ =	shalt  }
0x65: {  	_ =	shalt  }
0x66: {  	_ =	shalt  }
0x67: {  	_ =	shalt  }
0x68: {  	_ =	shalt  }
0x69: {  	_ =	shalt  }
0x6a: {  	_ =	shalt  }
0x6b: {  	_ =	shalt  }
0x6c: {  	_ =	shalt  }
0x6d: {  	_ =	shalt  }
0x6e: {  	_ =	shalt  }
0x6f: {  	_ =	shalt  }
0x70: {  	_ =	shalt  }
0x71: {  	_ =	shalt  }
0x72: {  	_ =	shalt  }
0x73: {  	_ =	shalt  }
0x74: {  	_ =	shalt  }
0x75: {  	_ =	shalt  }
0x76: {  	_ =	shalt  }
0x77: {  	_ =	shalt  }
0x78: {  	_ =	shalt  }
0x79: {  	_ =	shalt  }
0x7a: {  	_ =	shalt  }
0x7b: {  	_ =	shalt  }
0x7c: {  	_ =	shalt  }
0x7d: {  	_ =	shalt  }
0x7e: {  	_ =	shalt  }
0x7f: {  	_ =	shalt  }
0x80: {  	_ =	shalt  }
0x81: {  	_ =	shalt  }
0x82: {  	_ =	shalt  }
0x83: {  	_ =	shalt  }
0x84: {  	_ =	shalt  }
0x85: {  	_ =	shalt  }
0x86: {  	_ =	shalt  }
0x87: {  	_ =	shalt  }
.Lfunc_end0:
.L_simem_size_0:
called_computation_lowered:
.L_overlay_start_0:
0x88: {  	s2 =	sld [smem:$0x3FD9]  }
0x89: {  	s3 =	sld [smem:$0x3FFE];
	_ =	sdelay $0x1  }
0x8a: {  	s1 =	srdreg.scid  }
0x8b: {  	s0 =	sand.u32 $0x1, s1  }
0x8c: {  	s17 =	sshll.u32 s0, $0xA;
	s2 =	sadd.s32 s3, s2  }
0x8d: {  	s2 =	sadd.s32 s2, s17  }
0x8e: {  	[smem:$0x3FC4] =	sst s2  }
0x8f: {  	_ = 	snop  }
0x90: {  	s2 =	sld [smem:$0x3FC8]  }
0x91: {  	s18 =	sld [smem:$0x3FC7]  }
0x92: {  	s4 =	sld [smem:$0x3FC6]  }
0x93: {  	s5 =	sld [smem:$0x3FD0];
	(tm) =	ssettm $0x1  }
0x94: {  	s6 =	sld [smem:$0x3FFB];
	_ =	sdelay $0x3  }
0x95: {  	_ =	strace s6  }
0x96: {  	s6 =	sld [smem:$0x3FFC];
	_ =	sdelay $0x3  }
0x97: {  	_ =	strace s6  }
0x98: {  	s6 =	sld [smem:$0x3FFD];
	_ =	sdelay $0x3  }
0x99: {  	_ =	strace s6  }
0x9a: {  	_ =	strace $0x8FFFFFFF  }
0x9b: {  	s19 =	sld [smem:$0x3FDB];
	_ =	sdelay $0x1  }
0x9c: {  	s7 =	simm.s32 $_scs_section_size  }
0x9d: {  	s8 =	simm.s32 $_size__tile_overlayer_lowered;
	s9 =	simm.s32 $_tile_overlayer_lowered  }
0x9e: {  	s22 =	simm.s32 $0x1BFF;
	s21 =	sshll.u32 s9, $0x1;
	s6 =	sadd.s32 s7, s19  }
0x9f: {  	s10 =	simm.s32 $0x0;
	s20 =	sshll.u32 s8, $0x1;
	s8 =	sadd.s32 s21, s6  }
0xa0: {  	[timem:s10], [sflag:s22] =	dma.local [hbm:s8], s20  }
0xa1: {  	_ =	swait.ge [sflag:s22], s20  }
0xa2: {  	s7 =	ssub.s32 $0x0, s20;
	[sflag:s22] =	ssyncset.done $0x0  }
0xa3: {  	[sflag:s22] =	ssyncadd.s32 s7;
	_ =	sdelay $0x1  }
0xa4: {  	s23 =	simm.s32 $0x1B8B  }
0xa5: {  	_ =	swait.ge [sflag:s23], $0x1  }
0xa6: {  	[sflag:s23] =	ssyncset.done $0x0  }
0xa7: {  	s25 =	simm.s32 $0x1B8E;
	s24 =	sld [smem:$0x3FFE];
	[sflag:s23] =	ssyncadd.s32 $0xFFFFFFFF  }
0xa8: {  	s26 =	simm.s32 $execute0_lowered;
	[smem:$0x3FD2] =	sst s25  }
0xa9: {  	s8 =	sshll.u32 s26, $0x1;
	_ =	strace $0x80000046;
	[dreg:$0x1] =	wrdreg $0xFFFFFFFF  }
0xaa: {  	s28 =	simm.s32 $_size_execute0_lowered;
	s6 =	sadd.s32 s6, s8;
	[dreg:$0x0] =	wrdreg $0x0  }
0xab: {  	s8 =	sshll.u32 s28, $0x1;
	[dreg:$0x2] =	wrdreg s6  }
0xac: {  	[dreg:$0x3] =	wrdreg s8  }
0xad: {  	[dreg:$0x4] =	wrdreg $0xC0  }
0xae: {  	_ =	task [dreg:s10], $0x5FFFF  }
0xaf: {  	[dreg:$0x1] =	wrdreg $0xFFFFFFFF  }
0xb0: {  	[dreg:$0x0] =	wrdreg $0x60  }
0xb1: {  	[dreg:$0x2] =	wrdreg s24  }
0xb2: {  	[dreg:$0x3] =	wrdreg s2  }
0xb3: {  	[dreg:$0x4] =	wrdreg s18  }
0xb4: {  	[dreg:$0x5] =	wrdreg s4  }
0xb5: {  	[dreg:$0x6] =	wrdreg s5  }
0xb6: {  	[dreg:$0x7] =	wrdreg $0x9  }
0xb7: {  	_ =	task.clear_ibuf [dreg:s10], $0x8FFFF;
	_ =	strace $0x90000046  }
0xb8: {  	s29 =	simm.s32 $0x9;
	_ =	strace $0x80000048  }
0xb9: {  	_ =	swait.ge [sflag:s29], $0x1  }
0xba: {  	[sflag:s29] =	ssyncadd.s32 $0xFFFFFFFF  }
0xbb: {  	_ =	strace $0x90000048  }
0xbc: {  	_ =	sfence  }
0xbd: {  	s30 =	sld [smem:$0x0];
	_ =	sdelay $0x2  }
0xbe: {  	s31 =	sshll.u32 s1, $0xD;
	s1 =	sshrl.u32 s1, $0x2  }
0xbf: {  	s3 =	sand.u32 $0x4000, s31;
	s1 =	sadd.s32 s1, s30  }
0xc0: {  	s0 =	sor.u32 s3, s0;
	s1 =	sshll.u32 s1, $0x11  }
0xc1: {  	s0 =	sor.u32 s1, s0  }
0xc2: {  	s0 =	sadd.s32 $0x8F2B, s0  }
0xc3: {  	[sflag:s0] =	ssyncadd.remote.s32 $0x1  }
0xc4: {  	_ =	sfence.sel $0xFFFF  }
0xc5: {  	[dreg:$0x0] =	wrdreg $0xFFFFFFFF;
	(pc) =	sbr.abs _section_cstart, $3  }
0xc6: {  	[dreg:$0x1] =	wrdreg $0xFFFFFFFF  }
0xc7: {  	_ =	task.clear_ibuf [dreg:s10], $0x2FFFF;
	_ =	strace $0x9FFFFFFF  }
0xc8: {  	(tm) =	ssettm $0x7FFFFFFF  }
0xc9: {  	_ =	shalt  }
tec
execute0_lowered:
.L_overlay_start_1:
0x0: {  	(tag) =	ssettag $0x1  }
0x1: {  	s1 =	rddreg [dreg:$0x0]  }
0x2: {  	s0 =	rddreg [dreg:$0x1];
	s2 =	srdreg.scid  }
0x3: {  	s5 =	rddreg [dreg:$0x4];
	s3 =	stileid.u32;
	s6 =	simm.s32 $0x0  }
0x4: {  	s15 =	simm.s32 $0xCC00;
	s16 =	simm.s32 $0xD400;
	s17 =	simm.s32 $0xDC00  }
0x5: {  	s18 =	simm.s32 $0xE400;
	s19 =	simm.s32 $0xEC00;
	s20 =	simm.s32 $0xF400  }
0x6: {  	s21 =	simm.s32 $0xFC00;
	s22 =	simm.s32 $0x10400;
	s23 =	simm.s32 $0x10C00  }
0x7: {  	s24 =	simm.s32 $0x11400;
	s25 =	simm.s32 $0x11C00;
	s2 =	sand.u32 $0x1, s2  }
0x8: {  	s3 =	sshll.u32 s3, $0xB;
	s4 =	sshll.u32 s2, $0xA;
	s2 =	ssub.s32 $0x2, s2  }
.Ltmp0:
0x9: {  	s7 =	sor.u32 s4, s3;
	s30 =	sshrl.u32 s2, $0x1;
	(pc) =	sbr.rel .LBB2_1-.Ltmp0, $4  }
0xa: {  	[smem:$0x7FF] =	sst s6;
	s3 =	sshrl.u32 s7, $0x3;
	s2 =	ssub.s32 s2, s30  }
0xb: {  	v2 =	vlaneseq.u32;
	s9 =	sadd.s32 $0x100, s0;
	s1 =	sadd.s32 s3, s1;
	s31 =	smax.u32 s2, $0x1  }
0xc: {  	vm0 =	vmmov $0xffff;
	v1 =	vshrl.u32 v2, $0x3;
	_ =	strace $0x80000047;
	s1 =	sadd.s32 $0x400, s1;
	[dreg:$0x7] =	wrdreg s31  }
0xd: {  	s10 =	sadd.s32 $0x200, s0;
	v0 =	vand.u32 $0x7, v2;
	v2 =	vor.u32 $0x8, v2;
	v1 =	vmul.u32 $0x8, v1;
	s3 =	simm.s32 $0x0;
	[dreg:$0x6] =	wrdreg s1  }
.LBB2_22:
0xe: {  	s2 =	simm.s32 $0x8  }
0xf: {  	_ =	swait.ge [sflag:s2], $0x6000  }
0x10: {  	s3 =	rddreg [dreg:$0x8]  }
0x11: {  	s1 =	rddreg [dreg:$0x7];
	s3 =	sadd.s32 $0x1, s3  }
0x12: {  	p0 =	sne.s32 s3, s1  }
.Ltmp1:
0x13: {  	_ = 	snop;
	(pc) =	sbr.rel @!p0 .LBB2_23-.Ltmp1, $3  }
0x14: {  	_ =	sdelay $0x1  }
0x15: {  	[sflag:s2] =	ssyncset.done $0x0  }
0x16: {  	[sflag:s2] =	ssyncadd.s32 $0xFFFFA000  }
.LBB2_1:
0x17: {  	[dreg:$0x8] =	wrdreg s3  }
0x18: {  	s1 =	rddreg [dreg:$0x2];
	s2 =	simm.s32 $0x18400;
	s14 =	simm.s32 $0x9  }
0x19: {  	[tilespmem:s2], [sflag:$0x9] =	stream.linear.gather [hbm4b:s1+s6], $0x300, $0x38;
	[tilespmem:$0x18A00] =	vst v63  }
0x1a: {  	_ =	swait.ge [sflag:s14], $0x300  }
0x1b: {  	[sflag:s14] =	ssyncset.done $0x0  }
0x1c: {  	[sflag:s14] =	ssyncadd.s32 $0xFFFFFD00  }
0x1d: {  	s29 =	simm.s32 $0x18700;
	s26 =	rddreg [dreg:$0x3]  }
0x1e: {  	[tilespmem:s29], [sflag:$0x9] =	stream.linear.gather [hbm4b:s26+s6], $0x300, $0x38;
	[tilespmem:$0x18A00] =	vst v63  }
0x1f: {  	_ =	swait.ge [sflag:s14], $0x300  }
0x20: {  	[sflag:s14] =	ssyncset.done $0x0  }
0x21: {  	s30 =	rddreg [dreg:$0x6];
	[sflag:s14] =	ssyncadd.s32 $0xFFFFFD00  }
0x22: {  	[tilespmem:s6], [sflag:$0x9] =	stream.linear.gather [hbm4b:s30+s6], $0x400, $0x38;
	[tilespmem:$0x18A00] =	vst v63  }
0x23: {  	_ =	swait.ge [sflag:s14], $0x400  }
0x24: {  	[sflag:s14] =	ssyncset.done $0x0  }
0x25: {  	[sflag:s14] =	ssyncadd.s32 $0xFFFFFC00  }
0x26: {  	v3 =	vld [tilespmem:$0x0];
	_ =	sdelay $0x4  }
0x27: {  	v4 =	vshrl.u32 v3, $0x3  }
0x28: {  	v4 =	vmul.u32 $0x30, v4  }
0x29: {  	v3 =	vand.u32 $0x7, v3  }
0x2a: {  	v3 =	vor.u32 v3, v4  }
0x2b: {  	v4 =	vperm.xlane v3, v0;
	_ =	sdelay $0x1  }
0x2c: {  	v4 =	vadd.s32 v1, v4;
	_ =	sdelay $0x3  }
0x2d: {  	s31 =	simm.s32 $0x400;
	v3 =	vperm.xlane v3, v2  }
0x2e: {  	[tilespmem:s31], [sflag:$0x1] =	stream.indirect_vreg.gather [hbm4b:s0+s6], $0x80, v4, vm0, $0xb8;
	[tilespmem:$0x18A00] =	vst v63  }
0x2f: {  	s2 =	simm.s32 $0xC00;
	v3 =	vadd.s32 v1, v3  }
0x30: {  	[tilespmem:s2], [sflag:$0x1] =	stream.indirect_vreg.gather [hbm4b:s9+s6], $0x80, v4, vm0, $0xb8;
	[tilespmem:$0x18A00] =	vst v63  }
0x31: {  	s3 =	simm.s32 $0x1400  }
0x32: {  	[tilespmem:s3], [sflag:$0x1] =	stream.indirect_vreg.gather [hbm4b:s10+s6], $0x80, v4, vm0, $0xb8;
	[tilespmem:$0x18A00] =	vst v63  }
0x33: {  	s4 =	simm.s32 $0x1C00  }
0x34: {  	[tilespmem:s4], [sflag:$0x1] =	stream.indirect_vreg.gather [hbm4b:s0+s6], $0x80, v3, vm0, $0xb8;
	[tilespmem:$0x18A00] =	vst v63  }
0x35: {  	s8 =	simm.s32 $0x2400  }
0x36: {  	[tilespmem:s8], [sflag:$0x1] =	stream.indirect_vreg.gather [hbm4b:s9+s6], $0x80, v3, vm0, $0xb8;
	[tilespmem:$0x18A00] =	vst v63  }
0x37: {  	s11 =	simm.s32 $0x2C00  }
0x38: {  	[tilespmem:s11], [sflag:$0x1] =	stream.indirect_vreg.gather [hbm4b:s10+s6], $0x80, v3, vm0, $0xb8;
	[tilespmem:$0x18A00] =	vst v63  }
0x39: {  	v3 =	vld [tilespmem:$0x10];
	_ =	sdelay $0x4  }
0x3a: {  	v59 =	vshrl.u32 v3, $0x3  }
0x3b: {  	v4 =	vmul.u32 $0x30, v59  }
0x3c: {  	v3 =	vand.u32 $0x7, v3  }
0x3d: {  	v3 =	vor.u32 v3, v4  }
0x3e: {  	v4 =	vperm.xlane v3, v0;
	_ =	sdelay $0x1  }
0x3f: {  	v4 =	vadd.s32 v1, v4;
	_ =	sdelay $0x3  }
0x40: {  	s12 =	simm.s32 $0x3400;
	v3 =	vperm.xlane v3, v2  }
0x41: {  	[tilespmem:s12], [sflag:$0x1] =	stream.indirect_vreg.gather [hbm4b:s0+s6], $0x80, v4, vm0, $0xb8;
	[tilespmem:$0x18A00] =	vst v63  }
0x42: {  	s13 =	simm.s32 $0x3C00;
	v3 =	vadd.s32 v1, v3  }
0x43: {  	[tilespmem:s13], [sflag:$0x1] =	stream.indirect_vreg.gather [hbm4b:s9+s6], $0x80, v4, vm0, $0xb8;
	[tilespmem:$0x18A00] =	vst v63  }
0x44: {  	s14 =	simm.s32 $0x4400  }
0x45: {  	[tilespmem:s14], [sflag:$0x1] =	stream.indirect_vreg.gather [hbm4b:s10+s6], $0x80, v4, vm0, $0xb8;
	[tilespmem:$0x18A00] =	vst v63  }
0x46: {  	s26 =	simm.s32 $0x4C00  }
0x47: {  	[tilespmem:s26], [sflag:$0x1] =	stream.indirect_vreg.gather [hbm4b:s0+s6], $0x80, v3, vm0, $0xb8;
	[tilespmem:$0x18A00] =	vst v63  }
0x48: {  	s29 =	simm.s32 $0x5400  }
0x49: {  	[tilespmem:s29], [sflag:$0x1] =	stream.indirect_vreg.gather [hbm4b:s9+s6], $0x80, v3, vm0, $0xb8;
	[tilespmem:$0x18A00] =	vst v63  }
0x4a: {  	s30 =	simm.s32 $0x5C00  }
0x4b: {  	[tilespmem:s30], [sflag:$0x1] =	stream.indirect_vreg.gather [hbm4b:s10+s6], $0x80, v3, vm0, $0xb8;
	[tilespmem:$0x18A00] =	vst v63  }
0x4c: {  	v3 =	vld [tilespmem:$0x20];
	_ =	sdelay $0x4  }
0x4d: {  	v60 =	vshrl.u32 v3, $0x3  }
0x4e: {  	v4 =	vmul.u32 $0x30, v60  }
0x4f: {  	v3 =	vand.u32 $0x7, v3  }
0x50: {  	v3 =	vor.u32 v3, v4  }
0x51: {  	v4 =	vperm.xlane v3, v0;
	_ =	sdelay $0x1  }
0x52: {  	v4 =	vadd.s32 v1, v4;
	_ =	sdelay $0x3  }
0x53: {  	s31 =	simm.s32 $0x6400;
	v3 =	vperm.xlane v3, v2  }
0x54: {  	[tilespmem:s31], [sflag:$0x2] =	stream.indirect_vreg.gather [hbm4b:s0+s6], $0x80, v4, vm0, $0xb8;
	[tilespmem:$0x18A00] =	vst v63  }
0x55: {  	s2 =	simm.s32 $0x6C00;
	v3 =	vadd.s32 v1, v3  }
0x56: {  	[tilespmem:s2], [sflag:$0x2] =	stream.indirect_vreg.gather [hbm4b:s9+s6], $0x80, v4, vm0, $0xb8;
	[tilespmem:$0x18A00] =	vst v63  }
0x57: {  	s3 =	simm.s32 $0x7400  }
0x58: {  	[tilespmem:s3], [sflag:$0x2] =	stream.indirect_vreg.gather [hbm4b:s10+s6], $0x80, v4, vm0, $0xb8;
	[tilespmem:$0x18A00] =	vst v63  }
0x59: {  	s4 =	simm.s32 $0x7C00  }
0x5a: {  	[tilespmem:s4], [sflag:$0x2] =	stream.indirect_vreg.gather [hbm4b:s0+s6], $0x80, v3, vm0, $0xb8;
	[tilespmem:$0x18A00] =	vst v63  }
0x5b: {  	s8 =	simm.s32 $0x8400  }
0x5c: {  	[tilespmem:s8], [sflag:$0x2] =	stream.indirect_vreg.gather [hbm4b:s9+s6], $0x80, v3, vm0, $0xb8;
	[tilespmem:$0x18A00] =	vst v63  }
0x5d: {  	s11 =	simm.s32 $0x8C00  }
0x5e: {  	[tilespmem:s11], [sflag:$0x2] =	stream.indirect_vreg.gather [hbm4b:s10+s6], $0x80, v3, vm0, $0xb8;
	[tilespmem:$0x18A00] =	vst v63  }
0x5f: {  	v3 =	vld [tilespmem:$0x30];
	_ =	sdelay $0x4  }
0x60: {  	v61 =	vshrl.u32 v3, $0x3  }
0x61: {  	v4 =	vmul.u32 $0x30, v61  }
0x62: {  	v3 =	vand.u32 $0x7, v3  }
0x63: {  	v3 =	vor.u32 v3, v4  }
0x64: {  	v4 =	vperm.xlane v3, v0;
	_ =	sdelay $0x1  }
0x65: {  	v4 =	vadd.s32 v1, v4;
	_ =	sdelay $0x3  }
0x66: {  	s12 =	simm.s32 $0x9400;
	v3 =	vperm.xlane v3, v2  }
0x67: {  	[tilespmem:s12], [sflag:$0x2] =	stream.indirect_vreg.gather [hbm4b:s0+s6], $0x80, v4, vm0, $0xb8;
	[tilespmem:$0x18A00] =	vst v63  }
0x68: {  	s13 =	simm.s32 $0x9C00;
	v3 =	vadd.s32 v1, v3  }
0x69: {  	[tilespmem:s13], [sflag:$0x2] =	stream.indirect_vreg.gather [hbm4b:s9+s6], $0x80, v4, vm0, $0xb8;
	[tilespmem:$0x18A00] =	vst v63  }
0x6a: {  	s14 =	simm.s32 $0xA400  }
0x6b: {  	[tilespmem:s14], [sflag:$0x2] =	stream.indirect_vreg.gather [hbm4b:s10+s6], $0x80, v4, vm0, $0xb8;
	[tilespmem:$0x18A00] =	vst v63  }
0x6c: {  	s26 =	simm.s32 $0xAC00  }
0x6d: {  	[tilespmem:s26], [sflag:$0x2] =	stream.indirect_vreg.gather [hbm4b:s0+s6], $0x80, v3, vm0, $0xb8;
	[tilespmem:$0x18A00] =	vst v63  }
0x6e: {  	s29 =	simm.s32 $0xB400  }
0x6f: {  	[tilespmem:s29], [sflag:$0x2] =	stream.indirect_vreg.gather [hbm4b:s9+s6], $0x80, v3, vm0, $0xb8;
	[tilespmem:$0x18A00] =	vst v63  }
0x70: {  	s30 =	simm.s32 $0xBC00  }
0x71: {  	[tilespmem:s30], [sflag:$0x2] =	stream.indirect_vreg.gather [hbm4b:s10+s6], $0x80, v3, vm0, $0xb8;
	[tilespmem:$0x18A00] =	vst v63  }
0x72: {  	v3 =	vld [tilespmem:$0x40];
	_ =	sdelay $0x4  }
0x73: {  	v62 =	vshrl.u32 v3, $0x3  }
0x74: {  	v4 =	vmul.u32 $0x30, v62  }
0x75: {  	v3 =	vand.u32 $0x7, v3  }
0x76: {  	v3 =	vor.u32 v3, v4  }
0x77: {  	v4 =	vperm.xlane v3, v0;
	_ =	sdelay $0x1  }
0x78: {  	v4 =	vadd.s32 v1, v4;
	_ =	sdelay $0x3  }
0x79: {  	s31 =	simm.s32 $0xC400;
	v3 =	vperm.xlane v3, v2  }
0x7a: {  	[tilespmem:s31], [sflag:$0x3] =	stream.indirect_vreg.gather [hbm4b:s0+s6], $0x80, v4, vm0, $0xb8;
	[tilespmem:$0x18A00] =	vst v63  }
0x7b: {  	v3 =	vadd.s32 v1, v3  }
0x7c: {  	[tilespmem:s15], [sflag:$0x3] =	stream.indirect_vreg.gather [hbm4b:s9+s6], $0x80, v4, vm0, $0xb8;
	[tilespmem:$0x18A00] =	vst v63  }
0x7d: {  	_ = 	snop  }
0x7e: {  	[tilespmem:s16], [sflag:$0x3] =	stream.indirect_vreg.gather [hbm4b:s10+s6], $0x80, v4, vm0, $0xb8;
	[tilespmem:$0x18A00] =	vst v63  }
0x7f: {  	_ = 	snop  }
0x80: {  	[tilespmem:s17], [sflag:$0x3] =	stream.indirect_vreg.gather [hbm4b:s0+s6], $0x80, v3, vm0, $0xb8;
	[tilespmem:$0x18A00] =	vst v63  }
0x81: {  	_ = 	snop  }
0x82: {  	[tilespmem:s18], [sflag:$0x3] =	stream.indirect_vreg.gather [hbm4b:s9+s6], $0x80, v3, vm0, $0xb8;
	[tilespmem:$0x18A00] =	vst v63  }
0x83: {  	_ = 	snop  }
0x84: {  	[tilespmem:s19], [sflag:$0x3] =	stream.indirect_vreg.gather [hbm4b:s10+s6], $0x80, v3, vm0, $0xb8;
	[tilespmem:$0x18A00] =	vst v63  }
0x85: {  	v3 =	vld [tilespmem:$0x50];
	_ =	sdelay $0x4  }
0x86: {  	v63 =	vshrl.u32 v3, $0x3  }
0x87: {  	v4 =	vmul.u32 $0x30, v63  }
0x88: {  	v3 =	vand.u32 $0x7, v3  }
0x89: {  	v3 =	vor.u32 v3, v4  }
0x8a: {  	v4 =	vperm.xlane v3, v0;
	_ =	sdelay $0x1  }
0x8b: {  	v4 =	vadd.s32 v1, v4;
	_ =	sdelay $0x3  }
0x8c: {  	v3 =	vperm.xlane v3, v2  }
0x8d: {  	[tilespmem:s20], [sflag:$0x3] =	stream.indirect_vreg.gather [hbm4b:s0+s6], $0x80, v4, vm0, $0xb8;
	[tilespmem:$0x18A00] =	vst v63  }
0x8e: {  	v3 =	vadd.s32 v1, v3  }
0x8f: {  	[tilespmem:s21], [sflag:$0x3] =	stream.indirect_vreg.gather [hbm4b:s9+s6], $0x80, v4, vm0, $0xb8;
	[tilespmem:$0x18A00] =	vst v63  }
0x90: {  	_ = 	snop  }
0x91: {  	[tilespmem:s22], [sflag:$0x3] =	stream.indirect_vreg.gather [hbm4b:s10+s6], $0x80, v4, vm0, $0xb8;
	[tilespmem:$0x18A00] =	vst v63  }
0x92: {  	_ = 	snop  }
0x93: {  	[tilespmem:s23], [sflag:$0x3] =	stream.indirect_vreg.gather [hbm4b:s0+s6], $0x80, v3, vm0, $0xb8;
	[tilespmem:$0x18A00] =	vst v63  }
.Ltmp2:
0x94: {  	_ = 	snop;
	(pc) =	sbr.rel .LBB2_2-.Ltmp2, $4  }
0x95: {  	_ = 	snop  }
0x96: {  	[tilespmem:s24], [sflag:$0x3] =	stream.indirect_vreg.gather [hbm4b:s9+s6], $0x80, v3, vm0, $0xb8;
	[tilespmem:$0x18A00] =	vst v63  }
0x97: {  	s28 =	simm.s32 $0x0;
	s26 =	simm.s32 $0x0  }
0x98: {  	[tilespmem:s25], [sflag:$0x3] =	stream.indirect_vreg.gather [hbm4b:s10+s6], $0x80, v3, vm0, $0xb8;
	[tilespmem:$0x18A00] =	vst v63  }
.LBB2_21:
0x99: {  	s28 =	sadd.s32 $0x1, s28  }
0x9a: {  	p0 =	sne.s32 s28, $0x20  }
.Ltmp3:
0x9b: {  	_ = 	snop;
	(pc) =	sbr.rel @!p0 .LBB2_22-.Ltmp3, $2  }
0x9c: {  	_ =	sdelay $0x2  }
0x9d: {  	s26 =	sadd.s32 $0x1, s26  }
.LBB2_2:
0x9e: {  	s29 =	sand.u32 $0x3, s28  }
0x9f: {  	p0 =	sgt.s32 s29, $0x1  }
.Ltmp4:
0xa0: {  	_ = 	snop;
	(pc) =	sbr.rel @p0 .LBB2_4-.Ltmp4, $1  }
0xa1: {  	_ =	sdelay $0x3  }
.Ltmp5:
0xa2: {  	(pc) =	sbr.rel .LBB2_7-.Ltmp5, $4  }
0xa3: {  	p3 =	seq.s32 s29, $0x0;
	p0 =	por $0x0, $0x0  }
0xa4: {  	p2 =	por $0x0, $0x0;
	p1 =	por $0x0, $0x0;
	s1 =	simm.s32 @!p3 $0x2  }
0xa5: {  	p4 =	por @!p3 $0x1, $0x1;
	p5 =	por @!p3 $0x0, $0x0;
	s1 =	simm.s32 @p3 $0x1  }
0xa6: {  	p0 =	por @!p3 p5, p5;
	p2 =	por @!p3 p4, p4;
	p1 =	por @!p3 p5, p5  }
.LBB2_4:
0xa7: {  	p0 =	seq.s32 s29, $0x3  }
.Ltmp6:
0xa8: {  	_ = 	snop;
	(pc) =	sbr.rel @!p0 .LBB2_5-.Ltmp6, $1  }
0xa9: {  	_ =	sdelay $0x3  }
.Ltmp7:
0xaa: {  	(pc) =	sbr.rel .LBB2_7-.Ltmp7, $3  }
0xab: {  	_ =	sdelay $0x1  }
0xac: {  	p2 =	por $0x0, $0x0  }
0xad: {  	p0 =	por $0x1, $0x1;
	s1 =	simm.s32 $0x4;
	p1 =	por $0x0, $0x0  }
.LBB2_5:
0xae: {  	p1 =	por $0x1, $0x1  }
0xaf: {  	p0 =	por $0x0, $0x0;
	s1 =	simm.s32 $0x3;
	p2 =	por $0x0, $0x0  }
.LBB2_7:
0xb0: {  	s3 =	sand.u32 $0x3, s26  }
0xb1: {  	s2 =	smul.u32 $0x18000, s3;
	_ =	sdelay $0x1  }
0xb2: {  	s4 =	sshrl.u32 s2, $0x2  }
0xb3: {  	s2 =	sor.u32 $0x500, s4  }
0xb4: {  	v3 =	vmov s2;
	_ =	sdelay $0x1  }
0xb5: {  	_ =	swait.ge [sflag:s1], $0x6000  }
0xb6: {  	[sflag:s1] =	ssyncset.done $0x0  }
0xb7: {  	[sflag:s1] =	ssyncadd.s32 $0xFFFFA000;
	s2 =	simm.s32 $0x0  }
0xb8: {  	v5 =	vld.idx.msk [tilespmem:v3+s2+$0xFFFFFF00 ss:$0x1], $0xffff  }
0xb9: {  	v6 =	vld.idx.msk [tilespmem:v3+s2+$0xFFFFFF80 ss:$0x1], $0xffff  }
0xba: {  	v7 =	vld.idx.msk [tilespmem:v3+s2+$0xFFFFFF10 ss:$0x1], $0xffff  }
0xbb: {  	v9 =	vld.idx.msk [tilespmem:v3+s2+$0xFFFFFF90 ss:$0x1], $0xffff  }
0xbc: {  	v12 =	vld.idx.msk [tilespmem:v3+s2+$0xFFFFFF20 ss:$0x1], $0xffff  }
0xbd: {  	v13 =	vld.idx.msk [tilespmem:v3+s2+$0xFFFFFFA0 ss:$0x1], $0xffff;
	v8 =	vmul.f32 v5, v5  }
0xbe: {  	v4 =	vimm.f32 $0.0e+00;
	v14 =	vld.idx.msk [tilespmem:v3+s2+$0xFFFFFF30 ss:$0x1], $0xffff;
	v10 =	vmul.f32 v6, v6  }
0xbf: {  	v15 =	vld.idx.msk [tilespmem:v3+s2+$0xFFFFFFB0 ss:$0x1], $0xffff;
	v5 =	vadd.f32 v5, v4;
	v16 =	vmul.f32 v7, v7;
	v11 =	vadd.f32 v8, v4  }
0xc0: {  	v19 =	vld.idx.msk [tilespmem:v3+s2+$0xFFFFFF40 ss:$0x1], $0xffff;
	v6 =	vadd.f32 v6, v4;
	v17 =	vmul.f32 v9, v9;
	v10 =	vadd.f32 v10, v4  }
0xc1: {  	v8 =	vld.idx.msk [tilespmem:v3+s2+$0xFFFFFFC0 ss:$0x1], $0xffff;
	v5 =	vadd.f32 v7, v5;
	v7 =	vadd.f32 v16, v11;
	v16 =	vmul.f32 v12, v12  }
0xc2: {  	v6 =	vadd.f32 v9, v6;
	v11 =	vld.idx.msk [tilespmem:v3+s2+$0xFFFFFF50 ss:$0x1], $0xffff;
	v9 =	vadd.f32 v17, v10;
	v17 =	vmul.f32 v13, v13  }
0xc3: {  	v10 =	vld.idx.msk [tilespmem:v3+s2+$0xFFFFFFD0 ss:$0x1], $0xffff;
	v5 =	vadd.f32 v12, v5;
	v7 =	vadd.f32 v16, v7;
	v16 =	vmul.f32 v14, v14  }
0xc4: {  	v18 =	vmul.f32 v15, v15;
	v12 =	vld.idx.msk [tilespmem:v3+s2+$0xFFFFFF60 ss:$0x1], $0xffff;
	v6 =	vadd.f32 v13, v6;
	v17 =	vadd.f32 v17, v9  }
0xc5: {  	v21 =	vmul.f32 v19, v19;
	v13 =	vld.idx.msk [tilespmem:v3+s2+$0xFFFFFFE0 ss:$0x1], $0xffff;
	v5 =	vadd.f32 v14, v5;
	v7 =	vadd.f32 v16, v7  }
0xc6: {  	v9 =	vld.idx.msk [tilespmem:v3+s2+$0xFFFFFF70 ss:$0x1], $0xffff;
	v16 =	vadd.f32 v15, v6;
	v17 =	vadd.f32 v18, v17;
	v18 =	vmul.f32 v8, v8  }
0xc7: {  	s30 =	sshll.u32 s3, $0x5;
	v14 =	vld.idx.msk [tilespmem:v3+s2+$0xFFFFFFF0 ss:$0x1], $0xffff;
	v20 =	vadd.f32 v19, v5;
	v6 =	vimm.f32 $0.0e+00;
	v5 =	vimm.f32 $0.0e+00  }
0xc8: {  	s3 =	simm.s32 $0x1000;
	s1 =	sor.u32 $0x4, s30;
	s31 =	sor.u32 $0x400, s4;
	v15 =	vld.idx.msk [tilespmem:v3+s2+$0x0 ss:$0x1], $0xffff;
	v19 =	vadd.f32 v21, v7;
	v21 =	vmul.f32 v11, v11;
	v7 =	vimm.f32 $0.0e+00  }
.LBB2_8:
0xc9: {  	p3 =	sne.s32 s3, $0x5000;
	v22 =	vld.idx.msk [tilespmem:v3+s2+$0x80 ss:$0x1], $0xffff;
	v8 =	vadd.f32 v8, v16;
	v16 =	vadd.f32 v18, v17;
	v17 =	vmul.f32 v10, v10  }
0xca: {  	v18 =	vld.idx.msk [tilespmem:v3+s2+$0x10 ss:$0x1], $0xffff;
	v11 =	vadd.f32 v11, v20;
	v19 =	vadd.f32 v21, v19;
	v20 =	vmul.f32 v12, v12  }
0xcb: {  	v21 =	vld.idx.msk [tilespmem:v3+s2+$0x90 ss:$0x1], $0xffff;
	v8 =	vadd.f32 v10, v8;
	v10 =	vadd.f32 v17, v16;
	v16 =	vmul.f32 v13, v13  }
0xcc: {  	v17 =	vld.idx.msk [tilespmem:v3+s2+$0x20 ss:$0x1], $0xffff;
	v11 =	vadd.f32 v12, v11;
	v12 =	vadd.f32 v20, v19;
	v19 =	vmul.f32 v9, v9  }
0xcd: {  	v20 =	vld.idx.msk [tilespmem:v3+s2+$0xA0 ss:$0x1], $0xffff;
	v8 =	vadd.f32 v13, v8;
	v10 =	vadd.f32 v16, v10;
	v13 =	vmul.f32 v14, v14  }
0xce: {  	v16 =	vmul.f32 v15, v15;
	v23 =	vld.idx.msk [tilespmem:v3+s2+$0x30 ss:$0x1], $0xffff;
	v9 =	vadd.f32 v9, v11;
	v11 =	vadd.f32 v19, v12  }
0xcf: {  	v12 =	vmul.f32 v22, v22;
	v19 =	vld.idx.msk [tilespmem:v3+s2+$0xB0 ss:$0x1], $0xffff;
	v8 =	vadd.f32 v14, v8;
	v10 =	vadd.f32 v13, v10  }
0xd0: {  	v4 =	vadd.f32 v15, v4;
	v7 =	vadd.f32 v16, v7;
	v13 =	vmul.f32 v18, v18;
	v14 =	vld.idx.msk [tilespmem:v3+s2+$0x40 ss:$0x1], $0xffff  }
0xd1: {  	v6 =	vadd.f32 v22, v6;
	v5 =	vadd.f32 v12, v5;
	v12 =	vmul.f32 v21, v21;
	v15 =	vld.idx.msk [tilespmem:v3+s2+$0xC0 ss:$0x1], $0xffff  }
0xd2: {  	v4 =	vadd.f32 v18, v4;
	v7 =	vadd.f32 v13, v7;
	v13 =	vmul.f32 v17, v17;
	v16 =	vld.idx.msk [tilespmem:v3+s2+$0x50 ss:$0x1], $0xffff  }
0xd3: {  	v6 =	vadd.f32 v21, v6;
	v5 =	vadd.f32 v12, v5;
	v12 =	vmul.f32 v20, v20;
	v18 =	vld.idx.msk [tilespmem:v3+s2+$0xD0 ss:$0x1], $0xffff  }
0xd4: {  	v4 =	vadd.f32 v17, v4;
	v7 =	vadd.f32 v13, v7;
	v13 =	vmul.f32 v23, v23;
	v17 =	vld.idx.msk [tilespmem:v3+s2+$0x60 ss:$0x1], $0xffff  }
0xd5: {  	v6 =	vadd.f32 v20, v6;
	v5 =	vadd.f32 v12, v5;
	v12 =	vmul.f32 v19, v19;
	v20 =	vld.idx.msk [tilespmem:v3+s2+$0xE0 ss:$0x1], $0xffff  }
0xd6: {  	v4 =	vadd.f32 v23, v4;
	v7 =	vadd.f32 v13, v7;
	v13 =	vmul.f32 v14, v14;
	v21 =	vld.idx.msk [tilespmem:v3+s2+$0x70 ss:$0x1], $0xffff  }
0xd7: {  	v6 =	vadd.f32 v19, v6;
	v5 =	vadd.f32 v12, v5;
	v12 =	vmul.f32 v15, v15;
	v19 =	vld.idx.msk [tilespmem:v3+s2+$0xF0 ss:$0x1], $0xffff;
	s2 =	sshra.s32 s3, $0x2  }
0xd8: {  	v4 =	vadd.f32 v14, v4;
	v7 =	vadd.f32 v13, v7;
	v13 =	vmul.f32 v16, v16;
	v22 =	vld.idx.msk [tilespmem:v3+s2+$0xFFFFFF00 ss:$0x1], $0xffff  }
0xd9: {  	v6 =	vadd.f32 v15, v6;
	v5 =	vadd.f32 v12, v5;
	v12 =	vmul.f32 v18, v18;
	v14 =	vld.idx.msk [tilespmem:v3+s2+$0xFFFFFF80 ss:$0x1], $0xffff  }
0xda: {  	v4 =	vadd.f32 v16, v4;
	v7 =	vadd.f32 v13, v7;
	v13 =	vmul.f32 v17, v17;
	v15 =	vld.idx.msk [tilespmem:v3+s2+$0xFFFFFF10 ss:$0x1], $0xffff  }
0xdb: {  	v6 =	vadd.f32 v18, v6;
	v5 =	vadd.f32 v12, v5;
	v12 =	vmul.f32 v20, v20;
	v16 =	vld.idx.msk [tilespmem:v3+s2+$0xFFFFFF90 ss:$0x1], $0xffff  }
0xdc: {  	v4 =	vadd.f32 v17, v4;
	v7 =	vadd.f32 v13, v7;
	v13 =	vmul.f32 v21, v21;
	v18 =	vld.idx.msk [tilespmem:v3+s2+$0xFFFFFF20 ss:$0x1], $0xffff  }
0xdd: {  	v6 =	vadd.f32 v20, v6;
	v5 =	vadd.f32 v12, v5;
	v12 =	vmul.f32 v19, v19;
	v17 =	vld.idx.msk [tilespmem:v3+s2+$0xFFFFFFA0 ss:$0x1], $0xffff  }
0xde: {  	v4 =	vadd.f32 v21, v4;
	v20 =	vmul.f32 v22, v22;
	v7 =	vadd.f32 v13, v7;
	v23 =	vld.idx.msk [tilespmem:v3+s2+$0xFFFFFF30 ss:$0x1], $0xffff  }
0xdf: {  	v6 =	vadd.f32 v19, v6;
	v13 =	vmul.f32 v14, v14;
	v5 =	vadd.f32 v12, v5;
	v21 =	vld.idx.msk [tilespmem:v3+s2+$0xFFFFFFB0 ss:$0x1], $0xffff  }
0xe0: {  	v9 =	vadd.f32 v22, v9;
	v11 =	vadd.f32 v20, v11;
	v12 =	vmul.f32 v15, v15;
	v19 =	vld.idx.msk [tilespmem:v3+s2+$0xFFFFFF40 ss:$0x1], $0xffff  }
0xe1: {  	v14 =	vadd.f32 v14, v8;
	v10 =	vadd.f32 v13, v10;
	v13 =	vmul.f32 v16, v16;
	v8 =	vld.idx.msk [tilespmem:v3+s2+$0xFFFFFFC0 ss:$0x1], $0xffff  }
0xe2: {  	v9 =	vadd.f32 v15, v9;
	v12 =	vadd.f32 v12, v11;
	v15 =	vmul.f32 v18, v18;
	v11 =	vld.idx.msk [tilespmem:v3+s2+$0xFFFFFF50 ss:$0x1], $0xffff  }
0xe3: {  	v14 =	vadd.f32 v16, v14;
	v13 =	vadd.f32 v13, v10;
	v16 =	vmul.f32 v17, v17;
	v10 =	vld.idx.msk [tilespmem:v3+s2+$0xFFFFFFD0 ss:$0x1], $0xffff  }
.Ltmp8:
0xe4: {  	v9 =	vadd.f32 v18, v9;
	v15 =	vadd.f32 v15, v12;
	v18 =	vmul.f32 v23, v23;
	v12 =	vld.idx.msk [tilespmem:v3+s2+$0xFFFFFF60 ss:$0x1], $0xffff;
	(pc) =	sbr.rel @p3 .LBB2_8-.Ltmp8, $4  }
0xe5: {  	v14 =	vadd.f32 v17, v14;
	v17 =	vadd.f32 v16, v13;
	v20 =	vmul.f32 v21, v21;
	v13 =	vld.idx.msk [tilespmem:v3+s2+$0xFFFFFFE0 ss:$0x1], $0xffff  }
0xe6: {  	v22 =	vadd.f32 v23, v9;
	v23 =	vadd.f32 v18, v15;
	v24 =	vmul.f32 v19, v19;
	v9 =	vld.idx.msk [tilespmem:v3+s2+$0xFFFFFF70 ss:$0x1], $0xffff  }
0xe7: {  	v16 =	vadd.f32 v21, v14;
	v17 =	vadd.f32 v20, v17;
	v18 =	vmul.f32 v8, v8;
	v14 =	vld.idx.msk [tilespmem:v3+s2+$0xFFFFFFF0 ss:$0x1], $0xffff  }
0xe8: {  	s3 =	sadd.s32 $0x1000, s3;
	v20 =	vadd.f32 v19, v22;
	v19 =	vadd.f32 v24, v23;
	v21 =	vmul.f32 v11, v11;
	v15 =	vld.idx.msk [tilespmem:v3+s2+$0x0 ss:$0x1], $0xffff  }
0xe9: {  	_ =	sdelay $0x2  }
0xea: {  	v8 =	vadd.f32 v8, v16;
	v24 =	vadd.f32 v18, v17;
	v25 =	vmul.f32 v10, v10  }
0xeb: {  	v26 =	vld.idx.msk [tilespmem:v3+s2+$0x80 ss:$0x1], $0xffff;
	v27 =	vmul.f32 v12, v12;
	v11 =	vadd.f32 v11, v20;
	v19 =	vadd.f32 v21, v19  }
0xec: {  	v28 =	vmul.f32 v13, v13;
	v8 =	vadd.f32 v10, v8;
	v10 =	vld.idx.msk [tilespmem:v3+s2+$0x10 ss:$0x1], $0xffff;
	v16 =	vadd.f32 v25, v24  }
0xed: {  	v29 =	vld.idx.msk [tilespmem:v3+s2+$0x90 ss:$0x1], $0xffff;
	v30 =	vmul.f32 v9, v9;
	v11 =	vadd.f32 v12, v11;
	v19 =	vadd.f32 v27, v19  }
0xee: {  	v31 =	vld.idx.msk [tilespmem:v3+s2+$0x20 ss:$0x1], $0xffff;
	v32 =	vmul.f32 v14, v14;
	v8 =	vadd.f32 v13, v8;
	v16 =	vadd.f32 v28, v16  }
0xef: {  	v34 =	vld.idx.msk [tilespmem:v3+s2+$0x30 ss:$0x1], $0xffff;
	v33 =	vmul.f32 v15, v15;
	v4 =	vadd.f32 v15, v4;
	v9 =	vadd.f32 v9, v11  }
0xf0: {  	v11 =	vld.idx.msk [tilespmem:v3+s2+$0xA0 ss:$0x1], $0xffff;
	v19 =	vadd.f32 v30, v19;
	v35 =	vmul.f32 v26, v26;
	v6 =	vadd.f32 v26, v6  }
0xf1: {  	v36 =	vld.idx.msk [tilespmem:v3+s2+$0xB0 ss:$0x1], $0xffff;
	v8 =	vadd.f32 v14, v8;
	v7 =	vadd.f32 v33, v7;
	v37 =	vmul.f32 v10, v10  }
0xf2: {  	v38 =	vld.idx.msk [tilespmem:v3+s2+$0x40 ss:$0x1], $0xffff;
	v39 =	vmul.f32 v29, v29;
	v16 =	vadd.f32 v32, v16;
	v4 =	vadd.f32 v10, v4  }
0xf3: {  	v41 =	vld.idx.msk [tilespmem:v3+s2+$0x50 ss:$0x1], $0xffff;
	v40 =	vmul.f32 v31, v31;
	v5 =	vadd.f32 v35, v5;
	v7 =	vadd.f32 v37, v7  }
0xf4: {  	v44 =	vmul.f32 v34, v34;
	v10 =	vld.idx.msk [tilespmem:v3+s2+$0xC0 ss:$0x1], $0xffff;
	v6 =	vadd.f32 v29, v6;
	v4 =	vadd.f32 v31, v4  }
0xf5: {  	v43 =	vld.idx.msk [tilespmem:v3+s2+$0xD0 ss:$0x1], $0xffff;
	v5 =	vadd.f32 v39, v5;
	v42 =	vmul.f32 v11, v11;
	v7 =	vadd.f32 v40, v7  }
0xf6: {  	v45 =	vmul.f32 v36, v36;
	v6 =	vadd.f32 v11, v6;
	v11 =	vld.idx.msk [tilespmem:v3+s2+$0x60 ss:$0x1], $0xffff;
	v4 =	vadd.f32 v34, v4  }
0xf7: {  	v46 =	vmul.f32 v38, v38;
	v5 =	vadd.f32 v42, v5;
	v7 =	vadd.f32 v44, v7  }
0xf8: {  	v47 =	vld.idx.msk [tilespmem:v3+s2+$0x70 ss:$0x1], $0xffff;
	v50 =	vmul.f32 v41, v41;
	v6 =	vadd.f32 v36, v6;
	v4 =	vadd.f32 v38, v4  }
0xf9: {  	v49 =	vld.idx.msk [tilespmem:v3+s2+$0xE0 ss:$0x1], $0xffff;
	v48 =	vmul.f32 v10, v10;
	v5 =	vadd.f32 v45, v5;
	v7 =	vadd.f32 v46, v7  }
0xfa: {  	(xrf2) =	vadd.scan.msk.f32 $0xffff, v9;
	v6 =	vadd.f32 v10, v6;
	v10 =	vmul.f32 v43, v43;
	v4 =	vadd.f32 v41, v4  }
0xfb: {  	v3 =	vld.idx.msk [tilespmem:v3+s2+$0xF0 ss:$0x1], $0xffff;
	v51 =	vmul.f32 v11, v11;
	v5 =	vadd.f32 v48, v5;
	v7 =	vadd.f32 v50, v7  }
0xfc: {  	(xrf2) =	vadd.scan.msk.f32 $0xffff, v19;
	v6 =	vadd.f32 v43, v6;
	v4 =	vadd.f32 v11, v4  }
0xfd: {  	v9 =	vmul.f32 v47, v47;
	(xrf2) =	vadd.scan.msk.f32 $0xffff, v8;
	v5 =	vadd.f32 v10, v5;
	v7 =	vadd.f32 v51, v7  }
0xfe: {  	v10 =	vmul.f32 v49, v49;
	v6 =	vadd.f32 v49, v6;
	v4 =	vadd.f32 v47, v4  }
0xff: {  	(xrf2) =	vadd.scan.msk.f32 $0xffff, v16;
	v7 =	vadd.f32 v9, v7  }
0x100: {  	v8 =	vmul.f32 v3, v3;
	v5 =	vadd.f32 v10, v5;
	v3 =	vadd.f32 v3, v6;
	(xrf2) =	vadd.scan.msk.f32 $0xffff, v4  }
0x101: {  	(xrf2) =	vadd.scan.msk.f32 $0xffff, v7  }
0x102: {  	v4 =	vadd.f32 v8, v5;
	(xrf2) =	vadd.scan.msk.f32 $0xffff, v3;
	_ =	sdelay $0x1  }
0x103: {  	(xrf2) =	vadd.scan.msk.f32 $0xffff, v4  }
0x104: {  	v3, _, _ =	vpop (xrf2)  }
0x105: {  	v3 =	vmul.f32 $1.302083370e-03, v3;
	v4, _, _ =	vpop (xrf2)  }
0x106: {  	v5, _, _ =	vpop (xrf2)  }
0x107: {  	v7 =	vmul.f32 v3, v3;
	v5 =	vmul.f32 $1.302083370e-03, v5  }
0x108: {  	v6, _, _ =	vpop (xrf2)  }
0x109: {  	v4 =	vmul.f32 $1.302083370e-03, v4;
	v10 =	vmul.f32 v5, v5;
	v8, _, _ =	vpop (xrf2)  }
0x10a: {  	v9, _, _ =	vpop (xrf2)  }
0x10b: {  	v4 =	vsub.f32 v4, v7;
	v6 =	vmul.f32 $1.302083370e-03, v6;
	v11 =	vmul.f32 $1.302083370e-03, v8;
	v7, _, _ =	vpop (xrf2)  }
0x10c: {  	v7 =	vmul.f32 $1.302083370e-03, v7  }
0x10d: {  	v6 =	vsub.f32 v6, v10;
	v8 =	vmul.f32 $1.302083370e-03, v9;
	v9 =	vmul.f32 v11, v11;
	v10, _, _ =	vpop (xrf2)  }
0x10e: {  	v10 =	vmul.f32 $1.302083370e-03, v10;
	v52 =	vmul.f32 v7, v7  }
0x10f: {  	v4 =	vadd.f32 $9.999999960e-13, v4;
	v6 =	vadd.f32 $9.999999960e-13, v6  }
0x110: {  	v8 =	vsub.f32 v8, v9;
	v9 =	vsub.f32 v10, v52  }
0x111: {  	v4 =	vbroadcast v4, $0xF;
	v6 =	vbroadcast v6, $0xF  }
0x112: {  	v8 =	vadd.f32 $9.999999960e-13, v8;
	v9 =	vadd.f32 $9.999999960e-13, v9  }
0x113: {  	v53 =	vshra.s32 v6, $0x1;
	v6 =	vmul.f32 $5.000000000e-01, v6;
	v10 =	vshra.s32 v4, $0x1  }
0x114: {  	v4 =	vmul.f32 $5.000000000e-01, v4;
	v12 =	vsub.s32 $0x5F3759DF, v53;
	v9 =	vbroadcast v9, $0xF  }
0x115: {  	v10 =	vsub.s32 $0x5F3759DF, v10;
	v8 =	vbroadcast v8, $0xF;
	v55 =	vmul.f32 v12, v6  }
0x116: {  	v54 =	vmul.f32 v10, v4;
	v57 =	vshra.s32 v9, $0x1;
	v9 =	vmul.f32 $5.000000000e-01, v9  }
0x117: {  	v56 =	vshra.s32 v8, $0x1;
	v8 =	vmul.f32 $5.000000000e-01, v8;
	v16 =	vsub.s32 $0x5F3759DF, v57  }
0x118: {  	v14 =	vmul.f32 v12, v55;
	v15 =	vsub.s32 $0x5F3759DF, v56;
	v59 =	vmul.f32 v16, v9  }
0x119: {  	v13 =	vmul.f32 v10, v54;
	v58 =	vmul.f32 v15, v8  }
0x11a: {  	v14 =	vsub.f32 $1.500000000e+00, v14;
	v18 =	vmul.f32 v16, v59  }
0x11b: {  	v13 =	vsub.f32 $1.500000000e+00, v13;
	v17 =	vmul.f32 v15, v58  }
0x11c: {  	v12 =	vmul.f32 v12, v14;
	v61 =	vsub.f32 $1.500000000e+00, v18  }
0x11d: {  	v10 =	vmul.f32 v10, v13;
	v60 =	vsub.f32 $1.500000000e+00, v17  }
0x11e: {  	v6 =	vmul.f32 v12, v6;
	v14 =	vmul.f32 v16, v61  }
0x11f: {  	v4 =	vmul.f32 v10, v4;
	v13 =	vmul.f32 v15, v60  }
0x120: {  	v6 =	vmul.f32 v6, v12;
	v9 =	vmul.f32 v14, v9  }
0x121: {  	v4 =	vmul.f32 v4, v10;
	v8 =	vmul.f32 v13, v8  }
0x122: {  	v62 =	vsub.f32 $1.500000000e+00, v6;
	v9 =	vmul.f32 v9, v14  }
0x123: {  	v4 =	vsub.f32 $1.500000000e+00, v4;
	v15 =	vmul.f32 v8, v13  }
0x124: {  	v8 =	vbroadcast v3, $0xF;
	v3 =	vmul.f32 v62, v12;
	v63 =	vsub.f32 $1.500000000e+00, v9  }
0x125: {  	v6 =	vmul.f32 v4, v10;
	v10 =	vbroadcast v5, $0xF;
	v4 =	vsub.f32 $1.500000000e+00, v15  }
0x126: {  	v9 =	vbroadcast v7, $0xF;
	v7 =	vmul.f32 v63, v14  }
0x127: {  	p3 =	por $0x1, $0x1;
	p4 =	por $0x0, $0x0;
	s2 =	simm.s32 $0x1;
	v5 =	vbroadcast v11, $0xF;
	v4 =	vmul.f32 v4, v13  }
.LBB2_10:
0x128: {  	s3 =	sshrl.u32 s30, $0x3;
	s4 =	simm.s32 $0x1  }
0x129: {  	s3 =	smul.u32 $0x6000, s3;
	s4 =	simm.s32 @!p4 $0x0  }
0x12a: {  	s4 =	sshll.u32 s4, $0xB  }
0x12b: {  	s3 =	sor.u32 s4, s3  }
0x12c: {  	s3 =	sshra.s32 s3, $0x2  }
0x12d: {  	s12 =	sor.u32 $0x500, s3  }
0x12e: {  	v11 =	vld [tilespmem:s12+$0xFFFFFF80]  }
0x12f: {  	v12 =	vld [tilespmem:s12+$0x0]  }
0x130: {  	v13 =	vld [tilespmem:s12+$0xFFFFFF00]  }
0x131: {  	s14 =	sshrl.u32 s1, $0x3;
	s8 =	simm.s32 $0x1;
	s3 =	simm.s32 $0x0;
	v14 =	vld [tilespmem:s12+$0x80]  }
0x132: {  	s8 =	simm.s32 @!p3 $0x0;
	s4 =	smul.u32 $0x6000, s14;
	v15 =	vld [tilespmem:s3+$0x18400]  }
0x133: {  	s8 =	sshll.u32 s8, $0xB;
	v11 =	vsub.f32 v11, v10  }
0x134: {  	s4 =	sor.u32 s8, s4;
	v16 =	vld [tilespmem:s3+$0x18700];
	v12 =	vsub.f32 v12, v5  }
0x135: {  	s4 =	sshra.s32 s4, $0x2;
	v13 =	vsub.f32 v13, v8;
	v11 =	vmul.f32 v11, v3  }
0x136: {  	v18 =	vld [tilespmem:s12+$0xFFFFFF90];
	s11 =	sor.u32 $0x500, s4;
	v14 =	vsub.f32 v14, v9;
	v12 =	vmul.f32 v12, v4  }
0x137: {  	v20 =	vld [tilespmem:s11+$0xFFFFFF00];
	v13 =	vmul.f32 v13, v6;
	v11 =	vmul.f32 v11, v15  }
0x138: {  	v19 =	vld [tilespmem:s11+$0x80];
	v14 =	vmul.f32 v14, v7;
	v12 =	vmul.f32 v12, v15  }
0x139: {  	v22 =	vld [tilespmem:s11+$0x0];
	v13 =	vmul.f32 v13, v15;
	v11 =	vadd.f32 v11, v16  }
0x13a: {  	v23 =	vld [tilespmem:s11+$0xFFFFFF80];
	v14 =	vmul.f32 v14, v15;
	v12 =	vadd.f32 v12, v16  }
0x13b: {  	v13 =	vadd.f32 v13, v16;
	[tilespmem:s12+$0xFFFFFF80] =	vst v11;
	v11 =	vld [tilespmem:s12+$0xFFFFFF10]  }
0x13c: {  	v14 =	vadd.f32 v14, v16;
	[tilespmem:s12+$0x0] =	vst v12;
	v12 =	vld [tilespmem:s12+$0x90]  }
0x13d: {  	[tilespmem:s12+$0xFFFFFF00] =	vst v13;
	v13 =	vld [tilespmem:s12+$0x10]  }
0x13e: {  	[tilespmem:s12+$0x80] =	vst v14  }
0x13f: {  	v14 =	vld [tilespmem:s3+$0x18410]  }
0x140: {  	v11 =	vsub.f32 v11, v8  }
0x141: {  	v16 =	vsub.f32 v18, v10;
	v15 =	vld [tilespmem:s3+$0x18710];
	v12 =	vsub.f32 v12, v9  }
0x142: {  	v13 =	vsub.f32 v13, v5;
	v11 =	vmul.f32 v11, v6  }
0x143: {  	v16 =	vmul.f32 v16, v3;
	v28 =	vld [tilespmem:s11+$0xFFFFFF10];
	v12 =	vmul.f32 v12, v7  }
0x144: {  	v25 =	vld [tilespmem:s11+$0xFFFFFF90];
	v13 =	vmul.f32 v13, v4;
	v11 =	vmul.f32 v11, v14  }
0x145: {  	v24 =	vld [tilespmem:s11+$0x10];
	v12 =	vmul.f32 v12, v14  }
0x146: {  	v26 =	vld [tilespmem:s11+$0x90];
	v16 =	vmul.f32 v16, v14;
	v13 =	vmul.f32 v13, v14;
	v11 =	vadd.f32 v11, v15  }
0x147: {  	v14 =	vld [tilespmem:s12+$0xA0];
	v12 =	vadd.f32 v12, v15  }
0x148: {  	v13 =	vadd.f32 v13, v15;
	[tilespmem:s12+$0xFFFFFF10] =	vst v11;
	v11 =	vadd.f32 v16, v15;
	v16 =	vld [tilespmem:s12+$0xFFFFFF20]  }
0x149: {  	v15 =	vld [tilespmem:s12+$0xFFFFFFA0];
	[tilespmem:s12+$0x90] =	vst v12  }
0x14a: {  	v12 =	vld [tilespmem:s12+$0x20];
	[tilespmem:s12+$0x10] =	vst v13  }
0x14b: {  	[tilespmem:s12+$0xFFFFFF90] =	vst v11  }
0x14c: {  	v11 =	vld [tilespmem:s3+$0x18420]  }
0x14d: {  	v13 =	vsub.f32 v16, v8  }
0x14e: {  	v14 =	vsub.f32 v14, v9;
	v16 =	vld [tilespmem:s3+$0x18720];
	v15 =	vsub.f32 v15, v10  }
0x14f: {  	v12 =	vsub.f32 v12, v5;
	v13 =	vmul.f32 v13, v6  }
0x150: {  	v18 =	vld [tilespmem:s12+$0xB0];
	v14 =	vmul.f32 v14, v7;
	v15 =	vmul.f32 v15, v3  }
0x151: {  	v30 =	vld [tilespmem:s11+$0xFFFFFF20];
	v12 =	vmul.f32 v12, v4;
	v13 =	vmul.f32 v13, v11  }
0x152: {  	v27 =	vld [tilespmem:s11+$0xFFFFFFA0];
	v15 =	vmul.f32 v15, v11  }
0x153: {  	v31 =	vld [tilespmem:s11+$0x20];
	v14 =	vmul.f32 v14, v11;
	v11 =	vmul.f32 v12, v11;
	v13 =	vadd.f32 v13, v16  }
0x154: {  	v29 =	vld [tilespmem:s11+$0xA0];
	v12 =	vadd.f32 v15, v16  }
0x155: {  	v11 =	vadd.f32 v11, v16;
	[tilespmem:s12+$0xFFFFFF20] =	vst v13;
	v13 =	vadd.f32 v14, v16;
	v14 =	vld [tilespmem:s12+$0xFFFFFF30]  }
0x156: {  	[tilespmem:s12+$0xFFFFFFA0] =	vst v12;
	v12 =	vld [tilespmem:s12+$0x30]  }
0x157: {  	v15 =	vld [tilespmem:s12+$0xFFFFFFB0];
	[tilespmem:s12+$0x20] =	vst v11  }
0x158: {  	[tilespmem:s12+$0xA0] =	vst v13  }
0x159: {  	v11 =	vld [tilespmem:s3+$0x18430]  }
0x15a: {  	v13 =	vsub.f32 v14, v8  }
0x15b: {  	v18 =	vsub.f32 v18, v9;
	v16 =	vld [tilespmem:s3+$0x18730];
	v12 =	vsub.f32 v12, v5  }
0x15c: {  	v21 =	vsub.f32 v15, v10;
	v13 =	vmul.f32 v13, v6  }
0x15d: {  	v17 =	vld [tilespmem:s12+$0xFFFFFFF0];
	v18 =	vmul.f32 v18, v7;
	v12 =	vmul.f32 v12, v4  }
0x15e: {  	v15 =	vld [tilespmem:s11+$0xFFFFFF30];
	v21 =	vmul.f32 v21, v3;
	v13 =	vmul.f32 v13, v11  }
0x15f: {  	v33 =	vld [tilespmem:s11+$0xB0];
	v32 =	vmul.f32 v12, v11  }
0x160: {  	v14 =	vld [tilespmem:s11+$0xFFFFFFB0];
	v21 =	vmul.f32 v21, v11;
	v11 =	vmul.f32 v18, v11;
	v13 =	vadd.f32 v13, v16  }
0x161: {  	v12 =	vld [tilespmem:s11+$0x30];
	v32 =	vadd.f32 v32, v16  }
0x162: {  	v18 =	vld [tilespmem:s12+$0xFFFFFFC0];
	v11 =	vadd.f32 v11, v16;
	[tilespmem:s12+$0xFFFFFF30] =	vst v13  }
0x163: {  	v60 =	vld [tilespmem:s12+$0xC0];
	v13 =	vadd.f32 v21, v16;
	[tilespmem:s12+$0x30] =	vst v32  }
0x164: {  	v21 =	vld [tilespmem:s12+$0xFFFFFF40];
	[tilespmem:s12+$0xB0] =	vst v11  }
0x165: {  	v16 =	vld [tilespmem:s12+$0x40];
	[tilespmem:s12+$0xFFFFFFB0] =	vst v13  }
0x166: {  	v35 =	vimm.f32 $0.0e+00;
	v36 =	vmul.f32 v20, v20;
	v38 =	vmul.f32 v19, v19;
	v34 =	vld [tilespmem:s3+$0x18440]  }
0x167: {  	v63 =	vld [tilespmem:s12+$0x50];
	v39 =	vmul.f32 v22, v22;
	v11 =	vsub.f32 v17, v10;
	v17 =	vsub.f32 v18, v10  }
0x168: {  	v40 =	vmul.f32 v23, v23;
	v19 =	vadd.f32 v19, v35;
	v32 =	vsub.f32 v60, v9;
	v37 =	vld [tilespmem:s3+$0x18740]  }
0x169: {  	v23 =	vadd.f32 v23, v35;
	v17 =	vmul.f32 v17, v3;
	v13 =	vsub.f32 v21, v8  }
0x16a: {  	v44 =	vld [tilespmem:s12+$0xD0];
	v43 =	vmul.f32 v25, v25;
	v32 =	vmul.f32 v32, v7;
	v16 =	vsub.f32 v16, v5  }
0x16b: {  	v23 =	vadd.f32 v25, v23;
	v25 =	vld [tilespmem:s12+$0xFFFFFF50];
	v13 =	vmul.f32 v13, v6;
	v17 =	vmul.f32 v17, v34  }
0x16c: {  	v52 =	vadd.f32 v22, v35;
	v21 =	vld [tilespmem:s11+$0xFFFFFF40];
	v18 =	vmul.f32 v16, v4;
	v32 =	vmul.f32 v32, v34  }
0x16d: {  	v22 =	vsub.f32 v63, v5;
	v16 =	vld [tilespmem:s11+$0xFFFFFFC0];
	v41 =	vmul.f32 v13, v34;
	v17 =	vadd.f32 v17, v37  }
0x16e: {  	v20 =	vadd.f32 v20, v35;
	v13 =	vld [tilespmem:s11+$0x40];
	v42 =	vmul.f32 v18, v34;
	v32 =	vadd.f32 v32, v37  }
0x16f: {  	v51 =	vadd.f32 v40, v35;
	v18 =	vld [tilespmem:s11+$0xC0];
	v41 =	vadd.f32 v41, v37;
	[tilespmem:s12+$0xFFFFFFC0] =	vst v17  }
0x170: {  	v61 =	vld [tilespmem:s12+$0xFFFFFFD0];
	v36 =	vadd.f32 v36, v35;
	v42 =	vadd.f32 v42, v37;
	[tilespmem:s12+$0xC0] =	vst v32  }
0x171: {  	v47 =	vmul.f32 v22, v4;
	v38 =	vadd.f32 v38, v35;
	v19 =	vadd.f32 v26, v19;
	[tilespmem:s12+$0xFFFFFF40] =	vst v41  }
0x172: {  	v45 =	vmul.f32 v24, v24;
	v62 =	vmul.f32 v26, v26;
	v25 =	vsub.f32 v25, v8;
	[tilespmem:s12+$0x40] =	vst v42  }
0x173: {  	v53 =	vmul.f32 v28, v28;
	v63 =	vadd.f32 v24, v52;
	v26 =	vadd.f32 v29, v19;
	v56 =	vld [tilespmem:s3+$0x18450]  }
0x174: {  	v59 =	vmul.f32 v25, v6;
	v19 =	vadd.f32 v27, v23;
	v23 =	vsub.f32 v44, v9  }
0x175: {  	v46 =	vmul.f32 v27, v27;
	v49 =	vmul.f32 v31, v31;
	v34 =	vsub.f32 v61, v10;
	v57 =	vld [tilespmem:s3+$0x18750]  }
0x176: {  	v50 =	vmul.f32 v29, v29;
	v58 =	vmul.f32 v23, v7;
	v23 =	vadd.f32 v39, v35  }
0x177: {  	v36 =	vadd.f32 v53, v36;
	v27 =	vmul.f32 v15, v15;
	v61 =	vld [tilespmem:s12+$0xE0];
	v34 =	vmul.f32 v34, v3  }
0x178: {  	v45 =	vadd.f32 v45, v23;
	v48 =	vmul.f32 v33, v33;
	v39 =	vmul.f32 v59, v56  }
0x179: {  	v29 =	vmul.f32 v12, v12;
	v17 =	vadd.f32 v33, v26;
	v25 =	vld [tilespmem:s11+$0xFFFFFFD0];
	v34 =	vmul.f32 v34, v56  }
0x17a: {  	v32 =	vmul.f32 v14, v14;
	v23 =	vld [tilespmem:s11+$0xD0];
	v37 =	vmul.f32 v58, v56;
	v39 =	vadd.f32 v39, v57  }
0x17b: {  	v33 =	vadd.f32 v49, v45;
	v22 =	vld [tilespmem:s11+$0x50];
	v60 =	vmul.f32 v47, v56;
	v34 =	vadd.f32 v34, v57  }
0x17c: {  	v42 =	vmul.f32 v30, v30;
	v26 =	vld [tilespmem:s11+$0xFFFFFF50];
	v49 =	vsub.f32 v61, v9;
	v55 =	vadd.f32 v37, v57;
	[tilespmem:s12+$0xFFFFFF50] =	vst v39  }
0x17d: {  	v45 =	vmul.f32 v13, v13;
	v56 =	vadd.f32 v28, v20;
	v54 =	vadd.f32 v60, v57;
	v37 =	vld [tilespmem:s12+$0xFFFFFF60];
	[tilespmem:s12+$0xFFFFFFD0] =	vst v34  }
0x17e: {  	v40 =	vld [tilespmem:s12+$0x60];
	v47 =	vmul.f32 v16, v16;
	v28 =	vadd.f32 v62, v38;
	v62 =	vadd.f32 v43, v51;
	[tilespmem:s12+$0xD0] =	vst v55  }
0x17f: {  	v35 =	vld [tilespmem:s12+$0xFFFFFFE0];
	v36 =	vadd.f32 v42, v36;
	v20 =	vmul.f32 v25, v25;
	v24 =	vmul.f32 v23, v23;
	[tilespmem:s12+$0x50] =	vst v54  }
0x180: {  	v43 =	vadd.f32 v50, v28;
	v28 =	vmul.f32 v22, v22;
	v42 =	vadd.f32 v46, v62;
	v34 =	vld [tilespmem:s3+$0x18460]  }
0x181: {  	s8 =	simm.s32 $0x200;
	s14 =	smov.u32 s12;
	s4 =	smov.u32 s11;
	v38 =	vadd.f32 v30, v56;
	v30 =	vadd.f32 v31, v63;
	v39 =	vmul.f32 v18, v18;
	v31 =	vld [tilespmem:s3+$0x18760]  }
.LBB2_11:
0x182: {  	p5 =	sne.s32 s8, $0xA00;
	v41 =	vadd.f32 v48, v43;
	v43 =	vld [tilespmem:s11+$0xFFFFFF60];
	v37 =	vsub.f32 v37, v8;
	v44 =	vmul.f32 v49, v7;
	s4 =	sadd.s32 $0x400, s4;
	s12 =	sadd.s32 $0x400, s12  }
0x183: {  	v40 =	vsub.f32 v40, v5;
	s13 =	smov.u32 s8;
	s8 =	sadd.s32 $0x200, s8;
	v15 =	vadd.f32 v15, v38;
	v38 =	vmul.f32 v21, v21;
	v46 =	vld [tilespmem:s11+$0xFFFFFFE0]  }
0x184: {  	v14 =	vadd.f32 v14, v19;
	v19 =	vadd.f32 v32, v42;
	v32 =	vld [tilespmem:s11+$0x60];
	v37 =	vmul.f32 v37, v6  }
0x185: {  	v27 =	vadd.f32 v27, v36;
	v40 =	vmul.f32 v40, v4;
	v36 =	vld [tilespmem:s11+$0xE0];
	v42 =	vmul.f32 v44, v34  }
0x186: {  	v29 =	vadd.f32 v29, v33;
	v35 =	vsub.f32 v35, v10;
	v44 =	vld [tilespmem:s12+$0xFFFFFFF0];
	v33 =	vmul.f32 v37, v34  }
0x187: {  	v19 =	vadd.f32 v47, v19;
	v15 =	vadd.f32 v21, v15;
	v21 =	vmul.f32 v43, v43  }
0x188: {  	v40 =	vmul.f32 v40, v34;
	v37 =	vmul.f32 v46, v46;
	v33 =	vadd.f32 v33, v31  }
0x189: {  	v29 =	vadd.f32 v45, v29;
	v15 =	vadd.f32 v26, v15;
	v45 =	vmul.f32 v32, v32  }
0x18a: {  	v14 =	vadd.f32 v16, v14;
	v16 =	vmul.f32 v36, v36;
	[tilespmem:s14+$0xFFFFFF60] =	vst v33;
	v33 =	vadd.f32 v40, v31;
	v40 =	vld [tilespmem:s14+$0xFFFFFF70]  }
0x18b: {  	v35 =	vmul.f32 v35, v3;
	v27 =	vadd.f32 v38, v27;
	v38 =	vadd.f32 v42, v31;
	v42 =	vld [tilespmem:s14+$0xF0]  }
0x18c: {  	v17 =	vadd.f32 v18, v17;
	v18 =	vmul.f32 v26, v26;
	v14 =	vadd.f32 v25, v14;
	v25 =	vld [tilespmem:s14+$0x70]  }
0x18d: {  	v12 =	vadd.f32 v12, v30;
	v30 =	vmul.f32 v35, v34;
	v26 =	vadd.f32 v39, v41;
	[tilespmem:s14+$0x60] =	vst v33  }
0x18e: {  	v18 =	vadd.f32 v18, v27;
	v27 =	vadd.f32 v28, v29;
	[tilespmem:s14+$0xE0] =	vst v38  }
0x18f: {  	v19 =	vadd.f32 v20, v19;
	v20 =	vadd.f32 v30, v31  }
0x190: {  	v12 =	vadd.f32 v13, v12;
	v13 =	vsub.f32 v40, v8  }
0x191: {  	v17 =	vadd.f32 v23, v17;
	v23 =	vadd.f32 v24, v26;
	[tilespmem:s14+$0xFFFFFFE0] =	vst v20  }
0x192: {  	v12 =	vadd.f32 v22, v12;
	v22 =	vsub.f32 v42, v9;
	v13 =	vmul.f32 v13, v6;
	v20 =	vld [tilespmem:s3+$0x18470]  }
0x193: {  	v19 =	vadd.f32 v37, v19;
	v25 =	vsub.f32 v25, v5;
	v24 =	vld [tilespmem:s3+$0x18770]  }
0x194: {  	v18 =	vadd.f32 v21, v18;
	v21 =	vadd.f32 v32, v12;
	v12 =	vmul.f32 v22, v7;
	v28 =	vld [tilespmem:s11+$0xFFFFFF70]  }
0x195: {  	v15 =	vadd.f32 v43, v15;
	v17 =	vadd.f32 v36, v17;
	v25 =	vmul.f32 v25, v4;
	v22 =	vld [tilespmem:s11+$0xFFFFFFF0]  }
0x196: {  	v27 =	vadd.f32 v45, v27;
	v16 =	vadd.f32 v16, v23;
	v23 =	vmul.f32 v11, v3;
	v26 =	vld [tilespmem:s11+$0x70]  }
0x197: {  	v14 =	vadd.f32 v46, v14;
	v29 =	vld [tilespmem:s11+$0xF0];
	v13 =	vmul.f32 v13, v20;
	v25 =	vmul.f32 v25, v20;
	s11 =	smov.u32 s4  }
0x198: {  	v11 =	vsub.f32 v44, v10;
	v23 =	vmul.f32 v23, v20;
	v12 =	vmul.f32 v12, v20  }
0x199: {  	v20 =	vmul.f32 v28, v28;
	v13 =	vadd.f32 v13, v24;
	v30 =	vadd.f32 v25, v24  }
0x19a: {  	v31 =	vadd.f32 v23, v24;
	v24 =	vadd.f32 v12, v24;
	v25 =	vmul.f32 v22, v22  }
0x19b: {  	v12 =	vadd.f32 v22, v14;
	v32 =	vld [tilespmem:s12+$0x80];
	v23 =	vadd.f32 v26, v21;
	v14 =	vmul.f32 v26, v26;
	[tilespmem:s14+$0xFFFFFF70] =	vst v13  }
0x19c: {  	v13 =	vld [tilespmem:s12+$0x0];
	v26 =	vadd.f32 v25, v19;
	v17 =	vadd.f32 v29, v17;
	v19 =	vmul.f32 v29, v29;
	[tilespmem:s14+$0xFFFFFFF0] =	vst v31  }
0x19d: {  	v22 =	vadd.f32 v20, v18;
	v21 =	vld [tilespmem:s12+$0xFFFFFF80];
	v25 =	vadd.f32 v14, v27;
	[tilespmem:s14+$0xF0] =	vst v24  }
0x19e: {  	v24 =	vadd.f32 v28, v15;
	v14 =	vld [tilespmem:s12+$0xFFFFFF00];
	v20 =	vadd.f32 v19, v16;
	[tilespmem:s14+$0x70] =	vst v30;
	s14 =	smov.u32 s12;
	_ =	sdelay $0x1  }
0x19f: {  	s3 =	sshra.s32 s13, $0x2;
	v15 =	vsub.f32 v32, v9  }
0x1a0: {  	v16 =	vld [tilespmem:s3+$0x18400];
	v13 =	vsub.f32 v13, v5  }
0x1a1: {  	v18 =	vsub.f32 v21, v10  }
0x1a2: {  	v19 =	vld [tilespmem:s3+$0x18700];
	v14 =	vsub.f32 v14, v8  }
0x1a3: {  	v13 =	vmul.f32 v13, v4;
	v18 =	vmul.f32 v18, v3;
	v21 =	vld [tilespmem:s12+$0x90]  }
0x1a4: {  	v15 =	vmul.f32 v15, v7;
	v14 =	vmul.f32 v14, v6;
	v27 =	vld [tilespmem:s12+$0xFFFFFF90]  }
0x1a5: {  	v28 =	vld [tilespmem:s4+$0xFFFFFF00];
	v18 =	vmul.f32 v18, v16;
	v13 =	vmul.f32 v13, v16  }
0x1a6: {  	v15 =	vmul.f32 v15, v16;
	v29 =	vld [tilespmem:s4+$0x80];
	v14 =	vmul.f32 v14, v16  }
0x1a7: {  	v34 =	vld [tilespmem:s4+$0x0];
	v16 =	vadd.f32 v18, v19;
	v13 =	vadd.f32 v13, v19  }
0x1a8: {  	v15 =	vadd.f32 v15, v19;
	v18 =	vld [tilespmem:s4+$0xFFFFFF80];
	v14 =	vadd.f32 v14, v19  }
0x1a9: {  	v21 =	vsub.f32 v21, v9;
	[tilespmem:s12+$0xFFFFFF80] =	vst v16;
	v16 =	vld [tilespmem:s12+$0xFFFFFF10];
	v19 =	vsub.f32 v27, v10  }
0x1aa: {  	v35 =	vmul.f32 v28, v28;
	[tilespmem:s12+$0x0] =	vst v13;
	v13 =	vld [tilespmem:s12+$0x10]  }
0x1ab: {  	v17 =	vadd.f32 v29, v17;
	v33 =	vmul.f32 v29, v29;
	[tilespmem:s12+$0xFFFFFF00] =	vst v14  }
0x1ac: {  	v37 =	vmul.f32 v34, v34;
	[tilespmem:s12+$0x80] =	vst v15  }
0x1ad: {  	v42 =	vmul.f32 v18, v18;
	v14 =	vld [tilespmem:s3+$0x18410]  }
0x1ae: {  	v31 =	vld [tilespmem:s4+$0xFFFFFF10];
	v15 =	vsub.f32 v16, v8  }
0x1af: {  	v16 =	vld [tilespmem:s3+$0x18710];
	v13 =	vsub.f32 v13, v5  }
0x1b0: {  	v19 =	vmul.f32 v19, v3;
	v27 =	vld [tilespmem:s4+$0xFFFFFF90];
	v15 =	vmul.f32 v15, v6  }
0x1b1: {  	v21 =	vmul.f32 v21, v7;
	v30 =	vld [tilespmem:s4+$0x10];
	v13 =	vmul.f32 v13, v4  }
0x1b2: {  	v29 =	vld [tilespmem:s4+$0x90];
	v15 =	vmul.f32 v15, v14;
	v19 =	vmul.f32 v19, v14  }
0x1b3: {  	v13 =	vmul.f32 v13, v14;
	v14 =	vmul.f32 v21, v14  }
0x1b4: {  	v15 =	vadd.f32 v15, v16;
	v19 =	vadd.f32 v19, v16;
	v21 =	vld [tilespmem:s12+$0xA0]  }
0x1b5: {  	v36 =	vmul.f32 v27, v27;
	v13 =	vadd.f32 v13, v16;
	v14 =	vadd.f32 v14, v16;
	v16 =	vld [tilespmem:s12+$0xFFFFFFA0]  }
0x1b6: {  	v43 =	vmul.f32 v30, v30;
	[tilespmem:s12+$0xFFFFFF10] =	vst v15;
	v15 =	vld [tilespmem:s12+$0xFFFFFF20]  }
0x1b7: {  	v17 =	vadd.f32 v29, v17;
	v40 =	vmul.f32 v29, v29;
	[tilespmem:s12+$0x90] =	vst v14;
	v14 =	vld [tilespmem:s12+$0x20]  }
0x1b8: {  	[tilespmem:s12+$0xFFFFFF90] =	vst v19  }
0x1b9: {  	[tilespmem:s12+$0x10] =	vst v13;
	v13 =	vsub.f32 v21, v9  }
0x1ba: {  	v19 =	vld [tilespmem:s3+$0x18420];
	v16 =	vsub.f32 v16, v10  }
0x1bb: {  	v38 =	vld [tilespmem:s4+$0xFFFFFF20];
	v15 =	vsub.f32 v15, v8  }
0x1bc: {  	v21 =	vld [tilespmem:s3+$0x18720];
	v14 =	vsub.f32 v14, v5  }
0x1bd: {  	v16 =	vmul.f32 v16, v3;
	v29 =	vld [tilespmem:s4+$0xFFFFFFA0];
	v15 =	vmul.f32 v15, v6  }
0x1be: {  	v12 =	vadd.f32 v18, v12;
	v13 =	vmul.f32 v13, v7;
	v41 =	vld [tilespmem:s4+$0x20];
	v14 =	vmul.f32 v14, v4  }
0x1bf: {  	v18 =	vld [tilespmem:s4+$0xA0];
	v15 =	vmul.f32 v15, v19;
	v16 =	vmul.f32 v16, v19  }
0x1c0: {  	v12 =	vadd.f32 v27, v12;
	v13 =	vmul.f32 v13, v19;
	v14 =	vmul.f32 v14, v19  }
0x1c1: {  	v44 =	vmul.f32 v38, v38;
	v15 =	vadd.f32 v15, v21;
	v16 =	vadd.f32 v16, v21;
	v27 =	vld [tilespmem:s12+$0xB0]  }
0x1c2: {  	v13 =	vadd.f32 v13, v21;
	v46 =	vmul.f32 v29, v29;
	v14 =	vadd.f32 v14, v21;
	v21 =	vld [tilespmem:s12+$0xFFFFFFB0]  }
0x1c3: {  	v19 =	vadd.f32 v29, v12;
	v50 =	vmul.f32 v41, v41;
	[tilespmem:s12+$0xFFFFFF20] =	vst v15;
	v12 =	vld [tilespmem:s12+$0xFFFFFF30]  }
0x1c4: {  	v17 =	vadd.f32 v18, v17;
	v49 =	vmul.f32 v18, v18;
	[tilespmem:s12+$0xFFFFFFA0] =	vst v16;
	v16 =	vld [tilespmem:s12+$0x30]  }
0x1c5: {  	[tilespmem:s12+$0xA0] =	vst v13  }
0x1c6: {  	[tilespmem:s12+$0x20] =	vst v14;
	v13 =	vsub.f32 v27, v9  }
0x1c7: {  	v18 =	vld [tilespmem:s3+$0x18430];
	v21 =	vsub.f32 v21, v10  }
0x1c8: {  	v29 =	vld [tilespmem:s3+$0x18730];
	v12 =	vsub.f32 v12, v8  }
0x1c9: {  	v15 =	vld [tilespmem:s4+$0xFFFFFF30];
	v16 =	vsub.f32 v16, v5  }
0x1ca: {  	v21 =	vmul.f32 v21, v3;
	v14 =	vld [tilespmem:s4+$0xFFFFFFB0];
	v27 =	vmul.f32 v12, v6  }
0x1cb: {  	v13 =	vmul.f32 v13, v7;
	v12 =	vld [tilespmem:s4+$0x30];
	v16 =	vmul.f32 v16, v4  }
0x1cc: {  	v39 =	vld [tilespmem:s4+$0xB0];
	v32 =	vmul.f32 v27, v18;
	v21 =	vmul.f32 v21, v18  }
0x1cd: {  	v13 =	vmul.f32 v13, v18;
	v16 =	vmul.f32 v16, v18  }
0x1ce: {  	v27 =	vmul.f32 v15, v15;
	v18 =	vadd.f32 v32, v29;
	v21 =	vadd.f32 v21, v29;
	v45 =	vld [tilespmem:s12+$0xC0]  }
0x1cf: {  	v13 =	vadd.f32 v13, v29;
	v32 =	vmul.f32 v14, v14;
	v16 =	vadd.f32 v16, v29;
	v47 =	vld [tilespmem:s12+$0xFFFFFFC0]  }
0x1d0: {  	v29 =	vmul.f32 v12, v12;
	[tilespmem:s12+$0xFFFFFF30] =	vst v18;
	v18 =	vld [tilespmem:s12+$0xFFFFFF40]  }
0x1d1: {  	v17 =	vadd.f32 v39, v17;
	v48 =	vmul.f32 v39, v39;
	[tilespmem:s12+$0x30] =	vst v16;
	v16 =	vld [tilespmem:s12+$0x40]  }
0x1d2: {  	[tilespmem:s12+$0xFFFFFFB0] =	vst v21  }
0x1d3: {  	[tilespmem:s12+$0xB0] =	vst v13;
	v39 =	vsub.f32 v45, v9  }
0x1d4: {  	v45 =	vld [tilespmem:s3+$0x18440];
	v13 =	vsub.f32 v47, v10  }
0x1d5: {  	v51 =	vld [tilespmem:s3+$0x18740];
	v18 =	vsub.f32 v18, v8  }
0x1d6: {  	v21 =	vld [tilespmem:s4+$0xFFFFFF40];
	v47 =	vsub.f32 v16, v5  }
0x1d7: {  	v53 =	vmul.f32 v13, v3;
	v16 =	vld [tilespmem:s4+$0xFFFFFFC0];
	v52 =	vmul.f32 v18, v6  }
0x1d8: {  	v39 =	vmul.f32 v39, v7;
	v13 =	vld [tilespmem:s4+$0x40];
	v47 =	vmul.f32 v47, v4  }
0x1d9: {  	v18 =	vld [tilespmem:s4+$0xC0];
	v52 =	vmul.f32 v52, v45;
	v53 =	vmul.f32 v53, v45  }
0x1da: {  	v39 =	vmul.f32 v39, v45;
	v54 =	vmul.f32 v47, v45  }
0x1db: {  	v52 =	vadd.f32 v52, v51;
	v53 =	vadd.f32 v53, v51;
	v55 =	vld [tilespmem:s12+$0xD0]  }
0x1dc: {  	v47 =	vmul.f32 v16, v16;
	v54 =	vadd.f32 v54, v51;
	v51 =	vadd.f32 v39, v51;
	v56 =	vld [tilespmem:s12+$0xFFFFFFD0]  }
0x1dd: {  	v45 =	vmul.f32 v13, v13;
	[tilespmem:s12+$0xFFFFFF40] =	vst v52;
	v52 =	vld [tilespmem:s12+$0xFFFFFF50]  }
0x1de: {  	v39 =	vmul.f32 v18, v18;
	[tilespmem:s12+$0x40] =	vst v54;
	v54 =	vld [tilespmem:s12+$0x50]  }
0x1df: {  	[tilespmem:s12+$0xFFFFFFC0] =	vst v53  }
0x1e0: {  	[tilespmem:s12+$0xC0] =	vst v51;
	v51 =	vsub.f32 v55, v9  }
0x1e1: {  	v53 =	vld [tilespmem:s3+$0x18450];
	v55 =	vsub.f32 v56, v10  }
0x1e2: {  	v42 =	vadd.f32 v42, v26;
	v56 =	vld [tilespmem:s3+$0x18750];
	v52 =	vsub.f32 v52, v8  }
0x1e3: {  	v34 =	vadd.f32 v34, v23;
	v51 =	vmul.f32 v51, v7;
	v26 =	vld [tilespmem:s4+$0xFFFFFF50];
	v23 =	vsub.f32 v54, v5  }
0x1e4: {  	v37 =	vadd.f32 v37, v25;
	v54 =	vmul.f32 v55, v3;
	v25 =	vld [tilespmem:s4+$0xFFFFFFD0];
	v52 =	vmul.f32 v52, v6  }
0x1e5: {  	v24 =	vadd.f32 v28, v24;
	v55 =	vadd.f32 v35, v22;
	v22 =	vld [tilespmem:s4+$0x50];
	v28 =	vmul.f32 v23, v4  }
0x1e6: {  	v35 =	vadd.f32 v43, v37;
	v23 =	vld [tilespmem:s4+$0xD0];
	v37 =	vmul.f32 v52, v53;
	v43 =	vmul.f32 v54, v53  }
0x1e7: {  	v52 =	vadd.f32 v33, v20;
	v33 =	vmul.f32 v51, v53;
	v28 =	vmul.f32 v28, v53  }
0x1e8: {  	v51 =	vmul.f32 v31, v31;
	v53 =	vadd.f32 v37, v56;
	v43 =	vadd.f32 v43, v56;
	v54 =	vld [tilespmem:s12+$0xE0]  }
0x1e9: {  	v20 =	vmul.f32 v25, v25;
	v57 =	vadd.f32 v28, v56;
	v56 =	vadd.f32 v33, v56;
	v37 =	vld [tilespmem:s12+$0xFFFFFF60]  }
0x1ea: {  	v31 =	vadd.f32 v31, v24;
	v33 =	vadd.f32 v50, v35;
	v28 =	vmul.f32 v22, v22;
	[tilespmem:s12+$0xFFFFFF50] =	vst v53;
	v35 =	vld [tilespmem:s12+$0xFFFFFFE0]  }
.Ltmp9:
0x1eb: {  	v50 =	vadd.f32 v51, v55;
	v51 =	vadd.f32 v40, v52;
	v24 =	vmul.f32 v23, v23;
	[tilespmem:s12+$0xFFFFFFD0] =	vst v43;
	v40 =	vld [tilespmem:s12+$0x60];
	(pc) =	sbr.rel @p5 .LBB2_11-.Ltmp9, $4  }
0x1ec: {  	v30 =	vadd.f32 v30, v34;
	v42 =	vadd.f32 v36, v42;
	[tilespmem:s12+$0xD0] =	vst v56  }
0x1ed: {  	v43 =	vadd.f32 v49, v51;
	[tilespmem:s12+$0x50] =	vst v57;
	v49 =	vsub.f32 v54, v9  }
0x1ee: {  	v42 =	vadd.f32 v46, v42;
	v36 =	vadd.f32 v44, v50;
	v34 =	vld [tilespmem:s3+$0x18460]  }
0x1ef: {  	v30 =	vadd.f32 v41, v30;
	v38 =	vadd.f32 v38, v31;
	v31 =	vld [tilespmem:s3+$0x18760]  }
0x1f0: {  	v41 =	vadd.f32 v48, v43  }
0x1f1: {  	v14 =	vadd.f32 v14, v19;
	v37 =	vsub.f32 v37, v8  }
0x1f2: {  	v61 =	vadd.f32 v32, v42;
	v40 =	vsub.f32 v40, v5;
	v59 =	vmul.f32 v49, v7  }
0x1f3: {  	v27 =	vadd.f32 v27, v36;
	v10 =	vsub.f32 v35, v10;
	v37 =	vmul.f32 v37, v6  }
0x1f4: {  	v29 =	vadd.f32 v29, v33;
	v60 =	vmul.f32 v40, v4;
	v46 =	vmul.f32 v59, v34  }
0x1f5: {  	v44 =	vld [tilespmem:s11+$0x60];
	v17 =	vadd.f32 v18, v17;
	v10 =	vmul.f32 v10, v3;
	v62 =	vmul.f32 v37, v34  }
0x1f6: {  	v48 =	vld [tilespmem:s11+$0xE0];
	v15 =	vadd.f32 v15, v38;
	v63 =	vmul.f32 v60, v34;
	v49 =	vadd.f32 v46, v31  }
0x1f7: {  	v35 =	vld [tilespmem:s11+$0xFFFFFF60];
	v12 =	vadd.f32 v12, v30;
	v10 =	vmul.f32 v10, v34;
	v32 =	vadd.f32 v62, v31  }
0x1f8: {  	v50 =	vmul.f32 v21, v21;
	v19 =	vadd.f32 v47, v61;
	v37 =	vld [tilespmem:s11+$0xFFFFFFE0];
	v36 =	vadd.f32 v63, v31;
	[tilespmem:s14+$0xE0] =	vst v49  }
0x1f9: {  	v29 =	vadd.f32 v45, v29;
	v10 =	vadd.f32 v10, v31;
	[tilespmem:s14+$0xFFFFFF60] =	vst v32  }
0x1fa: {  	v14 =	vadd.f32 v16, v14;
	v52 =	vadd.f32 v50, v27;
	[tilespmem:s14+$0x60] =	vst v36  }
0x1fb: {  	v53 =	vmul.f32 v26, v26;
	v55 =	vadd.f32 v39, v41;
	v15 =	vadd.f32 v21, v15;
	[tilespmem:s14+$0xFFFFFFE0] =	vst v10  }
0x1fc: {  	v12 =	vadd.f32 v13, v12;
	v59 =	vadd.f32 v23, v17;
	v54 =	vld [tilespmem:s11+$0xFFFFFF70]  }
0x1fd: {  	v16 =	vadd.f32 v53, v52;
	v56 =	vadd.f32 v28, v29  }
0x1fe: {  	v19 =	vadd.f32 v20, v19;
	v15 =	vadd.f32 v26, v15;
	v57 =	vld [tilespmem:s11+$0xFFFFFFF0]  }
0x1ff: {  	v21 =	vadd.f32 v24, v55;
	v12 =	vadd.f32 v22, v12;
	v58 =	vmul.f32 v35, v35  }
0x200: {  	v15 =	vadd.f32 v35, v15;
	v10 =	vadd.f32 v25, v14;
	v61 =	vld [tilespmem:s11+$0x70]  }
0x201: {  	v16 =	vadd.f32 v58, v16;
	v60 =	vmul.f32 v37, v37;
	v62 =	vmul.f32 v54, v54  }
0x202: {  	v63 =	vmul.f32 v44, v44;
	v10 =	vadd.f32 v37, v10;
	v14 =	vadd.f32 v54, v15  }
0x203: {  	v29 =	vld [tilespmem:s11+$0xF0];
	v28 =	vadd.f32 v60, v19;
	v30 =	vmul.f32 v57, v57;
	v16 =	vadd.f32 v62, v16  }
0x204: {  	v12 =	vadd.f32 v44, v12;
	v10 =	vadd.f32 v57, v10;
	(xrf2) =	vadd.scan.msk.f32 $0xffff, v14  }
0x205: {  	v31 =	vadd.f32 v63, v56;
	v32 =	vmul.f32 v61, v61;
	v15 =	vadd.f32 v30, v28;
	(xrf2) =	vadd.scan.msk.f32 $0xffff, v16  }
0x206: {  	v13 =	vadd.f32 v48, v59;
	v35 =	vmul.f32 v48, v48;
	v12 =	vadd.f32 v61, v12;
	(xrf2) =	vadd.scan.msk.f32 $0xffff, v10  }
0x207: {  	v10 =	vadd.f32 v32, v31;
	(xrf2) =	vadd.scan.msk.f32 $0xffff, v15  }
0x208: {  	v36 =	vadd.f32 v35, v21;
	v13 =	vadd.f32 v29, v13;
	v37 =	vmul.f32 v29, v29;
	(xrf2) =	vadd.scan.msk.f32 $0xffff, v12  }
0x209: {  	v51 =	vld [tilespmem:s14+$0xF0];
	(xrf2) =	vadd.scan.msk.f32 $0xffff, v10  }
0x20a: {  	v38 =	vld [tilespmem:s14+$0xFFFFFF70];
	v10 =	vadd.f32 v37, v36;
	(xrf2) =	vadd.scan.msk.f32 $0xffff, v13;
	_ =	sdelay $0x1  }
0x20b: {  	(xrf2) =	vadd.scan.msk.f32 $0xffff, v10;
	_ =	sdelay $0x1  }
0x20c: {  	v10, _, _ =	vpop (xrf2)  }
0x20d: {  	v34 =	vld [tilespmem:s14+$0x70];
	v9 =	vsub.f32 v51, v9;
	v8 =	vsub.f32 v38, v8;
	v39, _, _ =	vpop (xrf2)  }
0x20e: {  	v10 =	vmul.f32 $1.302083370e-03, v10;
	v41, _, _ =	vpop (xrf2)  }
0x20f: {  	v7 =	vmul.f32 v9, v7;
	v42, _, _ =	vpop (xrf2)  }
0x210: {  	v13 =	vmul.f32 $1.302083370e-03, v39;
	v43 =	vmul.f32 v10, v10;
	v44, _, _ =	vpop (xrf2)  }
0x211: {  	v6 =	vmul.f32 v8, v6;
	v14 =	vmul.f32 $1.302083370e-03, v41;
	v8, _, _ =	vpop (xrf2)  }
0x212: {  	v5 =	vsub.f32 v34, v5;
	v13 =	vsub.f32 v13, v43;
	v12 =	vmul.f32 $1.302083370e-03, v42;
	v45, _, _ =	vpop (xrf2)  }
0x213: {  	v46 =	vmul.f32 v14, v14;
	v47 =	vmul.f32 $1.302083370e-03, v45  }
0x214: {  	v4 =	vmul.f32 v5, v4;
	v16 =	vmul.f32 $1.302083370e-03, v44;
	v9 =	vadd.f32 $9.999999960e-13, v13;
	v49, _, _ =	vpop (xrf2)  }
0x215: {  	v12 =	vsub.f32 v12, v46;
	v17 =	vmul.f32 $1.302083370e-03, v49;
	v50 =	vmul.f32 v47, v47  }
0x216: {  	v8 =	vmul.f32 $1.302083370e-03, v8;
	v48 =	vmul.f32 v16, v16  }
0x217: {  	v9 =	vbroadcast v9, $0xF;
	v12 =	vadd.f32 $9.999999960e-13, v12;
	v5 =	vsub.f32 v17, v50  }
0x218: {  	v3 =	vmul.f32 v11, v3;
	v8 =	vsub.f32 v8, v48  }
0x219: {  	v11 =	vshra.s32 v9, $0x1;
	v12 =	vbroadcast v12, $0xF;
	v5 =	vadd.f32 $9.999999960e-13, v5  }
0x21a: {  	v9 =	vmul.f32 $5.000000000e-01, v9;
	v8 =	vadd.f32 $9.999999960e-13, v8;
	v11 =	vsub.s32 $0x5F3759DF, v11  }
0x21b: {  	v51 =	vshra.s32 v12, $0x1;
	v12 =	vmul.f32 $5.000000000e-01, v12;
	v5 =	vbroadcast v5, $0xF  }
0x21c: {  	v52 =	vld [tilespmem:s3+$0x18470];
	v53 =	vmul.f32 v11, v9;
	v8 =	vbroadcast v8, $0xF;
	v15 =	vsub.s32 $0x5F3759DF, v51  }
0x21d: {  	v54 =	vmul.f32 v15, v12;
	v56 =	vshra.s32 v5, $0x1;
	v5 =	vmul.f32 $5.000000000e-01, v5  }
0x21e: {  	v55 =	vshra.s32 v8, $0x1;
	v8 =	vmul.f32 $5.000000000e-01, v8;
	v21 =	vsub.s32 $0x5F3759DF, v56  }
0x21f: {  	v18 =	vmul.f32 v11, v53;
	v20 =	vsub.s32 $0x5F3759DF, v55;
	v58 =	vmul.f32 v21, v5  }
0x220: {  	v57 =	vmul.f32 v20, v8;
	v19 =	vmul.f32 v15, v54  }
0x221: {  	v6 =	vmul.f32 v6, v52;
	v18 =	vsub.f32 $1.500000000e+00, v18;
	v23 =	vmul.f32 v21, v58  }
0x222: {  	v59 =	vld [tilespmem:s3+$0x18770];
	v4 =	vmul.f32 v4, v52;
	v22 =	vmul.f32 v20, v57;
	v19 =	vsub.f32 $1.500000000e+00, v19  }
0x223: {  	v3 =	vmul.f32 v3, v52;
	v11 =	vmul.f32 v11, v18;
	v61 =	vsub.f32 $1.500000000e+00, v23  }
0x224: {  	v7 =	vmul.f32 v7, v52;
	v60 =	vsub.f32 $1.500000000e+00, v22;
	v15 =	vmul.f32 v15, v19  }
0x225: {  	v9 =	vmul.f32 v11, v9;
	v17 =	vmul.f32 v21, v61  }
0x226: {  	v18 =	vmul.f32 v20, v60;
	v12 =	vmul.f32 v15, v12  }
0x227: {  	v6 =	vadd.f32 v6, v59;
	v9 =	vmul.f32 v9, v11;
	v5 =	vmul.f32 v17, v5  }
0x228: {  	s2 =	sadd.s32 $0x1, s2;
	v62 =	vadd.f32 v4, v59;
	v8 =	vmul.f32 v18, v8;
	v4 =	vmul.f32 v12, v15  }
0x229: {  	p5 =	sne.s32 s2, $0x8;
	v3 =	vadd.f32 v3, v59;
	v9 =	vsub.f32 $1.500000000e+00, v9;
	v5 =	vmul.f32 v5, v17  }
.Ltmp10:
0x22a: {  	v7 =	vadd.f32 v7, v59;
	v63 =	vmul.f32 v8, v18;
	v4 =	vsub.f32 $1.500000000e+00, v4;
	(pc) =	sbr.rel @p5 .LBB2_10-.Ltmp10, $4  }
0x22b: {  	[tilespmem:s14+$0xFFFFFF70] =	vst v6;
	v6 =	vmul.f32 v9, v11;
	v8 =	vbroadcast v10, $0xF;
	v11 =	vsub.f32 $1.500000000e+00, v5  }
0x22c: {  	[tilespmem:s14+$0xFFFFFFF0] =	vst v3;
	v10 =	vbroadcast v14, $0xF;
	v9 =	vsub.f32 $1.500000000e+00, v63;
	v3 =	vmul.f32 v4, v15  }
0x22d: {  	s1 =	sadd.s32 $0x4, s1;
	[tilespmem:s14+$0xF0] =	vst v7;
	v5 =	vbroadcast v16, $0xF;
	v7 =	vmul.f32 v11, v17  }
0x22e: {  	p3 =	por !p3, !p3;
	s30 =	sadd.s32 $0x4, s30;
	p4 =	por !p4, !p4;
	[tilespmem:s14+$0x70] =	vst v62;
	v4 =	vmul.f32 v9, v18;
	v9 =	vbroadcast v47, $0xF  }
0x22f: {  	v11 =	vmov s31;
	_ =	sdelay $0x3  }
0x230: {  	s3 =	simm.s32 $0x0  }
0x231: {  	v12 =	vld.idx.msk [tilespmem:v11+s3+$0x4A00 ss:$0x1], $0xffff  }
0x232: {  	v13 =	vld.idx.msk [tilespmem:v11+s3+$0x4A80 ss:$0x1], $0xffff  }
0x233: {  	v14 =	vld.idx.msk [tilespmem:v11+s3+$0x4B00 ss:$0x1], $0xffff  }
0x234: {  	s1 =	simm.s32 $0x18440;
	v15 =	vld.idx.msk [tilespmem:v11+s3+$0x4B80 ss:$0x1], $0xffff  }
0x235: {  	v16 =	vld [tilespmem:s1+$0xFFFFFFC0]  }
0x236: {  	s2 =	simm.s32 $0x18740;
	v12 =	vsub.f32 v12, v8  }
0x237: {  	v17 =	vld [tilespmem:s2+$0xFFFFFFC0];
	v13 =	vsub.f32 v13, v10  }
0x238: {  	v14 =	vsub.f32 v14, v5;
	v12 =	vmul.f32 v12, v6  }
0x239: {  	v15 =	vsub.f32 v15, v9;
	v13 =	vmul.f32 v13, v3  }
0x23a: {  	v14 =	vmul.f32 v14, v4;
	v12 =	vmul.f32 v12, v16  }
0x23b: {  	v15 =	vmul.f32 v15, v7;
	v13 =	vmul.f32 v13, v16  }
0x23c: {  	v14 =	vmul.f32 v14, v16;
	v12 =	vadd.f32 v12, v17  }
0x23d: {  	v15 =	vmul.f32 v15, v16;
	v13 =	vadd.f32 v13, v17  }
0x23e: {  	[tilespmem:v11+s3+$0x4A00 ss:$0x1] =	vst.idx.msk $0xffff, v12;
	v12 =	vadd.f32 v14, v17  }
0x23f: {  	[tilespmem:v11+s3+$0x4A80 ss:$0x1] =	vst.idx.msk $0xffff, v13;
	v13 =	vadd.f32 v15, v17;
	v14 =	vld.idx.msk [tilespmem:v11+s3+$0x4A10 ss:$0x1], $0xffff  }
0x240: {  	[tilespmem:v11+s3+$0x4B00 ss:$0x1] =	vst.idx.msk $0xffff, v12;
	v12 =	vld.idx.msk [tilespmem:v11+s3+$0x4A90 ss:$0x1], $0xffff  }
0x241: {  	[tilespmem:v11+s3+$0x4B80 ss:$0x1] =	vst.idx.msk $0xffff, v13;
	v13 =	vld.idx.msk [tilespmem:v11+s3+$0x4B10 ss:$0x1], $0xffff  }
0x242: {  	v15 =	vld.idx.msk [tilespmem:v11+s3+$0x4B90 ss:$0x1], $0xffff  }
0x243: {  	v16 =	vld [tilespmem:s1+$0xFFFFFFD0]  }
0x244: {  	v14 =	vsub.f32 v14, v8  }
0x245: {  	v17 =	vld [tilespmem:s2+$0xFFFFFFD0];
	v12 =	vsub.f32 v12, v10  }
0x246: {  	v14 =	vmul.f32 v14, v6;
	v13 =	vsub.f32 v13, v5  }
0x247: {  	v15 =	vsub.f32 v15, v9;
	v12 =	vmul.f32 v12, v3  }
0x248: {  	v14 =	vmul.f32 v14, v16;
	v13 =	vmul.f32 v13, v4  }
0x249: {  	v15 =	vmul.f32 v15, v7;
	v12 =	vmul.f32 v12, v16  }
0x24a: {  	v14 =	vadd.f32 v14, v17;
	v13 =	vmul.f32 v13, v16  }
0x24b: {  	v15 =	vmul.f32 v15, v16;
	v12 =	vadd.f32 v12, v17  }
0x24c: {  	[tilespmem:v11+s3+$0x4A10 ss:$0x1] =	vst.idx.msk $0xffff, v14;
	v13 =	vadd.f32 v13, v17  }
0x24d: {  	[tilespmem:v11+s3+$0x4A90 ss:$0x1] =	vst.idx.msk $0xffff, v12;
	v12 =	vadd.f32 v15, v17;
	v14 =	vld.idx.msk [tilespmem:v11+s3+$0x4A20 ss:$0x1], $0xffff  }
0x24e: {  	[tilespmem:v11+s3+$0x4B10 ss:$0x1] =	vst.idx.msk $0xffff, v13;
	v13 =	vld.idx.msk [tilespmem:v11+s3+$0x4AA0 ss:$0x1], $0xffff  }
0x24f: {  	[tilespmem:v11+s3+$0x4B90 ss:$0x1] =	vst.idx.msk $0xffff, v12;
	v12 =	vld.idx.msk [tilespmem:v11+s3+$0x4B20 ss:$0x1], $0xffff  }
0x250: {  	v15 =	vld.idx.msk [tilespmem:v11+s3+$0x4BA0 ss:$0x1], $0xffff  }
0x251: {  	v16 =	vld [tilespmem:s1+$0xFFFFFFE0]  }
0x252: {  	v14 =	vsub.f32 v14, v8  }
0x253: {  	v17 =	vld [tilespmem:s2+$0xFFFFFFE0];
	v13 =	vsub.f32 v13, v10  }
0x254: {  	v14 =	vmul.f32 v14, v6;
	v12 =	vsub.f32 v12, v5  }
0x255: {  	v13 =	vmul.f32 v13, v3;
	v15 =	vsub.f32 v15, v9  }
0x256: {  	v14 =	vmul.f32 v14, v16;
	v12 =	vmul.f32 v12, v4  }
0x257: {  	v13 =	vmul.f32 v13, v16;
	v15 =	vmul.f32 v15, v7  }
0x258: {  	v14 =	vadd.f32 v14, v17;
	v12 =	vmul.f32 v12, v16  }
0x259: {  	v13 =	vadd.f32 v13, v17;
	v15 =	vmul.f32 v15, v16  }
0x25a: {  	[tilespmem:v11+s3+$0x4A20 ss:$0x1] =	vst.idx.msk $0xffff, v14;
	v12 =	vadd.f32 v12, v17  }
0x25b: {  	[tilespmem:v11+s3+$0x4AA0 ss:$0x1] =	vst.idx.msk $0xffff, v13;
	v13 =	vadd.f32 v15, v17;
	v14 =	vld.idx.msk [tilespmem:v11+s3+$0x4A30 ss:$0x1], $0xffff  }
0x25c: {  	[tilespmem:v11+s3+$0x4B20 ss:$0x1] =	vst.idx.msk $0xffff, v12;
	v12 =	vld.idx.msk [tilespmem:v11+s3+$0x4AB0 ss:$0x1], $0xffff  }
0x25d: {  	[tilespmem:v11+s3+$0x4BA0 ss:$0x1] =	vst.idx.msk $0xffff, v13;
	v13 =	vld.idx.msk [tilespmem:v11+s3+$0x4B30 ss:$0x1], $0xffff  }
0x25e: {  	v15 =	vld.idx.msk [tilespmem:v11+s3+$0x4BB0 ss:$0x1], $0xffff  }
0x25f: {  	v16 =	vld [tilespmem:s1+$0xFFFFFFF0]  }
0x260: {  	v14 =	vsub.f32 v14, v8  }
0x261: {  	v17 =	vld [tilespmem:s2+$0xFFFFFFF0];
	v12 =	vsub.f32 v12, v10  }
0x262: {  	v14 =	vmul.f32 v14, v6;
	v13 =	vsub.f32 v13, v5  }
0x263: {  	v12 =	vmul.f32 v12, v3;
	v15 =	vsub.f32 v15, v9  }
0x264: {  	v14 =	vmul.f32 v14, v16;
	v13 =	vmul.f32 v13, v4  }
0x265: {  	v12 =	vmul.f32 v12, v16;
	v15 =	vmul.f32 v15, v7  }
0x266: {  	v14 =	vadd.f32 v14, v17;
	v13 =	vmul.f32 v13, v16  }
0x267: {  	v12 =	vadd.f32 v12, v17;
	v15 =	vmul.f32 v15, v16  }
0x268: {  	[tilespmem:v11+s3+$0x4A30 ss:$0x1] =	vst.idx.msk $0xffff, v14;
	v13 =	vadd.f32 v13, v17  }
0x269: {  	[tilespmem:v11+s3+$0x4AB0 ss:$0x1] =	vst.idx.msk $0xffff, v12;
	v12 =	vadd.f32 v15, v17;
	v14 =	vld.idx.msk [tilespmem:v11+s3+$0x4A40 ss:$0x1], $0xffff  }
0x26a: {  	[tilespmem:v11+s3+$0x4B30 ss:$0x1] =	vst.idx.msk $0xffff, v13;
	v13 =	vld.idx.msk [tilespmem:v11+s3+$0x4AC0 ss:$0x1], $0xffff  }
0x26b: {  	[tilespmem:v11+s3+$0x4BB0 ss:$0x1] =	vst.idx.msk $0xffff, v12;
	v12 =	vld.idx.msk [tilespmem:v11+s3+$0x4B40 ss:$0x1], $0xffff  }
0x26c: {  	v15 =	vld.idx.msk [tilespmem:v11+s3+$0x4BC0 ss:$0x1], $0xffff  }
0x26d: {  	v16 =	vld [tilespmem:s1+$0x0]  }
0x26e: {  	v14 =	vsub.f32 v14, v8  }
0x26f: {  	v17 =	vld [tilespmem:s2+$0x0];
	v13 =	vsub.f32 v13, v10  }
0x270: {  	v14 =	vmul.f32 v14, v6;
	v12 =	vsub.f32 v12, v5  }
0x271: {  	v13 =	vmul.f32 v13, v3;
	v15 =	vsub.f32 v15, v9  }
0x272: {  	v14 =	vmul.f32 v14, v16;
	v12 =	vmul.f32 v12, v4  }
0x273: {  	v13 =	vmul.f32 v13, v16;
	v15 =	vmul.f32 v15, v7  }
0x274: {  	v14 =	vadd.f32 v14, v17;
	v12 =	vmul.f32 v12, v16  }
0x275: {  	v13 =	vadd.f32 v13, v17;
	v15 =	vmul.f32 v15, v16  }
0x276: {  	[tilespmem:v11+s3+$0x4A40 ss:$0x1] =	vst.idx.msk $0xffff, v14;
	v12 =	vadd.f32 v12, v17  }
0x277: {  	[tilespmem:v11+s3+$0x4AC0 ss:$0x1] =	vst.idx.msk $0xffff, v13;
	v13 =	vadd.f32 v15, v17;
	v14 =	vld.idx.msk [tilespmem:v11+s3+$0x4A50 ss:$0x1], $0xffff  }
0x278: {  	[tilespmem:v11+s3+$0x4B40 ss:$0x1] =	vst.idx.msk $0xffff, v12;
	v12 =	vld.idx.msk [tilespmem:v11+s3+$0x4AD0 ss:$0x1], $0xffff  }
0x279: {  	[tilespmem:v11+s3+$0x4BC0 ss:$0x1] =	vst.idx.msk $0xffff, v13;
	v13 =	vld.idx.msk [tilespmem:v11+s3+$0x4B50 ss:$0x1], $0xffff  }
0x27a: {  	v15 =	vld.idx.msk [tilespmem:v11+s3+$0x4BD0 ss:$0x1], $0xffff  }
0x27b: {  	v16 =	vld [tilespmem:s1+$0x10]  }
0x27c: {  	v14 =	vsub.f32 v14, v8  }
0x27d: {  	v17 =	vld [tilespmem:s2+$0x10];
	v12 =	vsub.f32 v12, v10  }
0x27e: {  	v14 =	vmul.f32 v14, v6;
	v13 =	vsub.f32 v13, v5  }
0x27f: {  	v12 =	vmul.f32 v12, v3;
	v15 =	vsub.f32 v15, v9  }
0x280: {  	v14 =	vmul.f32 v14, v16;
	v13 =	vmul.f32 v13, v4  }
0x281: {  	v12 =	vmul.f32 v12, v16;
	v15 =	vmul.f32 v15, v7  }
0x282: {  	v14 =	vadd.f32 v14, v17;
	v13 =	vmul.f32 v13, v16  }
0x283: {  	v12 =	vadd.f32 v12, v17;
	v15 =	vmul.f32 v15, v16  }
0x284: {  	[tilespmem:v11+s3+$0x4A50 ss:$0x1] =	vst.idx.msk $0xffff, v14;
	v13 =	vadd.f32 v13, v17  }
0x285: {  	[tilespmem:v11+s3+$0x4AD0 ss:$0x1] =	vst.idx.msk $0xffff, v12;
	v12 =	vadd.f32 v15, v17;
	v14 =	vld.idx.msk [tilespmem:v11+s3+$0x4A60 ss:$0x1], $0xffff  }
0x286: {  	[tilespmem:v11+s3+$0x4B50 ss:$0x1] =	vst.idx.msk $0xffff, v13;
	v13 =	vld.idx.msk [tilespmem:v11+s3+$0x4AE0 ss:$0x1], $0xffff  }
0x287: {  	[tilespmem:v11+s3+$0x4BD0 ss:$0x1] =	vst.idx.msk $0xffff, v12;
	v12 =	vld.idx.msk [tilespmem:v11+s3+$0x4B60 ss:$0x1], $0xffff  }
0x288: {  	v15 =	vld.idx.msk [tilespmem:v11+s3+$0x4BE0 ss:$0x1], $0xffff  }
0x289: {  	v16 =	vld [tilespmem:s1+$0x20]  }
0x28a: {  	v14 =	vsub.f32 v14, v8  }
0x28b: {  	v17 =	vld [tilespmem:s2+$0x20];
	v13 =	vsub.f32 v13, v10  }
0x28c: {  	v14 =	vmul.f32 v14, v6;
	v12 =	vsub.f32 v12, v5  }
0x28d: {  	v13 =	vmul.f32 v13, v3;
	v15 =	vsub.f32 v15, v9  }
0x28e: {  	v14 =	vmul.f32 v14, v16;
	v12 =	vmul.f32 v12, v4  }
0x28f: {  	v13 =	vmul.f32 v13, v16;
	v15 =	vmul.f32 v15, v7  }
0x290: {  	v14 =	vadd.f32 v14, v17;
	v12 =	vmul.f32 v12, v16  }
0x291: {  	v13 =	vadd.f32 v13, v17;
	v15 =	vmul.f32 v15, v16  }
0x292: {  	[tilespmem:v11+s3+$0x4A60 ss:$0x1] =	vst.idx.msk $0xffff, v14;
	v12 =	vadd.f32 v12, v17  }
0x293: {  	[tilespmem:v11+s3+$0x4AE0 ss:$0x1] =	vst.idx.msk $0xffff, v13;
	v13 =	vadd.f32 v15, v17;
	v14 =	vld.idx.msk [tilespmem:v11+s3+$0x4A70 ss:$0x1], $0xffff  }
0x294: {  	[tilespmem:v11+s3+$0x4B60 ss:$0x1] =	vst.idx.msk $0xffff, v12;
	v12 =	vld.idx.msk [tilespmem:v11+s3+$0x4AF0 ss:$0x1], $0xffff  }
0x295: {  	[tilespmem:v11+s3+$0x4BE0 ss:$0x1] =	vst.idx.msk $0xffff, v13;
	v13 =	vld.idx.msk [tilespmem:v11+s3+$0x4B70 ss:$0x1], $0xffff  }
0x296: {  	v15 =	vld.idx.msk [tilespmem:v11+s3+$0x4BF0 ss:$0x1], $0xffff  }
0x297: {  	v16 =	vld [tilespmem:s1+$0x30]  }
0x298: {  	v14 =	vsub.f32 v14, v8  }
0x299: {  	v17 =	vld [tilespmem:s2+$0x30];
	v12 =	vsub.f32 v12, v10  }
0x29a: {  	v14 =	vmul.f32 v14, v6;
	v13 =	vsub.f32 v13, v5  }
0x29b: {  	v12 =	vmul.f32 v12, v3  }
0x29c: {  	v15 =	vsub.f32 v15, v9;
	v14 =	vmul.f32 v14, v16;
	v13 =	vmul.f32 v13, v4  }
0x29d: {  	v12 =	vmul.f32 v12, v16  }
0x29e: {  	v15 =	vmul.f32 v15, v7;
	v14 =	vadd.f32 v14, v17;
	v13 =	vmul.f32 v13, v16  }
0x29f: {  	s11 =	simm.s32 $0x400;
	v18 =	vadd.f32 v12, v17  }
0x2a0: {  	v15 =	vmul.f32 v15, v16;
	v12 =	vld.idx.msk [tilespmem:v11+s11+$0x4A00 ss:$0x1], $0xffff;
	[tilespmem:v11+s3+$0x4A70 ss:$0x1] =	vst.idx.msk $0xffff, v14;
	v16 =	vadd.f32 v13, v17  }
0x2a1: {  	v13 =	vld.idx.msk [tilespmem:v11+s11+$0x4A80 ss:$0x1], $0xffff;
	[tilespmem:v11+s3+$0x4AF0 ss:$0x1] =	vst.idx.msk $0xffff, v18  }
0x2a2: {  	s12 =	simm.s32 $0x2000;
	v15 =	vadd.f32 v15, v17;
	v14 =	vld.idx.msk [tilespmem:v11+s11+$0x4B00 ss:$0x1], $0xffff;
	[tilespmem:v11+s3+$0x4B70 ss:$0x1] =	vst.idx.msk $0xffff, v16  }
.LBB2_14:
0x2a3: {  	s1 =	sadd.s32 $0x80, s1;
	s2 =	sadd.s32 $0x80, s2  }
0x2a4: {  	v16 =	vld.idx.msk [tilespmem:v11+s11+$0x4B80 ss:$0x1], $0xffff;
	[tilespmem:v11+s3+$0x4BF0 ss:$0x1] =	vst.idx.msk $0xffff, v15;
	s8 =	smov.u32 s12;
	s4 =	sadd.s32 $0x1000, s12;
	s3 =	smov.u32 s11  }
0x2a5: {  	p3 =	sne.s32 s12, $0x5000  }
0x2a6: {  	v15 =	vld [tilespmem:s1+$0xFFFFFFC0]  }
0x2a7: {  	v12 =	vsub.f32 v12, v8  }
0x2a8: {  	v13 =	vsub.f32 v13, v10;
	v17 =	vld [tilespmem:s2+$0xFFFFFFC0]  }
0x2a9: {  	v12 =	vmul.f32 v12, v6;
	v14 =	vsub.f32 v14, v5  }
0x2aa: {  	v13 =	vmul.f32 v13, v3;
	v16 =	vsub.f32 v16, v9  }
0x2ab: {  	v14 =	vmul.f32 v14, v4;
	v12 =	vmul.f32 v12, v15  }
0x2ac: {  	v13 =	vmul.f32 v13, v15;
	v16 =	vmul.f32 v16, v7  }
0x2ad: {  	v14 =	vmul.f32 v14, v15;
	v12 =	vadd.f32 v12, v17  }
0x2ae: {  	v13 =	vadd.f32 v13, v17;
	v15 =	vmul.f32 v16, v15  }
0x2af: {  	[tilespmem:v11+s3+$0x4A00 ss:$0x1] =	vst.idx.msk $0xffff, v12;
	v12 =	vadd.f32 v14, v17  }
0x2b0: {  	[tilespmem:v11+s3+$0x4A80 ss:$0x1] =	vst.idx.msk $0xffff, v13;
	v13 =	vadd.f32 v15, v17;
	v14 =	vld.idx.msk [tilespmem:v11+s3+$0x4A10 ss:$0x1], $0xffff  }
0x2b1: {  	[tilespmem:v11+s3+$0x4B00 ss:$0x1] =	vst.idx.msk $0xffff, v12;
	v12 =	vld.idx.msk [tilespmem:v11+s3+$0x4A90 ss:$0x1], $0xffff  }
0x2b2: {  	[tilespmem:v11+s3+$0x4B80 ss:$0x1] =	vst.idx.msk $0xffff, v13;
	v13 =	vld.idx.msk [tilespmem:v11+s3+$0x4B10 ss:$0x1], $0xffff  }
0x2b3: {  	v15 =	vld.idx.msk [tilespmem:v11+s3+$0x4B90 ss:$0x1], $0xffff;
	_ =	sdelay $0x1  }
0x2b4: {  	v16 =	vld [tilespmem:s1+$0xFFFFFFD0]  }
0x2b5: {  	v14 =	vsub.f32 v14, v8  }
0x2b6: {  	v12 =	vsub.f32 v12, v10;
	v17 =	vld [tilespmem:s2+$0xFFFFFFD0]  }
0x2b7: {  	v14 =	vmul.f32 v14, v6;
	v13 =	vsub.f32 v13, v5  }
0x2b8: {  	v12 =	vmul.f32 v12, v3;
	v15 =	vsub.f32 v15, v9  }
0x2b9: {  	v13 =	vmul.f32 v13, v4;
	v14 =	vmul.f32 v14, v16  }
0x2ba: {  	v12 =	vmul.f32 v12, v16;
	v15 =	vmul.f32 v15, v7  }
0x2bb: {  	v13 =	vmul.f32 v13, v16;
	v14 =	vadd.f32 v14, v17  }
0x2bc: {  	v12 =	vadd.f32 v12, v17;
	v15 =	vmul.f32 v15, v16  }
0x2bd: {  	v13 =	vadd.f32 v13, v17;
	[tilespmem:v11+s3+$0x4A10 ss:$0x1] =	vst.idx.msk $0xffff, v14  }
0x2be: {  	[tilespmem:v11+s3+$0x4A90 ss:$0x1] =	vst.idx.msk $0xffff, v12;
	v12 =	vadd.f32 v15, v17;
	v14 =	vld.idx.msk [tilespmem:v11+s3+$0x4A20 ss:$0x1], $0xffff  }
0x2bf: {  	[tilespmem:v11+s3+$0x4B10 ss:$0x1] =	vst.idx.msk $0xffff, v13;
	v13 =	vld.idx.msk [tilespmem:v11+s3+$0x4AA0 ss:$0x1], $0xffff  }
0x2c0: {  	[tilespmem:v11+s3+$0x4B90 ss:$0x1] =	vst.idx.msk $0xffff, v12;
	v12 =	vld.idx.msk [tilespmem:v11+s3+$0x4B20 ss:$0x1], $0xffff  }
0x2c1: {  	v15 =	vld.idx.msk [tilespmem:v11+s3+$0x4BA0 ss:$0x1], $0xffff;
	_ =	sdelay $0x1  }
0x2c2: {  	v16 =	vld [tilespmem:s1+$0xFFFFFFE0]  }
0x2c3: {  	v14 =	vsub.f32 v14, v8  }
0x2c4: {  	v13 =	vsub.f32 v13, v10;
	v17 =	vld [tilespmem:s2+$0xFFFFFFE0]  }
0x2c5: {  	v14 =	vmul.f32 v14, v6;
	v12 =	vsub.f32 v12, v5  }
0x2c6: {  	v13 =	vmul.f32 v13, v3;
	v15 =	vsub.f32 v15, v9  }
0x2c7: {  	v12 =	vmul.f32 v12, v4;
	v14 =	vmul.f32 v14, v16  }
0x2c8: {  	v13 =	vmul.f32 v13, v16;
	v15 =	vmul.f32 v15, v7  }
0x2c9: {  	v12 =	vmul.f32 v12, v16;
	v14 =	vadd.f32 v14, v17  }
0x2ca: {  	v13 =	vadd.f32 v13, v17;
	v15 =	vmul.f32 v15, v16  }
0x2cb: {  	v12 =	vadd.f32 v12, v17;
	[tilespmem:v11+s3+$0x4A20 ss:$0x1] =	vst.idx.msk $0xffff, v14  }
0x2cc: {  	[tilespmem:v11+s3+$0x4AA0 ss:$0x1] =	vst.idx.msk $0xffff, v13;
	v13 =	vadd.f32 v15, v17;
	v14 =	vld.idx.msk [tilespmem:v11+s3+$0x4A30 ss:$0x1], $0xffff  }
0x2cd: {  	[tilespmem:v11+s3+$0x4B20 ss:$0x1] =	vst.idx.msk $0xffff, v12;
	v12 =	vld.idx.msk [tilespmem:v11+s3+$0x4AB0 ss:$0x1], $0xffff  }
0x2ce: {  	[tilespmem:v11+s3+$0x4BA0 ss:$0x1] =	vst.idx.msk $0xffff, v13;
	v13 =	vld.idx.msk [tilespmem:v11+s3+$0x4B30 ss:$0x1], $0xffff  }
0x2cf: {  	v15 =	vld.idx.msk [tilespmem:v11+s3+$0x4BB0 ss:$0x1], $0xffff;
	_ =	sdelay $0x1  }
0x2d0: {  	v16 =	vld [tilespmem:s1+$0xFFFFFFF0]  }
0x2d1: {  	v14 =	vsub.f32 v14, v8  }
0x2d2: {  	v12 =	vsub.f32 v12, v10;
	v17 =	vld [tilespmem:s2+$0xFFFFFFF0]  }
0x2d3: {  	v14 =	vmul.f32 v14, v6;
	v13 =	vsub.f32 v13, v5  }
0x2d4: {  	v12 =	vmul.f32 v12, v3;
	v15 =	vsub.f32 v15, v9  }
0x2d5: {  	v13 =	vmul.f32 v13, v4;
	v14 =	vmul.f32 v14, v16  }
0x2d6: {  	v12 =	vmul.f32 v12, v16;
	v15 =	vmul.f32 v15, v7  }
0x2d7: {  	v13 =	vmul.f32 v13, v16;
	v14 =	vadd.f32 v14, v17  }
0x2d8: {  	v12 =	vadd.f32 v12, v17;
	v15 =	vmul.f32 v15, v16  }
0x2d9: {  	v13 =	vadd.f32 v13, v17;
	[tilespmem:v11+s3+$0x4A30 ss:$0x1] =	vst.idx.msk $0xffff, v14  }
0x2da: {  	[tilespmem:v11+s3+$0x4AB0 ss:$0x1] =	vst.idx.msk $0xffff, v12;
	v12 =	vadd.f32 v15, v17;
	v14 =	vld.idx.msk [tilespmem:v11+s3+$0x4A40 ss:$0x1], $0xffff  }
0x2db: {  	[tilespmem:v11+s3+$0x4B30 ss:$0x1] =	vst.idx.msk $0xffff, v13;
	v13 =	vld.idx.msk [tilespmem:v11+s3+$0x4AC0 ss:$0x1], $0xffff  }
0x2dc: {  	[tilespmem:v11+s3+$0x4BB0 ss:$0x1] =	vst.idx.msk $0xffff, v12;
	v12 =	vld.idx.msk [tilespmem:v11+s3+$0x4B40 ss:$0x1], $0xffff  }
0x2dd: {  	v15 =	vld.idx.msk [tilespmem:v11+s3+$0x4BC0 ss:$0x1], $0xffff;
	_ =	sdelay $0x1  }
0x2de: {  	v16 =	vld [tilespmem:s1+$0x0]  }
0x2df: {  	v14 =	vsub.f32 v14, v8  }
0x2e0: {  	v13 =	vsub.f32 v13, v10;
	v17 =	vld [tilespmem:s2+$0x0]  }
0x2e1: {  	v14 =	vmul.f32 v14, v6;
	v12 =	vsub.f32 v12, v5  }
0x2e2: {  	v13 =	vmul.f32 v13, v3;
	v15 =	vsub.f32 v15, v9  }
0x2e3: {  	v12 =	vmul.f32 v12, v4;
	v14 =	vmul.f32 v14, v16  }
0x2e4: {  	v13 =	vmul.f32 v13, v16;
	v15 =	vmul.f32 v15, v7  }
0x2e5: {  	v12 =	vmul.f32 v12, v16;
	v14 =	vadd.f32 v14, v17  }
0x2e6: {  	v13 =	vadd.f32 v13, v17;
	v15 =	vmul.f32 v15, v16  }
0x2e7: {  	v12 =	vadd.f32 v12, v17;
	[tilespmem:v11+s3+$0x4A40 ss:$0x1] =	vst.idx.msk $0xffff, v14  }
0x2e8: {  	[tilespmem:v11+s3+$0x4AC0 ss:$0x1] =	vst.idx.msk $0xffff, v13;
	v13 =	vadd.f32 v15, v17;
	v14 =	vld.idx.msk [tilespmem:v11+s3+$0x4A50 ss:$0x1], $0xffff  }
0x2e9: {  	[tilespmem:v11+s3+$0x4B40 ss:$0x1] =	vst.idx.msk $0xffff, v12;
	v12 =	vld.idx.msk [tilespmem:v11+s3+$0x4AD0 ss:$0x1], $0xffff  }
0x2ea: {  	[tilespmem:v11+s3+$0x4BC0 ss:$0x1] =	vst.idx.msk $0xffff, v13;
	v13 =	vld.idx.msk [tilespmem:v11+s3+$0x4B50 ss:$0x1], $0xffff  }
0x2eb: {  	v15 =	vld.idx.msk [tilespmem:v11+s3+$0x4BD0 ss:$0x1], $0xffff  }
0x2ec: {  	v16 =	vld [tilespmem:s1+$0x10]  }
0x2ed: {  	v17 =	vld [tilespmem:s2+$0x10]  }
0x2ee: {  	v14 =	vsub.f32 v14, v8  }
0x2ef: {  	v12 =	vsub.f32 v12, v10  }
0x2f0: {  	v14 =	vmul.f32 v14, v6;
	v13 =	vsub.f32 v13, v5  }
0x2f1: {  	v12 =	vmul.f32 v12, v3;
	v15 =	vsub.f32 v15, v9  }
0x2f2: {  	v14 =	vmul.f32 v14, v16;
	v13 =	vmul.f32 v13, v4  }
0x2f3: {  	v12 =	vmul.f32 v12, v16;
	v15 =	vmul.f32 v15, v7  }
0x2f4: {  	v14 =	vadd.f32 v14, v17;
	v13 =	vmul.f32 v13, v16  }
0x2f5: {  	v12 =	vadd.f32 v12, v17;
	v15 =	vmul.f32 v15, v16  }
0x2f6: {  	v13 =	vadd.f32 v13, v17;
	[tilespmem:v11+s3+$0x4A50 ss:$0x1] =	vst.idx.msk $0xffff, v14  }
0x2f7: {  	[tilespmem:v11+s3+$0x4AD0 ss:$0x1] =	vst.idx.msk $0xffff, v12;
	v12 =	vadd.f32 v15, v17;
	v14 =	vld.idx.msk [tilespmem:v11+s3+$0x4A60 ss:$0x1], $0xffff  }
0x2f8: {  	[tilespmem:v11+s3+$0x4B50 ss:$0x1] =	vst.idx.msk $0xffff, v13;
	v13 =	vld.idx.msk [tilespmem:v11+s3+$0x4AE0 ss:$0x1], $0xffff  }
0x2f9: {  	[tilespmem:v11+s3+$0x4BD0 ss:$0x1] =	vst.idx.msk $0xffff, v12;
	v12 =	vld.idx.msk [tilespmem:v11+s3+$0x4B60 ss:$0x1], $0xffff  }
0x2fa: {  	v15 =	vld.idx.msk [tilespmem:v11+s3+$0x4BE0 ss:$0x1], $0xffff  }
0x2fb: {  	v16 =	vld [tilespmem:s1+$0x20]  }
0x2fc: {  	v17 =	vld [tilespmem:s2+$0x20]  }
0x2fd: {  	v14 =	vsub.f32 v14, v8  }
0x2fe: {  	v13 =	vsub.f32 v13, v10  }
0x2ff: {  	v14 =	vmul.f32 v14, v6;
	v12 =	vsub.f32 v12, v5  }
0x300: {  	v13 =	vmul.f32 v13, v3;
	v15 =	vsub.f32 v15, v9  }
0x301: {  	v14 =	vmul.f32 v14, v16;
	v12 =	vmul.f32 v12, v4  }
0x302: {  	v13 =	vmul.f32 v13, v16;
	v15 =	vmul.f32 v15, v7  }
0x303: {  	v14 =	vadd.f32 v14, v17;
	v12 =	vmul.f32 v12, v16  }
0x304: {  	v13 =	vadd.f32 v13, v17;
	v15 =	vmul.f32 v15, v16  }
0x305: {  	v12 =	vadd.f32 v12, v17;
	[tilespmem:v11+s3+$0x4A60 ss:$0x1] =	vst.idx.msk $0xffff, v14  }
0x306: {  	[tilespmem:v11+s3+$0x4AE0 ss:$0x1] =	vst.idx.msk $0xffff, v13;
	v13 =	vadd.f32 v15, v17;
	v14 =	vld.idx.msk [tilespmem:v11+s3+$0x4A70 ss:$0x1], $0xffff  }
0x307: {  	[tilespmem:v11+s3+$0x4B60 ss:$0x1] =	vst.idx.msk $0xffff, v12;
	v12 =	vld.idx.msk [tilespmem:v11+s3+$0x4AF0 ss:$0x1], $0xffff  }
0x308: {  	[tilespmem:v11+s3+$0x4BE0 ss:$0x1] =	vst.idx.msk $0xffff, v13;
	v13 =	vld.idx.msk [tilespmem:v11+s3+$0x4B70 ss:$0x1], $0xffff  }
0x309: {  	v15 =	vld.idx.msk [tilespmem:v11+s3+$0x4BF0 ss:$0x1], $0xffff  }
0x30a: {  	v16 =	vld [tilespmem:s1+$0x30]  }
0x30b: {  	v17 =	vld [tilespmem:s2+$0x30]  }
0x30c: {  	v14 =	vsub.f32 v14, v8  }
0x30d: {  	v12 =	vsub.f32 v12, v10  }
0x30e: {  	v14 =	vmul.f32 v14, v6;
	v13 =	vsub.f32 v13, v5  }
0x30f: {  	v12 =	vmul.f32 v12, v3;
	v15 =	vsub.f32 v15, v9  }
0x310: {  	v14 =	vmul.f32 v14, v16;
	v13 =	vmul.f32 v13, v4  }
0x311: {  	v12 =	vmul.f32 v12, v16;
	v15 =	vmul.f32 v15, v7  }
.Ltmp11:
0x312: {  	v14 =	vadd.f32 v14, v17;
	v13 =	vmul.f32 v13, v16;
	(pc) =	sbr.rel @p3 .LBB2_14-.Ltmp11, $4  }
0x313: {  	s11 =	sshra.s32 s8, $0x2;
	v18 =	vadd.f32 v12, v17;
	v15 =	vmul.f32 v15, v16  }
0x314: {  	v16 =	vadd.f32 v13, v17;
	v12 =	vld.idx.msk [tilespmem:v11+s11+$0x4A00 ss:$0x1], $0xffff;
	[tilespmem:v11+s3+$0x4A70 ss:$0x1] =	vst.idx.msk $0xffff, v14  }
0x315: {  	v15 =	vadd.f32 v15, v17;
	v13 =	vld.idx.msk [tilespmem:v11+s11+$0x4A80 ss:$0x1], $0xffff;
	[tilespmem:v11+s3+$0x4AF0 ss:$0x1] =	vst.idx.msk $0xffff, v18  }
0x316: {  	s12 =	smov.u32 s4;
	v14 =	vld.idx.msk [tilespmem:v11+s11+$0x4B00 ss:$0x1], $0xffff;
	[tilespmem:v11+s3+$0x4B70 ss:$0x1] =	vst.idx.msk $0xffff, v16  }
0x317: {  	_ =	sdelay $0x3  }
0x318: {  	v16 =	vld.idx.msk [tilespmem:v11+s11+$0x4B80 ss:$0x1], $0xffff;
	[tilespmem:v11+s3+$0x4BF0 ss:$0x1] =	vst.idx.msk $0xffff, v15;
	s1 =	sadd.s32 $0x80, s1  }
0x319: {  	v15 =	vld [tilespmem:s1+$0xFFFFFFC0]  }
0x31a: {  	s2 =	sadd.s32 $0x80, s2;
	v12 =	vsub.f32 v12, v8  }
0x31b: {  	v17 =	vld [tilespmem:s2+$0xFFFFFFC0];
	v13 =	vsub.f32 v13, v10  }
0x31c: {  	v12 =	vmul.f32 v12, v6;
	v14 =	vsub.f32 v14, v5  }
0x31d: {  	v13 =	vmul.f32 v13, v3;
	v16 =	vsub.f32 v16, v9  }
0x31e: {  	v12 =	vmul.f32 v12, v15;
	v14 =	vmul.f32 v14, v4  }
0x31f: {  	v13 =	vmul.f32 v13, v15;
	v16 =	vmul.f32 v16, v7  }
0x320: {  	v12 =	vadd.f32 v12, v17;
	v14 =	vmul.f32 v14, v15  }
0x321: {  	v13 =	vadd.f32 v13, v17;
	v15 =	vmul.f32 v16, v15  }
0x322: {  	[tilespmem:v11+s11+$0x4A00 ss:$0x1] =	vst.idx.msk $0xffff, v12;
	v57 =	vadd.f32 v14, v17  }
0x323: {  	[tilespmem:v11+s11+$0x4A80 ss:$0x1] =	vst.idx.msk $0xffff, v13;
	v58 =	vadd.f32 v15, v17;
	v59 =	vld.idx.msk [tilespmem:v11+s11+$0x4A10 ss:$0x1], $0xffff  }
0x324: {  	[tilespmem:v11+s11+$0x4B00 ss:$0x1] =	vst.idx.msk $0xffff, v57;
	v60 =	vld.idx.msk [tilespmem:v11+s11+$0x4A90 ss:$0x1], $0xffff  }
0x325: {  	[tilespmem:v11+s11+$0x4B80 ss:$0x1] =	vst.idx.msk $0xffff, v58;
	v61 =	vld.idx.msk [tilespmem:v11+s11+$0x4B10 ss:$0x1], $0xffff  }
0x326: {  	v62 =	vld.idx.msk [tilespmem:v11+s11+$0x4B90 ss:$0x1], $0xffff  }
0x327: {  	v63 =	vld [tilespmem:s1+$0xFFFFFFD0]  }
0x328: {  	v14 =	vsub.f32 v59, v8  }
0x329: {  	v20 =	vld [tilespmem:s2+$0xFFFFFFD0];
	v12 =	vsub.f32 v60, v10  }
0x32a: {  	v14 =	vmul.f32 v14, v6;
	v13 =	vsub.f32 v61, v5  }
0x32b: {  	v12 =	vmul.f32 v12, v3;
	v15 =	vsub.f32 v62, v9  }
0x32c: {  	v14 =	vmul.f32 v14, v63;
	v13 =	vmul.f32 v13, v4  }
0x32d: {  	v12 =	vmul.f32 v12, v63;
	v15 =	vmul.f32 v15, v7  }
0x32e: {  	v14 =	vadd.f32 v14, v20;
	v13 =	vmul.f32 v13, v63  }
0x32f: {  	v12 =	vadd.f32 v12, v20;
	v15 =	vmul.f32 v15, v63  }
0x330: {  	[tilespmem:v11+s11+$0x4A10 ss:$0x1] =	vst.idx.msk $0xffff, v14;
	v13 =	vadd.f32 v13, v20  }
0x331: {  	[tilespmem:v11+s11+$0x4A90 ss:$0x1] =	vst.idx.msk $0xffff, v12;
	v21 =	vadd.f32 v15, v20;
	v14 =	vld.idx.msk [tilespmem:v11+s11+$0x4A20 ss:$0x1], $0xffff  }
0x332: {  	[tilespmem:v11+s11+$0x4B10 ss:$0x1] =	vst.idx.msk $0xffff, v13;
	v22 =	vld.idx.msk [tilespmem:v11+s11+$0x4AA0 ss:$0x1], $0xffff  }
0x333: {  	[tilespmem:v11+s11+$0x4B90 ss:$0x1] =	vst.idx.msk $0xffff, v21;
	v23 =	vld.idx.msk [tilespmem:v11+s11+$0x4B20 ss:$0x1], $0xffff  }
0x334: {  	v24 =	vld.idx.msk [tilespmem:v11+s11+$0x4BA0 ss:$0x1], $0xffff  }
0x335: {  	v25 =	vld [tilespmem:s1+$0xFFFFFFE0]  }
0x336: {  	v14 =	vsub.f32 v14, v8  }
0x337: {  	v26 =	vld [tilespmem:s2+$0xFFFFFFE0];
	v13 =	vsub.f32 v22, v10  }
0x338: {  	v14 =	vmul.f32 v14, v6;
	v12 =	vsub.f32 v23, v5  }
0x339: {  	v13 =	vmul.f32 v13, v3;
	v15 =	vsub.f32 v24, v9  }
0x33a: {  	v14 =	vmul.f32 v14, v25;
	v12 =	vmul.f32 v12, v4  }
0x33b: {  	v13 =	vmul.f32 v13, v25;
	v15 =	vmul.f32 v15, v7  }
0x33c: {  	v14 =	vadd.f32 v14, v26;
	v12 =	vmul.f32 v12, v25  }
0x33d: {  	v13 =	vadd.f32 v13, v26;
	v15 =	vmul.f32 v15, v25  }
0x33e: {  	[tilespmem:v11+s11+$0x4A20 ss:$0x1] =	vst.idx.msk $0xffff, v14;
	v12 =	vadd.f32 v12, v26  }
0x33f: {  	[tilespmem:v11+s11+$0x4AA0 ss:$0x1] =	vst.idx.msk $0xffff, v13;
	v27 =	vadd.f32 v15, v26;
	v14 =	vld.idx.msk [tilespmem:v11+s11+$0x4A30 ss:$0x1], $0xffff  }
0x340: {  	[tilespmem:v11+s11+$0x4B20 ss:$0x1] =	vst.idx.msk $0xffff, v12;
	v28 =	vld.idx.msk [tilespmem:v11+s11+$0x4AB0 ss:$0x1], $0xffff  }
0x341: {  	[tilespmem:v11+s11+$0x4BA0 ss:$0x1] =	vst.idx.msk $0xffff, v27;
	v29 =	vld.idx.msk [tilespmem:v11+s11+$0x4B30 ss:$0x1], $0xffff  }
0x342: {  	v30 =	vld.idx.msk [tilespmem:v11+s11+$0x4BB0 ss:$0x1], $0xffff  }
0x343: {  	v31 =	vld [tilespmem:s1+$0xFFFFFFF0]  }
0x344: {  	v14 =	vsub.f32 v14, v8  }
0x345: {  	v32 =	vld [tilespmem:s2+$0xFFFFFFF0];
	v12 =	vsub.f32 v28, v10  }
0x346: {  	v14 =	vmul.f32 v14, v6;
	v13 =	vsub.f32 v29, v5  }
0x347: {  	v12 =	vmul.f32 v12, v3;
	v15 =	vsub.f32 v30, v9  }
0x348: {  	v14 =	vmul.f32 v14, v31;
	v13 =	vmul.f32 v13, v4  }
0x349: {  	v12 =	vmul.f32 v12, v31;
	v15 =	vmul.f32 v15, v7  }
0x34a: {  	v14 =	vadd.f32 v14, v32;
	v13 =	vmul.f32 v13, v31  }
0x34b: {  	v12 =	vadd.f32 v12, v32;
	v15 =	vmul.f32 v15, v31  }
0x34c: {  	[tilespmem:v11+s11+$0x4A30 ss:$0x1] =	vst.idx.msk $0xffff, v14;
	v13 =	vadd.f32 v13, v32  }
0x34d: {  	[tilespmem:v11+s11+$0x4AB0 ss:$0x1] =	vst.idx.msk $0xffff, v12;
	v33 =	vadd.f32 v15, v32;
	v14 =	vld.idx.msk [tilespmem:v11+s11+$0x4A40 ss:$0x1], $0xffff  }
0x34e: {  	[tilespmem:v11+s11+$0x4B30 ss:$0x1] =	vst.idx.msk $0xffff, v13;
	v34 =	vld.idx.msk [tilespmem:v11+s11+$0x4AC0 ss:$0x1], $0xffff  }
0x34f: {  	[tilespmem:v11+s11+$0x4BB0 ss:$0x1] =	vst.idx.msk $0xffff, v33;
	v35 =	vld.idx.msk [tilespmem:v11+s11+$0x4B40 ss:$0x1], $0xffff  }
0x350: {  	v36 =	vld.idx.msk [tilespmem:v11+s11+$0x4BC0 ss:$0x1], $0xffff  }
0x351: {  	v37 =	vld [tilespmem:s1+$0x0]  }
0x352: {  	v14 =	vsub.f32 v14, v8  }
0x353: {  	v38 =	vld [tilespmem:s2+$0x0];
	v13 =	vsub.f32 v34, v10  }
0x354: {  	v14 =	vmul.f32 v14, v6;
	v12 =	vsub.f32 v35, v5  }
0x355: {  	v13 =	vmul.f32 v13, v3;
	v15 =	vsub.f32 v36, v9  }
0x356: {  	v14 =	vmul.f32 v14, v37;
	v12 =	vmul.f32 v12, v4  }
0x357: {  	v13 =	vmul.f32 v13, v37;
	v15 =	vmul.f32 v15, v7  }
0x358: {  	v14 =	vadd.f32 v14, v38;
	v12 =	vmul.f32 v12, v37  }
0x359: {  	v13 =	vadd.f32 v13, v38;
	v15 =	vmul.f32 v15, v37  }
0x35a: {  	[tilespmem:v11+s11+$0x4A40 ss:$0x1] =	vst.idx.msk $0xffff, v14;
	v12 =	vadd.f32 v12, v38  }
0x35b: {  	[tilespmem:v11+s11+$0x4AC0 ss:$0x1] =	vst.idx.msk $0xffff, v13;
	v39 =	vadd.f32 v15, v38;
	v14 =	vld.idx.msk [tilespmem:v11+s11+$0x4A50 ss:$0x1], $0xffff  }
0x35c: {  	[tilespmem:v11+s11+$0x4B40 ss:$0x1] =	vst.idx.msk $0xffff, v12;
	v40 =	vld.idx.msk [tilespmem:v11+s11+$0x4AD0 ss:$0x1], $0xffff  }
0x35d: {  	[tilespmem:v11+s11+$0x4BC0 ss:$0x1] =	vst.idx.msk $0xffff, v39;
	v41 =	vld.idx.msk [tilespmem:v11+s11+$0x4B50 ss:$0x1], $0xffff  }
0x35e: {  	v42 =	vld.idx.msk [tilespmem:v11+s11+$0x4BD0 ss:$0x1], $0xffff  }
0x35f: {  	v43 =	vld [tilespmem:s1+$0x10]  }
0x360: {  	v14 =	vsub.f32 v14, v8  }
0x361: {  	v44 =	vld [tilespmem:s2+$0x10];
	v12 =	vsub.f32 v40, v10  }
0x362: {  	v14 =	vmul.f32 v14, v6;
	v13 =	vsub.f32 v41, v5  }
0x363: {  	v12 =	vmul.f32 v12, v3;
	v15 =	vsub.f32 v42, v9  }
0x364: {  	v14 =	vmul.f32 v14, v43;
	v13 =	vmul.f32 v13, v4  }
0x365: {  	v12 =	vmul.f32 v12, v43;
	v15 =	vmul.f32 v15, v7  }
0x366: {  	v14 =	vadd.f32 v14, v44;
	v13 =	vmul.f32 v13, v43  }
0x367: {  	v12 =	vadd.f32 v12, v44;
	v15 =	vmul.f32 v15, v43  }
0x368: {  	[tilespmem:v11+s11+$0x4A50 ss:$0x1] =	vst.idx.msk $0xffff, v14;
	v13 =	vadd.f32 v13, v44  }
0x369: {  	[tilespmem:v11+s11+$0x4AD0 ss:$0x1] =	vst.idx.msk $0xffff, v12;
	v45 =	vadd.f32 v15, v44;
	v14 =	vld.idx.msk [tilespmem:v11+s11+$0x4A60 ss:$0x1], $0xffff  }
0x36a: {  	[tilespmem:v11+s11+$0x4B50 ss:$0x1] =	vst.idx.msk $0xffff, v13;
	v46 =	vld.idx.msk [tilespmem:v11+s11+$0x4AE0 ss:$0x1], $0xffff  }
0x36b: {  	[tilespmem:v11+s11+$0x4BD0 ss:$0x1] =	vst.idx.msk $0xffff, v45;
	v47 =	vld.idx.msk [tilespmem:v11+s11+$0x4B60 ss:$0x1], $0xffff  }
0x36c: {  	v48 =	vld.idx.msk [tilespmem:v11+s11+$0x4BE0 ss:$0x1], $0xffff  }
0x36d: {  	v49 =	vld [tilespmem:s1+$0x20]  }
0x36e: {  	v14 =	vsub.f32 v14, v8  }
0x36f: {  	v50 =	vld [tilespmem:s2+$0x20];
	v13 =	vsub.f32 v46, v10  }
0x370: {  	v14 =	vmul.f32 v14, v6;
	v12 =	vsub.f32 v47, v5  }
0x371: {  	v13 =	vmul.f32 v13, v3;
	v15 =	vsub.f32 v48, v9  }
0x372: {  	v14 =	vmul.f32 v14, v49;
	v12 =	vmul.f32 v12, v4  }
0x373: {  	v13 =	vmul.f32 v13, v49;
	v15 =	vmul.f32 v15, v7  }
0x374: {  	v14 =	vadd.f32 v14, v50;
	v12 =	vmul.f32 v12, v49  }
0x375: {  	v13 =	vadd.f32 v13, v50;
	v15 =	vmul.f32 v15, v49  }
0x376: {  	[tilespmem:v11+s11+$0x4A60 ss:$0x1] =	vst.idx.msk $0xffff, v14;
	v12 =	vadd.f32 v12, v50  }
0x377: {  	[tilespmem:v11+s11+$0x4AE0 ss:$0x1] =	vst.idx.msk $0xffff, v13;
	v51 =	vadd.f32 v15, v50;
	v14 =	vld.idx.msk [tilespmem:v11+s11+$0x4A70 ss:$0x1], $0xffff  }
0x378: {  	[tilespmem:v11+s11+$0x4B60 ss:$0x1] =	vst.idx.msk $0xffff, v12;
	v52 =	vld.idx.msk [tilespmem:v11+s11+$0x4AF0 ss:$0x1], $0xffff  }
0x379: {  	[tilespmem:v11+s11+$0x4BE0 ss:$0x1] =	vst.idx.msk $0xffff, v51;
	v53 =	vld.idx.msk [tilespmem:v11+s11+$0x4B70 ss:$0x1], $0xffff  }
0x37a: {  	v54 =	vld.idx.msk [tilespmem:v11+s11+$0x4BF0 ss:$0x1], $0xffff  }
0x37b: {  	v55 =	vld [tilespmem:s1+$0x30]  }
0x37c: {  	v56 =	vsub.f32 v14, v8  }
0x37d: {  	v57 =	vld [tilespmem:s2+$0x30];
	v58 =	vsub.f32 v52, v10  }
0x37e: {  	v59 =	vmul.f32 v56, v6;
	v60 =	vsub.f32 v53, v5  }
0x37f: {  	v3 =	vmul.f32 v58, v3;
	v61 =	vsub.f32 v54, v9  }
0x380: {  	v6 =	vmul.f32 v59, v55;
	v62 =	vmul.f32 v60, v4  }
0x381: {  	p3 =	sne.s32 s29, $0x0;
	v3 =	vmul.f32 v3, v55;
	v63 =	vmul.f32 v61, v7  }
0x382: {  	s1 =	sshll.u32 @!p3 s28, $0x5;
	v6 =	vadd.f32 v6, v57;
	v4 =	vmul.f32 v62, v55  }
0x383: {  	s1 =	sadd.s32 @!p3 s7, s1;
	v3 =	vadd.f32 v3, v57;
	v5 =	vmul.f32 v63, v55  }
0x384: {  	s1 =	sshrl.u32 @!p3 s1, $0x3;
	[tilespmem:v11+s11+$0x4A70 ss:$0x1] =	vst.idx.msk $0xffff, v6;
	v4 =	vadd.f32 v4, v57  }
0x385: {  	s1 =	smul.u32 @!p3 $0x300, s1;
	[tilespmem:v11+s11+$0x4AF0 ss:$0x1] =	vst.idx.msk $0xffff, v3;
	v3 =	vadd.f32 v5, v57  }
0x386: {  	s31 =	sadd.s32 $0x3, s28;
	s4 =	simm.s32 @!p3 $0x0;
	[tilespmem:v11+s11+$0x4B70 ss:$0x1] =	vst.idx.msk $0xffff, v4  }
0x387: {  	s8 =	simm.s32 @!p3 $0x400;
	s2 =	sand.u32 $0x3, s31;
	s1 =	sadd.s32 @!p3 s5, s1;
	[tilespmem:v11+s11+$0x4BF0 ss:$0x1] =	vst.idx.msk $0xffff, v3  }
0x388: {  	[hbm4b:s1+s4] =	stream.linear.scatter @!p3 [tilespmem:s8], [sflag:$0x5], $0x6000, $0x38;
	[tilespmem:$0x18A00] =	vst v63  }
0x389: {  	p3 =	sne.s32 s2, $0x0  }
0x38a: {  	p4 =	seq.s32 @!p3 s28, $0x0  }
0x38b: {  	p5 =	por p4, p3  }
0x38c: {  	p6 =	sgt.u32 @!p5 s28, $0x1C  }
0x38d: {  	p4 =	por @!p3 p4, !p6  }
0x38e: {  	p3 =	por p3, !p4  }
.Ltmp12:
0x38f: {  	_ = 	snop;
	(pc) =	sbr.rel @p3 .LBB2_17-.Ltmp12, $4  }
0x390: {  	s1 =	simm.s32 @!p5 $0x5  }
0x391: {  	_ =	swait.ge @!p5 [sflag:s1], $0x6000  }
0x392: {  	s3 =	sshll.u32 s31, $0x5;
	[sflag:s1] =	ssyncset.done @!p5 $0x0  }
0x393: {  	[sflag:s1] =	ssyncadd.s32 @!p5 $0xFFFFA000;
	s1 =	sand.u32 $0x3FFFFFE0, s3  }
0x394: {  	v3 =	vld [tilespmem:s1+$0x0];
	_ =	sdelay $0x4  }
0x395: {  	v4 =	vshrl.u32 v3, $0x3  }
0x396: {  	v4 =	vmul.u32 $0x30, v4  }
0x397: {  	v3 =	vand.u32 $0x7, v3  }
0x398: {  	v3 =	vor.u32 v3, v4  }
0x399: {  	v4 =	vperm.xlane v3, v0;
	_ =	sdelay $0x1  }
0x39a: {  	v4 =	vadd.s32 v1, v4;
	_ =	sdelay $0x3  }
0x39b: {  	s3 =	simm.s32 $0x400;
	v3 =	vperm.xlane v3, v2  }
0x39c: {  	[tilespmem:s3], [sflag:$0x1] =	stream.indirect_vreg.gather [hbm4b:s0+s6], $0x80, v4, vm0, $0xb8;
	[tilespmem:$0x18A00] =	vst v63  }
0x39d: {  	s30 =	simm.s32 $0xC00;
	v3 =	vadd.s32 v1, v3  }
0x39e: {  	[tilespmem:s30], [sflag:$0x1] =	stream.indirect_vreg.gather [hbm4b:s9+s6], $0x80, v4, vm0, $0xb8;
	[tilespmem:$0x18A00] =	vst v63  }
0x39f: {  	s31 =	simm.s32 $0x1400  }
0x3a0: {  	[tilespmem:s31], [sflag:$0x1] =	stream.indirect_vreg.gather [hbm4b:s10+s6], $0x80, v4, vm0, $0xb8;
	[tilespmem:$0x18A00] =	vst v63  }
0x3a1: {  	s4 =	simm.s32 $0x1C00  }
0x3a2: {  	[tilespmem:s4], [sflag:$0x1] =	stream.indirect_vreg.gather [hbm4b:s0+s6], $0x80, v3, vm0, $0xb8;
	[tilespmem:$0x18A00] =	vst v63  }
0x3a3: {  	s8 =	simm.s32 $0x2400  }
0x3a4: {  	[tilespmem:s8], [sflag:$0x1] =	stream.indirect_vreg.gather [hbm4b:s9+s6], $0x80, v3, vm0, $0xb8;
	[tilespmem:$0x18A00] =	vst v63  }
0x3a5: {  	s11 =	simm.s32 $0x2C00  }
0x3a6: {  	[tilespmem:s11], [sflag:$0x1] =	stream.indirect_vreg.gather [hbm4b:s10+s6], $0x80, v3, vm0, $0xb8;
	[tilespmem:$0x18A00] =	vst v63  }
0x3a7: {  	v3 =	vld [tilespmem:s1+$0x10];
	_ =	sdelay $0x4  }
0x3a8: {  	v63 =	vshrl.u32 v3, $0x3  }
0x3a9: {  	v4 =	vmul.u32 $0x30, v63  }
0x3aa: {  	v3 =	vand.u32 $0x7, v3  }
0x3ab: {  	v3 =	vor.u32 v3, v4  }
0x3ac: {  	v4 =	vperm.xlane v3, v0;
	_ =	sdelay $0x1  }
0x3ad: {  	v4 =	vadd.s32 v1, v4;
	_ =	sdelay $0x3  }
0x3ae: {  	s12 =	simm.s32 $0x3400;
	v3 =	vperm.xlane v3, v2  }
0x3af: {  	[tilespmem:s12], [sflag:$0x1] =	stream.indirect_vreg.gather [hbm4b:s0+s6], $0x80, v4, vm0, $0xb8;
	[tilespmem:$0x18A00] =	vst v63  }
0x3b0: {  	s13 =	simm.s32 $0x3C00;
	v3 =	vadd.s32 v1, v3  }
0x3b1: {  	[tilespmem:s13], [sflag:$0x1] =	stream.indirect_vreg.gather [hbm4b:s9+s6], $0x80, v4, vm0, $0xb8;
	[tilespmem:$0x18A00] =	vst v63  }
0x3b2: {  	s14 =	simm.s32 $0x4400  }
0x3b3: {  	[tilespmem:s14], [sflag:$0x1] =	stream.indirect_vreg.gather [hbm4b:s10+s6], $0x80, v4, vm0, $0xb8;
	[tilespmem:$0x18A00] =	vst v63  }
0x3b4: {  	s29 =	simm.s32 $0x4C00  }
0x3b5: {  	[tilespmem:s29], [sflag:$0x1] =	stream.indirect_vreg.gather [hbm4b:s0+s6], $0x80, v3, vm0, $0xb8;
	[tilespmem:$0x18A00] =	vst v63  }
0x3b6: {  	s30 =	simm.s32 $0x5400  }
0x3b7: {  	[tilespmem:s30], [sflag:$0x1] =	stream.indirect_vreg.gather [hbm4b:s9+s6], $0x80, v3, vm0, $0xb8;
	[tilespmem:$0x18A00] =	vst v63  }
0x3b8: {  	s31 =	simm.s32 $0x5C00  }
0x3b9: {  	[tilespmem:s31], [sflag:$0x1] =	stream.indirect_vreg.gather [hbm4b:s10+s6], $0x80, v3, vm0, $0xb8;
	[tilespmem:$0x18A00] =	vst v63  }
.LBB2_17:
0x3ba: {  	s3 =	sshll.u32 @p2 s28, $0x5  }
0x3bb: {  	s3 =	sadd.s32 @p2 s7, s3  }
0x3bc: {  	s3 =	sshrl.u32 @p2 s3, $0x3  }
0x3bd: {  	s3 =	smul.u32 @p2 $0x300, s3;
	_ =	sdelay $0x1  }
0x3be: {  	s4 =	simm.s32 @p2 $0x0;
	s8 =	simm.s32 @p2 $0x6400;
	s3 =	sadd.s32 @p2 s5, s3  }
0x3bf: {  	[hbm4b:s3+s4] =	stream.linear.scatter @p2 [tilespmem:s8], [sflag:$0x6], $0x6000, $0x38;
	[tilespmem:$0x18A00] =	vst v63  }
0x3c0: {  	p2 =	sne.s32 s2, $0x1  }
0x3c1: {  	p3 =	seq.s32 @!p2 s28, $0x0  }
0x3c2: {  	p4 =	por p3, p2  }
0x3c3: {  	p5 =	sgt.u32 @!p4 s28, $0x1C  }
0x3c4: {  	p3 =	por @!p2 p3, !p5  }
0x3c5: {  	p2 =	por p2, !p3  }
.Ltmp13:
0x3c6: {  	_ = 	snop;
	(pc) =	sbr.rel @p2 .LBB2_19-.Ltmp13, $4  }
0x3c7: {  	s3 =	simm.s32 @!p4 $0x6  }
0x3c8: {  	_ =	swait.ge @!p4 [sflag:s3], $0x6000  }
0x3c9: {  	[sflag:s3] =	ssyncset.done @!p4 $0x0  }
0x3ca: {  	[sflag:s3] =	ssyncadd.s32 @!p4 $0xFFFFA000  }
0x3cb: {  	v3 =	vld [tilespmem:s1+$0x0];
	_ =	sdelay $0x4  }
0x3cc: {  	v4 =	vshrl.u32 v3, $0x3  }
0x3cd: {  	v4 =	vmul.u32 $0x30, v4  }
0x3ce: {  	v3 =	vand.u32 $0x7, v3  }
0x3cf: {  	v3 =	vor.u32 v3, v4  }
0x3d0: {  	v4 =	vperm.xlane v3, v0;
	_ =	sdelay $0x1  }
0x3d1: {  	v4 =	vadd.s32 v1, v4;
	_ =	sdelay $0x3  }
0x3d2: {  	s3 =	simm.s32 $0x6400;
	v3 =	vperm.xlane v3, v2  }
0x3d3: {  	[tilespmem:s3], [sflag:$0x2] =	stream.indirect_vreg.gather [hbm4b:s0+s6], $0x80, v4, vm0, $0xb8;
	[tilespmem:$0x18A00] =	vst v63  }
0x3d4: {  	s30 =	simm.s32 $0x6C00;
	v3 =	vadd.s32 v1, v3  }
0x3d5: {  	[tilespmem:s30], [sflag:$0x2] =	stream.indirect_vreg.gather [hbm4b:s9+s6], $0x80, v4, vm0, $0xb8;
	[tilespmem:$0x18A00] =	vst v63  }
0x3d6: {  	s31 =	simm.s32 $0x7400  }
0x3d7: {  	[tilespmem:s31], [sflag:$0x2] =	stream.indirect_vreg.gather [hbm4b:s10+s6], $0x80, v4, vm0, $0xb8;
	[tilespmem:$0x18A00] =	vst v63  }
0x3d8: {  	s4 =	simm.s32 $0x7C00  }
0x3d9: {  	[tilespmem:s4], [sflag:$0x2] =	stream.indirect_vreg.gather [hbm4b:s0+s6], $0x80, v3, vm0, $0xb8;
	[tilespmem:$0x18A00] =	vst v63  }
0x3da: {  	s8 =	simm.s32 $0x8400  }
0x3db: {  	[tilespmem:s8], [sflag:$0x2] =	stream.indirect_vreg.gather [hbm4b:s9+s6], $0x80, v3, vm0, $0xb8;
	[tilespmem:$0x18A00] =	vst v63  }
0x3dc: {  	s11 =	simm.s32 $0x8C00  }
0x3dd: {  	[tilespmem:s11], [sflag:$0x2] =	stream.indirect_vreg.gather [hbm4b:s10+s6], $0x80, v3, vm0, $0xb8;
	[tilespmem:$0x18A00] =	vst v63  }
0x3de: {  	v3 =	vld [tilespmem:s1+$0x10];
	_ =	sdelay $0x4  }
0x3df: {  	v63 =	vshrl.u32 v3, $0x3  }
0x3e0: {  	v4 =	vmul.u32 $0x30, v63  }
0x3e1: {  	v3 =	vand.u32 $0x7, v3  }
0x3e2: {  	v3 =	vor.u32 v3, v4  }
0x3e3: {  	v4 =	vperm.xlane v3, v0;
	_ =	sdelay $0x1  }
0x3e4: {  	v4 =	vadd.s32 v1, v4;
	_ =	sdelay $0x3  }
0x3e5: {  	s12 =	simm.s32 $0x9400;
	v3 =	vperm.xlane v3, v2  }
0x3e6: {  	[tilespmem:s12], [sflag:$0x2] =	stream.indirect_vreg.gather [hbm4b:s0+s6], $0x80, v4, vm0, $0xb8;
	[tilespmem:$0x18A00] =	vst v63  }
0x3e7: {  	s13 =	simm.s32 $0x9C00;
	v3 =	vadd.s32 v1, v3  }
0x3e8: {  	[tilespmem:s13], [sflag:$0x2] =	stream.indirect_vreg.gather [hbm4b:s9+s6], $0x80, v4, vm0, $0xb8;
	[tilespmem:$0x18A00] =	vst v63  }
0x3e9: {  	s14 =	simm.s32 $0xA400  }
0x3ea: {  	[tilespmem:s14], [sflag:$0x2] =	stream.indirect_vreg.gather [hbm4b:s10+s6], $0x80, v4, vm0, $0xb8;
	[tilespmem:$0x18A00] =	vst v63  }
0x3eb: {  	s29 =	simm.s32 $0xAC00  }
0x3ec: {  	[tilespmem:s29], [sflag:$0x2] =	stream.indirect_vreg.gather [hbm4b:s0+s6], $0x80, v3, vm0, $0xb8;
	[tilespmem:$0x18A00] =	vst v63  }
0x3ed: {  	s30 =	simm.s32 $0xB400  }
0x3ee: {  	[tilespmem:s30], [sflag:$0x2] =	stream.indirect_vreg.gather [hbm4b:s9+s6], $0x80, v3, vm0, $0xb8;
	[tilespmem:$0x18A00] =	vst v63  }
0x3ef: {  	s31 =	simm.s32 $0xBC00  }
0x3f0: {  	[tilespmem:s31], [sflag:$0x2] =	stream.indirect_vreg.gather [hbm4b:s10+s6], $0x80, v3, vm0, $0xb8;
	[tilespmem:$0x18A00] =	vst v63  }
.LBB2_19:
0x3f1: {  	s3 =	sshll.u32 @p1 s28, $0x5  }
0x3f2: {  	s3 =	sadd.s32 @p1 s7, s3  }
0x3f3: {  	s3 =	sshrl.u32 @p1 s3, $0x3  }
0x3f4: {  	s3 =	smul.u32 @p1 $0x300, s3;
	_ =	sdelay $0x1  }
0x3f5: {  	s4 =	simm.s32 @p1 $0x0;
	s8 =	simm.s32 @p1 $0xC400;
	s3 =	sadd.s32 @p1 s5, s3  }
0x3f6: {  	[hbm4b:s3+s4] =	stream.linear.scatter @p1 [tilespmem:s8], [sflag:$0x7], $0x6000, $0x38;
	[tilespmem:$0x18A00] =	vst v63  }
0x3f7: {  	p1 =	sne.s32 s2, $0x2  }
0x3f8: {  	p2 =	seq.s32 @!p1 s28, $0x0  }
0x3f9: {  	p3 =	por p2, p1  }
0x3fa: {  	s3 =	simm.s32 @!p3 $0x7  }
0x3fb: {  	p4 =	sgt.u32 @!p3 s28, $0x1C;
	_ =	swait.ge @!p3 [sflag:s3], $0x6000  }
0x3fc: {  	p2 =	por @!p1 p2, !p4;
	[sflag:s3] =	ssyncset.done @!p3 $0x0  }
0x3fd: {  	p1 =	por p1, !p2;
	[sflag:s3] =	ssyncadd.s32 @!p3 $0xFFFFA000  }
0x3fe: {  	v3 =	vld @!p1 [tilespmem:s1+$0x0];
	_ =	sdelay $0x4  }
0x3ff: {  	v4 =	vshrl.u32 @!p1 v3, $0x3  }
0x400: {  	v4 =	vmul.u32 @!p1 $0x30, v4  }
0x401: {  	v3 =	vand.u32 @!p1 $0x7, v3  }
0x402: {  	v3 =	vor.u32 @!p1 v3, v4  }
0x403: {  	v4 =	vperm.xlane @!p1 v3, v0;
	_ =	sdelay $0x1  }
0x404: {  	v4 =	vadd.s32 @!p1 v1, v4;
	_ =	sdelay $0x3  }
0x405: {  	s3 =	simm.s32 @!p1 $0xC400;
	v3 =	vperm.xlane @!p1 v3, v2  }
0x406: {  	[tilespmem:s3], [sflag:$0x3] =	stream.indirect_vreg.gather @!p1 [hbm4b:s0+s6], $0x80, v4, vm0, $0xb8;
	[tilespmem:$0x18A00] =	vst v63  }
0x407: {  	v3 =	vadd.s32 @!p1 v1, v3  }
0x408: {  	[tilespmem:s15], [sflag:$0x3] =	stream.indirect_vreg.gather @!p1 [hbm4b:s9+s6], $0x80, v4, vm0, $0xb8;
	[tilespmem:$0x18A00] =	vst v63  }
0x409: {  	_ = 	snop  }
0x40a: {  	[tilespmem:s16], [sflag:$0x3] =	stream.indirect_vreg.gather @!p1 [hbm4b:s10+s6], $0x80, v4, vm0, $0xb8;
	[tilespmem:$0x18A00] =	vst v63  }
0x40b: {  	_ = 	snop  }
0x40c: {  	[tilespmem:s17], [sflag:$0x3] =	stream.indirect_vreg.gather @!p1 [hbm4b:s0+s6], $0x80, v3, vm0, $0xb8;
	[tilespmem:$0x18A00] =	vst v63  }
0x40d: {  	_ = 	snop  }
0x40e: {  	[tilespmem:s18], [sflag:$0x3] =	stream.indirect_vreg.gather @!p1 [hbm4b:s9+s6], $0x80, v3, vm0, $0xb8;
	[tilespmem:$0x18A00] =	vst v63  }
0x40f: {  	_ = 	snop  }
0x410: {  	[tilespmem:s19], [sflag:$0x3] =	stream.indirect_vreg.gather @!p1 [hbm4b:s10+s6], $0x80, v3, vm0, $0xb8;
	[tilespmem:$0x18A00] =	vst v63  }
0x411: {  	v3 =	vld @!p1 [tilespmem:s1+$0x10];
	_ =	sdelay $0x4  }
0x412: {  	v4 =	vshrl.u32 @!p1 v3, $0x3  }
0x413: {  	v4 =	vmul.u32 @!p1 $0x30, v4  }
0x414: {  	v3 =	vand.u32 @!p1 $0x7, v3  }
0x415: {  	v3 =	vor.u32 @!p1 v3, v4  }
0x416: {  	v4 =	vperm.xlane @!p1 v3, v0;
	_ =	sdelay $0x1  }
0x417: {  	v4 =	vadd.s32 @!p1 v1, v4;
	_ =	sdelay $0x3  }
0x418: {  	v3 =	vperm.xlane @!p1 v3, v2  }
0x419: {  	[tilespmem:s20], [sflag:$0x3] =	stream.indirect_vreg.gather @!p1 [hbm4b:s0+s6], $0x80, v4, vm0, $0xb8;
	[tilespmem:$0x18A00] =	vst v63  }
0x41a: {  	v3 =	vadd.s32 @!p1 v1, v3  }
0x41b: {  	[tilespmem:s21], [sflag:$0x3] =	stream.indirect_vreg.gather @!p1 [hbm4b:s9+s6], $0x80, v4, vm0, $0xb8;
	[tilespmem:$0x18A00] =	vst v63  }
0x41c: {  	s3 =	sshll.u32 @p0 s28, $0x5  }
0x41d: {  	[tilespmem:s22], [sflag:$0x3] =	stream.indirect_vreg.gather @!p1 [hbm4b:s10+s6], $0x80, v4, vm0, $0xb8;
	[tilespmem:$0x18A00] =	vst v63  }
0x41e: {  	s3 =	sadd.s32 @p0 s7, s3  }
0x41f: {  	[tilespmem:s23], [sflag:$0x3] =	stream.indirect_vreg.gather @!p1 [hbm4b:s0+s6], $0x80, v3, vm0, $0xb8;
	[tilespmem:$0x18A00] =	vst v63  }
0x420: {  	s3 =	sshrl.u32 @p0 s3, $0x3  }
0x421: {  	[tilespmem:s24], [sflag:$0x3] =	stream.indirect_vreg.gather @!p1 [hbm4b:s9+s6], $0x80, v3, vm0, $0xb8;
	[tilespmem:$0x18A00] =	vst v63  }
0x422: {  	s3 =	smul.u32 @p0 $0x300, s3  }
0x423: {  	[tilespmem:s25], [sflag:$0x3] =	stream.indirect_vreg.gather @!p1 [hbm4b:s10+s6], $0x80, v3, vm0, $0xb8;
	[tilespmem:$0x18A00] =	vst v63  }
0x424: {  	s4 =	simm.s32 @p0 $0x0;
	s8 =	simm.s32 @p0 $0x12400;
	s3 =	sadd.s32 @p0 s5, s3  }
0x425: {  	[hbm4b:s3+s4] =	stream.linear.scatter @p0 [tilespmem:s8], [sflag:$0x8], $0x6000, $0x38;
	[tilespmem:$0x18A00] =	vst v63  }
0x426: {  	p0 =	sne.s32 s2, $0x3  }
0x427: {  	p1 =	seq.s32 @!p0 s28, $0x0  }
0x428: {  	p2 =	por p1, p0  }
0x429: {  	p3 =	sgt.u32 @!p2 s28, $0x1C  }
0x42a: {  	p1 =	por @!p0 p1, !p3  }
0x42b: {  	p0 =	por p0, !p1  }
.Ltmp14:
0x42c: {  	_ = 	snop;
	(pc) =	sbr.rel @p0 .LBB2_21-.Ltmp14, $4  }
0x42d: {  	s2 =	simm.s32 @!p2 $0x8  }
0x42e: {  	_ =	swait.ge @!p2 [sflag:s2], $0x6000  }
0x42f: {  	[sflag:s2] =	ssyncset.done @!p2 $0x0  }
0x430: {  	[sflag:s2] =	ssyncadd.s32 @!p2 $0xFFFFA000  }
0x431: {  	v3 =	vld [tilespmem:s1+$0x0];
	_ =	sdelay $0x4  }
0x432: {  	v4 =	vshrl.u32 v3, $0x3  }
0x433: {  	v4 =	vmul.u32 $0x30, v4  }
0x434: {  	v3 =	vand.u32 $0x7, v3  }
0x435: {  	v3 =	vor.u32 v3, v4  }
0x436: {  	v4 =	vperm.xlane v3, v0;
	_ =	sdelay $0x1  }
0x437: {  	v4 =	vadd.s32 v1, v4;
	_ =	sdelay $0x3  }
0x438: {  	s2 =	simm.s32 $0x12400;
	v3 =	vperm.xlane v3, v2  }
0x439: {  	[tilespmem:s2], [sflag:$0x4] =	stream.indirect_vreg.gather [hbm4b:s0+s6], $0x80, v4, vm0, $0xb8;
	[tilespmem:$0x18A00] =	vst v63  }
0x43a: {  	s31 =	simm.s32 $0x12C00;
	v3 =	vadd.s32 v1, v3  }
0x43b: {  	[tilespmem:s31], [sflag:$0x4] =	stream.indirect_vreg.gather [hbm4b:s9+s6], $0x80, v4, vm0, $0xb8;
	[tilespmem:$0x18A00] =	vst v63  }
0x43c: {  	s3 =	simm.s32 $0x13400  }
0x43d: {  	[tilespmem:s3], [sflag:$0x4] =	stream.indirect_vreg.gather [hbm4b:s10+s6], $0x80, v4, vm0, $0xb8;
	[tilespmem:$0x18A00] =	vst v63  }
0x43e: {  	s4 =	simm.s32 $0x13C00  }
0x43f: {  	[tilespmem:s4], [sflag:$0x4] =	stream.indirect_vreg.gather [hbm4b:s0+s6], $0x80, v3, vm0, $0xb8;
	[tilespmem:$0x18A00] =	vst v63  }
0x440: {  	s8 =	simm.s32 $0x14400  }
0x441: {  	[tilespmem:s8], [sflag:$0x4] =	stream.indirect_vreg.gather [hbm4b:s9+s6], $0x80, v3, vm0, $0xb8;
	[tilespmem:$0x18A00] =	vst v63  }
0x442: {  	s11 =	simm.s32 $0x14C00  }
0x443: {  	[tilespmem:s11], [sflag:$0x4] =	stream.indirect_vreg.gather [hbm4b:s10+s6], $0x80, v3, vm0, $0xb8;
	[tilespmem:$0x18A00] =	vst v63  }
0x444: {  	v3 =	vld [tilespmem:s1+$0x10];
	_ =	sdelay $0x4  }
0x445: {  	v63 =	vshrl.u32 v3, $0x3  }
0x446: {  	v4 =	vmul.u32 $0x30, v63  }
0x447: {  	v3 =	vand.u32 $0x7, v3  }
0x448: {  	v3 =	vor.u32 v3, v4  }
0x449: {  	v4 =	vperm.xlane v3, v0;
	_ =	sdelay $0x1  }
0x44a: {  	v4 =	vadd.s32 v1, v4;
	_ =	sdelay $0x3  }
0x44b: {  	s12 =	simm.s32 $0x15400;
	v3 =	vperm.xlane v3, v2  }
0x44c: {  	[tilespmem:s12], [sflag:$0x4] =	stream.indirect_vreg.gather [hbm4b:s0+s6], $0x80, v4, vm0, $0xb8;
	[tilespmem:$0x18A00] =	vst v63  }
0x44d: {  	s13 =	simm.s32 $0x15C00;
	v3 =	vadd.s32 v1, v3  }
0x44e: {  	[tilespmem:s13], [sflag:$0x4] =	stream.indirect_vreg.gather [hbm4b:s9+s6], $0x80, v4, vm0, $0xb8;
	[tilespmem:$0x18A00] =	vst v63  }
0x44f: {  	s14 =	simm.s32 $0x16400  }
0x450: {  	[tilespmem:s14], [sflag:$0x4] =	stream.indirect_vreg.gather [hbm4b:s10+s6], $0x80, v4, vm0, $0xb8;
	[tilespmem:$0x18A00] =	vst v63  }
0x451: {  	s29 =	simm.s32 $0x16C00  }
0x452: {  	[tilespmem:s29], [sflag:$0x4] =	stream.indirect_vreg.gather [hbm4b:s0+s6], $0x80, v3, vm0, $0xb8;
	[tilespmem:$0x18A00] =	vst v63  }
.Ltmp15:
0x453: {  	_ = 	snop;
	(pc) =	sbr.rel .LBB2_21-.Ltmp15, $4  }
0x454: {  	s30 =	simm.s32 $0x17400  }
0x455: {  	[tilespmem:s30], [sflag:$0x4] =	stream.indirect_vreg.gather [hbm4b:s9+s6], $0x80, v3, vm0, $0xb8;
	[tilespmem:$0x18A00] =	vst v63  }
0x456: {  	s31 =	simm.s32 $0x17C00  }
0x457: {  	[tilespmem:s31], [sflag:$0x4] =	stream.indirect_vreg.gather [hbm4b:s10+s6], $0x80, v3, vm0, $0xb8;
	[tilespmem:$0x18A00] =	vst v63  }
.LBB2_23:
0x458: {  	_ =	sfence.sel $0x180000  }
0x459: {  	[bflag:$0x0] =	sbarrier.arrive $0xFFFF  }
0x45a: {  	_ =	strace $0x90000047  }
0x45b: {  	s0 =	stileid.u32;
	[bflag:$0x2] =	sbarrier.arrive $0xFFFF  }
0x45c: {  	p0 =	sne.s32 s0, $0x0;
	s0 =	rddreg [dreg:$0x5]  }
0x45d: {  	s0 =	sadd.s32 @!p0 $0x100000, s0  }
0x45e: {  	[sflag:s0] =	ssyncadd.tile.s32 @!p0 $0x1;
	_ =	shalt  }
.Lfunc_end2:
_tile_overlayer_lowered:
.L_overlay_start_2:
0x45f: {  	(tag) =	ssettag $0x2  }
0x460: {  	s0 =	rddreg [dreg:$0x0];
	s2 =	stileid.u32  }
0x461: {  	s1 =	rddreg [dreg:$0x1];
	p0 =	sne.s32 s2, $0x0  }
0x462: {  	s3 =	rddreg [dreg:$0x2];
	[bflag:$0x3] =	sbarrier.arrive $0xFFFF;
	s2 =	simm.s32 @!p0 $0x1C09  }
0x463: {  	[timem:s3], [sflag:s2] =	dma.local @!p0 [hbm:s0], s1  }
0x464: {  	s0 =	simm.s32 @!p0 $0x9  }
0x465: {  	_ =	swait.ge @!p0 [sflag:s0], s1  }
0x466: {  	s1 =	ssub.s32 @!p0 $0x0, s1;
	[sflag:s0] =	ssyncset.done @!p0 $0x0  }
0x467: {  	[sflag:s0] =	ssyncadd.s32 @!p0 s1  }
0x468: {  	[bflag:$0x3] =	sbarrier.arrive $0xFFFF  }
0x469: {  	_ =	shalt  }

</sc_bundles>
